<compile_context>
chip_gen: v7x
topology: tpu7x:2x2x1
jax: 0.10.2.dev20260603
libtpu: 0.0.44.dev20260713+nightly
codegen_flags: <defaults>
</compile_context>

<pallas_src>
import jax
import jax.numpy as jnp
from jax import lax
from jax.experimental import pallas as pl
from jax.experimental.pallas import tpu as pltpu
from jax.experimental.pallas import tpu_sc as plsc

N = 10000
E = 320000
F_IN = 128
H = 16

NC = 2
NS = 16
NW = NC * NS
EPW = E // NW
GCHUNK = 2000
SCH = 1000
NGC = EPW // GCHUNK
NSC = GCHUNK // SCH
DPW = EPW // SCH
SPB = 1000
NSTR = N // SPB

_MESH = plsc.VectorSubcoreMesh(core_axis_name="c", subcore_axis_name="s")
_SC_PARAMS = pltpu.CompilerParams(use_tc_tiling_on_sc=False)



def _deg_body(edge_hbm, out_hbm, dst_v, ones_v, zbuf_v, sem_s, acc):
    cid = lax.axis_index("c")
    sid = lax.axis_index("s")
    wid = sid * NC + cid

    dh = pltpu.async_copy(edge_hbm.at[1, pl.ds(wid * EPW, EPW)], dst_v,
                          sem_s)

    @pl.loop(0, SCH)
    def _(j):
        ones_v.at[j][...] = jnp.full((H,), 1.0, jnp.float32)

    @pl.loop(0, SPB)
    def _(j):
        zbuf_v.at[j][...] = jnp.zeros((H,), jnp.float32)

    @pl.when(sid < NSTR)
    def _():
        pltpu.sync_copy(zbuf_v, acc.at[pl.ds(sid * SPB, SPB)])
    plsc.subcore_barrier()

    dh.wait()

    handles = []
    for j in range(DPW):
        handles.append(
            pltpu.async_copy(ones_v, acc.at[dst_v.at[pl.ds(j * SCH, SCH)]],
                             sem_s, add=True))
        if j >= 4:
            handles[j - 4].wait()
    for h in handles[DPW - 4:]:
        h.wait()

    plsc.subcore_barrier()

    @pl.when(sid < NSTR)
    def _():
        pltpu.sync_copy(acc.at[pl.ds(sid * SPB, SPB)],
                        out_hbm.at[cid, pl.ds(sid * SPB, SPB)])


def _deg_call(edge_index):
    f = pl.kernel(
        _deg_body,
        out_type=jax.ShapeDtypeStruct((NC, N, H), jnp.float32),
        mesh=_MESH,
        compiler_params=_SC_PARAMS,
        scratch_types=[
            pltpu.VMEM((EPW,), jnp.int32),
            pltpu.VMEM((SCH, H), jnp.float32),
            pltpu.VMEM((SPB, H), jnp.float32),
            pltpu.SemaphoreType.DMA,
            pltpu.VMEM_SHARED((N, H), jnp.float32),
        ],
    )
    return f(edge_index)


def _agg_body(hp_hbm, edge_hbm, out_hbm, src_v, dst_v, rows_v,
              sem_g0, sem_g1, sem_g2, sem_s0, sem_s1, sem_s2, acc):
    cid = lax.axis_index("c")
    sid = lax.axis_index("s")
    wid = sid * NC + cid

    ih = pltpu.async_copy(edge_hbm.at[0, pl.ds(wid * EPW, EPW)], src_v,
                          sem_s0)
    dh = pltpu.async_copy(edge_hbm.at[1, pl.ds(wid * EPW, EPW)], dst_v,
                          sem_s1)

    @pl.when(sid < NSTR)
    def _():
        pltpu.sync_copy(hp_hbm.at[pl.ds(sid * SPB, SPB)],
                        acc.at[pl.ds(sid * SPB, SPB)])
    ih.wait()

    NBUF = 3
    sem_g = (sem_g0, sem_g1, sem_g2)
    sem_s = (sem_s0, sem_s1, sem_s2)
    gh = [None] * NGC
    sh = [[None] * NSC for _ in range(NGC)]
    gh[0] = pltpu.async_copy(hp_hbm.at[src_v.at[pl.ds(0, GCHUNK)]],
                             rows_v.at[0], sem_g0)
    gh[1] = pltpu.async_copy(hp_hbm.at[src_v.at[pl.ds(GCHUNK, GCHUNK)]],
                             rows_v.at[1], sem_g1)
    dh.wait()
    plsc.subcore_barrier()

    for c in range(NGC):
        b = c % NBUF
        gh[c].wait()
        if c + 2 < NGC:
            if c >= 1:
                for k in range(NSC):
                    sh[c - 1][k].wait()
            nb = (c + 2) % NBUF
            gh[c + 2] = pltpu.async_copy(
                hp_hbm.at[src_v.at[pl.ds((c + 2) * GCHUNK, GCHUNK)]],
                rows_v.at[nb], sem_g[nb])
        for k in range(NSC):
            sh[c][k] = pltpu.async_copy(
                rows_v.at[b, pl.ds(k * SCH, SCH)],
                acc.at[dst_v.at[pl.ds((c * NSC + k) * SCH, SCH)]],
                sem_s[b], add=True)
    for k in range(NSC):
        sh[NGC - 2][k].wait()
        sh[NGC - 1][k].wait()

    plsc.subcore_barrier()

    @pl.when(sid < NSTR)
    def _():
        pltpu.sync_copy(acc.at[pl.ds(sid * SPB, SPB)],
                        out_hbm.at[cid, pl.ds(sid * SPB, SPB)])


def _agg_call(hp, edge_index):
    f = pl.kernel(
        _agg_body,
        out_type=jax.ShapeDtypeStruct((NC, N, H), jnp.float32),
        mesh=_MESH,
        compiler_params=_SC_PARAMS,
        scratch_types=[
            pltpu.VMEM((EPW,), jnp.int32),
            pltpu.VMEM((EPW,), jnp.int32),
            pltpu.VMEM((3, GCHUNK, H), jnp.float32),
            pltpu.SemaphoreType.DMA,
            pltpu.SemaphoreType.DMA,
            pltpu.SemaphoreType.DMA,
            pltpu.SemaphoreType.DMA,
            pltpu.SemaphoreType.DMA,
            pltpu.SemaphoreType.DMA,
            pltpu.VMEM_SHARED((N, H), jnp.float32),
        ],
    )
    return f(hp, edge_index)



NP8 = N // 8


def _mm0_kernel(x_ref, w_ref, o_ref):
    o_ref[...] = jnp.dot(x_ref[...], w_ref[...],
                         preferred_element_type=jnp.float32)


def _prep_kernel(degp_ref, h0_ref, dinv_ref, hp_ref):
    deg = degp_ref[0] + degp_ref[1] + 1.0
    dinv = lax.rsqrt(deg)
    dinv_ref[...] = dinv
    hp_ref[...] = h0_ref[...] * dinv


def _combine_kernel(p_ref, hp_ref, dinv_ref, b_ref, w_ref, o_ref):
    s = p_ref[0] + p_ref[1] - hp_ref[...]
    o = s * dinv_ref[...] + b_ref[...]
    a = jnp.where(o >= 0.0, o, 0.01 * o)
    o_ref[...] = jnp.dot(a, w_ref[...],
                         preferred_element_type=jnp.float32) * dinv_ref[...]


def _final_kernel(p_ref, hp_ref, dinv_ref, b_ref, g_ref, o_ref):
    s = p_ref[0] + p_ref[1] - hp_ref[...]
    o = s * dinv_ref[...] + b_ref[...]
    c = jnp.max(o, axis=1, keepdims=True)
    e = jnp.exp(o - c)
    den = jnp.dot(e, g_ref[...], preferred_element_type=jnp.float32)
    o_ref[...] = e / den



def kernel(x, edge_index, W0, b0, W1, b1, W2, b2, W3, b3):
    f32 = jnp.float32
    sds = jax.ShapeDtypeStruct
    eye8 = jnp.eye(8, dtype=f32)

    h0p = pl.pallas_call(_mm0_kernel, out_shape=sds((NP8, 128), f32))(
        x.reshape(NP8, 8 * F_IN), jnp.kron(eye8, W0))
    degp = _deg_call(edge_index).reshape(NC, NP8, 128)

    dinv, hp = pl.pallas_call(
        _prep_kernel, out_shape=(sds((NP8, 128), f32), sds((NP8, 128), f32))
    )(degp, h0p)

    combine = pl.pallas_call(_combine_kernel, out_shape=sds((NP8, 128), f32))
    for W, b in ((W1, b0), (W2, b1), (W3, b2)):
        p = _agg_call(hp.reshape(N, H), edge_index).reshape(NC, NP8, 128)
        hp = combine(p, hp, dinv, jnp.tile(b, 8).reshape(1, 128),
                     jnp.kron(eye8, W))

    p = _agg_call(hp.reshape(N, H), edge_index).reshape(NC, NP8, 128)
    out_p = pl.pallas_call(_final_kernel, out_shape=sds((NP8, 128), f32))(
        p, hp, dinv, jnp.tile(b3, 8).reshape(1, 128),
        jnp.kron(eye8, jnp.ones((H, H), f32)))
    return out_p.reshape(N, H)

# --- scband reference (transcript-rebuilt; emitter-appended) ---
"""Pipeline reference for scband-gcn-37709812859638 (READ-ONLY COPY).

The authoritative reference and input builder live on the scoring server;
editing this copy changes nothing except your own understanding.
"""

import jax, jax.numpy as jnp
import numpy as np

N = 10000
E = 320000
F_IN = 128
H = 16
C = 16


def _glorot(key, shape):
    fan_in, fan_out = shape
    lim = float(np.sqrt(6.0 / (fan_in + fan_out)))
    return jax.random.uniform(key, shape, dtype=jnp.float32, minval=-lim, maxval=lim)


def setup_inputs(seed: int = 0):
    key = jax.random.key(seed)
    ks = jax.random.split(key, 10)
    x = jax.random.normal(ks[0], (N, F_IN), dtype=jnp.float32)
    edge_index = jax.random.randint(ks[1], (2, E), 0, N, dtype=jnp.int32)
    W0 = _glorot(ks[2], (F_IN, H)); b0 = jnp.zeros((H,), jnp.float32)
    W1 = _glorot(ks[3], (H, H)); b1 = jnp.zeros((H,), jnp.float32)
    W2 = _glorot(ks[4], (H, H)); b2 = jnp.zeros((H,), jnp.float32)
    W3 = _glorot(ks[5], (H, C)); b3 = jnp.zeros((C,), jnp.float32)
    return {"x": x, "edge_index": edge_index, "W0": W0, "b0": b0, "W1": W1, "b1": b1, "W2": W2, "b2": b2, "W3": W3, "b3": b3}


def _gcn_norm(edge_index, n):
    # PyG GCNConv default: add self-loops, symmetric normalization
    src = edge_index[0]
    dst = edge_index[1]
    loop = jnp.arange(n, dtype=edge_index.dtype)
    src = jnp.concatenate([src, loop])
    dst = jnp.concatenate([dst, loop])
    deg = jax.ops.segment_sum(jnp.ones(src.shape[0], jnp.float32), dst, num_segments=n)
    dinv = jnp.where(deg > 0, jax.lax.rsqrt(deg), 0.0)
    norm = dinv[src] * dinv[dst]
    return src, dst, norm


def _gcn_conv(x, src, dst, norm, W, b, n):
    h = x @ W                      # linear transform first (smaller message dim)
    msg = h[src] * norm[:, None]   # gather + scale
    out = jax.ops.segment_sum(msg, dst, num_segments=n)  # scatter-add aggregate
    return out + b


def reference(x, edge_index, W0, b0, W1, b1, W2, b2, W3, b3):
    src, dst, norm = _gcn_norm(edge_index, N)
    h = _gcn_conv(x, src, dst, norm, W0, b0, N)
    h = jax.nn.leaky_relu(h, 0.01)
    h = _gcn_conv(h, src, dst, norm, W1, b1, N)
    h = jax.nn.leaky_relu(h, 0.01)
    h = _gcn_conv(h, src, dst, norm, W2, b2, N)
    h = jax.nn.leaky_relu(h, 0.01)
    h = _gcn_conv(h, src, dst, norm, W3, b3, N)
    return jax.nn.softmax(h, axis=1)

if __name__ == "__main__":
    import jax
    _d = setup_inputs()
    print(jax.jit(kernel)(*tuple(_d.values())))

</pallas_src>

<mosaic_0001>
#map = affine_map<(d0, d1) -> (0, 0)>
#map1 = affine_map<(d0, d1) -> (0, 0, 0)>
module attributes {stable_mosaic.version = 14 : i64} {
  func.func @_agg_body(%arg0: i32, %arg1: i32, %arg2: memref<10000x16xf32, #tpu.memory_space<hbm>>, %arg3: memref<2x320000xi32, #tpu.memory_space<hbm>>, %arg4: memref<2x10000x16xf32, #tpu.memory_space<hbm>>, %arg5: memref<10000xi32, #tpu.memory_space<vmem>>, %arg6: memref<10000xi32, #tpu.memory_space<vmem>>, %arg7: memref<3x2000x16xf32, #tpu.memory_space<vmem>>, %arg8: memref<!tpu.dma_semaphore, #tpu.memory_space<semaphore_mem>>, %arg9: memref<!tpu.dma_semaphore, #tpu.memory_space<semaphore_mem>>, %arg10: memref<!tpu.dma_semaphore, #tpu.memory_space<semaphore_mem>>, %arg11: memref<!tpu.dma_semaphore, #tpu.memory_space<semaphore_mem>>, %arg12: memref<!tpu.dma_semaphore, #tpu.memory_space<semaphore_mem>>, %arg13: memref<!tpu.dma_semaphore, #tpu.memory_space<semaphore_mem>>, %arg14: memref<10000x16xf32, #tpu.memory_space<vmem_shared>>) attributes {dimension_semantics = [#tpu.dimension_semantics<core_parallel>, #tpu.dimension_semantics<subcore_parallel>], iteration_bounds = array<i64: 2, 16>, scalar_prefetch = 0 : i64, scratch_operands = 10 : i64, tpu.core_type = #tpu.core_type<sc_vector_subcore>, window_params = [{transform_indices = #map}, {transform_indices = #map}, {transform_indices = #map1}]} {
    %mul3A = arith.constant 2 : i32
    %mul3A_0 = arith.muli %arg1, %mul3A : i32
    %add3A = arith.addi %mul3A_0, %arg0 : i32
    %mul3A_1 = arith.constant 10000 : i32
    %mul3A_2 = arith.muli %add3A, %mul3A_1 : i32
    %dma_start3A = arith.constant 0 : i32
    %dma_start3A_3 = tpu.memref_slice %arg3[%dma_start3A, %mul3A_2] : memref<2x320000xi32, #tpu.memory_space<hbm>> -> memref<1x10000xi32, #tpu.memory_space<hbm>>
    %dma_start3A_4 = tpu.memref_squeeze %dma_start3A_3 : memref<1x10000xi32, #tpu.memory_space<hbm>> -> memref<10000xi32, #tpu.memory_space<hbm>>
    %dma_start3A_5 = tpu.memref_slice %arg3[%dma_start3A, %mul3A_2] : memref<2x320000xi32, #tpu.memory_space<hbm>> -> memref<1x10000xi32, #tpu.memory_space<hbm>>
    %dma_start3A_6 = tpu.memref_squeeze %dma_start3A_5 : memref<1x10000xi32, #tpu.memory_space<hbm>> -> memref<10000xi32, #tpu.memory_space<hbm>>
    tpu.enqueue_dma source(%dma_start3A_6 : memref<10000xi32, #tpu.memory_space<hbm>>) target(%arg5 : memref<10000xi32, #tpu.memory_space<vmem>>) target_semaphore(%arg11 : memref<!tpu.dma_semaphore, #tpu.memory_space<semaphore_mem>>)
    %mul3A_7 = arith.constant 10000 : i32
    %mul3A_8 = arith.muli %add3A, %mul3A_7 : i32
    %dma_start3A_9 = arith.constant 1 : i32
    %dma_start3A_10 = tpu.memref_slice %arg3[%dma_start3A_9, %mul3A_8] : memref<2x320000xi32, #tpu.memory_space<hbm>> -> memref<1x10000xi32, #tpu.memory_space<hbm>>
    %dma_start3A_11 = tpu.memref_squeeze %dma_start3A_10 : memref<1x10000xi32, #tpu.memory_space<hbm>> -> memref<10000xi32, #tpu.memory_space<hbm>>
    %dma_start3A_12 = tpu.memref_slice %arg3[%dma_start3A_9, %mul3A_8] : memref<2x320000xi32, #tpu.memory_space<hbm>> -> memref<1x10000xi32, #tpu.memory_space<hbm>>
    %dma_start3A_13 = tpu.memref_squeeze %dma_start3A_12 : memref<1x10000xi32, #tpu.memory_space<hbm>> -> memref<10000xi32, #tpu.memory_space<hbm>>
    tpu.enqueue_dma source(%dma_start3A_13 : memref<10000xi32, #tpu.memory_space<hbm>>) target(%arg6 : memref<10000xi32, #tpu.memory_space<vmem>>) target_semaphore(%arg12 : memref<!tpu.dma_semaphore, #tpu.memory_space<semaphore_mem>>)
    %lt3A = arith.constant 10 : i32
    %lt3A_14 = arith.cmpi slt, %arg1, %lt3A : i32
    %convert_element_type3A = arith.extui %lt3A_14 : i1 to i32
    %cond3A = arith.constant 0 : i32
    %cond3A_15 = arith.cmpi ne, %convert_element_type3A, %cond3A : i32
    scf.if %cond3A_15 {
      %mul3A_311 = arith.constant 1000 : i32
      %mul3A_312 = arith.muli %arg1, %mul3A_311 : i32
      %mul3A_313 = arith.constant 1000 : i32
      %mul3A_314 = arith.muli %arg1, %mul3A_313 : i32
      "tpu.region"() ({
        %run_scoped3A = tpu.sem_alloc : memref<!tpu.dma_semaphore, #tpu.memory_space<semaphore_mem>>
        %dma_start3A_315 = arith.constant 0 : i32
        %dma_start3A_316 = tpu.memref_slice %arg14[%mul3A_314, %dma_start3A_315] : memref<10000x16xf32, #tpu.memory_space<vmem_shared>> -> memref<1000x16xf32, #tpu.memory_space<vmem_shared>>
        %dma_start3A_317 = arith.constant 0 : i32
        %dma_start3A_318 = tpu.memref_slice %arg2[%mul3A_312, %dma_start3A_317] : memref<10000x16xf32, #tpu.memory_space<hbm>> -> memref<1000x16xf32, #tpu.memory_space<hbm>>
        tpu.enqueue_dma source(%dma_start3A_318 : memref<1000x16xf32, #tpu.memory_space<hbm>>) target(%dma_start3A_316 : memref<1000x16xf32, #tpu.memory_space<vmem_shared>>) target_semaphore(%run_scoped3A : memref<!tpu.dma_semaphore, #tpu.memory_space<semaphore_mem>>)
        %dma_wait3A_319 = arith.constant 0 : i32
        %dma_wait3A_320 = tpu.memref_slice %arg14[%mul3A_314, %dma_wait3A_319] : memref<10000x16xf32, #tpu.memory_space<vmem_shared>> -> memref<1000x16xf32, #tpu.memory_space<vmem_shared>>
        %dma_wait3A_321 = arith.constant 0 : i32
        %dma_wait3A_322 = tpu.memref_slice %arg2[%mul3A_312, %dma_wait3A_321] : memref<10000x16xf32, #tpu.memory_space<hbm>> -> memref<1000x16xf32, #tpu.memory_space<hbm>>
        tpu.wait_dma2 semaphore(%run_scoped3A : memref<!tpu.dma_semaphore, #tpu.memory_space<semaphore_mem>>) src(%dma_wait3A_322 : memref<1000x16xf32, #tpu.memory_space<hbm>>) dst(%dma_wait3A_320 : memref<1000x16xf32, #tpu.memory_space<vmem_shared>>)
        tpu.yield
      }) : () -> ()
    } else {
    }
    %dma_wait3A = arith.constant 0 : i32
    %dma_wait3A_16 = tpu.memref_slice %arg3[%dma_wait3A, %mul3A_2] : memref<2x320000xi32, #tpu.memory_space<hbm>> -> memref<1x10000xi32, #tpu.memory_space<hbm>>
    %dma_wait3A_17 = tpu.memref_squeeze %dma_wait3A_16 : memref<1x10000xi32, #tpu.memory_space<hbm>> -> memref<10000xi32, #tpu.memory_space<hbm>>
    %dma_wait3A_18 = tpu.memref_slice %arg3[%dma_wait3A, %mul3A_2] : memref<2x320000xi32, #tpu.memory_space<hbm>> -> memref<1x10000xi32, #tpu.memory_space<hbm>>
    %dma_wait3A_19 = tpu.memref_squeeze %dma_wait3A_18 : memref<1x10000xi32, #tpu.memory_space<hbm>> -> memref<10000xi32, #tpu.memory_space<hbm>>
    tpu.wait_dma2 semaphore(%arg11 : memref<!tpu.dma_semaphore, #tpu.memory_space<semaphore_mem>>) src(%dma_wait3A_19 : memref<10000xi32, #tpu.memory_space<hbm>>) dst(%arg5 : memref<10000xi32, #tpu.memory_space<vmem>>)
    %dma_start3A_20 = arith.constant 0 : i32
    %dma_start3A_21 = arith.constant 0 : i32
    %dma_start3A_22 = arith.constant 0 : i32
    %dma_start3A_23 = tpu.memref_slice %arg7[%dma_start3A_20, %dma_start3A_21, %dma_start3A_22] : memref<3x2000x16xf32, #tpu.memory_space<vmem>> -> memref<1x2000x16xf32, #tpu.memory_space<vmem>>
    %dma_start3A_24 = tpu.memref_squeeze %dma_start3A_23 : memref<1x2000x16xf32, #tpu.memory_space<vmem>> -> memref<2000x16xf32, #tpu.memory_space<vmem>>
    %dma_start3A_25 = arith.constant 0 : i32
    %dma_start3A_26 = tpu.memref_slice %arg5[%dma_start3A_25] : memref<10000xi32, #tpu.memory_space<vmem>> -> memref<2000xi32, #tpu.memory_space<vmem>>
    %dma_start3A_27 = arith.constant 0 : i32
    %dma_start3A_28 = arith.constant 0 : i32
    %dma_start3A_29 = tpu.memref_slice %arg2[%dma_start3A_27, %dma_start3A_28] : memref<10000x16xf32, #tpu.memory_space<hbm>> -> memref<10000x16xf32, #tpu.memory_space<hbm>>
    tpu.enqueue_indirect_dma source(%dma_start3A_29 : memref<10000x16xf32, #tpu.memory_space<hbm>>) target(%dma_start3A_24 : memref<2000x16xf32, #tpu.memory_space<vmem>>) offsets(%dma_start3A_26 : memref<2000xi32, #tpu.memory_space<vmem>>) semaphore(%arg8 : memref<!tpu.dma_semaphore, #tpu.memory_space<semaphore_mem>>)
    %dma_start3A_30 = arith.constant 1 : i32
    %dma_start3A_31 = arith.constant 0 : i32
    %dma_start3A_32 = arith.constant 0 : i32
    %dma_start3A_33 = tpu.memref_slice %arg7[%dma_start3A_30, %dma_start3A_31, %dma_start3A_32] : memref<3x2000x16xf32, #tpu.memory_space<vmem>> -> memref<1x2000x16xf32, #tpu.memory_space<vmem>>
    %dma_start3A_34 = tpu.memref_squeeze %dma_start3A_33 : memref<1x2000x16xf32, #tpu.memory_space<vmem>> -> memref<2000x16xf32, #tpu.memory_space<vmem>>
    %dma_start3A_35 = arith.constant 2000 : i32
    %dma_start3A_36 = tpu.memref_slice %arg5[%dma_start3A_35] : memref<10000xi32, #tpu.memory_space<vmem>> -> memref<2000xi32, #tpu.memory_space<vmem>>
    %dma_start3A_37 = arith.constant 0 : i32
    %dma_start3A_38 = arith.constant 0 : i32
    %dma_start3A_39 = tpu.memref_slice %arg2[%dma_start3A_37, %dma_start3A_38] : memref<10000x16xf32, #tpu.memory_space<hbm>> -> memref<10000x16xf32, #tpu.memory_space<hbm>>
    tpu.enqueue_indirect_dma source(%dma_start3A_39 : memref<10000x16xf32, #tpu.memory_space<hbm>>) target(%dma_start3A_34 : memref<2000x16xf32, #tpu.memory_space<vmem>>) offsets(%dma_start3A_36 : memref<2000xi32, #tpu.memory_space<vmem>>) semaphore(%arg9 : memref<!tpu.dma_semaphore, #tpu.memory_space<semaphore_mem>>)
    %dma_wait3A_40 = arith.constant 1 : i32
    %dma_wait3A_41 = tpu.memref_slice %arg3[%dma_wait3A_40, %mul3A_8] : memref<2x320000xi32, #tpu.memory_space<hbm>> -> memref<1x10000xi32, #tpu.memory_space<hbm>>
    %dma_wait3A_42 = tpu.memref_squeeze %dma_wait3A_41 : memref<1x10000xi32, #tpu.memory_space<hbm>> -> memref<10000xi32, #tpu.memory_space<hbm>>
    %dma_wait3A_43 = tpu.memref_slice %arg3[%dma_wait3A_40, %mul3A_8] : memref<2x320000xi32, #tpu.memory_space<hbm>> -> memref<1x10000xi32, #tpu.memory_space<hbm>>
    %dma_wait3A_44 = tpu.memref_squeeze %dma_wait3A_43 : memref<1x10000xi32, #tpu.memory_space<hbm>> -> memref<10000xi32, #tpu.memory_space<hbm>>
    tpu.wait_dma2 semaphore(%arg12 : memref<!tpu.dma_semaphore, #tpu.memory_space<semaphore_mem>>) src(%dma_wait3A_44 : memref<10000xi32, #tpu.memory_space<hbm>>) dst(%arg6 : memref<10000xi32, #tpu.memory_space<vmem>>)
    %barrier3A = arith.constant 0 : index
    tpu.barrier barrier_id(%barrier3A)
    %dma_wait3A_45 = arith.constant 0 : i32
    %dma_wait3A_46 = arith.constant 0 : i32
    %dma_wait3A_47 = arith.constant 0 : i32
    %dma_wait3A_48 = tpu.memref_slice %arg7[%dma_wait3A_45, %dma_wait3A_46, %dma_wait3A_47] : memref<3x2000x16xf32, #tpu.memory_space<vmem>> -> memref<1x2000x16xf32, #tpu.memory_space<vmem>>
    %dma_wait3A_49 = tpu.memref_squeeze %dma_wait3A_48 : memref<1x2000x16xf32, #tpu.memory_space<vmem>> -> memref<2000x16xf32, #tpu.memory_space<vmem>>
    %dma_wait3A_50 = arith.constant 0 : i32
    %dma_wait3A_51 = tpu.memref_slice %arg5[%dma_wait3A_50] : memref<10000xi32, #tpu.memory_space<vmem>> -> memref<2000xi32, #tpu.memory_space<vmem>>
    %dma_wait3A_52 = arith.constant 0 : i32
    %dma_wait3A_53 = arith.constant 0 : i32
    %dma_wait3A_54 = tpu.memref_slice %arg2[%dma_wait3A_52, %dma_wait3A_53] : memref<10000x16xf32, #tpu.memory_space<hbm>> -> memref<10000x16xf32, #tpu.memory_space<hbm>>
    tpu.wait_indirect_dma semaphore(%arg8 : memref<!tpu.dma_semaphore, #tpu.memory_space<semaphore_mem>>) src(%dma_wait3A_54 : memref<10000x16xf32, #tpu.memory_space<hbm>>) dst(%dma_wait3A_49 : memref<2000x16xf32, #tpu.memory_space<vmem>>)
    %dma_start3A_55 = arith.constant 2 : i32
    %dma_start3A_56 = arith.constant 0 : i32
    %dma_start3A_57 = arith.constant 0 : i32
    %dma_start3A_58 = tpu.memref_slice %arg7[%dma_start3A_55, %dma_start3A_56, %dma_start3A_57] : memref<3x2000x16xf32, #tpu.memory_space<vmem>> -> memref<1x2000x16xf32, #tpu.memory_space<vmem>>
    %dma_start3A_59 = tpu.memref_squeeze %dma_start3A_58 : memref<1x2000x16xf32, #tpu.memory_space<vmem>> -> memref<2000x16xf32, #tpu.memory_space<vmem>>
    %dma_start3A_60 = arith.constant 4000 : i32
    %dma_start3A_61 = tpu.memref_slice %arg5[%dma_start3A_60] : memref<10000xi32, #tpu.memory_space<vmem>> -> memref<2000xi32, #tpu.memory_space<vmem>>
    %dma_start3A_62 = arith.constant 0 : i32
    %dma_start3A_63 = arith.constant 0 : i32
    %dma_start3A_64 = tpu.memref_slice %arg2[%dma_start3A_62, %dma_start3A_63] : memref<10000x16xf32, #tpu.memory_space<hbm>> -> memref<10000x16xf32, #tpu.memory_space<hbm>>
    tpu.enqueue_indirect_dma source(%dma_start3A_64 : memref<10000x16xf32, #tpu.memory_space<hbm>>) target(%dma_start3A_59 : memref<2000x16xf32, #tpu.memory_space<vmem>>) offsets(%dma_start3A_61 : memref<2000xi32, #tpu.memory_space<vmem>>) semaphore(%arg10 : memref<!tpu.dma_semaphore, #tpu.memory_space<semaphore_mem>>)
    %dma_start3A_65 = arith.constant 0 : i32
    %dma_start3A_66 = arith.constant 0 : i32
    %dma_start3A_67 = arith.constant 0 : i32
    %dma_start3A_68 = tpu.memref_slice %arg7[%dma_start3A_65, %dma_start3A_66, %dma_start3A_67] : memref<3x2000x16xf32, #tpu.memory_space<vmem>> -> memref<1x1000x16xf32, #tpu.memory_space<vmem>>
    %dma_start3A_69 = tpu.memref_squeeze %dma_start3A_68 : memref<1x1000x16xf32, #tpu.memory_space<vmem>> -> memref<1000x16xf32, #tpu.memory_space<vmem>>
    %dma_start3A_70 = arith.constant 0 : i32
    %dma_start3A_71 = tpu.memref_slice %arg6[%dma_start3A_70] : memref<10000xi32, #tpu.memory_space<vmem>> -> memref<1000xi32, #tpu.memory_space<vmem>>
    %dma_start3A_72 = arith.constant 0 : i32
    %dma_start3A_73 = arith.constant 0 : i32
    %dma_start3A_74 = tpu.memref_slice %arg14[%dma_start3A_72, %dma_start3A_73] : memref<10000x16xf32, #tpu.memory_space<vmem_shared>> -> memref<10000x16xf32, #tpu.memory_space<vmem_shared>>
    tpu.enqueue_indirect_dma source(%dma_start3A_69 : memref<1000x16xf32, #tpu.memory_space<vmem>>) target(%dma_start3A_74 : memref<10000x16xf32, #tpu.memory_space<vmem_shared>>) offsets(%dma_start3A_71 : memref<1000xi32, #tpu.memory_space<vmem>>) semaphore(%arg11 : memref<!tpu.dma_semaphore, #tpu.memory_space<semaphore_mem>>) {add = true}
    %dma_start3A_75 = arith.constant 0 : i32
    %dma_start3A_76 = arith.constant 1000 : i32
    %dma_start3A_77 = arith.constant 0 : i32
    %dma_start3A_78 = tpu.memref_slice %arg7[%dma_start3A_75, %dma_start3A_76, %dma_start3A_77] : memref<3x2000x16xf32, #tpu.memory_space<vmem>> -> memref<1x1000x16xf32, #tpu.memory_space<vmem>>
    %dma_start3A_79 = tpu.memref_squeeze %dma_start3A_78 : memref<1x1000x16xf32, #tpu.memory_space<vmem>> -> memref<1000x16xf32, #tpu.memory_space<vmem>>
    %dma_start3A_80 = arith.constant 1000 : i32
    %dma_start3A_81 = tpu.memref_slice %arg6[%dma_start3A_80] : memref<10000xi32, #tpu.memory_space<vmem>> -> memref<1000xi32, #tpu.memory_space<vmem>>
    %dma_start3A_82 = arith.constant 0 : i32
    %dma_start3A_83 = arith.constant 0 : i32
    %dma_start3A_84 = tpu.memref_slice %arg14[%dma_start3A_82, %dma_start3A_83] : memref<10000x16xf32, #tpu.memory_space<vmem_shared>> -> memref<10000x16xf32, #tpu.memory_space<vmem_shared>>
    tpu.enqueue_indirect_dma source(%dma_start3A_79 : memref<1000x16xf32, #tpu.memory_space<vmem>>) target(%dma_start3A_84 : memref<10000x16xf32, #tpu.memory_space<vmem_shared>>) offsets(%dma_start3A_81 : memref<1000xi32, #tpu.memory_space<vmem>>) semaphore(%arg11 : memref<!tpu.dma_semaphore, #tpu.memory_space<semaphore_mem>>) {add = true}
    %dma_wait3A_85 = arith.constant 1 : i32
    %dma_wait3A_86 = arith.constant 0 : i32
    %dma_wait3A_87 = arith.constant 0 : i32
    %dma_wait3A_88 = tpu.memref_slice %arg7[%dma_wait3A_85, %dma_wait3A_86, %dma_wait3A_87] : memref<3x2000x16xf32, #tpu.memory_space<vmem>> -> memref<1x2000x16xf32, #tpu.memory_space<vmem>>
    %dma_wait3A_89 = tpu.memref_squeeze %dma_wait3A_88 : memref<1x2000x16xf32, #tpu.memory_space<vmem>> -> memref<2000x16xf32, #tpu.memory_space<vmem>>
    %dma_wait3A_90 = arith.constant 2000 : i32
    %dma_wait3A_91 = tpu.memref_slice %arg5[%dma_wait3A_90] : memref<10000xi32, #tpu.memory_space<vmem>> -> memref<2000xi32, #tpu.memory_space<vmem>>
    %dma_wait3A_92 = arith.constant 0 : i32
    %dma_wait3A_93 = arith.constant 0 : i32
    %dma_wait3A_94 = tpu.memref_slice %arg2[%dma_wait3A_92, %dma_wait3A_93] : memref<10000x16xf32, #tpu.memory_space<hbm>> -> memref<10000x16xf32, #tpu.memory_space<hbm>>
    tpu.wait_indirect_dma semaphore(%arg9 : memref<!tpu.dma_semaphore, #tpu.memory_space<semaphore_mem>>) src(%dma_wait3A_94 : memref<10000x16xf32, #tpu.memory_space<hbm>>) dst(%dma_wait3A_89 : memref<2000x16xf32, #tpu.memory_space<vmem>>)
    %dma_wait3A_95 = arith.constant 0 : i32
    %dma_wait3A_96 = arith.constant 0 : i32
    %dma_wait3A_97 = arith.constant 0 : i32
    %dma_wait3A_98 = tpu.memref_slice %arg7[%dma_wait3A_95, %dma_wait3A_96, %dma_wait3A_97] : memref<3x2000x16xf32, #tpu.memory_space<vmem>> -> memref<1x1000x16xf32, #tpu.memory_space<vmem>>
    %dma_wait3A_99 = tpu.memref_squeeze %dma_wait3A_98 : memref<1x1000x16xf32, #tpu.memory_space<vmem>> -> memref<1000x16xf32, #tpu.memory_space<vmem>>
    %dma_wait3A_100 = arith.constant 0 : i32
    %dma_wait3A_101 = tpu.memref_slice %arg6[%dma_wait3A_100] : memref<10000xi32, #tpu.memory_space<vmem>> -> memref<1000xi32, #tpu.memory_space<vmem>>
    %dma_wait3A_102 = arith.constant 0 : i32
    %dma_wait3A_103 = arith.constant 0 : i32
    %dma_wait3A_104 = tpu.memref_slice %arg14[%dma_wait3A_102, %dma_wait3A_103] : memref<10000x16xf32, #tpu.memory_space<vmem_shared>> -> memref<10000x16xf32, #tpu.memory_space<vmem_shared>>
    tpu.wait_indirect_dma semaphore(%arg11 : memref<!tpu.dma_semaphore, #tpu.memory_space<semaphore_mem>>) src(%dma_wait3A_99 : memref<1000x16xf32, #tpu.memory_space<vmem>>) dst(%dma_wait3A_104 : memref<10000x16xf32, #tpu.memory_space<vmem_shared>>)
    %dma_wait3A_105 = arith.constant 0 : i32
    %dma_wait3A_106 = arith.constant 1000 : i32
    %dma_wait3A_107 = arith.constant 0 : i32
    %dma_wait3A_108 = tpu.memref_slice %arg7[%dma_wait3A_105, %dma_wait3A_106, %dma_wait3A_107] : memref<3x2000x16xf32, #tpu.memory_space<vmem>> -> memref<1x1000x16xf32, #tpu.memory_space<vmem>>
    %dma_wait3A_109 = tpu.memref_squeeze %dma_wait3A_108 : memref<1x1000x16xf32, #tpu.memory_space<vmem>> -> memref<1000x16xf32, #tpu.memory_space<vmem>>
    %dma_wait3A_110 = arith.constant 1000 : i32
    %dma_wait3A_111 = tpu.memref_slice %arg6[%dma_wait3A_110] : memref<10000xi32, #tpu.memory_space<vmem>> -> memref<1000xi32, #tpu.memory_space<vmem>>
    %dma_wait3A_112 = arith.constant 0 : i32
    %dma_wait3A_113 = arith.constant 0 : i32
    %dma_wait3A_114 = tpu.memref_slice %arg14[%dma_wait3A_112, %dma_wait3A_113] : memref<10000x16xf32, #tpu.memory_space<vmem_shared>> -> memref<10000x16xf32, #tpu.memory_space<vmem_shared>>
    tpu.wait_indirect_dma semaphore(%arg11 : memref<!tpu.dma_semaphore, #tpu.memory_space<semaphore_mem>>) src(%dma_wait3A_109 : memref<1000x16xf32, #tpu.memory_space<vmem>>) dst(%dma_wait3A_114 : memref<10000x16xf32, #tpu.memory_space<vmem_shared>>)
    %dma_start3A_115 = arith.constant 0 : i32
    %dma_start3A_116 = arith.constant 0 : i32
    %dma_start3A_117 = arith.constant 0 : i32
    %dma_start3A_118 = tpu.memref_slice %arg7[%dma_start3A_115, %dma_start3A_116, %dma_start3A_117] : memref<3x2000x16xf32, #tpu.memory_space<vmem>> -> memref<1x2000x16xf32, #tpu.memory_space<vmem>>
    %dma_start3A_119 = tpu.memref_squeeze %dma_start3A_118 : memref<1x2000x16xf32, #tpu.memory_space<vmem>> -> memref<2000x16xf32, #tpu.memory_space<vmem>>
    %dma_start3A_120 = arith.constant 6000 : i32
    %dma_start3A_121 = tpu.memref_slice %arg5[%dma_start3A_120] : memref<10000xi32, #tpu.memory_space<vmem>> -> memref<2000xi32, #tpu.memory_space<vmem>>
    %dma_start3A_122 = arith.constant 0 : i32
    %dma_start3A_123 = arith.constant 0 : i32
    %dma_start3A_124 = tpu.memref_slice %arg2[%dma_start3A_122, %dma_start3A_123] : memref<10000x16xf32, #tpu.memory_space<hbm>> -> memref<10000x16xf32, #tpu.memory_space<hbm>>
    tpu.enqueue_indirect_dma source(%dma_start3A_124 : memref<10000x16xf32, #tpu.memory_space<hbm>>) target(%dma_start3A_119 : memref<2000x16xf32, #tpu.memory_space<vmem>>) offsets(%dma_start3A_121 : memref<2000xi32, #tpu.memory_space<vmem>>) semaphore(%arg8 : memref<!tpu.dma_semaphore, #tpu.memory_space<semaphore_mem>>)
    %dma_start3A_125 = arith.constant 1 : i32
    %dma_start3A_126 = arith.constant 0 : i32
    %dma_start3A_127 = arith.constant 0 : i32
    %dma_start3A_128 = tpu.memref_slice %arg7[%dma_start3A_125, %dma_start3A_126, %dma_start3A_127] : memref<3x2000x16xf32, #tpu.memory_space<vmem>> -> memref<1x1000x16xf32, #tpu.memory_space<vmem>>
    %dma_start3A_129 = tpu.memref_squeeze %dma_start3A_128 : memref<1x1000x16xf32, #tpu.memory_space<vmem>> -> memref<1000x16xf32, #tpu.memory_space<vmem>>
    %dma_start3A_130 = arith.constant 2000 : i32
    %dma_start3A_131 = tpu.memref_slice %arg6[%dma_start3A_130] : memref<10000xi32, #tpu.memory_space<vmem>> -> memref<1000xi32, #tpu.memory_space<vmem>>
    %dma_start3A_132 = arith.constant 0 : i32
    %dma_start3A_133 = arith.constant 0 : i32
    %dma_start3A_134 = tpu.memref_slice %arg14[%dma_start3A_132, %dma_start3A_133] : memref<10000x16xf32, #tpu.memory_space<vmem_shared>> -> memref<10000x16xf32, #tpu.memory_space<vmem_shared>>
    tpu.enqueue_indirect_dma source(%dma_start3A_129 : memref<1000x16xf32, #tpu.memory_space<vmem>>) target(%dma_start3A_134 : memref<10000x16xf32, #tpu.memory_space<vmem_shared>>) offsets(%dma_start3A_131 : memref<1000xi32, #tpu.memory_space<vmem>>) semaphore(%arg12 : memref<!tpu.dma_semaphore, #tpu.memory_space<semaphore_mem>>) {add = true}
    %dma_start3A_135 = arith.constant 1 : i32
    %dma_start3A_136 = arith.constant 1000 : i32
    %dma_start3A_137 = arith.constant 0 : i32
    %dma_start3A_138 = tpu.memref_slice %arg7[%dma_start3A_135, %dma_start3A_136, %dma_start3A_137] : memref<3x2000x16xf32, #tpu.memory_space<vmem>> -> memref<1x1000x16xf32, #tpu.memory_space<vmem>>
    %dma_start3A_139 = tpu.memref_squeeze %dma_start3A_138 : memref<1x1000x16xf32, #tpu.memory_space<vmem>> -> memref<1000x16xf32, #tpu.memory_space<vmem>>
    %dma_start3A_140 = arith.constant 3000 : i32
    %dma_start3A_141 = tpu.memref_slice %arg6[%dma_start3A_140] : memref<10000xi32, #tpu.memory_space<vmem>> -> memref<1000xi32, #tpu.memory_space<vmem>>
    %dma_start3A_142 = arith.constant 0 : i32
    %dma_start3A_143 = arith.constant 0 : i32
    %dma_start3A_144 = tpu.memref_slice %arg14[%dma_start3A_142, %dma_start3A_143] : memref<10000x16xf32, #tpu.memory_space<vmem_shared>> -> memref<10000x16xf32, #tpu.memory_space<vmem_shared>>
    tpu.enqueue_indirect_dma source(%dma_start3A_139 : memref<1000x16xf32, #tpu.memory_space<vmem>>) target(%dma_start3A_144 : memref<10000x16xf32, #tpu.memory_space<vmem_shared>>) offsets(%dma_start3A_141 : memref<1000xi32, #tpu.memory_space<vmem>>) semaphore(%arg12 : memref<!tpu.dma_semaphore, #tpu.memory_space<semaphore_mem>>) {add = true}
    %dma_wait3A_145 = arith.constant 2 : i32
    %dma_wait3A_146 = arith.constant 0 : i32
    %dma_wait3A_147 = arith.constant 0 : i32
    %dma_wait3A_148 = tpu.memref_slice %arg7[%dma_wait3A_145, %dma_wait3A_146, %dma_wait3A_147] : memref<3x2000x16xf32, #tpu.memory_space<vmem>> -> memref<1x2000x16xf32, #tpu.memory_space<vmem>>
    %dma_wait3A_149 = tpu.memref_squeeze %dma_wait3A_148 : memref<1x2000x16xf32, #tpu.memory_space<vmem>> -> memref<2000x16xf32, #tpu.memory_space<vmem>>
    %dma_wait3A_150 = arith.constant 4000 : i32
    %dma_wait3A_151 = tpu.memref_slice %arg5[%dma_wait3A_150] : memref<10000xi32, #tpu.memory_space<vmem>> -> memref<2000xi32, #tpu.memory_space<vmem>>
    %dma_wait3A_152 = arith.constant 0 : i32
    %dma_wait3A_153 = arith.constant 0 : i32
    %dma_wait3A_154 = tpu.memref_slice %arg2[%dma_wait3A_152, %dma_wait3A_153] : memref<10000x16xf32, #tpu.memory_space<hbm>> -> memref<10000x16xf32, #tpu.memory_space<hbm>>
    tpu.wait_indirect_dma semaphore(%arg10 : memref<!tpu.dma_semaphore, #tpu.memory_space<semaphore_mem>>) src(%dma_wait3A_154 : memref<10000x16xf32, #tpu.memory_space<hbm>>) dst(%dma_wait3A_149 : memref<2000x16xf32, #tpu.memory_space<vmem>>)
    %dma_wait3A_155 = arith.constant 1 : i32
    %dma_wait3A_156 = arith.constant 0 : i32
    %dma_wait3A_157 = arith.constant 0 : i32
    %dma_wait3A_158 = tpu.memref_slice %arg7[%dma_wait3A_155, %dma_wait3A_156, %dma_wait3A_157] : memref<3x2000x16xf32, #tpu.memory_space<vmem>> -> memref<1x1000x16xf32, #tpu.memory_space<vmem>>
    %dma_wait3A_159 = tpu.memref_squeeze %dma_wait3A_158 : memref<1x1000x16xf32, #tpu.memory_space<vmem>> -> memref<1000x16xf32, #tpu.memory_space<vmem>>
    %dma_wait3A_160 = arith.constant 2000 : i32
    %dma_wait3A_161 = tpu.memref_slice %arg6[%dma_wait3A_160] : memref<10000xi32, #tpu.memory_space<vmem>> -> memref<1000xi32, #tpu.memory_space<vmem>>
    %dma_wait3A_162 = arith.constant 0 : i32
    %dma_wait3A_163 = arith.constant 0 : i32
    %dma_wait3A_164 = tpu.memref_slice %arg14[%dma_wait3A_162, %dma_wait3A_163] : memref<10000x16xf32, #tpu.memory_space<vmem_shared>> -> memref<10000x16xf32, #tpu.memory_space<vmem_shared>>
    tpu.wait_indirect_dma semaphore(%arg12 : memref<!tpu.dma_semaphore, #tpu.memory_space<semaphore_mem>>) src(%dma_wait3A_159 : memref<1000x16xf32, #tpu.memory_space<vmem>>) dst(%dma_wait3A_164 : memref<10000x16xf32, #tpu.memory_space<vmem_shared>>)
    %dma_wait3A_165 = arith.constant 1 : i32
    %dma_wait3A_166 = arith.constant 1000 : i32
    %dma_wait3A_167 = arith.constant 0 : i32
    %dma_wait3A_168 = tpu.memref_slice %arg7[%dma_wait3A_165, %dma_wait3A_166, %dma_wait3A_167] : memref<3x2000x16xf32, #tpu.memory_space<vmem>> -> memref<1x1000x16xf32, #tpu.memory_space<vmem>>
    %dma_wait3A_169 = tpu.memref_squeeze %dma_wait3A_168 : memref<1x1000x16xf32, #tpu.memory_space<vmem>> -> memref<1000x16xf32, #tpu.memory_space<vmem>>
    %dma_wait3A_170 = arith.constant 3000 : i32
    %dma_wait3A_171 = tpu.memref_slice %arg6[%dma_wait3A_170] : memref<10000xi32, #tpu.memory_space<vmem>> -> memref<1000xi32, #tpu.memory_space<vmem>>
    %dma_wait3A_172 = arith.constant 0 : i32
    %dma_wait3A_173 = arith.constant 0 : i32
    %dma_wait3A_174 = tpu.memref_slice %arg14[%dma_wait3A_172, %dma_wait3A_173] : memref<10000x16xf32, #tpu.memory_space<vmem_shared>> -> memref<10000x16xf32, #tpu.memory_space<vmem_shared>>
    tpu.wait_indirect_dma semaphore(%arg12 : memref<!tpu.dma_semaphore, #tpu.memory_space<semaphore_mem>>) src(%dma_wait3A_169 : memref<1000x16xf32, #tpu.memory_space<vmem>>) dst(%dma_wait3A_174 : memref<10000x16xf32, #tpu.memory_space<vmem_shared>>)
    %dma_start3A_175 = arith.constant 1 : i32
    %dma_start3A_176 = arith.constant 0 : i32
    %dma_start3A_177 = arith.constant 0 : i32
    %dma_start3A_178 = tpu.memref_slice %arg7[%dma_start3A_175, %dma_start3A_176, %dma_start3A_177] : memref<3x2000x16xf32, #tpu.memory_space<vmem>> -> memref<1x2000x16xf32, #tpu.memory_space<vmem>>
    %dma_start3A_179 = tpu.memref_squeeze %dma_start3A_178 : memref<1x2000x16xf32, #tpu.memory_space<vmem>> -> memref<2000x16xf32, #tpu.memory_space<vmem>>
    %dma_start3A_180 = arith.constant 8000 : i32
    %dma_start3A_181 = tpu.memref_slice %arg5[%dma_start3A_180] : memref<10000xi32, #tpu.memory_space<vmem>> -> memref<2000xi32, #tpu.memory_space<vmem>>
    %dma_start3A_182 = arith.constant 0 : i32
    %dma_start3A_183 = arith.constant 0 : i32
    %dma_start3A_184 = tpu.memref_slice %arg2[%dma_start3A_182, %dma_start3A_183] : memref<10000x16xf32, #tpu.memory_space<hbm>> -> memref<10000x16xf32, #tpu.memory_space<hbm>>
    tpu.enqueue_indirect_dma source(%dma_start3A_184 : memref<10000x16xf32, #tpu.memory_space<hbm>>) target(%dma_start3A_179 : memref<2000x16xf32, #tpu.memory_space<vmem>>) offsets(%dma_start3A_181 : memref<2000xi32, #tpu.memory_space<vmem>>) semaphore(%arg9 : memref<!tpu.dma_semaphore, #tpu.memory_space<semaphore_mem>>)
    %dma_start3A_185 = arith.constant 2 : i32
    %dma_start3A_186 = arith.constant 0 : i32
    %dma_start3A_187 = arith.constant 0 : i32
    %dma_start3A_188 = tpu.memref_slice %arg7[%dma_start3A_185, %dma_start3A_186, %dma_start3A_187] : memref<3x2000x16xf32, #tpu.memory_space<vmem>> -> memref<1x1000x16xf32, #tpu.memory_space<vmem>>
    %dma_start3A_189 = tpu.memref_squeeze %dma_start3A_188 : memref<1x1000x16xf32, #tpu.memory_space<vmem>> -> memref<1000x16xf32, #tpu.memory_space<vmem>>
    %dma_start3A_190 = arith.constant 4000 : i32
    %dma_start3A_191 = tpu.memref_slice %arg6[%dma_start3A_190] : memref<10000xi32, #tpu.memory_space<vmem>> -> memref<1000xi32, #tpu.memory_space<vmem>>
    %dma_start3A_192 = arith.constant 0 : i32
    %dma_start3A_193 = arith.constant 0 : i32
    %dma_start3A_194 = tpu.memref_slice %arg14[%dma_start3A_192, %dma_start3A_193] : memref<10000x16xf32, #tpu.memory_space<vmem_shared>> -> memref<10000x16xf32, #tpu.memory_space<vmem_shared>>
    tpu.enqueue_indirect_dma source(%dma_start3A_189 : memref<1000x16xf32, #tpu.memory_space<vmem>>) target(%dma_start3A_194 : memref<10000x16xf32, #tpu.memory_space<vmem_shared>>) offsets(%dma_start3A_191 : memref<1000xi32, #tpu.memory_space<vmem>>) semaphore(%arg13 : memref<!tpu.dma_semaphore, #tpu.memory_space<semaphore_mem>>) {add = true}
    %dma_start3A_195 = arith.constant 2 : i32
    %dma_start3A_196 = arith.constant 1000 : i32
    %dma_start3A_197 = arith.constant 0 : i32
    %dma_start3A_198 = tpu.memref_slice %arg7[%dma_start3A_195, %dma_start3A_196, %dma_start3A_197] : memref<3x2000x16xf32, #tpu.memory_space<vmem>> -> memref<1x1000x16xf32, #tpu.memory_space<vmem>>
    %dma_start3A_199 = tpu.memref_squeeze %dma_start3A_198 : memref<1x1000x16xf32, #tpu.memory_space<vmem>> -> memref<1000x16xf32, #tpu.memory_space<vmem>>
    %dma_start3A_200 = arith.constant 5000 : i32
    %dma_start3A_201 = tpu.memref_slice %arg6[%dma_start3A_200] : memref<10000xi32, #tpu.memory_space<vmem>> -> memref<1000xi32, #tpu.memory_space<vmem>>
    %dma_start3A_202 = arith.constant 0 : i32
    %dma_start3A_203 = arith.constant 0 : i32
    %dma_start3A_204 = tpu.memref_slice %arg14[%dma_start3A_202, %dma_start3A_203] : memref<10000x16xf32, #tpu.memory_space<vmem_shared>> -> memref<10000x16xf32, #tpu.memory_space<vmem_shared>>
    tpu.enqueue_indirect_dma source(%dma_start3A_199 : memref<1000x16xf32, #tpu.memory_space<vmem>>) target(%dma_start3A_204 : memref<10000x16xf32, #tpu.memory_space<vmem_shared>>) offsets(%dma_start3A_201 : memref<1000xi32, #tpu.memory_space<vmem>>) semaphore(%arg13 : memref<!tpu.dma_semaphore, #tpu.memory_space<semaphore_mem>>) {add = true}
    %dma_wait3A_205 = arith.constant 0 : i32
    %dma_wait3A_206 = arith.constant 0 : i32
    %dma_wait3A_207 = arith.constant 0 : i32
    %dma_wait3A_208 = tpu.memref_slice %arg7[%dma_wait3A_205, %dma_wait3A_206, %dma_wait3A_207] : memref<3x2000x16xf32, #tpu.memory_space<vmem>> -> memref<1x2000x16xf32, #tpu.memory_space<vmem>>
    %dma_wait3A_209 = tpu.memref_squeeze %dma_wait3A_208 : memref<1x2000x16xf32, #tpu.memory_space<vmem>> -> memref<2000x16xf32, #tpu.memory_space<vmem>>
    %dma_wait3A_210 = arith.constant 6000 : i32
    %dma_wait3A_211 = tpu.memref_slice %arg5[%dma_wait3A_210] : memref<10000xi32, #tpu.memory_space<vmem>> -> memref<2000xi32, #tpu.memory_space<vmem>>
    %dma_wait3A_212 = arith.constant 0 : i32
    %dma_wait3A_213 = arith.constant 0 : i32
    %dma_wait3A_214 = tpu.memref_slice %arg2[%dma_wait3A_212, %dma_wait3A_213] : memref<10000x16xf32, #tpu.memory_space<hbm>> -> memref<10000x16xf32, #tpu.memory_space<hbm>>
    tpu.wait_indirect_dma semaphore(%arg8 : memref<!tpu.dma_semaphore, #tpu.memory_space<semaphore_mem>>) src(%dma_wait3A_214 : memref<10000x16xf32, #tpu.memory_space<hbm>>) dst(%dma_wait3A_209 : memref<2000x16xf32, #tpu.memory_space<vmem>>)
    %dma_start3A_215 = arith.constant 0 : i32
    %dma_start3A_216 = arith.constant 0 : i32
    %dma_start3A_217 = arith.constant 0 : i32
    %dma_start3A_218 = tpu.memref_slice %arg7[%dma_start3A_215, %dma_start3A_216, %dma_start3A_217] : memref<3x2000x16xf32, #tpu.memory_space<vmem>> -> memref<1x1000x16xf32, #tpu.memory_space<vmem>>
    %dma_start3A_219 = tpu.memref_squeeze %dma_start3A_218 : memref<1x1000x16xf32, #tpu.memory_space<vmem>> -> memref<1000x16xf32, #tpu.memory_space<vmem>>
    %dma_start3A_220 = arith.constant 6000 : i32
    %dma_start3A_221 = tpu.memref_slice %arg6[%dma_start3A_220] : memref<10000xi32, #tpu.memory_space<vmem>> -> memref<1000xi32, #tpu.memory_space<vmem>>
    %dma_start3A_222 = arith.constant 0 : i32
    %dma_start3A_223 = arith.constant 0 : i32
    %dma_start3A_224 = tpu.memref_slice %arg14[%dma_start3A_222, %dma_start3A_223] : memref<10000x16xf32, #tpu.memory_space<vmem_shared>> -> memref<10000x16xf32, #tpu.memory_space<vmem_shared>>
    tpu.enqueue_indirect_dma source(%dma_start3A_219 : memref<1000x16xf32, #tpu.memory_space<vmem>>) target(%dma_start3A_224 : memref<10000x16xf32, #tpu.memory_space<vmem_shared>>) offsets(%dma_start3A_221 : memref<1000xi32, #tpu.memory_space<vmem>>) semaphore(%arg11 : memref<!tpu.dma_semaphore, #tpu.memory_space<semaphore_mem>>) {add = true}
    %dma_start3A_225 = arith.constant 0 : i32
    %dma_start3A_226 = arith.constant 1000 : i32
    %dma_start3A_227 = arith.constant 0 : i32
    %dma_start3A_228 = tpu.memref_slice %arg7[%dma_start3A_225, %dma_start3A_226, %dma_start3A_227] : memref<3x2000x16xf32, #tpu.memory_space<vmem>> -> memref<1x1000x16xf32, #tpu.memory_space<vmem>>
    %dma_start3A_229 = tpu.memref_squeeze %dma_start3A_228 : memref<1x1000x16xf32, #tpu.memory_space<vmem>> -> memref<1000x16xf32, #tpu.memory_space<vmem>>
    %dma_start3A_230 = arith.constant 7000 : i32
    %dma_start3A_231 = tpu.memref_slice %arg6[%dma_start3A_230] : memref<10000xi32, #tpu.memory_space<vmem>> -> memref<1000xi32, #tpu.memory_space<vmem>>
    %dma_start3A_232 = arith.constant 0 : i32
    %dma_start3A_233 = arith.constant 0 : i32
    %dma_start3A_234 = tpu.memref_slice %arg14[%dma_start3A_232, %dma_start3A_233] : memref<10000x16xf32, #tpu.memory_space<vmem_shared>> -> memref<10000x16xf32, #tpu.memory_space<vmem_shared>>
    tpu.enqueue_indirect_dma source(%dma_start3A_229 : memref<1000x16xf32, #tpu.memory_space<vmem>>) target(%dma_start3A_234 : memref<10000x16xf32, #tpu.memory_space<vmem_shared>>) offsets(%dma_start3A_231 : memref<1000xi32, #tpu.memory_space<vmem>>) semaphore(%arg11 : memref<!tpu.dma_semaphore, #tpu.memory_space<semaphore_mem>>) {add = true}
    %dma_wait3A_235 = arith.constant 1 : i32
    %dma_wait3A_236 = arith.constant 0 : i32
    %dma_wait3A_237 = arith.constant 0 : i32
    %dma_wait3A_238 = tpu.memref_slice %arg7[%dma_wait3A_235, %dma_wait3A_236, %dma_wait3A_237] : memref<3x2000x16xf32, #tpu.memory_space<vmem>> -> memref<1x2000x16xf32, #tpu.memory_space<vmem>>
    %dma_wait3A_239 = tpu.memref_squeeze %dma_wait3A_238 : memref<1x2000x16xf32, #tpu.memory_space<vmem>> -> memref<2000x16xf32, #tpu.memory_space<vmem>>
    %dma_wait3A_240 = arith.constant 8000 : i32
    %dma_wait3A_241 = tpu.memref_slice %arg5[%dma_wait3A_240] : memref<10000xi32, #tpu.memory_space<vmem>> -> memref<2000xi32, #tpu.memory_space<vmem>>
    %dma_wait3A_242 = arith.constant 0 : i32
    %dma_wait3A_243 = arith.constant 0 : i32
    %dma_wait3A_244 = tpu.memref_slice %arg2[%dma_wait3A_242, %dma_wait3A_243] : memref<10000x16xf32, #tpu.memory_space<hbm>> -> memref<10000x16xf32, #tpu.memory_space<hbm>>
    tpu.wait_indirect_dma semaphore(%arg9 : memref<!tpu.dma_semaphore, #tpu.memory_space<semaphore_mem>>) src(%dma_wait3A_244 : memref<10000x16xf32, #tpu.memory_space<hbm>>) dst(%dma_wait3A_239 : memref<2000x16xf32, #tpu.memory_space<vmem>>)
    %dma_start3A_245 = arith.constant 1 : i32
    %dma_start3A_246 = arith.constant 0 : i32
    %dma_start3A_247 = arith.constant 0 : i32
    %dma_start3A_248 = tpu.memref_slice %arg7[%dma_start3A_245, %dma_start3A_246, %dma_start3A_247] : memref<3x2000x16xf32, #tpu.memory_space<vmem>> -> memref<1x1000x16xf32, #tpu.memory_space<vmem>>
    %dma_start3A_249 = tpu.memref_squeeze %dma_start3A_248 : memref<1x1000x16xf32, #tpu.memory_space<vmem>> -> memref<1000x16xf32, #tpu.memory_space<vmem>>
    %dma_start3A_250 = arith.constant 8000 : i32
    %dma_start3A_251 = tpu.memref_slice %arg6[%dma_start3A_250] : memref<10000xi32, #tpu.memory_space<vmem>> -> memref<1000xi32, #tpu.memory_space<vmem>>
    %dma_start3A_252 = arith.constant 0 : i32
    %dma_start3A_253 = arith.constant 0 : i32
    %dma_start3A_254 = tpu.memref_slice %arg14[%dma_start3A_252, %dma_start3A_253] : memref<10000x16xf32, #tpu.memory_space<vmem_shared>> -> memref<10000x16xf32, #tpu.memory_space<vmem_shared>>
    tpu.enqueue_indirect_dma source(%dma_start3A_249 : memref<1000x16xf32, #tpu.memory_space<vmem>>) target(%dma_start3A_254 : memref<10000x16xf32, #tpu.memory_space<vmem_shared>>) offsets(%dma_start3A_251 : memref<1000xi32, #tpu.memory_space<vmem>>) semaphore(%arg12 : memref<!tpu.dma_semaphore, #tpu.memory_space<semaphore_mem>>) {add = true}
    %dma_start3A_255 = arith.constant 1 : i32
    %dma_start3A_256 = arith.constant 1000 : i32
    %dma_start3A_257 = arith.constant 0 : i32
    %dma_start3A_258 = tpu.memref_slice %arg7[%dma_start3A_255, %dma_start3A_256, %dma_start3A_257] : memref<3x2000x16xf32, #tpu.memory_space<vmem>> -> memref<1x1000x16xf32, #tpu.memory_space<vmem>>
    %dma_start3A_259 = tpu.memref_squeeze %dma_start3A_258 : memref<1x1000x16xf32, #tpu.memory_space<vmem>> -> memref<1000x16xf32, #tpu.memory_space<vmem>>
    %dma_start3A_260 = arith.constant 9000 : i32
    %dma_start3A_261 = tpu.memref_slice %arg6[%dma_start3A_260] : memref<10000xi32, #tpu.memory_space<vmem>> -> memref<1000xi32, #tpu.memory_space<vmem>>
    %dma_start3A_262 = arith.constant 0 : i32
    %dma_start3A_263 = arith.constant 0 : i32
    %dma_start3A_264 = tpu.memref_slice %arg14[%dma_start3A_262, %dma_start3A_263] : memref<10000x16xf32, #tpu.memory_space<vmem_shared>> -> memref<10000x16xf32, #tpu.memory_space<vmem_shared>>
    tpu.enqueue_indirect_dma source(%dma_start3A_259 : memref<1000x16xf32, #tpu.memory_space<vmem>>) target(%dma_start3A_264 : memref<10000x16xf32, #tpu.memory_space<vmem_shared>>) offsets(%dma_start3A_261 : memref<1000xi32, #tpu.memory_space<vmem>>) semaphore(%arg12 : memref<!tpu.dma_semaphore, #tpu.memory_space<semaphore_mem>>) {add = true}
    %dma_wait3A_265 = arith.constant 0 : i32
    %dma_wait3A_266 = arith.constant 0 : i32
    %dma_wait3A_267 = arith.constant 0 : i32
    %dma_wait3A_268 = tpu.memref_slice %arg7[%dma_wait3A_265, %dma_wait3A_266, %dma_wait3A_267] : memref<3x2000x16xf32, #tpu.memory_space<vmem>> -> memref<1x1000x16xf32, #tpu.memory_space<vmem>>
    %dma_wait3A_269 = tpu.memref_squeeze %dma_wait3A_268 : memref<1x1000x16xf32, #tpu.memory_space<vmem>> -> memref<1000x16xf32, #tpu.memory_space<vmem>>
    %dma_wait3A_270 = arith.constant 6000 : i32
    %dma_wait3A_271 = tpu.memref_slice %arg6[%dma_wait3A_270] : memref<10000xi32, #tpu.memory_space<vmem>> -> memref<1000xi32, #tpu.memory_space<vmem>>
    %dma_wait3A_272 = arith.constant 0 : i32
    %dma_wait3A_273 = arith.constant 0 : i32
    %dma_wait3A_274 = tpu.memref_slice %arg14[%dma_wait3A_272, %dma_wait3A_273] : memref<10000x16xf32, #tpu.memory_space<vmem_shared>> -> memref<10000x16xf32, #tpu.memory_space<vmem_shared>>
    tpu.wait_indirect_dma semaphore(%arg11 : memref<!tpu.dma_semaphore, #tpu.memory_space<semaphore_mem>>) src(%dma_wait3A_269 : memref<1000x16xf32, #tpu.memory_space<vmem>>) dst(%dma_wait3A_274 : memref<10000x16xf32, #tpu.memory_space<vmem_shared>>)
    %dma_wait3A_275 = arith.constant 1 : i32
    %dma_wait3A_276 = arith.constant 0 : i32
    %dma_wait3A_277 = arith.constant 0 : i32
    %dma_wait3A_278 = tpu.memref_slice %arg7[%dma_wait3A_275, %dma_wait3A_276, %dma_wait3A_277] : memref<3x2000x16xf32, #tpu.memory_space<vmem>> -> memref<1x1000x16xf32, #tpu.memory_space<vmem>>
    %dma_wait3A_279 = tpu.memref_squeeze %dma_wait3A_278 : memref<1x1000x16xf32, #tpu.memory_space<vmem>> -> memref<1000x16xf32, #tpu.memory_space<vmem>>
    %dma_wait3A_280 = arith.constant 8000 : i32
    %dma_wait3A_281 = tpu.memref_slice %arg6[%dma_wait3A_280] : memref<10000xi32, #tpu.memory_space<vmem>> -> memref<1000xi32, #tpu.memory_space<vmem>>
    %dma_wait3A_282 = arith.constant 0 : i32
    %dma_wait3A_283 = arith.constant 0 : i32
    %dma_wait3A_284 = tpu.memref_slice %arg14[%dma_wait3A_282, %dma_wait3A_283] : memref<10000x16xf32, #tpu.memory_space<vmem_shared>> -> memref<10000x16xf32, #tpu.memory_space<vmem_shared>>
    tpu.wait_indirect_dma semaphore(%arg12 : memref<!tpu.dma_semaphore, #tpu.memory_space<semaphore_mem>>) src(%dma_wait3A_279 : memref<1000x16xf32, #tpu.memory_space<vmem>>) dst(%dma_wait3A_284 : memref<10000x16xf32, #tpu.memory_space<vmem_shared>>)
    %dma_wait3A_285 = arith.constant 0 : i32
    %dma_wait3A_286 = arith.constant 1000 : i32
    %dma_wait3A_287 = arith.constant 0 : i32
    %dma_wait3A_288 = tpu.memref_slice %arg7[%dma_wait3A_285, %dma_wait3A_286, %dma_wait3A_287] : memref<3x2000x16xf32, #tpu.memory_space<vmem>> -> memref<1x1000x16xf32, #tpu.memory_space<vmem>>
    %dma_wait3A_289 = tpu.memref_squeeze %dma_wait3A_288 : memref<1x1000x16xf32, #tpu.memory_space<vmem>> -> memref<1000x16xf32, #tpu.memory_space<vmem>>
    %dma_wait3A_290 = arith.constant 7000 : i32
    %dma_wait3A_291 = tpu.memref_slice %arg6[%dma_wait3A_290] : memref<10000xi32, #tpu.memory_space<vmem>> -> memref<1000xi32, #tpu.memory_space<vmem>>
    %dma_wait3A_292 = arith.constant 0 : i32
    %dma_wait3A_293 = arith.constant 0 : i32
    %dma_wait3A_294 = tpu.memref_slice %arg14[%dma_wait3A_292, %dma_wait3A_293] : memref<10000x16xf32, #tpu.memory_space<vmem_shared>> -> memref<10000x16xf32, #tpu.memory_space<vmem_shared>>
    tpu.wait_indirect_dma semaphore(%arg11 : memref<!tpu.dma_semaphore, #tpu.memory_space<semaphore_mem>>) src(%dma_wait3A_289 : memref<1000x16xf32, #tpu.memory_space<vmem>>) dst(%dma_wait3A_294 : memref<10000x16xf32, #tpu.memory_space<vmem_shared>>)
    %dma_wait3A_295 = arith.constant 1 : i32
    %dma_wait3A_296 = arith.constant 1000 : i32
    %dma_wait3A_297 = arith.constant 0 : i32
    %dma_wait3A_298 = tpu.memref_slice %arg7[%dma_wait3A_295, %dma_wait3A_296, %dma_wait3A_297] : memref<3x2000x16xf32, #tpu.memory_space<vmem>> -> memref<1x1000x16xf32, #tpu.memory_space<vmem>>
    %dma_wait3A_299 = tpu.memref_squeeze %dma_wait3A_298 : memref<1x1000x16xf32, #tpu.memory_space<vmem>> -> memref<1000x16xf32, #tpu.memory_space<vmem>>
    %dma_wait3A_300 = arith.constant 9000 : i32
    %dma_wait3A_301 = tpu.memref_slice %arg6[%dma_wait3A_300] : memref<10000xi32, #tpu.memory_space<vmem>> -> memref<1000xi32, #tpu.memory_space<vmem>>
    %dma_wait3A_302 = arith.constant 0 : i32
    %dma_wait3A_303 = arith.constant 0 : i32
    %dma_wait3A_304 = tpu.memref_slice %arg14[%dma_wait3A_302, %dma_wait3A_303] : memref<10000x16xf32, #tpu.memory_space<vmem_shared>> -> memref<10000x16xf32, #tpu.memory_space<vmem_shared>>
    tpu.wait_indirect_dma semaphore(%arg12 : memref<!tpu.dma_semaphore, #tpu.memory_space<semaphore_mem>>) src(%dma_wait3A_299 : memref<1000x16xf32, #tpu.memory_space<vmem>>) dst(%dma_wait3A_304 : memref<10000x16xf32, #tpu.memory_space<vmem_shared>>)
    %barrier3A_305 = arith.constant 0 : index
    tpu.barrier barrier_id(%barrier3A_305)
    %lt3A_306 = arith.constant 10 : i32
    %lt3A_307 = arith.cmpi slt, %arg1, %lt3A_306 : i32
    %convert_element_type3A_308 = arith.extui %lt3A_307 : i1 to i32
    %cond3A_309 = arith.constant 0 : i32
    %cond3A_310 = arith.cmpi ne, %convert_element_type3A_308, %cond3A_309 : i32
    scf.if %cond3A_310 {
      %mul3A_311 = arith.constant 1000 : i32
      %mul3A_312 = arith.muli %arg1, %mul3A_311 : i32
      %mul3A_313 = arith.constant 1000 : i32
      %mul3A_314 = arith.muli %arg1, %mul3A_313 : i32
      "tpu.region"() ({
        %run_scoped3A = tpu.sem_alloc : memref<!tpu.dma_semaphore, #tpu.memory_space<semaphore_mem>>
        %dma_start3A_315 = arith.constant 0 : i32
        %dma_start3A_316 = tpu.memref_slice %arg4[%arg0, %mul3A_314, %dma_start3A_315] : memref<2x10000x16xf32, #tpu.memory_space<hbm>> -> memref<1x1000x16xf32, #tpu.memory_space<hbm>>
        %dma_start3A_317 = tpu.memref_squeeze %dma_start3A_316 : memref<1x1000x16xf32, #tpu.memory_space<hbm>> -> memref<1000x16xf32, #tpu.memory_space<hbm>>
        %dma_start3A_318 = arith.constant 0 : i32
        %dma_start3A_319 = tpu.memref_slice %arg14[%mul3A_312, %dma_start3A_318] : memref<10000x16xf32, #tpu.memory_space<vmem_shared>> -> memref<1000x16xf32, #tpu.memory_space<vmem_shared>>
        tpu.enqueue_dma source(%dma_start3A_319 : memref<1000x16xf32, #tpu.memory_space<vmem_shared>>) target(%dma_start3A_317 : memref<1000x16xf32, #tpu.memory_space<hbm>>) target_semaphore(%run_scoped3A : memref<!tpu.dma_semaphore, #tpu.memory_space<semaphore_mem>>)
        %dma_wait3A_320 = arith.constant 0 : i32
        %dma_wait3A_321 = tpu.memref_slice %arg4[%arg0, %mul3A_314, %dma_wait3A_320] : memref<2x10000x16xf32, #tpu.memory_space<hbm>> -> memref<1x1000x16xf32, #tpu.memory_space<hbm>>
        %dma_wait3A_322 = tpu.memref_squeeze %dma_wait3A_321 : memref<1x1000x16xf32, #tpu.memory_space<hbm>> -> memref<1000x16xf32, #tpu.memory_space<hbm>>
        %dma_wait3A_323 = arith.constant 0 : i32
        %dma_wait3A_324 = tpu.memref_slice %arg14[%mul3A_312, %dma_wait3A_323] : memref<10000x16xf32, #tpu.memory_space<vmem_shared>> -> memref<1000x16xf32, #tpu.memory_space<vmem_shared>>
        tpu.wait_dma2 semaphore(%run_scoped3A : memref<!tpu.dma_semaphore, #tpu.memory_space<semaphore_mem>>) src(%dma_wait3A_324 : memref<1000x16xf32, #tpu.memory_space<vmem_shared>>) dst(%dma_wait3A_322 : memref<1000x16xf32, #tpu.memory_space<hbm>>)
        tpu.yield
      }) : () -> ()
    } else {
    }
    return
  }
}

#map = affine_map<(d0, d1) -> (0, 0)>
#map1 = affine_map<(d0, d1) -> (0, 0, 0)>
module attributes {stable_mosaic.version = 14 : i64} {
  func.func @_agg_body(%arg0: i32, %arg1: i32, %arg2: memref<10000x16xf32, #tpu.memory_space<hbm>>, %arg3: memref<2x320000xi32, #tpu.memory_space<hbm>>, %arg4: memref<2x10000x16xf32, #tpu.memory_space<hbm>>, %arg5: memref<10000xi32, #tpu.memory_space<vmem>>, %arg6: memref<10000xi32, #tpu.memory_space<vmem>>, %arg7: memref<3x2000x16xf32, #tpu.memory_space<vmem>>, %arg8: memref<!tpu.dma_semaphore, #tpu.memory_space<semaphore_mem>>, %arg9: memref<!tpu.dma_semaphore, #tpu.memory_space<semaphore_mem>>, %arg10: memref<!tpu.dma_semaphore, #tpu.memory_space<semaphore_mem>>, %arg11: memref<!tpu.dma_semaphore, #tpu.memory_space<semaphore_mem>>, %arg12: memref<!tpu.dma_semaphore, #tpu.memory_space<semaphore_mem>>, %arg13: memref<!tpu.dma_semaphore, #tpu.memory_space<semaphore_mem>>, %arg14: memref<10000x16xf32, #tpu.memory_space<vmem_shared>>) attributes {dimension_semantics = [#tpu.dimension_semantics<core_parallel>, #tpu.dimension_semantics<subcore_parallel>], iteration_bounds = array<i64: 2, 16>, scalar_prefetch = 0 : i64, scratch_operands = 10 : i64, tpu.core_type = #tpu.core_type<sc_vector_subcore>, window_params = [{transform_indices = #map}, {transform_indices = #map}, {transform_indices = #map1}]} {
    %mul3A = arith.constant 2 : i32
    %mul3A_0 = arith.muli %arg1, %mul3A : i32
    %add3A = arith.addi %mul3A_0, %arg0 : i32
    %mul3A_1 = arith.constant 10000 : i32
    %mul3A_2 = arith.muli %add3A, %mul3A_1 : i32
    %dma_start3A = arith.constant 0 : i32
    %dma_start3A_3 = tpu.memref_slice %arg3[%dma_start3A, %mul3A_2] : memref<2x320000xi32, #tpu.memory_space<hbm>> -> memref<1x10000xi32, #tpu.memory_space<hbm>>
    %dma_start3A_4 = tpu.memref_squeeze %dma_start3A_3 : memref<1x10000xi32, #tpu.memory_space<hbm>> -> memref<10000xi32, #tpu.memory_space<hbm>>
    %dma_start3A_5 = tpu.memref_slice %arg3[%dma_start3A, %mul3A_2] : memref<2x320000xi32, #tpu.memory_space<hbm>> -> memref<1x10000xi32, #tpu.memory_space<hbm>>
    %dma_start3A_6 = tpu.memref_squeeze %dma_start3A_5 : memref<1x10000xi32, #tpu.memory_space<hbm>> -> memref<10000xi32, #tpu.memory_space<hbm>>
    tpu.enqueue_dma source(%dma_start3A_6 : memref<10000xi32, #tpu.memory_space<hbm>>) target(%arg5 : memref<10000xi32, #tpu.memory_space<vmem>>) target_semaphore(%arg11 : memref<!tpu.dma_semaphore, #tpu.memory_space<semaphore_mem>>)
    %mul3A_7 = arith.constant 10000 : i32
    %mul3A_8 = arith.muli %add3A, %mul3A_7 : i32
    %dma_start3A_9 = arith.constant 1 : i32
    %dma_start3A_10 = tpu.memref_slice %arg3[%dma_start3A_9, %mul3A_8] : memref<2x320000xi32, #tpu.memory_space<hbm>> -> memref<1x10000xi32, #tpu.memory_space<hbm>>
    %dma_start3A_11 = tpu.memref_squeeze %dma_start3A_10 : memref<1x10000xi32, #tpu.memory_space<hbm>> -> memref<10000xi32, #tpu.memory_space<hbm>>
    %dma_start3A_12 = tpu.memref_slice %arg3[%dma_start3A_9, %mul3A_8] : memref<2x320000xi32, #tpu.memory_space<hbm>> -> memref<1x10000xi32, #tpu.memory_space<hbm>>
    %dma_start3A_13 = tpu.memref_squeeze %dma_start3A_12 : memref<1x10000xi32, #tpu.memory_space<hbm>> -> memref<10000xi32, #tpu.memory_space<hbm>>
    tpu.enqueue_dma source(%dma_start3A_13 : memref<10000xi32, #tpu.memory_space<hbm>>) target(%arg6 : memref<10000xi32, #tpu.memory_space<vmem>>) target_semaphore(%arg12 : memref<!tpu.dma_semaphore, #tpu.memory_space<semaphore_mem>>)
    %lt3A = arith.constant 10 : i32
    %lt3A_14 = arith.cmpi slt, %arg1, %lt3A : i32
    %convert_element_type3A = arith.extui %lt3A_14 : i1 to i32
    %cond3A = arith.constant 0 : i32
    %cond3A_15 = arith.cmpi ne, %convert_element_type3A, %cond3A : i32
    scf.if %cond3A_15 {
      %mul3A_311 = arith.constant 1000 : i32
      %mul3A_312 = arith.muli %arg1, %mul3A_311 : i32
      %mul3A_313 = arith.constant 1000 : i32
      %mul3A_314 = arith.muli %arg1, %mul3A_313 : i32
      "tpu.region"() ({
        %run_scoped3A = tpu.sem_alloc : memref<!tpu.dma_semaphore, #tpu.memory_space<semaphore_mem>>
        %dma_start3A_315 = arith.constant 0 : i32
        %dma_start3A_316 = tpu.memref_slice %arg14[%mul3A_314, %dma_start3A_315] : memref<10000x16xf32, #tpu.memory_space<vmem_shared>> -> memref<1000x16xf32, #tpu.memory_space<vmem_shared>>
        %dma_start3A_317 = arith.constant 0 : i32
        %dma_start3A_318 = tpu.memref_slice %arg2[%mul3A_312, %dma_start3A_317] : memref<10000x16xf32, #tpu.memory_space<hbm>> -> memref<1000x16xf32, #tpu.memory_space<hbm>>
        tpu.enqueue_dma source(%dma_start3A_318 : memref<1000x16xf32, #tpu.memory_space<hbm>>) target(%dma_start3A_316 : memref<1000x16xf32, #tpu.memory_space<vmem_shared>>) target_semaphore(%run_scoped3A : memref<!tpu.dma_semaphore, #tpu.memory_space<semaphore_mem>>)
        %dma_wait3A_319 = arith.constant 0 : i32
        %dma_wait3A_320 = tpu.memref_slice %arg14[%mul3A_314, %dma_wait3A_319] : memref<10000x16xf32, #tpu.memory_space<vmem_shared>> -> memref<1000x16xf32, #tpu.memory_space<vmem_shared>>
        %dma_wait3A_321 = arith.constant 0 : i32
        %dma_wait3A_322 = tpu.memref_slice %arg2[%mul3A_312, %dma_wait3A_321] : memref<10000x16xf32, #tpu.memory_space<hbm>> -> memref<1000x16xf32, #tpu.memory_space<hbm>>
        tpu.wait_dma2 semaphore(%run_scoped3A : memref<!tpu.dma_semaphore, #tpu.memory_space<semaphore_mem>>) src(%dma_wait3A_322 : memref<1000x16xf32, #tpu.memory_space<hbm>>) dst(%dma_wait3A_320 : memref<1000x16xf32, #tpu.memory_space<vmem_shared>>)
        tpu.yield
      }) : () -> ()
    } else {
    }
    %dma_wait3A = arith.constant 0 : i32
    %dma_wait3A_16 = tpu.memref_slice %arg3[%dma_wait3A, %mul3A_2] : memref<2x320000xi32, #tpu.memory_space<hbm>> -> memref<1x10000xi32, #tpu.memory_space<hbm>>
    %dma_wait3A_17 = tpu.memref_squeeze %dma_wait3A_16 : memref<1x10000xi32, #tpu.memory_space<hbm>> -> memref<10000xi32, #tpu.memory_space<hbm>>
    %dma_wait3A_18 = tpu.memref_slice %arg3[%dma_wait3A, %mul3A_2] : memref<2x320000xi32, #tpu.memory_space<hbm>> -> memref<1x10000xi32, #tpu.memory_space<hbm>>
    %dma_wait3A_19 = tpu.memref_squeeze %dma_wait3A_18 : memref<1x10000xi32, #tpu.memory_space<hbm>> -> memref<10000xi32, #tpu.memory_space<hbm>>
    tpu.wait_dma2 semaphore(%arg11 : memref<!tpu.dma_semaphore, #tpu.memory_space<semaphore_mem>>) src(%dma_wait3A_19 : memref<10000xi32, #tpu.memory_space<hbm>>) dst(%arg5 : memref<10000xi32, #tpu.memory_space<vmem>>)
    %dma_start3A_20 = arith.constant 0 : i32
    %dma_start3A_21 = arith.constant 0 : i32
    %dma_start3A_22 = arith.constant 0 : i32
    %dma_start3A_23 = tpu.memref_slice %arg7[%dma_start3A_20, %dma_start3A_21, %dma_start3A_22] : memref<3x2000x16xf32, #tpu.memory_space<vmem>> -> memref<1x2000x16xf32, #tpu.memory_space<vmem>>
    %dma_start3A_24 = tpu.memref_squeeze %dma_start3A_23 : memref<1x2000x16xf32, #tpu.memory_space<vmem>> -> memref<2000x16xf32, #tpu.memory_space<vmem>>
    %dma_start3A_25 = arith.constant 0 : i32
    %dma_start3A_26 = tpu.memref_slice %arg5[%dma_start3A_25] : memref<10000xi32, #tpu.memory_space<vmem>> -> memref<2000xi32, #tpu.memory_space<vmem>>
    %dma_start3A_27 = arith.constant 0 : i32
    %dma_start3A_28 = arith.constant 0 : i32
    %dma_start3A_29 = tpu.memref_slice %arg2[%dma_start3A_27, %dma_start3A_28] : memref<10000x16xf32, #tpu.memory_space<hbm>> -> memref<10000x16xf32, #tpu.memory_space<hbm>>
    tpu.enqueue_indirect_dma source(%dma_start3A_29 : memref<10000x16xf32, #tpu.memory_space<hbm>>) target(%dma_start3A_24 : memref<2000x16xf32, #tpu.memory_space<vmem>>) offsets(%dma_start3A_26 : memref<2000xi32, #tpu.memory_space<vmem>>) semaphore(%arg8 : memref<!tpu.dma_semaphore, #tpu.memory_space<semaphore_mem>>)
    %dma_start3A_30 = arith.constant 1 : i32
    %dma_start3A_31 = arith.constant 0 : i32
    %dma_start3A_32 = arith.constant 0 : i32
    %dma_start3A_33 = tpu.memref_slice %arg7[%dma_start3A_30, %dma_start3A_31, %dma_start3A_32] : memref<3x2000x16xf32, #tpu.memory_space<vmem>> -> memref<1x2000x16xf32, #tpu.memory_space<vmem>>
    %dma_start3A_34 = tpu.memref_squeeze %dma_start3A_33 : memref<1x2000x16xf32, #tpu.memory_space<vmem>> -> memref<2000x16xf32, #tpu.memory_space<vmem>>
    %dma_start3A_35 = arith.constant 2000 : i32
    %dma_start3A_36 = tpu.memref_slice %arg5[%dma_start3A_35] : memref<10000xi32, #tpu.memory_space<vmem>> -> memref<2000xi32, #tpu.memory_space<vmem>>
    %dma_start3A_37 = arith.constant 0 : i32
    %dma_start3A_38 = arith.constant 0 : i32
    %dma_start3A_39 = tpu.memref_slice %arg2[%dma_start3A_37, %dma_start3A_38] : memref<10000x16xf32, #tpu.memory_space<hbm>> -> memref<10000x16xf32, #tpu.memory_space<hbm>>
    tpu.enqueue_indirect_dma source(%dma_start3A_39 : memref<10000x16xf32, #tpu.memory_space<hbm>>) target(%dma_start3A_34 : memref<2000x16xf32, #tpu.memory_space<vmem>>) offsets(%dma_start3A_36 : memref<2000xi32, #tpu.memory_space<vmem>>) semaphore(%arg9 : memref<!tpu.dma_semaphore, #tpu.memory_space<semaphore_mem>>)
    %dma_wait3A_40 = arith.constant 1 : i32
    %dma_wait3A_41 = tpu.memref_slice %arg3[%dma_wait3A_40, %mul3A_8] : memref<2x320000xi32, #tpu.memory_space<hbm>> -> memref<1x10000xi32, #tpu.memory_space<hbm>>
    %dma_wait3A_42 = tpu.memref_squeeze %dma_wait3A_41 : memref<1x10000xi32, #tpu.memory_space<hbm>> -> memref<10000xi32, #tpu.memory_space<hbm>>
    %dma_wait3A_43 = tpu.memref_slice %arg3[%dma_wait3A_40, %mul3A_8] : memref<2x320000xi32, #tpu.memory_space<hbm>> -> memref<1x10000xi32, #tpu.memory_space<hbm>>
    %dma_wait3A_44 = tpu.memref_squeeze %dma_wait3A_43 : memref<1x10000xi32, #tpu.memory_space<hbm>> -> memref<10000xi32, #tpu.memory_space<hbm>>
    tpu.wait_dma2 semaphore(%arg12 : memref<!tpu.dma_semaphore, #tpu.memory_space<semaphore_mem>>) src(%dma_wait3A_44 : memref<10000xi32, #tpu.memory_space<hbm>>) dst(%arg6 : memref<10000xi32, #tpu.memory_space<vmem>>)
    %barrier3A = arith.constant 0 : index
    tpu.barrier barrier_id(%barrier3A)
    %dma_wait3A_45 = arith.constant 0 : i32
    %dma_wait3A_46 = arith.constant 0 : i32
    %dma_wait3A_47 = arith.constant 0 : i32
    %dma_wait3A_48 = tpu.memref_slice %arg7[%dma_wait3A_45, %dma_wait3A_46, %dma_wait3A_47] : memref<3x2000x16xf32, #tpu.memory_space<vmem>> -> memref<1x2000x16xf32, #tpu.memory_space<vmem>>
    %dma_wait3A_49 = tpu.memref_squeeze %dma_wait3A_48 : memref<1x2000x16xf32, #tpu.memory_space<vmem>> -> memref<2000x16xf32, #tpu.memory_space<vmem>>
    %dma_wait3A_50 = arith.constant 0 : i32
    %dma_wait3A_51 = tpu.memref_slice %arg5[%dma_wait3A_50] : memref<10000xi32, #tpu.memory_space<vmem>> -> memref<2000xi32, #tpu.memory_space<vmem>>
    %dma_wait3A_52 = arith.constant 0 : i32
    %dma_wait3A_53 = arith.constant 0 : i32
    %dma_wait3A_54 = tpu.memref_slice %arg2[%dma_wait3A_52, %dma_wait3A_53] : memref<10000x16xf32, #tpu.memory_space<hbm>> -> memref<10000x16xf32, #tpu.memory_space<hbm>>
    tpu.wait_indirect_dma semaphore(%arg8 : memref<!tpu.dma_semaphore, #tpu.memory_space<semaphore_mem>>) src(%dma_wait3A_54 : memref<10000x16xf32, #tpu.memory_space<hbm>>) dst(%dma_wait3A_49 : memref<2000x16xf32, #tpu.memory_space<vmem>>)
    %dma_start3A_55 = arith.constant 2 : i32
    %dma_start3A_56 = arith.constant 0 : i32
    %dma_start3A_57 = arith.constant 0 : i32
    %dma_start3A_58 = tpu.memref_slice %arg7[%dma_start3A_55, %dma_start3A_56, %dma_start3A_57] : memref<3x2000x16xf32, #tpu.memory_space<vmem>> -> memref<1x2000x16xf32, #tpu.memory_space<vmem>>
    %dma_start3A_59 = tpu.memref_squeeze %dma_start3A_58 : memref<1x2000x16xf32, #tpu.memory_space<vmem>> -> memref<2000x16xf32, #tpu.memory_space<vmem>>
    %dma_start3A_60 = arith.constant 4000 : i32
    %dma_start3A_61 = tpu.memref_slice %arg5[%dma_start3A_60] : memref<10000xi32, #tpu.memory_space<vmem>> -> memref<2000xi32, #tpu.memory_space<vmem>>
    %dma_start3A_62 = arith.constant 0 : i32
    %dma_start3A_63 = arith.constant 0 : i32
    %dma_start3A_64 = tpu.memref_slice %arg2[%dma_start3A_62, %dma_start3A_63] : memref<10000x16xf32, #tpu.memory_space<hbm>> -> memref<10000x16xf32, #tpu.memory_space<hbm>>
    tpu.enqueue_indirect_dma source(%dma_start3A_64 : memref<10000x16xf32, #tpu.memory_space<hbm>>) target(%dma_start3A_59 : memref<2000x16xf32, #tpu.memory_space<vmem>>) offsets(%dma_start3A_61 : memref<2000xi32, #tpu.memory_space<vmem>>) semaphore(%arg10 : memref<!tpu.dma_semaphore, #tpu.memory_space<semaphore_mem>>)
    %dma_start3A_65 = arith.constant 0 : i32
    %dma_start3A_66 = arith.constant 0 : i32
    %dma_start3A_67 = arith.constant 0 : i32
    %dma_start3A_68 = tpu.memref_slice %arg7[%dma_start3A_65, %dma_start3A_66, %dma_start3A_67] : memref<3x2000x16xf32, #tpu.memory_space<vmem>> -> memref<1x1000x16xf32, #tpu.memory_space<vmem>>
    %dma_start3A_69 = tpu.memref_squeeze %dma_start3A_68 : memref<1x1000x16xf32, #tpu.memory_space<vmem>> -> memref<1000x16xf32, #tpu.memory_space<vmem>>
    %dma_start3A_70 = arith.constant 0 : i32
    %dma_start3A_71 = tpu.memref_slice %arg6[%dma_start3A_70] : memref<10000xi32, #tpu.memory_space<vmem>> -> memref<1000xi32, #tpu.memory_space<vmem>>
    %dma_start3A_72 = arith.constant 0 : i32
    %dma_start3A_73 = arith.constant 0 : i32
    %dma_start3A_74 = tpu.memref_slice %arg14[%dma_start3A_72, %dma_start3A_73] : memref<10000x16xf32, #tpu.memory_space<vmem_shared>> -> memref<10000x16xf32, #tpu.memory_space<vmem_shared>>
    tpu.enqueue_indirect_dma source(%dma_start3A_69 : memref<1000x16xf32, #tpu.memory_space<vmem>>) target(%dma_start3A_74 : memref<10000x16xf32, #tpu.memory_space<vmem_shared>>) offsets(%dma_start3A_71 : memref<1000xi32, #tpu.memory_space<vmem>>) semaphore(%arg11 : memref<!tpu.dma_semaphore, #tpu.memory_space<semaphore_mem>>) {add = true}
    %dma_start3A_75 = arith.constant 0 : i32
    %dma_start3A_76 = arith.constant 1000 : i32
    %dma_start3A_77 = arith.constant 0 : i32
    %dma_start3A_78 = tpu.memref_slice %arg7[%dma_start3A_75, %dma_start3A_76, %dma_start3A_77] : memref<3x2000x16xf32, #tpu.memory_space<vmem>> -> memref<1x1000x16xf32, #tpu.memory_space<vmem>>
    %dma_start3A_79 = tpu.memref_squeeze %dma_start3A_78 : memref<1x1000x16xf32, #tpu.memory_space<vmem>> -> memref<1000x16xf32, #tpu.memory_space<vmem>>
    %dma_start3A_80 = arith.constant 1000 : i32
    %dma_start3A_81 = tpu.memref_slice %arg6[%dma_start3A_80] : memref<10000xi32, #tpu.memory_space<vmem>> -> memref<1000xi32, #tpu.memory_space<vmem>>
    %dma_start3A_82 = arith.constant 0 : i32
    %dma_start3A_83 = arith.constant 0 : i32
    %dma_start3A_84 = tpu.memref_slice %arg14[%dma_start3A_82, %dma_start3A_83] : memref<10000x16xf32, #tpu.memory_space<vmem_shared>> -> memref<10000x16xf32, #tpu.memory_space<vmem_shared>>
    tpu.enqueue_indirect_dma source(%dma_start3A_79 : memref<1000x16xf32, #tpu.memory_space<vmem>>) target(%dma_start3A_84 : memref<10000x16xf32, #tpu.memory_space<vmem_shared>>) offsets(%dma_start3A_81 : memref<1000xi32, #tpu.memory_space<vmem>>) semaphore(%arg11 : memref<!tpu.dma_semaphore, #tpu.memory_space<semaphore_mem>>) {add = true}
    %dma_wait3A_85 = arith.constant 1 : i32
    %dma_wait3A_86 = arith.constant 0 : i32
    %dma_wait3A_87 = arith.constant 0 : i32
    %dma_wait3A_88 = tpu.memref_slice %arg7[%dma_wait3A_85, %dma_wait3A_86, %dma_wait3A_87] : memref<3x2000x16xf32, #tpu.memory_space<vmem>> -> memref<1x2000x16xf32, #tpu.memory_space<vmem>>
    %dma_wait3A_89 = tpu.memref_squeeze %dma_wait3A_88 : memref<1x2000x16xf32, #tpu.memory_space<vmem>> -> memref<2000x16xf32, #tpu.memory_space<vmem>>
    %dma_wait3A_90 = arith.constant 2000 : i32
    %dma_wait3A_91 = tpu.memref_slice %arg5[%dma_wait3A_90] : memref<10000xi32, #tpu.memory_space<vmem>> -> memref<2000xi32, #tpu.memory_space<vmem>>
    %dma_wait3A_92 = arith.constant 0 : i32
    %dma_wait3A_93 = arith.constant 0 : i32
    %dma_wait3A_94 = tpu.memref_slice %arg2[%dma_wait3A_92, %dma_wait3A_93] : memref<10000x16xf32, #tpu.memory_space<hbm>> -> memref<10000x16xf32, #tpu.memory_space<hbm>>
    tpu.wait_indirect_dma semaphore(%arg9 : memref<!tpu.dma_semaphore, #tpu.memory_space<semaphore_mem>>) src(%dma_wait3A_94 : memref<10000x16xf32, #tpu.memory_space<hbm>>) dst(%dma_wait3A_89 : memref<2000x16xf32, #tpu.memory_space<vmem>>)
    %dma_wait3A_95 = arith.constant 0 : i32
    %dma_wait3A_96 = arith.constant 0 : i32
    %dma_wait3A_97 = arith.constant 0 : i32
    %dma_wait3A_98 = tpu.memref_slice %arg7[%dma_wait3A_95, %dma_wait3A_96, %dma_wait3A_97] : memref<3x2000x16xf32, #tpu.memory_space<vmem>> -> memref<1x1000x16xf32, #tpu.memory_space<vmem>>
    %dma_wait3A_99 = tpu.memref_squeeze %dma_wait3A_98 : memref<1x1000x16xf32, #tpu.memory_space<vmem>> -> memref<1000x16xf32, #tpu.memory_space<vmem>>
    %dma_wait3A_100 = arith.constant 0 : i32
    %dma_wait3A_101 = tpu.memref_slice %arg6[%dma_wait3A_100] : memref<10000xi32, #tpu.memory_space<vmem>> -> memref<1000xi32, #tpu.memory_space<vmem>>
    %dma_wait3A_102 = arith.constant 0 : i32
    %dma_wait3A_103 = arith.constant 0 : i32
    %dma_wait3A_104 = tpu.memref_slice %arg14[%dma_wait3A_102, %dma_wait3A_103] : memref<10000x16xf32, #tpu.memory_space<vmem_shared>> -> memref<10000x16xf32, #tpu.memory_space<vmem_shared>>
    tpu.wait_indirect_dma semaphore(%arg11 : memref<!tpu.dma_semaphore, #tpu.memory_space<semaphore_mem>>) src(%dma_wait3A_99 : memref<1000x16xf32, #tpu.memory_space<vmem>>) dst(%dma_wait3A_104 : memref<10000x16xf32, #tpu.memory_space<vmem_shared>>)
    %dma_wait3A_105 = arith.constant 0 : i32
    %dma_wait3A_106 = arith.constant 1000 : i32
    %dma_wait3A_107 = arith.constant 0 : i32
    %dma_wait3A_108 = tpu.memref_slice %arg7[%dma_wait3A_105, %dma_wait3A_106, %dma_wait3A_107] : memref<3x2000x16xf32, #tpu.memory_space<vmem>> -> memref<1x1000x16xf32, #tpu.memory_space<vmem>>
    %dma_wait3A_109 = tpu.memref_squeeze %dma_wait3A_108 : memref<1x1000x16xf32, #tpu.memory_space<vmem>> -> memref<1000x16xf32, #tpu.memory_space<vmem>>
    %dma_wait3A_110 = arith.constant 1000 : i32
    %dma_wait3A_111 = tpu.memref_slice %arg6[%dma_wait3A_110] : memref<10000xi32, #tpu.memory_space<vmem>> -> memref<1000xi32, #tpu.memory_space<vmem>>
    %dma_wait3A_112 = arith.constant 0 : i32
    %dma_wait3A_113 = arith.constant 0 : i32
    %dma_wait3A_114 = tpu.memref_slice %arg14[%dma_wait3A_112, %dma_wait3A_113] : memref<10000x16xf32, #tpu.memory_space<vmem_shared>> -> memref<10000x16xf32, #tpu.memory_space<vmem_shared>>
    tpu.wait_indirect_dma semaphore(%arg11 : memref<!tpu.dma_semaphore, #tpu.memory_space<semaphore_mem>>) src(%dma_wait3A_109 : memref<1000x16xf32, #tpu.memory_space<vmem>>) dst(%dma_wait3A_114 : memref<10000x16xf32, #tpu.memory_space<vmem_shared>>)
    %dma_start3A_115 = arith.constant 0 : i32
    %dma_start3A_116 = arith.constant 0 : i32
    %dma_start3A_117 = arith.constant 0 : i32
    %dma_start3A_118 = tpu.memref_slice %arg7[%dma_start3A_115, %dma_start3A_116, %dma_start3A_117] : memref<3x2000x16xf32, #tpu.memory_space<vmem>> -> memref<1x2000x16xf32, #tpu.memory_space<vmem>>
    %dma_start3A_119 = tpu.memref_squeeze %dma_start3A_118 : memref<1x2000x16xf32, #tpu.memory_space<vmem>> -> memref<2000x16xf32, #tpu.memory_space<vmem>>
    %dma_start3A_120 = arith.constant 6000 : i32
    %dma_start3A_121 = tpu.memref_slice %arg5[%dma_start3A_120] : memref<10000xi32, #tpu.memory_space<vmem>> -> memref<2000xi32, #tpu.memory_space<vmem>>
    %dma_start3A_122 = arith.constant 0 : i32
    %dma_start3A_123 = arith.constant 0 : i32
    %dma_start3A_124 = tpu.memref_slice %arg2[%dma_start3A_122, %dma_start3A_123] : memref<10000x16xf32, #tpu.memory_space<hbm>> -> memref<10000x16xf32, #tpu.memory_space<hbm>>
    tpu.enqueue_indirect_dma source(%dma_start3A_124 : memref<10000x16xf32, #tpu.memory_space<hbm>>) target(%dma_start3A_119 : memref<2000x16xf32, #tpu.memory_space<vmem>>) offsets(%dma_start3A_121 : memref<2000xi32, #tpu.memory_space<vmem>>) semaphore(%arg8 : memref<!tpu.dma_semaphore, #tpu.memory_space<semaphore_mem>>)
    %dma_start3A_125 = arith.constant 1 : i32
    %dma_start3A_126 = arith.constant 0 : i32
    %dma_start3A_127 = arith.constant 0 : i32
    %dma_start3A_128 = tpu.memref_slice %arg7[%dma_start3A_125, %dma_start3A_126, %dma_start3A_127] : memref<3x2000x16xf32, #tpu.memory_space<vmem>> -> memref<1x1000x16xf32, #tpu.memory_space<vmem>>
    %dma_start3A_129 = tpu.memref_squeeze %dma_start3A_128 : memref<1x1000x16xf32, #tpu.memory_space<vmem>> -> memref<1000x16xf32, #tpu.memory_space<vmem>>
    %dma_start3A_130 = arith.constant 2000 : i32
    %dma_start3A_131 = tpu.memref_slice %arg6[%dma_start3A_130] : memref<10000xi32, #tpu.memory_space<vmem>> -> memref<1000xi32, #tpu.memory_space<vmem>>
    %dma_start3A_132 = arith.constant 0 : i32
    %dma_start3A_133 = arith.constant 0 : i32
    %dma_start3A_134 = tpu.memref_slice %arg14[%dma_start3A_132, %dma_start3A_133] : memref<10000x16xf32, #tpu.memory_space<vmem_shared>> -> memref<10000x16xf32, #tpu.memory_space<vmem_shared>>
    tpu.enqueue_indirect_dma source(%dma_start3A_129 : memref<1000x16xf32, #tpu.memory_space<vmem>>) target(%dma_start3A_134 : memref<10000x16xf32, #tpu.memory_space<vmem_shared>>) offsets(%dma_start3A_131 : memref<1000xi32, #tpu.memory_space<vmem>>) semaphore(%arg12 : memref<!tpu.dma_semaphore, #tpu.memory_space<semaphore_mem>>) {add = true}
    %dma_start3A_135 = arith.constant 1 : i32
    %dma_start3A_136 = arith.constant 1000 : i32
    %dma_start3A_137 = arith.constant 0 : i32
    %dma_start3A_138 = tpu.memref_slice %arg7[%dma_start3A_135, %dma_start3A_136, %dma_start3A_137] : memref<3x2000x16xf32, #tpu.memory_space<vmem>> -> memref<1x1000x16xf32, #tpu.memory_space<vmem>>
    %dma_start3A_139 = tpu.memref_squeeze %dma_start3A_138 : memref<1x1000x16xf32, #tpu.memory_space<vmem>> -> memref<1000x16xf32, #tpu.memory_space<vmem>>
    %dma_start3A_140 = arith.constant 3000 : i32
    %dma_start3A_141 = tpu.memref_slice %arg6[%dma_start3A_140] : memref<10000xi32, #tpu.memory_space<vmem>> -> memref<1000xi32, #tpu.memory_space<vmem>>
    %dma_start3A_142 = arith.constant 0 : i32
    %dma_start3A_143 = arith.constant 0 : i32
    %dma_start3A_144 = tpu.memref_slice %arg14[%dma_start3A_142, %dma_start3A_143] : memref<10000x16xf32, #tpu.memory_space<vmem_shared>> -> memref<10000x16xf32, #tpu.memory_space<vmem_shared>>
    tpu.enqueue_indirect_dma source(%dma_start3A_139 : memref<1000x16xf32, #tpu.memory_space<vmem>>) target(%dma_start3A_144 : memref<10000x16xf32, #tpu.memory_space<vmem_shared>>) offsets(%dma_start3A_141 : memref<1000xi32, #tpu.memory_space<vmem>>) semaphore(%arg12 : memref<!tpu.dma_semaphore, #tpu.memory_space<semaphore_mem>>) {add = true}
    %dma_wait3A_145 = arith.constant 2 : i32
    %dma_wait3A_146 = arith.constant 0 : i32
    %dma_wait3A_147 = arith.constant 0 : i32
    %dma_wait3A_148 = tpu.memref_slice %arg7[%dma_wait3A_145, %dma_wait3A_146, %dma_wait3A_147] : memref<3x2000x16xf32, #tpu.memory_space<vmem>> -> memref<1x2000x16xf32, #tpu.memory_space<vmem>>
    %dma_wait3A_149 = tpu.memref_squeeze %dma_wait3A_148 : memref<1x2000x16xf32, #tpu.memory_space<vmem>> -> memref<2000x16xf32, #tpu.memory_space<vmem>>
    %dma_wait3A_150 = arith.constant 4000 : i32
    %dma_wait3A_151 = tpu.memref_slice %arg5[%dma_wait3A_150] : memref<10000xi32, #tpu.memory_space<vmem>> -> memref<2000xi32, #tpu.memory_space<vmem>>
    %dma_wait3A_152 = arith.constant 0 : i32
    %dma_wait3A_153 = arith.constant 0 : i32
    %dma_wait3A_154 = tpu.memref_slice %arg2[%dma_wait3A_152, %dma_wait3A_153] : memref<10000x16xf32, #tpu.memory_space<hbm>> -> memref<10000x16xf32, #tpu.memory_space<hbm>>
    tpu.wait_indirect_dma semaphore(%arg10 : memref<!tpu.dma_semaphore, #tpu.memory_space<semaphore_mem>>) src(%dma_wait3A_154 : memref<10000x16xf32, #tpu.memory_space<hbm>>) dst(%dma_wait3A_149 : memref<2000x16xf32, #tpu.memory_space<vmem>>)
    %dma_wait3A_155 = arith.constant 1 : i32
    %dma_wait3A_156 = arith.constant 0 : i32
    %dma_wait3A_157 = arith.constant 0 : i32
    %dma_wait3A_158 = tpu.memref_slice %arg7[%dma_wait3A_155, %dma_wait3A_156, %dma_wait3A_157] : memref<3x2000x16xf32, #tpu.memory_space<vmem>> -> memref<1x1000x16xf32, #tpu.memory_space<vmem>>
    %dma_wait3A_159 = tpu.memref_squeeze %dma_wait3A_158 : memref<1x1000x16xf32, #tpu.memory_space<vmem>> -> memref<1000x16xf32, #tpu.memory_space<vmem>>
    %dma_wait3A_160 = arith.constant 2000 : i32
    %dma_wait3A_161 = tpu.memref_slice %arg6[%dma_wait3A_160] : memref<10000xi32, #tpu.memory_space<vmem>> -> memref<1000xi32, #tpu.memory_space<vmem>>
    %dma_wait3A_162 = arith.constant 0 : i32
    %dma_wait3A_163 = arith.constant 0 : i32
    %dma_wait3A_164 = tpu.memref_slice %arg14[%dma_wait3A_162, %dma_wait3A_163] : memref<10000x16xf32, #tpu.memory_space<vmem_shared>> -> memref<10000x16xf32, #tpu.memory_space<vmem_shared>>
    tpu.wait_indirect_dma semaphore(%arg12 : memref<!tpu.dma_semaphore, #tpu.memory_space<semaphore_mem>>) src(%dma_wait3A_159 : memref<1000x16xf32, #tpu.memory_space<vmem>>) dst(%dma_wait3A_164 : memref<10000x16xf32, #tpu.memory_space<vmem_shared>>)
    %dma_wait3A_165 = arith.constant 1 : i32
    %dma_wait3A_166 = arith.constant 1000 : i32
    %dma_wait3A_167 = arith.constant 0 : i32
    %dma_wait3A_168 = tpu.memref_slice %arg7[%dma_wait3A_165, %dma_wait3A_166, %dma_wait3A_167] : memref<3x2000x16xf32, #tpu.memory_space<vmem>> -> memref<1x1000x16xf32, #tpu.memory_space<vmem>>
    %dma_wait3A_169 = tpu.memref_squeeze %dma_wait3A_168 : memref<1x1000x16xf32, #tpu.memory_space<vmem>> -> memref<1000x16xf32, #tpu.memory_space<vmem>>
    %dma_wait3A_170 = arith.constant 3000 : i32
    %dma_wait3A_171 = tpu.memref_slice %arg6[%dma_wait3A_170] : memref<10000xi32, #tpu.memory_space<vmem>> -> memref<1000xi32, #tpu.memory_space<vmem>>
    %dma_wait3A_172 = arith.constant 0 : i32
    %dma_wait3A_173 = arith.constant 0 : i32
    %dma_wait3A_174 = tpu.memref_slice %arg14[%dma_wait3A_172, %dma_wait3A_173] : memref<10000x16xf32, #tpu.memory_space<vmem_shared>> -> memref<10000x16xf32, #tpu.memory_space<vmem_shared>>
    tpu.wait_indirect_dma semaphore(%arg12 : memref<!tpu.dma_semaphore, #tpu.memory_space<semaphore_mem>>) src(%dma_wait3A_169 : memref<1000x16xf32, #tpu.memory_space<vmem>>) dst(%dma_wait3A_174 : memref<10000x16xf32, #tpu.memory_space<vmem_shared>>)
    %dma_start3A_175 = arith.constant 1 : i32
    %dma_start3A_176 = arith.constant 0 : i32
    %dma_start3A_177 = arith.constant 0 : i32
    %dma_start3A_178 = tpu.memref_slice %arg7[%dma_start3A_175, %dma_start3A_176, %dma_start3A_177] : memref<3x2000x16xf32, #tpu.memory_space<vmem>> -> memref<1x2000x16xf32, #tpu.memory_space<vmem>>
    %dma_start3A_179 = tpu.memref_squeeze %dma_start3A_178 : memref<1x2000x16xf32, #tpu.memory_space<vmem>> -> memref<2000x16xf32, #tpu.memory_space<vmem>>
    %dma_start3A_180 = arith.constant 8000 : i32
    %dma_start3A_181 = tpu.memref_slice %arg5[%dma_start3A_180] : memref<10000xi32, #tpu.memory_space<vmem>> -> memref<2000xi32, #tpu.memory_space<vmem>>
    %dma_start3A_182 = arith.constant 0 : i32
    %dma_start3A_183 = arith.constant 0 : i32
    %dma_start3A_184 = tpu.memref_slice %arg2[%dma_start3A_182, %dma_start3A_183] : memref<10000x16xf32, #tpu.memory_space<hbm>> -> memref<10000x16xf32, #tpu.memory_space<hbm>>
    tpu.enqueue_indirect_dma source(%dma_start3A_184 : memref<10000x16xf32, #tpu.memory_space<hbm>>) target(%dma_start3A_179 : memref<2000x16xf32, #tpu.memory_space<vmem>>) offsets(%dma_start3A_181 : memref<2000xi32, #tpu.memory_space<vmem>>) semaphore(%arg9 : memref<!tpu.dma_semaphore, #tpu.memory_space<semaphore_mem>>)
    %dma_start3A_185 = arith.constant 2 : i32
    %dma_start3A_186 = arith.constant 0 : i32
    %dma_start3A_187 = arith.constant 0 : i32
    %dma_start3A_188 = tpu.memref_slice %arg7[%dma_start3A_185, %dma_start3A_186, %dma_start3A_187] : memref<3x2000x16xf32, #tpu.memory_space<vmem>> -> memref<1x1000x16xf32, #tpu.memory_space<vmem>>
    %dma_start3A_189 = tpu.memref_squeeze %dma_start3A_188 : memref<1x1000x16xf32, #tpu.memory_space<vmem>> -> memref<1000x16xf32, #tpu.memory_space<vmem>>
    %dma_start3A_190 = arith.constant 4000 : i32
    %dma_start3A_191 = tpu.memref_slice %arg6[%dma_start3A_190] : memref<10000xi32, #tpu.memory_space<vmem>> -> memref<1000xi32, #tpu.memory_space<vmem>>
    %dma_start3A_192 = arith.constant 0 : i32
    %dma_start3A_193 = arith.constant 0 : i32
    %dma_start3A_194 = tpu.memref_slice %arg14[%dma_start3A_192, %dma_start3A_193] : memref<10000x16xf32, #tpu.memory_space<vmem_shared>> -> memref<10000x16xf32, #tpu.memory_space<vmem_shared>>
    tpu.enqueue_indirect_dma source(%dma_start3A_189 : memref<1000x16xf32, #tpu.memory_space<vmem>>) target(%dma_start3A_194 : memref<10000x16xf32, #tpu.memory_space<vmem_shared>>) offsets(%dma_start3A_191 : memref<1000xi32, #tpu.memory_space<vmem>>) semaphore(%arg13 : memref<!tpu.dma_semaphore, #tpu.memory_space<semaphore_mem>>) {add = true}
    %dma_start3A_195 = arith.constant 2 : i32
    %dma_start3A_196 = arith.constant 1000 : i32
    %dma_start3A_197 = arith.constant 0 : i32
    %dma_start3A_198 = tpu.memref_slice %arg7[%dma_start3A_195, %dma_start3A_196, %dma_start3A_197] : memref<3x2000x16xf32, #tpu.memory_space<vmem>> -> memref<1x1000x16xf32, #tpu.memory_space<vmem>>
    %dma_start3A_199 = tpu.memref_squeeze %dma_start3A_198 : memref<1x1000x16xf32, #tpu.memory_space<vmem>> -> memref<1000x16xf32, #tpu.memory_space<vmem>>
    %dma_start3A_200 = arith.constant 5000 : i32
    %dma_start3A_201 = tpu.memref_slice %arg6[%dma_start3A_200] : memref<10000xi32, #tpu.memory_space<vmem>> -> memref<1000xi32, #tpu.memory_space<vmem>>
    %dma_start3A_202 = arith.constant 0 : i32
    %dma_start3A_203 = arith.constant 0 : i32
    %dma_start3A_204 = tpu.memref_slice %arg14[%dma_start3A_202, %dma_start3A_203] : memref<10000x16xf32, #tpu.memory_space<vmem_shared>> -> memref<10000x16xf32, #tpu.memory_space<vmem_shared>>
    tpu.enqueue_indirect_dma source(%dma_start3A_199 : memref<1000x16xf32, #tpu.memory_space<vmem>>) target(%dma_start3A_204 : memref<10000x16xf32, #tpu.memory_space<vmem_shared>>) offsets(%dma_start3A_201 : memref<1000xi32, #tpu.memory_space<vmem>>) semaphore(%arg13 : memref<!tpu.dma_semaphore, #tpu.memory_space<semaphore_mem>>) {add = true}
    %dma_wait3A_205 = arith.constant 0 : i32
    %dma_wait3A_206 = arith.constant 0 : i32
    %dma_wait3A_207 = arith.constant 0 : i32
    %dma_wait3A_208 = tpu.memref_slice %arg7[%dma_wait3A_205, %dma_wait3A_206, %dma_wait3A_207] : memref<3x2000x16xf32, #tpu.memory_space<vmem>> -> memref<1x2000x16xf32, #tpu.memory_space<vmem>>
    %dma_wait3A_209 = tpu.memref_squeeze %dma_wait3A_208 : memref<1x2000x16xf32, #tpu.memory_space<vmem>> -> memref<2000x16xf32, #tpu.memory_space<vmem>>
    %dma_wait3A_210 = arith.constant 6000 : i32
    %dma_wait3A_211 = tpu.memref_slice %arg5[%dma_wait3A_210] : memref<10000xi32, #tpu.memory_space<vmem>> -> memref<2000xi32, #tpu.memory_space<vmem>>
    %dma_wait3A_212 = arith.constant 0 : i32
    %dma_wait3A_213 = arith.constant 0 : i32
    %dma_wait3A_214 = tpu.memref_slice %arg2[%dma_wait3A_212, %dma_wait3A_213] : memref<10000x16xf32, #tpu.memory_space<hbm>> -> memref<10000x16xf32, #tpu.memory_space<hbm>>
    tpu.wait_indirect_dma semaphore(%arg8 : memref<!tpu.dma_semaphore, #tpu.memory_space<semaphore_mem>>) src(%dma_wait3A_214 : memref<10000x16xf32, #tpu.memory_space<hbm>>) dst(%dma_wait3A_209 : memref<2000x16xf32, #tpu.memory_space<vmem>>)
    %dma_start3A_215 = arith.constant 0 : i32
    %dma_start3A_216 = arith.constant 0 : i32
    %dma_start3A_217 = arith.constant 0 : i32
    %dma_start3A_218 = tpu.memref_slice %arg7[%dma_start3A_215, %dma_start3A_216, %dma_start3A_217] : memref<3x2000x16xf32, #tpu.memory_space<vmem>> -> memref<1x1000x16xf32, #tpu.memory_space<vmem>>
    %dma_start3A_219 = tpu.memref_squeeze %dma_start3A_218 : memref<1x1000x16xf32, #tpu.memory_space<vmem>> -> memref<1000x16xf32, #tpu.memory_space<vmem>>
    %dma_start3A_220 = arith.constant 6000 : i32
    %dma_start3A_221 = tpu.memref_slice %arg6[%dma_start3A_220] : memref<10000xi32, #tpu.memory_space<vmem>> -> memref<1000xi32, #tpu.memory_space<vmem>>
    %dma_start3A_222 = arith.constant 0 : i32
    %dma_start3A_223 = arith.constant 0 : i32
    %dma_start3A_224 = tpu.memref_slice %arg14[%dma_start3A_222, %dma_start3A_223] : memref<10000x16xf32, #tpu.memory_space<vmem_shared>> -> memref<10000x16xf32, #tpu.memory_space<vmem_shared>>
    tpu.enqueue_indirect_dma source(%dma_start3A_219 : memref<1000x16xf32, #tpu.memory_space<vmem>>) target(%dma_start3A_224 : memref<10000x16xf32, #tpu.memory_space<vmem_shared>>) offsets(%dma_start3A_221 : memref<1000xi32, #tpu.memory_space<vmem>>) semaphore(%arg11 : memref<!tpu.dma_semaphore, #tpu.memory_space<semaphore_mem>>) {add = true}
    %dma_start3A_225 = arith.constant 0 : i32
    %dma_start3A_226 = arith.constant 1000 : i32
    %dma_start3A_227 = arith.constant 0 : i32
    %dma_start3A_228 = tpu.memref_slice %arg7[%dma_start3A_225, %dma_start3A_226, %dma_start3A_227] : memref<3x2000x16xf32, #tpu.memory_space<vmem>> -> memref<1x1000x16xf32, #tpu.memory_space<vmem>>
    %dma_start3A_229 = tpu.memref_squeeze %dma_start3A_228 : memref<1x1000x16xf32, #tpu.memory_space<vmem>> -> memref<1000x16xf32, #tpu.memory_space<vmem>>
    %dma_start3A_230 = arith.constant 7000 : i32
    %dma_start3A_231 = tpu.memref_slice %arg6[%dma_start3A_230] : memref<10000xi32, #tpu.memory_space<vmem>> -> memref<1000xi32, #tpu.memory_space<vmem>>
    %dma_start3A_232 = arith.constant 0 : i32
    %dma_start3A_233 = arith.constant 0 : i32
    %dma_start3A_234 = tpu.memref_slice %arg14[%dma_start3A_232, %dma_start3A_233] : memref<10000x16xf32, #tpu.memory_space<vmem_shared>> -> memref<10000x16xf32, #tpu.memory_space<vmem_shared>>
    tpu.enqueue_indirect_dma source(%dma_start3A_229 : memref<1000x16xf32, #tpu.memory_space<vmem>>) target(%dma_start3A_234 : memref<10000x16xf32, #tpu.memory_space<vmem_shared>>) offsets(%dma_start3A_231 : memref<1000xi32, #tpu.memory_space<vmem>>) semaphore(%arg11 : memref<!tpu.dma_semaphore, #tpu.memory_space<semaphore_mem>>) {add = true}
    %dma_wait3A_235 = arith.constant 1 : i32
    %dma_wait3A_236 = arith.constant 0 : i32
    %dma_wait3A_237 = arith.constant 0 : i32
    %dma_wait3A_238 = tpu.memref_slice %arg7[%dma_wait3A_235, %dma_wait3A_236, %dma_wait3A_237] : memref<3x2000x16xf32, #tpu.memory_space<vmem>> -> memref<1x2000x16xf32, #tpu.memory_space<vmem>>
    %dma_wait3A_239 = tpu.memref_squeeze %dma_wait3A_238 : memref<1x2000x16xf32, #tpu.memory_space<vmem>> -> memref<2000x16xf32, #tpu.memory_space<vmem>>
    %dma_wait3A_240 = arith.constant 8000 : i32
    %dma_wait3A_241 = tpu.memref_slice %arg5[%dma_wait3A_240] : memref<10000xi32, #tpu.memory_space<vmem>> -> memref<2000xi32, #tpu.memory_space<vmem>>
    %dma_wait3A_242 = arith.constant 0 : i32
    %dma_wait3A_243 = arith.constant 0 : i32
    %dma_wait3A_244 = tpu.memref_slice %arg2[%dma_wait3A_242, %dma_wait3A_243] : memref<10000x16xf32, #tpu.memory_space<hbm>> -> memref<10000x16xf32, #tpu.memory_space<hbm>>
    tpu.wait_indirect_dma semaphore(%arg9 : memref<!tpu.dma_semaphore, #tpu.memory_space<semaphore_mem>>) src(%dma_wait3A_244 : memref<10000x16xf32, #tpu.memory_space<hbm>>) dst(%dma_wait3A_239 : memref<2000x16xf32, #tpu.memory_space<vmem>>)
    %dma_start3A_245 = arith.constant 1 : i32
    %dma_start3A_246 = arith.constant 0 : i32
    %dma_start3A_247 = arith.constant 0 : i32
    %dma_start3A_248 = tpu.memref_slice %arg7[%dma_start3A_245, %dma_start3A_246, %dma_start3A_247] : memref<3x2000x16xf32, #tpu.memory_space<vmem>> -> memref<1x1000x16xf32, #tpu.memory_space<vmem>>
    %dma_start3A_249 = tpu.memref_squeeze %dma_start3A_248 : memref<1x1000x16xf32, #tpu.memory_space<vmem>> -> memref<1000x16xf32, #tpu.memory_space<vmem>>
    %dma_start3A_250 = arith.constant 8000 : i32
    %dma_start3A_251 = tpu.memref_slice %arg6[%dma_start3A_250] : memref<10000xi32, #tpu.memory_space<vmem>> -> memref<1000xi32, #tpu.memory_space<vmem>>
    %dma_start3A_252 = arith.constant 0 : i32
    %dma_start3A_253 = arith.constant 0 : i32
    %dma_start3A_254 = tpu.memref_slice %arg14[%dma_start3A_252, %dma_start3A_253] : memref<10000x16xf32, #tpu.memory_space<vmem_shared>> -> memref<10000x16xf32, #tpu.memory_space<vmem_shared>>
    tpu.enqueue_indirect_dma source(%dma_start3A_249 : memref<1000x16xf32, #tpu.memory_space<vmem>>) target(%dma_start3A_254 : memref<10000x16xf32, #tpu.memory_space<vmem_shared>>) offsets(%dma_start3A_251 : memref<1000xi32, #tpu.memory_space<vmem>>) semaphore(%arg12 : memref<!tpu.dma_semaphore, #tpu.memory_space<semaphore_mem>>) {add = true}
    %dma_start3A_255 = arith.constant 1 : i32
    %dma_start3A_256 = arith.constant 1000 : i32
    %dma_start3A_257 = arith.constant 0 : i32
    %dma_start3A_258 = tpu.memref_slice %arg7[%dma_start3A_255, %dma_start3A_256, %dma_start3A_257] : memref<3x2000x16xf32, #tpu.memory_space<vmem>> -> memref<1x1000x16xf32, #tpu.memory_space<vmem>>
    %dma_start3A_259 = tpu.memref_squeeze %dma_start3A_258 : memref<1x1000x16xf32, #tpu.memory_space<vmem>> -> memref<1000x16xf32, #tpu.memory_space<vmem>>
    %dma_start3A_260 = arith.constant 9000 : i32
    %dma_start3A_261 = tpu.memref_slice %arg6[%dma_start3A_260] : memref<10000xi32, #tpu.memory_space<vmem>> -> memref<1000xi32, #tpu.memory_space<vmem>>
    %dma_start3A_262 = arith.constant 0 : i32
    %dma_start3A_263 = arith.constant 0 : i32
    %dma_start3A_264 = tpu.memref_slice %arg14[%dma_start3A_262, %dma_start3A_263] : memref<10000x16xf32, #tpu.memory_space<vmem_shared>> -> memref<10000x16xf32, #tpu.memory_space<vmem_shared>>
    tpu.enqueue_indirect_dma source(%dma_start3A_259 : memref<1000x16xf32, #tpu.memory_space<vmem>>) target(%dma_start3A_264 : memref<10000x16xf32, #tpu.memory_space<vmem_shared>>) offsets(%dma_start3A_261 : memref<1000xi32, #tpu.memory_space<vmem>>) semaphore(%arg12 : memref<!tpu.dma_semaphore, #tpu.memory_space<semaphore_mem>>) {add = true}
    %dma_wait3A_265 = arith.constant 0 : i32
    %dma_wait3A_266 = arith.constant 0 : i32
    %dma_wait3A_267 = arith.constant 0 : i32
    %dma_wait3A_268 = tpu.memref_slice %arg7[%dma_wait3A_265, %dma_wait3A_266, %dma_wait3A_267] : memref<3x2000x16xf32, #tpu.memory_space<vmem>> -> memref<1x1000x16xf32, #tpu.memory_space<vmem>>
    %dma_wait3A_269 = tpu.memref_squeeze %dma_wait3A_268 : memref<1x1000x16xf32, #tpu.memory_space<vmem>> -> memref<1000x16xf32, #tpu.memory_space<vmem>>
    %dma_wait3A_270 = arith.constant 6000 : i32
    %dma_wait3A_271 = tpu.memref_slice %arg6[%dma_wait3A_270] : memref<10000xi32, #tpu.memory_space<vmem>> -> memref<1000xi32, #tpu.memory_space<vmem>>
    %dma_wait3A_272 = arith.constant 0 : i32
    %dma_wait3A_273 = arith.constant 0 : i32
    %dma_wait3A_274 = tpu.memref_slice %arg14[%dma_wait3A_272, %dma_wait3A_273] : memref<10000x16xf32, #tpu.memory_space<vmem_shared>> -> memref<10000x16xf32, #tpu.memory_space<vmem_shared>>
    tpu.wait_indirect_dma semaphore(%arg11 : memref<!tpu.dma_semaphore, #tpu.memory_space<semaphore_mem>>) src(%dma_wait3A_269 : memref<1000x16xf32, #tpu.memory_space<vmem>>) dst(%dma_wait3A_274 : memref<10000x16xf32, #tpu.memory_space<vmem_shared>>)
    %dma_wait3A_275 = arith.constant 1 : i32
    %dma_wait3A_276 = arith.constant 0 : i32
    %dma_wait3A_277 = arith.constant 0 : i32
    %dma_wait3A_278 = tpu.memref_slice %arg7[%dma_wait3A_275, %dma_wait3A_276, %dma_wait3A_277] : memref<3x2000x16xf32, #tpu.memory_space<vmem>> -> memref<1x1000x16xf32, #tpu.memory_space<vmem>>
    %dma_wait3A_279 = tpu.memref_squeeze %dma_wait3A_278 : memref<1x1000x16xf32, #tpu.memory_space<vmem>> -> memref<1000x16xf32, #tpu.memory_space<vmem>>
    %dma_wait3A_280 = arith.constant 8000 : i32
    %dma_wait3A_281 = tpu.memref_slice %arg6[%dma_wait3A_280] : memref<10000xi32, #tpu.memory_space<vmem>> -> memref<1000xi32, #tpu.memory_space<vmem>>
    %dma_wait3A_282 = arith.constant 0 : i32
    %dma_wait3A_283 = arith.constant 0 : i32
    %dma_wait3A_284 = tpu.memref_slice %arg14[%dma_wait3A_282, %dma_wait3A_283] : memref<10000x16xf32, #tpu.memory_space<vmem_shared>> -> memref<10000x16xf32, #tpu.memory_space<vmem_shared>>
    tpu.wait_indirect_dma semaphore(%arg12 : memref<!tpu.dma_semaphore, #tpu.memory_space<semaphore_mem>>) src(%dma_wait3A_279 : memref<1000x16xf32, #tpu.memory_space<vmem>>) dst(%dma_wait3A_284 : memref<10000x16xf32, #tpu.memory_space<vmem_shared>>)
    %dma_wait3A_285 = arith.constant 0 : i32
    %dma_wait3A_286 = arith.constant 1000 : i32
    %dma_wait3A_287 = arith.constant 0 : i32
    %dma_wait3A_288 = tpu.memref_slice %arg7[%dma_wait3A_285, %dma_wait3A_286, %dma_wait3A_287] : memref<3x2000x16xf32, #tpu.memory_space<vmem>> -> memref<1x1000x16xf32, #tpu.memory_space<vmem>>
    %dma_wait3A_289 = tpu.memref_squeeze %dma_wait3A_288 : memref<1x1000x16xf32, #tpu.memory_space<vmem>> -> memref<1000x16xf32, #tpu.memory_space<vmem>>
    %dma_wait3A_290 = arith.constant 7000 : i32
    %dma_wait3A_291 = tpu.memref_slice %arg6[%dma_wait3A_290] : memref<10000xi32, #tpu.memory_space<vmem>> -> memref<1000xi32, #tpu.memory_space<vmem>>
    %dma_wait3A_292 = arith.constant 0 : i32
    %dma_wait3A_293 = arith.constant 0 : i32
    %dma_wait3A_294 = tpu.memref_slice %arg14[%dma_wait3A_292, %dma_wait3A_293] : memref<10000x16xf32, #tpu.memory_space<vmem_shared>> -> memref<10000x16xf32, #tpu.memory_space<vmem_shared>>
    tpu.wait_indirect_dma semaphore(%arg11 : memref<!tpu.dma_semaphore, #tpu.memory_space<semaphore_mem>>) src(%dma_wait3A_289 : memref<1000x16xf32, #tpu.memory_space<vmem>>) dst(%dma_wait3A_294 : memref<10000x16xf32, #tpu.memory_space<vmem_shared>>)
    %dma_wait3A_295 = arith.constant 1 : i32
    %dma_wait3A_296 = arith.constant 1000 : i32
    %dma_wait3A_297 = arith.constant 0 : i32
    %dma_wait3A_298 = tpu.memref_slice %arg7[%dma_wait3A_295, %dma_wait3A_296, %dma_wait3A_297] : memref<3x2000x16xf32, #tpu.memory_space<vmem>> -> memref<1x1000x16xf32, #tpu.memory_space<vmem>>
    %dma_wait3A_299 = tpu.memref_squeeze %dma_wait3A_298 : memref<1x1000x16xf32, #tpu.memory_space<vmem>> -> memref<1000x16xf32, #tpu.memory_space<vmem>>
    %dma_wait3A_300 = arith.constant 9000 : i32
    %dma_wait3A_301 = tpu.memref_slice %arg6[%dma_wait3A_300] : memref<10000xi32, #tpu.memory_space<vmem>> -> memref<1000xi32, #tpu.memory_space<vmem>>
    %dma_wait3A_302 = arith.constant 0 : i32
    %dma_wait3A_303 = arith.constant 0 : i32
    %dma_wait3A_304 = tpu.memref_slice %arg14[%dma_wait3A_302, %dma_wait3A_303] : memref<10000x16xf32, #tpu.memory_space<vmem_shared>> -> memref<10000x16xf32, #tpu.memory_space<vmem_shared>>
    tpu.wait_indirect_dma semaphore(%arg12 : memref<!tpu.dma_semaphore, #tpu.memory_space<semaphore_mem>>) src(%dma_wait3A_299 : memref<1000x16xf32, #tpu.memory_space<vmem>>) dst(%dma_wait3A_304 : memref<10000x16xf32, #tpu.memory_space<vmem_shared>>)
    %barrier3A_305 = arith.constant 0 : index
    tpu.barrier barrier_id(%barrier3A_305)
    %lt3A_306 = arith.constant 10 : i32
    %lt3A_307 = arith.cmpi slt, %arg1, %lt3A_306 : i32
    %convert_element_type3A_308 = arith.extui %lt3A_307 : i1 to i32
    %cond3A_309 = arith.constant 0 : i32
    %cond3A_310 = arith.cmpi ne, %convert_element_type3A_308, %cond3A_309 : i32
    scf.if %cond3A_310 {
      %mul3A_311 = arith.constant 1000 : i32
      %mul3A_312 = arith.muli %arg1, %mul3A_311 : i32
      %mul3A_313 = arith.constant 1000 : i32
      %mul3A_314 = arith.muli %arg1, %mul3A_313 : i32
      "tpu.region"() ({
        %run_scoped3A = tpu.sem_alloc : memref<!tpu.dma_semaphore, #tpu.memory_space<semaphore_mem>>
        %dma_start3A_315 = arith.constant 0 : i32
        %dma_start3A_316 = tpu.memref_slice %arg4[%arg0, %mul3A_314, %dma_start3A_315] : memref<2x10000x16xf32, #tpu.memory_space<hbm>> -> memref<1x1000x16xf32, #tpu.memory_space<hbm>>
        %dma_start3A_317 = tpu.memref_squeeze %dma_start3A_316 : memref<1x1000x16xf32, #tpu.memory_space<hbm>> -> memref<1000x16xf32, #tpu.memory_space<hbm>>
        %dma_start3A_318 = arith.constant 0 : i32
        %dma_start3A_319 = tpu.memref_slice %arg14[%mul3A_312, %dma_start3A_318] : memref<10000x16xf32, #tpu.memory_space<vmem_shared>> -> memref<1000x16xf32, #tpu.memory_space<vmem_shared>>
        tpu.enqueue_dma source(%dma_start3A_319 : memref<1000x16xf32, #tpu.memory_space<vmem_shared>>) target(%dma_start3A_317 : memref<1000x16xf32, #tpu.memory_space<hbm>>) target_semaphore(%run_scoped3A : memref<!tpu.dma_semaphore, #tpu.memory_space<semaphore_mem>>)
        %dma_wait3A_320 = arith.constant 0 : i32
        %dma_wait3A_321 = tpu.memref_slice %arg4[%arg0, %mul3A_314, %dma_wait3A_320] : memref<2x10000x16xf32, #tpu.memory_space<hbm>> -> memref<1x1000x16xf32, #tpu.memory_space<hbm>>
        %dma_wait3A_322 = tpu.memref_squeeze %dma_wait3A_321 : memref<1x1000x16xf32, #tpu.memory_space<hbm>> -> memref<1000x16xf32, #tpu.memory_space<hbm>>
        %dma_wait3A_323 = arith.constant 0 : i32
        %dma_wait3A_324 = tpu.memref_slice %arg14[%mul3A_312, %dma_wait3A_323] : memref<10000x16xf32, #tpu.memory_space<vmem_shared>> -> memref<1000x16xf32, #tpu.memory_space<vmem_shared>>
        tpu.wait_dma2 semaphore(%run_scoped3A : memref<!tpu.dma_semaphore, #tpu.memory_space<semaphore_mem>>) src(%dma_wait3A_324 : memref<1000x16xf32, #tpu.memory_space<vmem_shared>>) dst(%dma_wait3A_322 : memref<1000x16xf32, #tpu.memory_space<hbm>>)
        tpu.yield
      }) : () -> ()
    } else {
    }
    return
  }
}

#map = affine_map<(d0, d1) -> (0, 0)>
#map1 = affine_map<(d0, d1) -> (0, 0, 0)>
module attributes {stable_mosaic.version = 14 : i64} {
  func.func @_deg_body(%arg0: i32, %arg1: i32, %arg2: memref<2x320000xi32, #tpu.memory_space<hbm>>, %arg3: memref<2x10000x16xf32, #tpu.memory_space<hbm>>, %arg4: memref<10000xi32, #tpu.memory_space<vmem>>, %arg5: memref<1000x16xf32, #tpu.memory_space<vmem>>, %arg6: memref<1000x16xf32, #tpu.memory_space<vmem>>, %arg7: memref<!tpu.dma_semaphore, #tpu.memory_space<semaphore_mem>>, %arg8: memref<10000x16xf32, #tpu.memory_space<vmem_shared>>) attributes {dimension_semantics = [#tpu.dimension_semantics<core_parallel>, #tpu.dimension_semantics<subcore_parallel>], iteration_bounds = array<i64: 2, 16>, scalar_prefetch = 0 : i64, scratch_operands = 5 : i64, tpu.core_type = #tpu.core_type<sc_vector_subcore>, window_params = [{transform_indices = #map}, {transform_indices = #map1}]} {
    %mul3A = arith.constant 2 : i32
    %mul3A_0 = arith.muli %arg1, %mul3A : i32
    %add3A = arith.addi %mul3A_0, %arg0 : i32
    %mul3A_1 = arith.constant 10000 : i32
    %mul3A_2 = arith.muli %add3A, %mul3A_1 : i32
    %dma_start3A = arith.constant 1 : i32
    %dma_start3A_3 = tpu.memref_slice %arg2[%dma_start3A, %mul3A_2] : memref<2x320000xi32, #tpu.memory_space<hbm>> -> memref<1x10000xi32, #tpu.memory_space<hbm>>
    %dma_start3A_4 = tpu.memref_squeeze %dma_start3A_3 : memref<1x10000xi32, #tpu.memory_space<hbm>> -> memref<10000xi32, #tpu.memory_space<hbm>>
    %dma_start3A_5 = tpu.memref_slice %arg2[%dma_start3A, %mul3A_2] : memref<2x320000xi32, #tpu.memory_space<hbm>> -> memref<1x10000xi32, #tpu.memory_space<hbm>>
    %dma_start3A_6 = tpu.memref_squeeze %dma_start3A_5 : memref<1x10000xi32, #tpu.memory_space<hbm>> -> memref<10000xi32, #tpu.memory_space<hbm>>
    tpu.enqueue_dma source(%dma_start3A_6 : memref<10000xi32, #tpu.memory_space<hbm>>) target(%arg4 : memref<10000xi32, #tpu.memory_space<vmem>>) target_semaphore(%arg7 : memref<!tpu.dma_semaphore, #tpu.memory_space<semaphore_mem>>)
    %scan3A = arith.constant 0 : i32
    %scan3A_7 = arith.constant 1000 : i32
    %scan3A_8 = arith.addi %scan3A, %scan3A_7 : i32
    %scan3A_9 = arith.constant 1 : i32
    scf.for %scan3A_128 = %scan3A to %scan3A_8 step %scan3A_9  : i32 {
      %mul3A_129 = arith.constant 1 : i32
      %mul3A_130 = arith.muli %scan3A_128, %mul3A_129 : i32
      %add3A_131 = arith.constant 0 : i32
      %add3A_132 = arith.addi %add3A_131, %mul3A_130 : i32
      %broadcast_in_dim3A = arith.constant 1.000000e+00 : f32
      %broadcast_in_dim3A_133 = vector.broadcast %broadcast_in_dim3A : f32 to vector<16xf32>
      %swap3A = arith.index_cast %add3A_132 : i32 to index
      %swap3A_134 = arith.constant 0 : index
      %swap3A_135 = tpu.vector_load %arg5[%swap3A, %swap3A_134] {strides = array<i32>} : memref<1000x16xf32, #tpu.memory_space<vmem>>, vector<1x16xf32>,
      %swap3A_136 = vector.shape_cast %swap3A_135 : vector<1x16xf32> to vector<16xf32>
      %swap3A_137 = vector.shape_cast %broadcast_in_dim3A_133 : vector<16xf32> to vector<1x16xf32>
      tpu.vector_store %arg5[%swap3A, %swap3A_134], %swap3A_137 {strides = array<i32>} : memref<1000x16xf32, #tpu.memory_space<vmem>>, vector<1x16xf32>,
    }
    %scan3A_10 = arith.constant 1000 : i32
    %scan3A_11 = arith.constant 0 : i32
    %scan3A_12 = arith.constant 1000 : i32
    %scan3A_13 = arith.addi %scan3A_11, %scan3A_12 : i32
    %scan3A_14 = arith.constant 1 : i32
    scf.for %scan3A_128 = %scan3A_11 to %scan3A_13 step %scan3A_14  : i32 {
      %mul3A_129 = arith.constant 1 : i32
      %mul3A_130 = arith.muli %scan3A_128, %mul3A_129 : i32
      %add3A_131 = arith.constant 0 : i32
      %add3A_132 = arith.addi %add3A_131, %mul3A_130 : i32
      %broadcast_in_dim3A = arith.constant 0.000000e+00 : f32
      %broadcast_in_dim3A_133 = vector.broadcast %broadcast_in_dim3A : f32 to vector<16xf32>
      %swap3A = arith.index_cast %add3A_132 : i32 to index
      %swap3A_134 = arith.constant 0 : index
      %swap3A_135 = tpu.vector_load %arg6[%swap3A, %swap3A_134] {strides = array<i32>} : memref<1000x16xf32, #tpu.memory_space<vmem>>, vector<1x16xf32>,
      %swap3A_136 = vector.shape_cast %swap3A_135 : vector<1x16xf32> to vector<16xf32>
      %swap3A_137 = vector.shape_cast %broadcast_in_dim3A_133 : vector<16xf32> to vector<1x16xf32>
      tpu.vector_store %arg6[%swap3A, %swap3A_134], %swap3A_137 {strides = array<i32>} : memref<1000x16xf32, #tpu.memory_space<vmem>>, vector<1x16xf32>,
    }
    %scan3A_15 = arith.constant 1000 : i32
    %lt3A = arith.constant 10 : i32
    %lt3A_16 = arith.cmpi slt, %arg1, %lt3A : i32
    %convert_element_type3A = arith.extui %lt3A_16 : i1 to i32
    %cond3A = arith.constant 0 : i32
    %cond3A_17 = arith.cmpi ne, %convert_element_type3A, %cond3A : i32
    scf.if %cond3A_17 {
      %mul3A_128 = arith.constant 1000 : i32
      %mul3A_129 = arith.muli %arg1, %mul3A_128 : i32
      "tpu.region"() ({
        %run_scoped3A = tpu.sem_alloc : memref<!tpu.dma_semaphore, #tpu.memory_space<semaphore_mem>>
        %dma_start3A_130 = arith.constant 0 : i32
        %dma_start3A_131 = tpu.memref_slice %arg8[%mul3A_129, %dma_start3A_130] : memref<10000x16xf32, #tpu.memory_space<vmem_shared>> -> memref<1000x16xf32, #tpu.memory_space<vmem_shared>>
        %dma_start3A_132 = arith.constant 0 : i32
        %dma_start3A_133 = tpu.memref_slice %arg8[%mul3A_129, %dma_start3A_132] : memref<10000x16xf32, #tpu.memory_space<vmem_shared>> -> memref<1000x16xf32, #tpu.memory_space<vmem_shared>>
        tpu.enqueue_dma source(%arg6 : memref<1000x16xf32, #tpu.memory_space<vmem>>) target(%dma_start3A_133 : memref<1000x16xf32, #tpu.memory_space<vmem_shared>>) target_semaphore(%run_scoped3A : memref<!tpu.dma_semaphore, #tpu.memory_space<semaphore_mem>>)
        %dma_wait3A_134 = arith.constant 0 : i32
        %dma_wait3A_135 = tpu.memref_slice %arg8[%mul3A_129, %dma_wait3A_134] : memref<10000x16xf32, #tpu.memory_space<vmem_shared>> -> memref<1000x16xf32, #tpu.memory_space<vmem_shared>>
        %dma_wait3A_136 = arith.constant 0 : i32
        %dma_wait3A_137 = tpu.memref_slice %arg8[%mul3A_129, %dma_wait3A_136] : memref<10000x16xf32, #tpu.memory_space<vmem_shared>> -> memref<1000x16xf32, #tpu.memory_space<vmem_shared>>
        tpu.wait_dma2 semaphore(%run_scoped3A : memref<!tpu.dma_semaphore, #tpu.memory_space<semaphore_mem>>) src(%arg6 : memref<1000x16xf32, #tpu.memory_space<vmem>>) dst(%dma_wait3A_137 : memref<1000x16xf32, #tpu.memory_space<vmem_shared>>)
        tpu.yield
      }) : () -> ()
    } else {
    }
    %barrier3A = arith.constant 0 : index
    tpu.barrier barrier_id(%barrier3A)
    %dma_wait3A = arith.constant 1 : i32
    %dma_wait3A_18 = tpu.memref_slice %arg2[%dma_wait3A, %mul3A_2] : memref<2x320000xi32, #tpu.memory_space<hbm>> -> memref<1x10000xi32, #tpu.memory_space<hbm>>
    %dma_wait3A_19 = tpu.memref_squeeze %dma_wait3A_18 : memref<1x10000xi32, #tpu.memory_space<hbm>> -> memref<10000xi32, #tpu.memory_space<hbm>>
    %dma_wait3A_20 = tpu.memref_slice %arg2[%dma_wait3A, %mul3A_2] : memref<2x320000xi32, #tpu.memory_space<hbm>> -> memref<1x10000xi32, #tpu.memory_space<hbm>>
    %dma_wait3A_21 = tpu.memref_squeeze %dma_wait3A_20 : memref<1x10000xi32, #tpu.memory_space<hbm>> -> memref<10000xi32, #tpu.memory_space<hbm>>
    tpu.wait_dma2 semaphore(%arg7 : memref<!tpu.dma_semaphore, #tpu.memory_space<semaphore_mem>>) src(%dma_wait3A_21 : memref<10000xi32, #tpu.memory_space<hbm>>) dst(%arg4 : memref<10000xi32, #tpu.memory_space<vmem>>)
    %dma_start3A_22 = arith.constant 0 : i32
    %dma_start3A_23 = tpu.memref_slice %arg4[%dma_start3A_22] : memref<10000xi32, #tpu.memory_space<vmem>> -> memref<1000xi32, #tpu.memory_space<vmem>>
    %dma_start3A_24 = arith.constant 0 : i32
    %dma_start3A_25 = arith.constant 0 : i32
    %dma_start3A_26 = tpu.memref_slice %arg8[%dma_start3A_24, %dma_start3A_25] : memref<10000x16xf32, #tpu.memory_space<vmem_shared>> -> memref<10000x16xf32, #tpu.memory_space<vmem_shared>>
    tpu.enqueue_indirect_dma source(%arg5 : memref<1000x16xf32, #tpu.memory_space<vmem>>) target(%dma_start3A_26 : memref<10000x16xf32, #tpu.memory_space<vmem_shared>>) offsets(%dma_start3A_23 : memref<1000xi32, #tpu.memory_space<vmem>>) semaphore(%arg7 : memref<!tpu.dma_semaphore, #tpu.memory_space<semaphore_mem>>) {add = true}
    %dma_start3A_27 = arith.constant 1000 : i32
    %dma_start3A_28 = tpu.memref_slice %arg4[%dma_start3A_27] : memref<10000xi32, #tpu.memory_space<vmem>> -> memref<1000xi32, #tpu.memory_space<vmem>>
    %dma_start3A_29 = arith.constant 0 : i32
    %dma_start3A_30 = arith.constant 0 : i32
    %dma_start3A_31 = tpu.memref_slice %arg8[%dma_start3A_29, %dma_start3A_30] : memref<10000x16xf32, #tpu.memory_space<vmem_shared>> -> memref<10000x16xf32, #tpu.memory_space<vmem_shared>>
    tpu.enqueue_indirect_dma source(%arg5 : memref<1000x16xf32, #tpu.memory_space<vmem>>) target(%dma_start3A_31 : memref<10000x16xf32, #tpu.memory_space<vmem_shared>>) offsets(%dma_start3A_28 : memref<1000xi32, #tpu.memory_space<vmem>>) semaphore(%arg7 : memref<!tpu.dma_semaphore, #tpu.memory_space<semaphore_mem>>) {add = true}
    %dma_start3A_32 = arith.constant 2000 : i32
    %dma_start3A_33 = tpu.memref_slice %arg4[%dma_start3A_32] : memref<10000xi32, #tpu.memory_space<vmem>> -> memref<1000xi32, #tpu.memory_space<vmem>>
    %dma_start3A_34 = arith.constant 0 : i32
    %dma_start3A_35 = arith.constant 0 : i32
    %dma_start3A_36 = tpu.memref_slice %arg8[%dma_start3A_34, %dma_start3A_35] : memref<10000x16xf32, #tpu.memory_space<vmem_shared>> -> memref<10000x16xf32, #tpu.memory_space<vmem_shared>>
    tpu.enqueue_indirect_dma source(%arg5 : memref<1000x16xf32, #tpu.memory_space<vmem>>) target(%dma_start3A_36 : memref<10000x16xf32, #tpu.memory_space<vmem_shared>>) offsets(%dma_start3A_33 : memref<1000xi32, #tpu.memory_space<vmem>>) semaphore(%arg7 : memref<!tpu.dma_semaphore, #tpu.memory_space<semaphore_mem>>) {add = true}
    %dma_start3A_37 = arith.constant 3000 : i32
    %dma_start3A_38 = tpu.memref_slice %arg4[%dma_start3A_37] : memref<10000xi32, #tpu.memory_space<vmem>> -> memref<1000xi32, #tpu.memory_space<vmem>>
    %dma_start3A_39 = arith.constant 0 : i32
    %dma_start3A_40 = arith.constant 0 : i32
    %dma_start3A_41 = tpu.memref_slice %arg8[%dma_start3A_39, %dma_start3A_40] : memref<10000x16xf32, #tpu.memory_space<vmem_shared>> -> memref<10000x16xf32, #tpu.memory_space<vmem_shared>>
    tpu.enqueue_indirect_dma source(%arg5 : memref<1000x16xf32, #tpu.memory_space<vmem>>) target(%dma_start3A_41 : memref<10000x16xf32, #tpu.memory_space<vmem_shared>>) offsets(%dma_start3A_38 : memref<1000xi32, #tpu.memory_space<vmem>>) semaphore(%arg7 : memref<!tpu.dma_semaphore, #tpu.memory_space<semaphore_mem>>) {add = true}
    %dma_start3A_42 = arith.constant 4000 : i32
    %dma_start3A_43 = tpu.memref_slice %arg4[%dma_start3A_42] : memref<10000xi32, #tpu.memory_space<vmem>> -> memref<1000xi32, #tpu.memory_space<vmem>>
    %dma_start3A_44 = arith.constant 0 : i32
    %dma_start3A_45 = arith.constant 0 : i32
    %dma_start3A_46 = tpu.memref_slice %arg8[%dma_start3A_44, %dma_start3A_45] : memref<10000x16xf32, #tpu.memory_space<vmem_shared>> -> memref<10000x16xf32, #tpu.memory_space<vmem_shared>>
    tpu.enqueue_indirect_dma source(%arg5 : memref<1000x16xf32, #tpu.memory_space<vmem>>) target(%dma_start3A_46 : memref<10000x16xf32, #tpu.memory_space<vmem_shared>>) offsets(%dma_start3A_43 : memref<1000xi32, #tpu.memory_space<vmem>>) semaphore(%arg7 : memref<!tpu.dma_semaphore, #tpu.memory_space<semaphore_mem>>) {add = true}
    %dma_wait3A_47 = arith.constant 0 : i32
    %dma_wait3A_48 = tpu.memref_slice %arg4[%dma_wait3A_47] : memref<10000xi32, #tpu.memory_space<vmem>> -> memref<1000xi32, #tpu.memory_space<vmem>>
    %dma_wait3A_49 = arith.constant 0 : i32
    %dma_wait3A_50 = arith.constant 0 : i32
    %dma_wait3A_51 = tpu.memref_slice %arg8[%dma_wait3A_49, %dma_wait3A_50] : memref<10000x16xf32, #tpu.memory_space<vmem_shared>> -> memref<10000x16xf32, #tpu.memory_space<vmem_shared>>
    tpu.wait_indirect_dma semaphore(%arg7 : memref<!tpu.dma_semaphore, #tpu.memory_space<semaphore_mem>>) src(%arg5 : memref<1000x16xf32, #tpu.memory_space<vmem>>) dst(%dma_wait3A_51 : memref<10000x16xf32, #tpu.memory_space<vmem_shared>>)
    %dma_start3A_52 = arith.constant 5000 : i32
    %dma_start3A_53 = tpu.memref_slice %arg4[%dma_start3A_52] : memref<10000xi32, #tpu.memory_space<vmem>> -> memref<1000xi32, #tpu.memory_space<vmem>>
    %dma_start3A_54 = arith.constant 0 : i32
    %dma_start3A_55 = arith.constant 0 : i32
    %dma_start3A_56 = tpu.memref_slice %arg8[%dma_start3A_54, %dma_start3A_55] : memref<10000x16xf32, #tpu.memory_space<vmem_shared>> -> memref<10000x16xf32, #tpu.memory_space<vmem_shared>>
    tpu.enqueue_indirect_dma source(%arg5 : memref<1000x16xf32, #tpu.memory_space<vmem>>) target(%dma_start3A_56 : memref<10000x16xf32, #tpu.memory_space<vmem_shared>>) offsets(%dma_start3A_53 : memref<1000xi32, #tpu.memory_space<vmem>>) semaphore(%arg7 : memref<!tpu.dma_semaphore, #tpu.memory_space<semaphore_mem>>) {add = true}
    %dma_wait3A_57 = arith.constant 1000 : i32
    %dma_wait3A_58 = tpu.memref_slice %arg4[%dma_wait3A_57] : memref<10000xi32, #tpu.memory_space<vmem>> -> memref<1000xi32, #tpu.memory_space<vmem>>
    %dma_wait3A_59 = arith.constant 0 : i32
    %dma_wait3A_60 = arith.constant 0 : i32
    %dma_wait3A_61 = tpu.memref_slice %arg8[%dma_wait3A_59, %dma_wait3A_60] : memref<10000x16xf32, #tpu.memory_space<vmem_shared>> -> memref<10000x16xf32, #tpu.memory_space<vmem_shared>>
    tpu.wait_indirect_dma semaphore(%arg7 : memref<!tpu.dma_semaphore, #tpu.memory_space<semaphore_mem>>) src(%arg5 : memref<1000x16xf32, #tpu.memory_space<vmem>>) dst(%dma_wait3A_61 : memref<10000x16xf32, #tpu.memory_space<vmem_shared>>)
    %dma_start3A_62 = arith.constant 6000 : i32
    %dma_start3A_63 = tpu.memref_slice %arg4[%dma_start3A_62] : memref<10000xi32, #tpu.memory_space<vmem>> -> memref<1000xi32, #tpu.memory_space<vmem>>
    %dma_start3A_64 = arith.constant 0 : i32
    %dma_start3A_65 = arith.constant 0 : i32
    %dma_start3A_66 = tpu.memref_slice %arg8[%dma_start3A_64, %dma_start3A_65] : memref<10000x16xf32, #tpu.memory_space<vmem_shared>> -> memref<10000x16xf32, #tpu.memory_space<vmem_shared>>
    tpu.enqueue_indirect_dma source(%arg5 : memref<1000x16xf32, #tpu.memory_space<vmem>>) target(%dma_start3A_66 : memref<10000x16xf32, #tpu.memory_space<vmem_shared>>) offsets(%dma_start3A_63 : memref<1000xi32, #tpu.memory_space<vmem>>) semaphore(%arg7 : memref<!tpu.dma_semaphore, #tpu.memory_space<semaphore_mem>>) {add = true}
    %dma_wait3A_67 = arith.constant 2000 : i32
    %dma_wait3A_68 = tpu.memref_slice %arg4[%dma_wait3A_67] : memref<10000xi32, #tpu.memory_space<vmem>> -> memref<1000xi32, #tpu.memory_space<vmem>>
    %dma_wait3A_69 = arith.constant 0 : i32
    %dma_wait3A_70 = arith.constant 0 : i32
    %dma_wait3A_71 = tpu.memref_slice %arg8[%dma_wait3A_69, %dma_wait3A_70] : memref<10000x16xf32, #tpu.memory_space<vmem_shared>> -> memref<10000x16xf32, #tpu.memory_space<vmem_shared>>
    tpu.wait_indirect_dma semaphore(%arg7 : memref<!tpu.dma_semaphore, #tpu.memory_space<semaphore_mem>>) src(%arg5 : memref<1000x16xf32, #tpu.memory_space<vmem>>) dst(%dma_wait3A_71 : memref<10000x16xf32, #tpu.memory_space<vmem_shared>>)
    %dma_start3A_72 = arith.constant 7000 : i32
    %dma_start3A_73 = tpu.memref_slice %arg4[%dma_start3A_72] : memref<10000xi32, #tpu.memory_space<vmem>> -> memref<1000xi32, #tpu.memory_space<vmem>>
    %dma_start3A_74 = arith.constant 0 : i32
    %dma_start3A_75 = arith.constant 0 : i32
    %dma_start3A_76 = tpu.memref_slice %arg8[%dma_start3A_74, %dma_start3A_75] : memref<10000x16xf32, #tpu.memory_space<vmem_shared>> -> memref<10000x16xf32, #tpu.memory_space<vmem_shared>>
    tpu.enqueue_indirect_dma source(%arg5 : memref<1000x16xf32, #tpu.memory_space<vmem>>) target(%dma_start3A_76 : memref<10000x16xf32, #tpu.memory_space<vmem_shared>>) offsets(%dma_start3A_73 : memref<1000xi32, #tpu.memory_space<vmem>>) semaphore(%arg7 : memref<!tpu.dma_semaphore, #tpu.memory_space<semaphore_mem>>) {add = true}
    %dma_wait3A_77 = arith.constant 3000 : i32
    %dma_wait3A_78 = tpu.memref_slice %arg4[%dma_wait3A_77] : memref<10000xi32, #tpu.memory_space<vmem>> -> memref<1000xi32, #tpu.memory_space<vmem>>
    %dma_wait3A_79 = arith.constant 0 : i32
    %dma_wait3A_80 = arith.constant 0 : i32
    %dma_wait3A_81 = tpu.memref_slice %arg8[%dma_wait3A_79, %dma_wait3A_80] : memref<10000x16xf32, #tpu.memory_space<vmem_shared>> -> memref<10000x16xf32, #tpu.memory_space<vmem_shared>>
    tpu.wait_indirect_dma semaphore(%arg7 : memref<!tpu.dma_semaphore, #tpu.memory_space<semaphore_mem>>) src(%arg5 : memref<1000x16xf32, #tpu.memory_space<vmem>>) dst(%dma_wait3A_81 : memref<10000x16xf32, #tpu.memory_space<vmem_shared>>)
    %dma_start3A_82 = arith.constant 8000 : i32
    %dma_start3A_83 = tpu.memref_slice %arg4[%dma_start3A_82] : memref<10000xi32, #tpu.memory_space<vmem>> -> memref<1000xi32, #tpu.memory_space<vmem>>
    %dma_start3A_84 = arith.constant 0 : i32
    %dma_start3A_85 = arith.constant 0 : i32
    %dma_start3A_86 = tpu.memref_slice %arg8[%dma_start3A_84, %dma_start3A_85] : memref<10000x16xf32, #tpu.memory_space<vmem_shared>> -> memref<10000x16xf32, #tpu.memory_space<vmem_shared>>
    tpu.enqueue_indirect_dma source(%arg5 : memref<1000x16xf32, #tpu.memory_space<vmem>>) target(%dma_start3A_86 : memref<10000x16xf32, #tpu.memory_space<vmem_shared>>) offsets(%dma_start3A_83 : memref<1000xi32, #tpu.memory_space<vmem>>) semaphore(%arg7 : memref<!tpu.dma_semaphore, #tpu.memory_space<semaphore_mem>>) {add = true}
    %dma_wait3A_87 = arith.constant 4000 : i32
    %dma_wait3A_88 = tpu.memref_slice %arg4[%dma_wait3A_87] : memref<10000xi32, #tpu.memory_space<vmem>> -> memref<1000xi32, #tpu.memory_space<vmem>>
    %dma_wait3A_89 = arith.constant 0 : i32
    %dma_wait3A_90 = arith.constant 0 : i32
    %dma_wait3A_91 = tpu.memref_slice %arg8[%dma_wait3A_89, %dma_wait3A_90] : memref<10000x16xf32, #tpu.memory_space<vmem_shared>> -> memref<10000x16xf32, #tpu.memory_space<vmem_shared>>
    tpu.wait_indirect_dma semaphore(%arg7 : memref<!tpu.dma_semaphore, #tpu.memory_space<semaphore_mem>>) src(%arg5 : memref<1000x16xf32, #tpu.memory_space<vmem>>) dst(%dma_wait3A_91 : memref<10000x16xf32, #tpu.memory_space<vmem_shared>>)
    %dma_start3A_92 = arith.constant 9000 : i32
    %dma_start3A_93 = tpu.memref_slice %arg4[%dma_start3A_92] : memref<10000xi32, #tpu.memory_space<vmem>> -> memref<1000xi32, #tpu.memory_space<vmem>>
    %dma_start3A_94 = arith.constant 0 : i32
    %dma_start3A_95 = arith.constant 0 : i32
    %dma_start3A_96 = tpu.memref_slice %arg8[%dma_start3A_94, %dma_start3A_95] : memref<10000x16xf32, #tpu.memory_space<vmem_shared>> -> memref<10000x16xf32, #tpu.memory_space<vmem_shared>>
    tpu.enqueue_indirect_dma source(%arg5 : memref<1000x16xf32, #tpu.memory_space<vmem>>) target(%dma_start3A_96 : memref<10000x16xf32, #tpu.memory_space<vmem_shared>>) offsets(%dma_start3A_93 : memref<1000xi32, #tpu.memory_space<vmem>>) semaphore(%arg7 : memref<!tpu.dma_semaphore, #tpu.memory_space<semaphore_mem>>) {add = true}
    %dma_wait3A_97 = arith.constant 5000 : i32
    %dma_wait3A_98 = tpu.memref_slice %arg4[%dma_wait3A_97] : memref<10000xi32, #tpu.memory_space<vmem>> -> memref<1000xi32, #tpu.memory_space<vmem>>
    %dma_wait3A_99 = arith.constant 0 : i32
    %dma_wait3A_100 = arith.constant 0 : i32
    %dma_wait3A_101 = tpu.memref_slice %arg8[%dma_wait3A_99, %dma_wait3A_100] : memref<10000x16xf32, #tpu.memory_space<vmem_shared>> -> memref<10000x16xf32, #tpu.memory_space<vmem_shared>>
    tpu.wait_indirect_dma semaphore(%arg7 : memref<!tpu.dma_semaphore, #tpu.memory_space<semaphore_mem>>) src(%arg5 : memref<1000x16xf32, #tpu.memory_space<vmem>>) dst(%dma_wait3A_101 : memref<10000x16xf32, #tpu.memory_space<vmem_shared>>)
    %dma_wait3A_102 = arith.constant 6000 : i32
    %dma_wait3A_103 = tpu.memref_slice %arg4[%dma_wait3A_102] : memref<10000xi32, #tpu.memory_space<vmem>> -> memref<1000xi32, #tpu.memory_space<vmem>>
    %dma_wait3A_104 = arith.constant 0 : i32
    %dma_wait3A_105 = arith.constant 0 : i32
    %dma_wait3A_106 = tpu.memref_slice %arg8[%dma_wait3A_104, %dma_wait3A_105] : memref<10000x16xf32, #tpu.memory_space<vmem_shared>> -> memref<10000x16xf32, #tpu.memory_space<vmem_shared>>
    tpu.wait_indirect_dma semaphore(%arg7 : memref<!tpu.dma_semaphore, #tpu.memory_space<semaphore_mem>>) src(%arg5 : memref<1000x16xf32, #tpu.memory_space<vmem>>) dst(%dma_wait3A_106 : memref<10000x16xf32, #tpu.memory_space<vmem_shared>>)
    %dma_wait3A_107 = arith.constant 7000 : i32
    %dma_wait3A_108 = tpu.memref_slice %arg4[%dma_wait3A_107] : memref<10000xi32, #tpu.memory_space<vmem>> -> memref<1000xi32, #tpu.memory_space<vmem>>
    %dma_wait3A_109 = arith.constant 0 : i32
    %dma_wait3A_110 = arith.constant 0 : i32
    %dma_wait3A_111 = tpu.memref_slice %arg8[%dma_wait3A_109, %dma_wait3A_110] : memref<10000x16xf32, #tpu.memory_space<vmem_shared>> -> memref<10000x16xf32, #tpu.memory_space<vmem_shared>>
    tpu.wait_indirect_dma semaphore(%arg7 : memref<!tpu.dma_semaphore, #tpu.memory_space<semaphore_mem>>) src(%arg5 : memref<1000x16xf32, #tpu.memory_space<vmem>>) dst(%dma_wait3A_111 : memref<10000x16xf32, #tpu.memory_space<vmem_shared>>)
    %dma_wait3A_112 = arith.constant 8000 : i32
    %dma_wait3A_113 = tpu.memref_slice %arg4[%dma_wait3A_112] : memref<10000xi32, #tpu.memory_space<vmem>> -> memref<1000xi32, #tpu.memory_space<vmem>>
    %dma_wait3A_114 = arith.constant 0 : i32
    %dma_wait3A_115 = arith.constant 0 : i32
    %dma_wait3A_116 = tpu.memref_slice %arg8[%dma_wait3A_114, %dma_wait3A_115] : memref<10000x16xf32, #tpu.memory_space<vmem_shared>> -> memref<10000x16xf32, #tpu.memory_space<vmem_shared>>
    tpu.wait_indirect_dma semaphore(%arg7 : memref<!tpu.dma_semaphore, #tpu.memory_space<semaphore_mem>>) src(%arg5 : memref<1000x16xf32, #tpu.memory_space<vmem>>) dst(%dma_wait3A_116 : memref<10000x16xf32, #tpu.memory_space<vmem_shared>>)
    %dma_wait3A_117 = arith.constant 9000 : i32
    %dma_wait3A_118 = tpu.memref_slice %arg4[%dma_wait3A_117] : memref<10000xi32, #tpu.memory_space<vmem>> -> memref<1000xi32, #tpu.memory_space<vmem>>
    %dma_wait3A_119 = arith.constant 0 : i32
    %dma_wait3A_120 = arith.constant 0 : i32
    %dma_wait3A_121 = tpu.memref_slice %arg8[%dma_wait3A_119, %dma_wait3A_120] : memref<10000x16xf32, #tpu.memory_space<vmem_shared>> -> memref<10000x16xf32, #tpu.memory_space<vmem_shared>>
    tpu.wait_indirect_dma semaphore(%arg7 : memref<!tpu.dma_semaphore, #tpu.memory_space<semaphore_mem>>) src(%arg5 : memref<1000x16xf32, #tpu.memory_space<vmem>>) dst(%dma_wait3A_121 : memref<10000x16xf32, #tpu.memory_space<vmem_shared>>)
    %barrier3A_122 = arith.constant 0 : index
    tpu.barrier barrier_id(%barrier3A_122)
    %lt3A_123 = arith.constant 10 : i32
    %lt3A_124 = arith.cmpi slt, %arg1, %lt3A_123 : i32
    %convert_element_type3A_125 = arith.extui %lt3A_124 : i1 to i32
    %cond3A_126 = arith.constant 0 : i32
    %cond3A_127 = arith.cmpi ne, %convert_element_type3A_125, %cond3A_126 : i32
    scf.if %cond3A_127 {
      %mul3A_128 = arith.constant 1000 : i32
      %mul3A_129 = arith.muli %arg1, %mul3A_128 : i32
      %mul3A_130 = arith.constant 1000 : i32
      %mul3A_131 = arith.muli %arg1, %mul3A_130 : i32
      "tpu.region"() ({
        %run_scoped3A = tpu.sem_alloc : memref<!tpu.dma_semaphore, #tpu.memory_space<semaphore_mem>>
        %dma_start3A_132 = arith.constant 0 : i32
        %dma_start3A_133 = tpu.memref_slice %arg3[%arg0, %mul3A_131, %dma_start3A_132] : memref<2x10000x16xf32, #tpu.memory_space<hbm>> -> memref<1x1000x16xf32, #tpu.memory_space<hbm>>
        %dma_start3A_134 = tpu.memref_squeeze %dma_start3A_133 : memref<1x1000x16xf32, #tpu.memory_space<hbm>> -> memref<1000x16xf32, #tpu.memory_space<hbm>>
        %dma_start3A_135 = arith.constant 0 : i32
        %dma_start3A_136 = tpu.memref_slice %arg8[%mul3A_129, %dma_start3A_135] : memref<10000x16xf32, #tpu.memory_space<vmem_shared>> -> memref<1000x16xf32, #tpu.memory_space<vmem_shared>>
        tpu.enqueue_dma source(%dma_start3A_136 : memref<1000x16xf32, #tpu.memory_space<vmem_shared>>) target(%dma_start3A_134 : memref<1000x16xf32, #tpu.memory_space<hbm>>) target_semaphore(%run_scoped3A : memref<!tpu.dma_semaphore, #tpu.memory_space<semaphore_mem>>)
        %dma_wait3A_137 = arith.constant 0 : i32
        %dma_wait3A_138 = tpu.memref_slice %arg3[%arg0, %mul3A_131, %dma_wait3A_137] : memref<2x10000x16xf32, #tpu.memory_space<hbm>> -> memref<1x1000x16xf32, #tpu.memory_space<hbm>>
        %dma_wait3A_139 = tpu.memref_squeeze %dma_wait3A_138 : memref<1x1000x16xf32, #tpu.memory_space<hbm>> -> memref<1000x16xf32, #tpu.memory_space<hbm>>
        %dma_wait3A_140 = arith.constant 0 : i32
        %dma_wait3A_141 = tpu.memref_slice %arg8[%mul3A_129, %dma_wait3A_140] : memref<10000x16xf32, #tpu.memory_space<vmem_shared>> -> memref<1000x16xf32, #tpu.memory_space<vmem_shared>>
        tpu.wait_dma2 semaphore(%run_scoped3A : memref<!tpu.dma_semaphore, #tpu.memory_space<semaphore_mem>>) src(%dma_wait3A_141 : memref<1000x16xf32, #tpu.memory_space<vmem_shared>>) dst(%dma_wait3A_139 : memref<1000x16xf32, #tpu.memory_space<hbm>>)
        tpu.yield
      }) : () -> ()
    } else {
    }
    return
  }
}

#map = affine_map<(d0, d1) -> (0, 0)>
#map1 = affine_map<(d0, d1) -> (0, 0, 0)>
module attributes {stable_mosaic.version = 14 : i64} {
  func.func @_agg_body(%arg0: i32, %arg1: i32, %arg2: memref<10000x16xf32, #tpu.memory_space<hbm>>, %arg3: memref<2x320000xi32, #tpu.memory_space<hbm>>, %arg4: memref<2x10000x16xf32, #tpu.memory_space<hbm>>, %arg5: memref<10000xi32, #tpu.memory_space<vmem>>, %arg6: memref<10000xi32, #tpu.memory_space<vmem>>, %arg7: memref<3x2000x16xf32, #tpu.memory_space<vmem>>, %arg8: memref<!tpu.dma_semaphore, #tpu.memory_space<semaphore_mem>>, %arg9: memref<!tpu.dma_semaphore, #tpu.memory_space<semaphore_mem>>, %arg10: memref<!tpu.dma_semaphore, #tpu.memory_space<semaphore_mem>>, %arg11: memref<!tpu.dma_semaphore, #tpu.memory_space<semaphore_mem>>, %arg12: memref<!tpu.dma_semaphore, #tpu.memory_space<semaphore_mem>>, %arg13: memref<!tpu.dma_semaphore, #tpu.memory_space<semaphore_mem>>, %arg14: memref<10000x16xf32, #tpu.memory_space<vmem_shared>>) attributes {dimension_semantics = [#tpu.dimension_semantics<core_parallel>, #tpu.dimension_semantics<subcore_parallel>], iteration_bounds = array<i64: 2, 16>, scalar_prefetch = 0 : i64, scratch_operands = 10 : i64, tpu.core_type = #tpu.core_type<sc_vector_subcore>, window_params = [{transform_indices = #map}, {transform_indices = #map}, {transform_indices = #map1}]} {
    %mul3A = arith.constant 2 : i32
    %mul3A_0 = arith.muli %arg1, %mul3A : i32
    %add3A = arith.addi %mul3A_0, %arg0 : i32
    %mul3A_1 = arith.constant 10000 : i32
    %mul3A_2 = arith.muli %add3A, %mul3A_1 : i32
    %dma_start3A = arith.constant 0 : i32
    %dma_start3A_3 = tpu.memref_slice %arg3[%dma_start3A, %mul3A_2] : memref<2x320000xi32, #tpu.memory_space<hbm>> -> memref<1x10000xi32, #tpu.memory_space<hbm>>
    %dma_start3A_4 = tpu.memref_squeeze %dma_start3A_3 : memref<1x10000xi32, #tpu.memory_space<hbm>> -> memref<10000xi32, #tpu.memory_space<hbm>>
    %dma_start3A_5 = tpu.memref_slice %arg3[%dma_start3A, %mul3A_2] : memref<2x320000xi32, #tpu.memory_space<hbm>> -> memref<1x10000xi32, #tpu.memory_space<hbm>>
    %dma_start3A_6 = tpu.memref_squeeze %dma_start3A_5 : memref<1x10000xi32, #tpu.memory_space<hbm>> -> memref<10000xi32, #tpu.memory_space<hbm>>
    tpu.enqueue_dma source(%dma_start3A_6 : memref<10000xi32, #tpu.memory_space<hbm>>) target(%arg5 : memref<10000xi32, #tpu.memory_space<vmem>>) target_semaphore(%arg11 : memref<!tpu.dma_semaphore, #tpu.memory_space<semaphore_mem>>)
    %mul3A_7 = arith.constant 10000 : i32
    %mul3A_8 = arith.muli %add3A, %mul3A_7 : i32
    %dma_start3A_9 = arith.constant 1 : i32
    %dma_start3A_10 = tpu.memref_slice %arg3[%dma_start3A_9, %mul3A_8] : memref<2x320000xi32, #tpu.memory_space<hbm>> -> memref<1x10000xi32, #tpu.memory_space<hbm>>
    %dma_start3A_11 = tpu.memref_squeeze %dma_start3A_10 : memref<1x10000xi32, #tpu.memory_space<hbm>> -> memref<10000xi32, #tpu.memory_space<hbm>>
    %dma_start3A_12 = tpu.memref_slice %arg3[%dma_start3A_9, %mul3A_8] : memref<2x320000xi32, #tpu.memory_space<hbm>> -> memref<1x10000xi32, #tpu.memory_space<hbm>>
    %dma_start3A_13 = tpu.memref_squeeze %dma_start3A_12 : memref<1x10000xi32, #tpu.memory_space<hbm>> -> memref<10000xi32, #tpu.memory_space<hbm>>
    tpu.enqueue_dma source(%dma_start3A_13 : memref<10000xi32, #tpu.memory_space<hbm>>) target(%arg6 : memref<10000xi32, #tpu.memory_space<vmem>>) target_semaphore(%arg12 : memref<!tpu.dma_semaphore, #tpu.memory_space<semaphore_mem>>)
    %lt3A = arith.constant 10 : i32
    %lt3A_14 = arith.cmpi slt, %arg1, %lt3A : i32
    %convert_element_type3A = arith.extui %lt3A_14 : i1 to i32
    %cond3A = arith.constant 0 : i32
    %cond3A_15 = arith.cmpi ne, %convert_element_type3A, %cond3A : i32
    scf.if %cond3A_15 {
      %mul3A_311 = arith.constant 1000 : i32
      %mul3A_312 = arith.muli %arg1, %mul3A_311 : i32
      %mul3A_313 = arith.constant 1000 : i32
      %mul3A_314 = arith.muli %arg1, %mul3A_313 : i32
      "tpu.region"() ({
        %run_scoped3A = tpu.sem_alloc : memref<!tpu.dma_semaphore, #tpu.memory_space<semaphore_mem>>
        %dma_start3A_315 = arith.constant 0 : i32
        %dma_start3A_316 = tpu.memref_slice %arg14[%mul3A_314, %dma_start3A_315] : memref<10000x16xf32, #tpu.memory_space<vmem_shared>> -> memref<1000x16xf32, #tpu.memory_space<vmem_shared>>
        %dma_start3A_317 = arith.constant 0 : i32
        %dma_start3A_318 = tpu.memref_slice %arg2[%mul3A_312, %dma_start3A_317] : memref<10000x16xf32, #tpu.memory_space<hbm>> -> memref<1000x16xf32, #tpu.memory_space<hbm>>
        tpu.enqueue_dma source(%dma_start3A_318 : memref<1000x16xf32, #tpu.memory_space<hbm>>) target(%dma_start3A_316 : memref<1000x16xf32, #tpu.memory_space<vmem_shared>>) target_semaphore(%run_scoped3A : memref<!tpu.dma_semaphore, #tpu.memory_space<semaphore_mem>>)
        %dma_wait3A_319 = arith.constant 0 : i32
        %dma_wait3A_320 = tpu.memref_slice %arg14[%mul3A_314, %dma_wait3A_319] : memref<10000x16xf32, #tpu.memory_space<vmem_shared>> -> memref<1000x16xf32, #tpu.memory_space<vmem_shared>>
        %dma_wait3A_321 = arith.constant 0 : i32
        %dma_wait3A_322 = tpu.memref_slice %arg2[%mul3A_312, %dma_wait3A_321] : memref<10000x16xf32, #tpu.memory_space<hbm>> -> memref<1000x16xf32, #tpu.memory_space<hbm>>
        tpu.wait_dma2 semaphore(%run_scoped3A : memref<!tpu.dma_semaphore, #tpu.memory_space<semaphore_mem>>) src(%dma_wait3A_322 : memref<1000x16xf32, #tpu.memory_space<hbm>>) dst(%dma_wait3A_320 : memref<1000x16xf32, #tpu.memory_space<vmem_shared>>)
        tpu.yield
      }) : () -> ()
    } else {
    }
    %dma_wait3A = arith.constant 0 : i32
    %dma_wait3A_16 = tpu.memref_slice %arg3[%dma_wait3A, %mul3A_2] : memref<2x320000xi32, #tpu.memory_space<hbm>> -> memref<1x10000xi32, #tpu.memory_space<hbm>>
    %dma_wait3A_17 = tpu.memref_squeeze %dma_wait3A_16 : memref<1x10000xi32, #tpu.memory_space<hbm>> -> memref<10000xi32, #tpu.memory_space<hbm>>
    %dma_wait3A_18 = tpu.memref_slice %arg3[%dma_wait3A, %mul3A_2] : memref<2x320000xi32, #tpu.memory_space<hbm>> -> memref<1x10000xi32, #tpu.memory_space<hbm>>
    %dma_wait3A_19 = tpu.memref_squeeze %dma_wait3A_18 : memref<1x10000xi32, #tpu.memory_space<hbm>> -> memref<10000xi32, #tpu.memory_space<hbm>>
    tpu.wait_dma2 semaphore(%arg11 : memref<!tpu.dma_semaphore, #tpu.memory_space<semaphore_mem>>) src(%dma_wait3A_19 : memref<10000xi32, #tpu.memory_space<hbm>>) dst(%arg5 : memref<10000xi32, #tpu.memory_space<vmem>>)
    %dma_start3A_20 = arith.constant 0 : i32
    %dma_start3A_21 = arith.constant 0 : i32
    %dma_start3A_22 = arith.constant 0 : i32
    %dma_start3A_23 = tpu.memref_slice %arg7[%dma_start3A_20, %dma_start3A_21, %dma_start3A_22] : memref<3x2000x16xf32, #tpu.memory_space<vmem>> -> memref<1x2000x16xf32, #tpu.memory_space<vmem>>
    %dma_start3A_24 = tpu.memref_squeeze %dma_start3A_23 : memref<1x2000x16xf32, #tpu.memory_space<vmem>> -> memref<2000x16xf32, #tpu.memory_space<vmem>>
    %dma_start3A_25 = arith.constant 0 : i32
    %dma_start3A_26 = tpu.memref_slice %arg5[%dma_start3A_25] : memref<10000xi32, #tpu.memory_space<vmem>> -> memref<2000xi32, #tpu.memory_space<vmem>>
    %dma_start3A_27 = arith.constant 0 : i32
    %dma_start3A_28 = arith.constant 0 : i32
    %dma_start3A_29 = tpu.memref_slice %arg2[%dma_start3A_27, %dma_start3A_28] : memref<10000x16xf32, #tpu.memory_space<hbm>> -> memref<10000x16xf32, #tpu.memory_space<hbm>>
    tpu.enqueue_indirect_dma source(%dma_start3A_29 : memref<10000x16xf32, #tpu.memory_space<hbm>>) target(%dma_start3A_24 : memref<2000x16xf32, #tpu.memory_space<vmem>>) offsets(%dma_start3A_26 : memref<2000xi32, #tpu.memory_space<vmem>>) semaphore(%arg8 : memref<!tpu.dma_semaphore, #tpu.memory_space<semaphore_mem>>)
    %dma_start3A_30 = arith.constant 1 : i32
    %dma_start3A_31 = arith.constant 0 : i32
    %dma_start3A_32 = arith.constant 0 : i32
    %dma_start3A_33 = tpu.memref_slice %arg7[%dma_start3A_30, %dma_start3A_31, %dma_start3A_32] : memref<3x2000x16xf32, #tpu.memory_space<vmem>> -> memref<1x2000x16xf32, #tpu.memory_space<vmem>>
    %dma_start3A_34 = tpu.memref_squeeze %dma_start3A_33 : memref<1x2000x16xf32, #tpu.memory_space<vmem>> -> memref<2000x16xf32, #tpu.memory_space<vmem>>
    %dma_start3A_35 = arith.constant 2000 : i32
    %dma_start3A_36 = tpu.memref_slice %arg5[%dma_start3A_35] : memref<10000xi32, #tpu.memory_space<vmem>> -> memref<2000xi32, #tpu.memory_space<vmem>>
    %dma_start3A_37 = arith.constant 0 : i32
    %dma_start3A_38 = arith.constant 0 : i32
    %dma_start3A_39 = tpu.memref_slice %arg2[%dma_start3A_37, %dma_start3A_38] : memref<10000x16xf32, #tpu.memory_space<hbm>> -> memref<10000x16xf32, #tpu.memory_space<hbm>>
    tpu.enqueue_indirect_dma source(%dma_start3A_39 : memref<10000x16xf32, #tpu.memory_space<hbm>>) target(%dma_start3A_34 : memref<2000x16xf32, #tpu.memory_space<vmem>>) offsets(%dma_start3A_36 : memref<2000xi32, #tpu.memory_space<vmem>>) semaphore(%arg9 : memref<!tpu.dma_semaphore, #tpu.memory_space<semaphore_mem>>)
    %dma_wait3A_40 = arith.constant 1 : i32
    %dma_wait3A_41 = tpu.memref_slice %arg3[%dma_wait3A_40, %mul3A_8] : memref<2x320000xi32, #tpu.memory_space<hbm>> -> memref<1x10000xi32, #tpu.memory_space<hbm>>
    %dma_wait3A_42 = tpu.memref_squeeze %dma_wait3A_41 : memref<1x10000xi32, #tpu.memory_space<hbm>> -> memref<10000xi32, #tpu.memory_space<hbm>>
    %dma_wait3A_43 = tpu.memref_slice %arg3[%dma_wait3A_40, %mul3A_8] : memref<2x320000xi32, #tpu.memory_space<hbm>> -> memref<1x10000xi32, #tpu.memory_space<hbm>>
    %dma_wait3A_44 = tpu.memref_squeeze %dma_wait3A_43 : memref<1x10000xi32, #tpu.memory_space<hbm>> -> memref<10000xi32, #tpu.memory_space<hbm>>
    tpu.wait_dma2 semaphore(%arg12 : memref<!tpu.dma_semaphore, #tpu.memory_space<semaphore_mem>>) src(%dma_wait3A_44 : memref<10000xi32, #tpu.memory_space<hbm>>) dst(%arg6 : memref<10000xi32, #tpu.memory_space<vmem>>)
    %barrier3A = arith.constant 0 : index
    tpu.barrier barrier_id(%barrier3A)
    %dma_wait3A_45 = arith.constant 0 : i32
    %dma_wait3A_46 = arith.constant 0 : i32
    %dma_wait3A_47 = arith.constant 0 : i32
    %dma_wait3A_48 = tpu.memref_slice %arg7[%dma_wait3A_45, %dma_wait3A_46, %dma_wait3A_47] : memref<3x2000x16xf32, #tpu.memory_space<vmem>> -> memref<1x2000x16xf32, #tpu.memory_space<vmem>>
    %dma_wait3A_49 = tpu.memref_squeeze %dma_wait3A_48 : memref<1x2000x16xf32, #tpu.memory_space<vmem>> -> memref<2000x16xf32, #tpu.memory_space<vmem>>
    %dma_wait3A_50 = arith.constant 0 : i32
    %dma_wait3A_51 = tpu.memref_slice %arg5[%dma_wait3A_50] : memref<10000xi32, #tpu.memory_space<vmem>> -> memref<2000xi32, #tpu.memory_space<vmem>>
    %dma_wait3A_52 = arith.constant 0 : i32
    %dma_wait3A_53 = arith.constant 0 : i32
    %dma_wait3A_54 = tpu.memref_slice %arg2[%dma_wait3A_52, %dma_wait3A_53] : memref<10000x16xf32, #tpu.memory_space<hbm>> -> memref<10000x16xf32, #tpu.memory_space<hbm>>
    tpu.wait_indirect_dma semaphore(%arg8 : memref<!tpu.dma_semaphore, #tpu.memory_space<semaphore_mem>>) src(%dma_wait3A_54 : memref<10000x16xf32, #tpu.memory_space<hbm>>) dst(%dma_wait3A_49 : memref<2000x16xf32, #tpu.memory_space<vmem>>)
    %dma_start3A_55 = arith.constant 2 : i32
    %dma_start3A_56 = arith.constant 0 : i32
    %dma_start3A_57 = arith.constant 0 : i32
    %dma_start3A_58 = tpu.memref_slice %arg7[%dma_start3A_55, %dma_start3A_56, %dma_start3A_57] : memref<3x2000x16xf32, #tpu.memory_space<vmem>> -> memref<1x2000x16xf32, #tpu.memory_space<vmem>>
    %dma_start3A_59 = tpu.memref_squeeze %dma_start3A_58 : memref<1x2000x16xf32, #tpu.memory_space<vmem>> -> memref<2000x16xf32, #tpu.memory_space<vmem>>
    %dma_start3A_60 = arith.constant 4000 : i32
    %dma_start3A_61 = tpu.memref_slice %arg5[%dma_start3A_60] : memref<10000xi32, #tpu.memory_space<vmem>> -> memref<2000xi32, #tpu.memory_space<vmem>>
    %dma_start3A_62 = arith.constant 0 : i32
    %dma_start3A_63 = arith.constant 0 : i32
    %dma_start3A_64 = tpu.memref_slice %arg2[%dma_start3A_62, %dma_start3A_63] : memref<10000x16xf32, #tpu.memory_space<hbm>> -> memref<10000x16xf32, #tpu.memory_space<hbm>>
    tpu.enqueue_indirect_dma source(%dma_start3A_64 : memref<10000x16xf32, #tpu.memory_space<hbm>>) target(%dma_start3A_59 : memref<2000x16xf32, #tpu.memory_space<vmem>>) offsets(%dma_start3A_61 : memref<2000xi32, #tpu.memory_space<vmem>>) semaphore(%arg10 : memref<!tpu.dma_semaphore, #tpu.memory_space<semaphore_mem>>)
    %dma_start3A_65 = arith.constant 0 : i32
    %dma_start3A_66 = arith.constant 0 : i32
    %dma_start3A_67 = arith.constant 0 : i32
    %dma_start3A_68 = tpu.memref_slice %arg7[%dma_start3A_65, %dma_start3A_66, %dma_start3A_67] : memref<3x2000x16xf32, #tpu.memory_space<vmem>> -> memref<1x1000x16xf32, #tpu.memory_space<vmem>>
    %dma_start3A_69 = tpu.memref_squeeze %dma_start3A_68 : memref<1x1000x16xf32, #tpu.memory_space<vmem>> -> memref<1000x16xf32, #tpu.memory_space<vmem>>
    %dma_start3A_70 = arith.constant 0 : i32
    %dma_start3A_71 = tpu.memref_slice %arg6[%dma_start3A_70] : memref<10000xi32, #tpu.memory_space<vmem>> -> memref<1000xi32, #tpu.memory_space<vmem>>
    %dma_start3A_72 = arith.constant 0 : i32
    %dma_start3A_73 = arith.constant 0 : i32
    %dma_start3A_74 = tpu.memref_slice %arg14[%dma_start3A_72, %dma_start3A_73] : memref<10000x16xf32, #tpu.memory_space<vmem_shared>> -> memref<10000x16xf32, #tpu.memory_space<vmem_shared>>
    tpu.enqueue_indirect_dma source(%dma_start3A_69 : memref<1000x16xf32, #tpu.memory_space<vmem>>) target(%dma_start3A_74 : memref<10000x16xf32, #tpu.memory_space<vmem_shared>>) offsets(%dma_start3A_71 : memref<1000xi32, #tpu.memory_space<vmem>>) semaphore(%arg11 : memref<!tpu.dma_semaphore, #tpu.memory_space<semaphore_mem>>) {add = true}
    %dma_start3A_75 = arith.constant 0 : i32
    %dma_start3A_76 = arith.constant 1000 : i32
    %dma_start3A_77 = arith.constant 0 : i32
    %dma_start3A_78 = tpu.memref_slice %arg7[%dma_start3A_75, %dma_start3A_76, %dma_start3A_77] : memref<3x2000x16xf32, #tpu.memory_space<vmem>> -> memref<1x1000x16xf32, #tpu.memory_space<vmem>>
    %dma_start3A_79 = tpu.memref_squeeze %dma_start3A_78 : memref<1x1000x16xf32, #tpu.memory_space<vmem>> -> memref<1000x16xf32, #tpu.memory_space<vmem>>
    %dma_start3A_80 = arith.constant 1000 : i32
    %dma_start3A_81 = tpu.memref_slice %arg6[%dma_start3A_80] : memref<10000xi32, #tpu.memory_space<vmem>> -> memref<1000xi32, #tpu.memory_space<vmem>>
    %dma_start3A_82 = arith.constant 0 : i32
    %dma_start3A_83 = arith.constant 0 : i32
    %dma_start3A_84 = tpu.memref_slice %arg14[%dma_start3A_82, %dma_start3A_83] : memref<10000x16xf32, #tpu.memory_space<vmem_shared>> -> memref<10000x16xf32, #tpu.memory_space<vmem_shared>>
    tpu.enqueue_indirect_dma source(%dma_start3A_79 : memref<1000x16xf32, #tpu.memory_space<vmem>>) target(%dma_start3A_84 : memref<10000x16xf32, #tpu.memory_space<vmem_shared>>) offsets(%dma_start3A_81 : memref<1000xi32, #tpu.memory_space<vmem>>) semaphore(%arg11 : memref<!tpu.dma_semaphore, #tpu.memory_space<semaphore_mem>>) {add = true}
    %dma_wait3A_85 = arith.constant 1 : i32
    %dma_wait3A_86 = arith.constant 0 : i32
    %dma_wait3A_87 = arith.constant 0 : i32
    %dma_wait3A_88 = tpu.memref_slice %arg7[%dma_wait3A_85, %dma_wait3A_86, %dma_wait3A_87] : memref<3x2000x16xf32, #tpu.memory_space<vmem>> -> memref<1x2000x16xf32, #tpu.memory_space<vmem>>
    %dma_wait3A_89 = tpu.memref_squeeze %dma_wait3A_88 : memref<1x2000x16xf32, #tpu.memory_space<vmem>> -> memref<2000x16xf32, #tpu.memory_space<vmem>>
    %dma_wait3A_90 = arith.constant 2000 : i32
    %dma_wait3A_91 = tpu.memref_slice %arg5[%dma_wait3A_90] : memref<10000xi32, #tpu.memory_space<vmem>> -> memref<2000xi32, #tpu.memory_space<vmem>>
    %dma_wait3A_92 = arith.constant 0 : i32
    %dma_wait3A_93 = arith.constant 0 : i32
    %dma_wait3A_94 = tpu.memref_slice %arg2[%dma_wait3A_92, %dma_wait3A_93] : memref<10000x16xf32, #tpu.memory_space<hbm>> -> memref<10000x16xf32, #tpu.memory_space<hbm>>
    tpu.wait_indirect_dma semaphore(%arg9 : memref<!tpu.dma_semaphore, #tpu.memory_space<semaphore_mem>>) src(%dma_wait3A_94 : memref<10000x16xf32, #tpu.memory_space<hbm>>) dst(%dma_wait3A_89 : memref<2000x16xf32, #tpu.memory_space<vmem>>)
    %dma_wait3A_95 = arith.constant 0 : i32
    %dma_wait3A_96 = arith.constant 0 : i32
    %dma_wait3A_97 = arith.constant 0 : i32
    %dma_wait3A_98 = tpu.memref_slice %arg7[%dma_wait3A_95, %dma_wait3A_96, %dma_wait3A_97] : memref<3x2000x16xf32, #tpu.memory_space<vmem>> -> memref<1x1000x16xf32, #tpu.memory_space<vmem>>
    %dma_wait3A_99 = tpu.memref_squeeze %dma_wait3A_98 : memref<1x1000x16xf32, #tpu.memory_space<vmem>> -> memref<1000x16xf32, #tpu.memory_space<vmem>>
    %dma_wait3A_100 = arith.constant 0 : i32
    %dma_wait3A_101 = tpu.memref_slice %arg6[%dma_wait3A_100] : memref<10000xi32, #tpu.memory_space<vmem>> -> memref<1000xi32, #tpu.memory_space<vmem>>
    %dma_wait3A_102 = arith.constant 0 : i32
    %dma_wait3A_103 = arith.constant 0 : i32
    %dma_wait3A_104 = tpu.memref_slice %arg14[%dma_wait3A_102, %dma_wait3A_103] : memref<10000x16xf32, #tpu.memory_space<vmem_shared>> -> memref<10000x16xf32, #tpu.memory_space<vmem_shared>>
    tpu.wait_indirect_dma semaphore(%arg11 : memref<!tpu.dma_semaphore, #tpu.memory_space<semaphore_mem>>) src(%dma_wait3A_99 : memref<1000x16xf32, #tpu.memory_space<vmem>>) dst(%dma_wait3A_104 : memref<10000x16xf32, #tpu.memory_space<vmem_shared>>)
    %dma_wait3A_105 = arith.constant 0 : i32
    %dma_wait3A_106 = arith.constant 1000 : i32
    %dma_wait3A_107 = arith.constant 0 : i32
    %dma_wait3A_108 = tpu.memref_slice %arg7[%dma_wait3A_105, %dma_wait3A_106, %dma_wait3A_107] : memref<3x2000x16xf32, #tpu.memory_space<vmem>> -> memref<1x1000x16xf32, #tpu.memory_space<vmem>>
    %dma_wait3A_109 = tpu.memref_squeeze %dma_wait3A_108 : memref<1x1000x16xf32, #tpu.memory_space<vmem>> -> memref<1000x16xf32, #tpu.memory_space<vmem>>
    %dma_wait3A_110 = arith.constant 1000 : i32
    %dma_wait3A_111 = tpu.memref_slice %arg6[%dma_wait3A_110] : memref<10000xi32, #tpu.memory_space<vmem>> -> memref<1000xi32, #tpu.memory_space<vmem>>
    %dma_wait3A_112 = arith.constant 0 : i32
    %dma_wait3A_113 = arith.constant 0 : i32
    %dma_wait3A_114 = tpu.memref_slice %arg14[%dma_wait3A_112, %dma_wait3A_113] : memref<10000x16xf32, #tpu.memory_space<vmem_shared>> -> memref<10000x16xf32, #tpu.memory_space<vmem_shared>>
    tpu.wait_indirect_dma semaphore(%arg11 : memref<!tpu.dma_semaphore, #tpu.memory_space<semaphore_mem>>) src(%dma_wait3A_109 : memref<1000x16xf32, #tpu.memory_space<vmem>>) dst(%dma_wait3A_114 : memref<10000x16xf32, #tpu.memory_space<vmem_shared>>)
    %dma_start3A_115 = arith.constant 0 : i32
    %dma_start3A_116 = arith.constant 0 : i32
    %dma_start3A_117 = arith.constant 0 : i32
    %dma_start3A_118 = tpu.memref_slice %arg7[%dma_start3A_115, %dma_start3A_116, %dma_start3A_117] : memref<3x2000x16xf32, #tpu.memory_space<vmem>> -> memref<1x2000x16xf32, #tpu.memory_space<vmem>>
    %dma_start3A_119 = tpu.memref_squeeze %dma_start3A_118 : memref<1x2000x16xf32, #tpu.memory_space<vmem>> -> memref<2000x16xf32, #tpu.memory_space<vmem>>
    %dma_start3A_120 = arith.constant 6000 : i32
    %dma_start3A_121 = tpu.memref_slice %arg5[%dma_start3A_120] : memref<10000xi32, #tpu.memory_space<vmem>> -> memref<2000xi32, #tpu.memory_space<vmem>>
    %dma_start3A_122 = arith.constant 0 : i32
    %dma_start3A_123 = arith.constant 0 : i32
    %dma_start3A_124 = tpu.memref_slice %arg2[%dma_start3A_122, %dma_start3A_123] : memref<10000x16xf32, #tpu.memory_space<hbm>> -> memref<10000x16xf32, #tpu.memory_space<hbm>>
    tpu.enqueue_indirect_dma source(%dma_start3A_124 : memref<10000x16xf32, #tpu.memory_space<hbm>>) target(%dma_start3A_119 : memref<2000x16xf32, #tpu.memory_space<vmem>>) offsets(%dma_start3A_121 : memref<2000xi32, #tpu.memory_space<vmem>>) semaphore(%arg8 : memref<!tpu.dma_semaphore, #tpu.memory_space<semaphore_mem>>)
    %dma_start3A_125 = arith.constant 1 : i32
    %dma_start3A_126 = arith.constant 0 : i32
    %dma_start3A_127 = arith.constant 0 : i32
    %dma_start3A_128 = tpu.memref_slice %arg7[%dma_start3A_125, %dma_start3A_126, %dma_start3A_127] : memref<3x2000x16xf32, #tpu.memory_space<vmem>> -> memref<1x1000x16xf32, #tpu.memory_space<vmem>>
    %dma_start3A_129 = tpu.memref_squeeze %dma_start3A_128 : memref<1x1000x16xf32, #tpu.memory_space<vmem>> -> memref<1000x16xf32, #tpu.memory_space<vmem>>
    %dma_start3A_130 = arith.constant 2000 : i32
    %dma_start3A_131 = tpu.memref_slice %arg6[%dma_start3A_130] : memref<10000xi32, #tpu.memory_space<vmem>> -> memref<1000xi32, #tpu.memory_space<vmem>>
    %dma_start3A_132 = arith.constant 0 : i32
    %dma_start3A_133 = arith.constant 0 : i32
    %dma_start3A_134 = tpu.memref_slice %arg14[%dma_start3A_132, %dma_start3A_133] : memref<10000x16xf32, #tpu.memory_space<vmem_shared>> -> memref<10000x16xf32, #tpu.memory_space<vmem_shared>>
    tpu.enqueue_indirect_dma source(%dma_start3A_129 : memref<1000x16xf32, #tpu.memory_space<vmem>>) target(%dma_start3A_134 : memref<10000x16xf32, #tpu.memory_space<vmem_shared>>) offsets(%dma_start3A_131 : memref<1000xi32, #tpu.memory_space<vmem>>) semaphore(%arg12 : memref<!tpu.dma_semaphore, #tpu.memory_space<semaphore_mem>>) {add = true}
    %dma_start3A_135 = arith.constant 1 : i32
    %dma_start3A_136 = arith.constant 1000 : i32
    %dma_start3A_137 = arith.constant 0 : i32
    %dma_start3A_138 = tpu.memref_slice %arg7[%dma_start3A_135, %dma_start3A_136, %dma_start3A_137] : memref<3x2000x16xf32, #tpu.memory_space<vmem>> -> memref<1x1000x16xf32, #tpu.memory_space<vmem>>
    %dma_start3A_139 = tpu.memref_squeeze %dma_start3A_138 : memref<1x1000x16xf32, #tpu.memory_space<vmem>> -> memref<1000x16xf32, #tpu.memory_space<vmem>>
    %dma_start3A_140 = arith.constant 3000 : i32
    %dma_start3A_141 = tpu.memref_slice %arg6[%dma_start3A_140] : memref<10000xi32, #tpu.memory_space<vmem>> -> memref<1000xi32, #tpu.memory_space<vmem>>
    %dma_start3A_142 = arith.constant 0 : i32
    %dma_start3A_143 = arith.constant 0 : i32
    %dma_start3A_144 = tpu.memref_slice %arg14[%dma_start3A_142, %dma_start3A_143] : memref<10000x16xf32, #tpu.memory_space<vmem_shared>> -> memref<10000x16xf32, #tpu.memory_space<vmem_shared>>
    tpu.enqueue_indirect_dma source(%dma_start3A_139 : memref<1000x16xf32, #tpu.memory_space<vmem>>) target(%dma_start3A_144 : memref<10000x16xf32, #tpu.memory_space<vmem_shared>>) offsets(%dma_start3A_141 : memref<1000xi32, #tpu.memory_space<vmem>>) semaphore(%arg12 : memref<!tpu.dma_semaphore, #tpu.memory_space<semaphore_mem>>) {add = true}
    %dma_wait3A_145 = arith.constant 2 : i32
    %dma_wait3A_146 = arith.constant 0 : i32
    %dma_wait3A_147 = arith.constant 0 : i32
    %dma_wait3A_148 = tpu.memref_slice %arg7[%dma_wait3A_145, %dma_wait3A_146, %dma_wait3A_147] : memref<3x2000x16xf32, #tpu.memory_space<vmem>> -> memref<1x2000x16xf32, #tpu.memory_space<vmem>>
    %dma_wait3A_149 = tpu.memref_squeeze %dma_wait3A_148 : memref<1x2000x16xf32, #tpu.memory_space<vmem>> -> memref<2000x16xf32, #tpu.memory_space<vmem>>
    %dma_wait3A_150 = arith.constant 4000 : i32
    %dma_wait3A_151 = tpu.memref_slice %arg5[%dma_wait3A_150] : memref<10000xi32, #tpu.memory_space<vmem>> -> memref<2000xi32, #tpu.memory_space<vmem>>
    %dma_wait3A_152 = arith.constant 0 : i32
    %dma_wait3A_153 = arith.constant 0 : i32
    %dma_wait3A_154 = tpu.memref_slice %arg2[%dma_wait3A_152, %dma_wait3A_153] : memref<10000x16xf32, #tpu.memory_space<hbm>> -> memref<10000x16xf32, #tpu.memory_space<hbm>>
    tpu.wait_indirect_dma semaphore(%arg10 : memref<!tpu.dma_semaphore, #tpu.memory_space<semaphore_mem>>) src(%dma_wait3A_154 : memref<10000x16xf32, #tpu.memory_space<hbm>>) dst(%dma_wait3A_149 : memref<2000x16xf32, #tpu.memory_space<vmem>>)
    %dma_wait3A_155 = arith.constant 1 : i32
    %dma_wait3A_156 = arith.constant 0 : i32
    %dma_wait3A_157 = arith.constant 0 : i32
    %dma_wait3A_158 = tpu.memref_slice %arg7[%dma_wait3A_155, %dma_wait3A_156, %dma_wait3A_157] : memref<3x2000x16xf32, #tpu.memory_space<vmem>> -> memref<1x1000x16xf32, #tpu.memory_space<vmem>>
    %dma_wait3A_159 = tpu.memref_squeeze %dma_wait3A_158 : memref<1x1000x16xf32, #tpu.memory_space<vmem>> -> memref<1000x16xf32, #tpu.memory_space<vmem>>
    %dma_wait3A_160 = arith.constant 2000 : i32
    %dma_wait3A_161 = tpu.memref_slice %arg6[%dma_wait3A_160] : memref<10000xi32, #tpu.memory_space<vmem>> -> memref<1000xi32, #tpu.memory_space<vmem>>
    %dma_wait3A_162 = arith.constant 0 : i32
    %dma_wait3A_163 = arith.constant 0 : i32
    %dma_wait3A_164 = tpu.memref_slice %arg14[%dma_wait3A_162, %dma_wait3A_163] : memref<10000x16xf32, #tpu.memory_space<vmem_shared>> -> memref<10000x16xf32, #tpu.memory_space<vmem_shared>>
    tpu.wait_indirect_dma semaphore(%arg12 : memref<!tpu.dma_semaphore, #tpu.memory_space<semaphore_mem>>) src(%dma_wait3A_159 : memref<1000x16xf32, #tpu.memory_space<vmem>>) dst(%dma_wait3A_164 : memref<10000x16xf32, #tpu.memory_space<vmem_shared>>)
    %dma_wait3A_165 = arith.constant 1 : i32
    %dma_wait3A_166 = arith.constant 1000 : i32
    %dma_wait3A_167 = arith.constant 0 : i32
    %dma_wait3A_168 = tpu.memref_slice %arg7[%dma_wait3A_165, %dma_wait3A_166, %dma_wait3A_167] : memref<3x2000x16xf32, #tpu.memory_space<vmem>> -> memref<1x1000x16xf32, #tpu.memory_space<vmem>>
    %dma_wait3A_169 = tpu.memref_squeeze %dma_wait3A_168 : memref<1x1000x16xf32, #tpu.memory_space<vmem>> -> memref<1000x16xf32, #tpu.memory_space<vmem>>
    %dma_wait3A_170 = arith.constant 3000 : i32
    %dma_wait3A_171 = tpu.memref_slice %arg6[%dma_wait3A_170] : memref<10000xi32, #tpu.memory_space<vmem>> -> memref<1000xi32, #tpu.memory_space<vmem>>
    %dma_wait3A_172 = arith.constant 0 : i32
    %dma_wait3A_173 = arith.constant 0 : i32
    %dma_wait3A_174 = tpu.memref_slice %arg14[%dma_wait3A_172, %dma_wait3A_173] : memref<10000x16xf32, #tpu.memory_space<vmem_shared>> -> memref<10000x16xf32, #tpu.memory_space<vmem_shared>>
    tpu.wait_indirect_dma semaphore(%arg12 : memref<!tpu.dma_semaphore, #tpu.memory_space<semaphore_mem>>) src(%dma_wait3A_169 : memref<1000x16xf32, #tpu.memory_space<vmem>>) dst(%dma_wait3A_174 : memref<10000x16xf32, #tpu.memory_space<vmem_shared>>)
    %dma_start3A_175 = arith.constant 1 : i32
    %dma_start3A_176 = arith.constant 0 : i32
    %dma_start3A_177 = arith.constant 0 : i32
    %dma_start3A_178 = tpu.memref_slice %arg7[%dma_start3A_175, %dma_start3A_176, %dma_start3A_177] : memref<3x2000x16xf32, #tpu.memory_space<vmem>> -> memref<1x2000x16xf32, #tpu.memory_space<vmem>>
    %dma_start3A_179 = tpu.memref_squeeze %dma_start3A_178 : memref<1x2000x16xf32, #tpu.memory_space<vmem>> -> memref<2000x16xf32, #tpu.memory_space<vmem>>
    %dma_start3A_180 = arith.constant 8000 : i32
    %dma_start3A_181 = tpu.memref_slice %arg5[%dma_start3A_180] : memref<10000xi32, #tpu.memory_space<vmem>> -> memref<2000xi32, #tpu.memory_space<vmem>>
    %dma_start3A_182 = arith.constant 0 : i32
    %dma_start3A_183 = arith.constant 0 : i32
    %dma_start3A_184 = tpu.memref_slice %arg2[%dma_start3A_182, %dma_start3A_183] : memref<10000x16xf32, #tpu.memory_space<hbm>> -> memref<10000x16xf32, #tpu.memory_space<hbm>>
    tpu.enqueue_indirect_dma source(%dma_start3A_184 : memref<10000x16xf32, #tpu.memory_space<hbm>>) target(%dma_start3A_179 : memref<2000x16xf32, #tpu.memory_space<vmem>>) offsets(%dma_start3A_181 : memref<2000xi32, #tpu.memory_space<vmem>>) semaphore(%arg9 : memref<!tpu.dma_semaphore, #tpu.memory_space<semaphore_mem>>)
    %dma_start3A_185 = arith.constant 2 : i32
    %dma_start3A_186 = arith.constant 0 : i32
    %dma_start3A_187 = arith.constant 0 : i32
    %dma_start3A_188 = tpu.memref_slice %arg7[%dma_start3A_185, %dma_start3A_186, %dma_start3A_187] : memref<3x2000x16xf32, #tpu.memory_space<vmem>> -> memref<1x1000x16xf32, #tpu.memory_space<vmem>>
    %dma_start3A_189 = tpu.memref_squeeze %dma_start3A_188 : memref<1x1000x16xf32, #tpu.memory_space<vmem>> -> memref<1000x16xf32, #tpu.memory_space<vmem>>
    %dma_start3A_190 = arith.constant 4000 : i32
    %dma_start3A_191 = tpu.memref_slice %arg6[%dma_start3A_190] : memref<10000xi32, #tpu.memory_space<vmem>> -> memref<1000xi32, #tpu.memory_space<vmem>>
    %dma_start3A_192 = arith.constant 0 : i32
    %dma_start3A_193 = arith.constant 0 : i32
    %dma_start3A_194 = tpu.memref_slice %arg14[%dma_start3A_192, %dma_start3A_193] : memref<10000x16xf32, #tpu.memory_space<vmem_shared>> -> memref<10000x16xf32, #tpu.memory_space<vmem_shared>>
    tpu.enqueue_indirect_dma source(%dma_start3A_189 : memref<1000x16xf32, #tpu.memory_space<vmem>>) target(%dma_start3A_194 : memref<10000x16xf32, #tpu.memory_space<vmem_shared>>) offsets(%dma_start3A_191 : memref<1000xi32, #tpu.memory_space<vmem>>) semaphore(%arg13 : memref<!tpu.dma_semaphore, #tpu.memory_space<semaphore_mem>>) {add = true}
    %dma_start3A_195 = arith.constant 2 : i32
    %dma_start3A_196 = arith.constant 1000 : i32
    %dma_start3A_197 = arith.constant 0 : i32
    %dma_start3A_198 = tpu.memref_slice %arg7[%dma_start3A_195, %dma_start3A_196, %dma_start3A_197] : memref<3x2000x16xf32, #tpu.memory_space<vmem>> -> memref<1x1000x16xf32, #tpu.memory_space<vmem>>
    %dma_start3A_199 = tpu.memref_squeeze %dma_start3A_198 : memref<1x1000x16xf32, #tpu.memory_space<vmem>> -> memref<1000x16xf32, #tpu.memory_space<vmem>>
    %dma_start3A_200 = arith.constant 5000 : i32
    %dma_start3A_201 = tpu.memref_slice %arg6[%dma_start3A_200] : memref<10000xi32, #tpu.memory_space<vmem>> -> memref<1000xi32, #tpu.memory_space<vmem>>
    %dma_start3A_202 = arith.constant 0 : i32
    %dma_start3A_203 = arith.constant 0 : i32
    %dma_start3A_204 = tpu.memref_slice %arg14[%dma_start3A_202, %dma_start3A_203] : memref<10000x16xf32, #tpu.memory_space<vmem_shared>> -> memref<10000x16xf32, #tpu.memory_space<vmem_shared>>
    tpu.enqueue_indirect_dma source(%dma_start3A_199 : memref<1000x16xf32, #tpu.memory_space<vmem>>) target(%dma_start3A_204 : memref<10000x16xf32, #tpu.memory_space<vmem_shared>>) offsets(%dma_start3A_201 : memref<1000xi32, #tpu.memory_space<vmem>>) semaphore(%arg13 : memref<!tpu.dma_semaphore, #tpu.memory_space<semaphore_mem>>) {add = true}
    %dma_wait3A_205 = arith.constant 0 : i32
    %dma_wait3A_206 = arith.constant 0 : i32
    %dma_wait3A_207 = arith.constant 0 : i32
    %dma_wait3A_208 = tpu.memref_slice %arg7[%dma_wait3A_205, %dma_wait3A_206, %dma_wait3A_207] : memref<3x2000x16xf32, #tpu.memory_space<vmem>> -> memref<1x2000x16xf32, #tpu.memory_space<vmem>>
    %dma_wait3A_209 = tpu.memref_squeeze %dma_wait3A_208 : memref<1x2000x16xf32, #tpu.memory_space<vmem>> -> memref<2000x16xf32, #tpu.memory_space<vmem>>
    %dma_wait3A_210 = arith.constant 6000 : i32
    %dma_wait3A_211 = tpu.memref_slice %arg5[%dma_wait3A_210] : memref<10000xi32, #tpu.memory_space<vmem>> -> memref<2000xi32, #tpu.memory_space<vmem>>
    %dma_wait3A_212 = arith.constant 0 : i32
    %dma_wait3A_213 = arith.constant 0 : i32
    %dma_wait3A_214 = tpu.memref_slice %arg2[%dma_wait3A_212, %dma_wait3A_213] : memref<10000x16xf32, #tpu.memory_space<hbm>> -> memref<10000x16xf32, #tpu.memory_space<hbm>>
    tpu.wait_indirect_dma semaphore(%arg8 : memref<!tpu.dma_semaphore, #tpu.memory_space<semaphore_mem>>) src(%dma_wait3A_214 : memref<10000x16xf32, #tpu.memory_space<hbm>>) dst(%dma_wait3A_209 : memref<2000x16xf32, #tpu.memory_space<vmem>>)
    %dma_start3A_215 = arith.constant 0 : i32
    %dma_start3A_216 = arith.constant 0 : i32
    %dma_start3A_217 = arith.constant 0 : i32
    %dma_start3A_218 = tpu.memref_slice %arg7[%dma_start3A_215, %dma_start3A_216, %dma_start3A_217] : memref<3x2000x16xf32, #tpu.memory_space<vmem>> -> memref<1x1000x16xf32, #tpu.memory_space<vmem>>
    %dma_start3A_219 = tpu.memref_squeeze %dma_start3A_218 : memref<1x1000x16xf32, #tpu.memory_space<vmem>> -> memref<1000x16xf32, #tpu.memory_space<vmem>>
    %dma_start3A_220 = arith.constant 6000 : i32
    %dma_start3A_221 = tpu.memref_slice %arg6[%dma_start3A_220] : memref<10000xi32, #tpu.memory_space<vmem>> -> memref<1000xi32, #tpu.memory_space<vmem>>
    %dma_start3A_222 = arith.constant 0 : i32
    %dma_start3A_223 = arith.constant 0 : i32
    %dma_start3A_224 = tpu.memref_slice %arg14[%dma_start3A_222, %dma_start3A_223] : memref<10000x16xf32, #tpu.memory_space<vmem_shared>> -> memref<10000x16xf32, #tpu.memory_space<vmem_shared>>
    tpu.enqueue_indirect_dma source(%dma_start3A_219 : memref<1000x16xf32, #tpu.memory_space<vmem>>) target(%dma_start3A_224 : memref<10000x16xf32, #tpu.memory_space<vmem_shared>>) offsets(%dma_start3A_221 : memref<1000xi32, #tpu.memory_space<vmem>>) semaphore(%arg11 : memref<!tpu.dma_semaphore, #tpu.memory_space<semaphore_mem>>) {add = true}
    %dma_start3A_225 = arith.constant 0 : i32
    %dma_start3A_226 = arith.constant 1000 : i32
    %dma_start3A_227 = arith.constant 0 : i32
    %dma_start3A_228 = tpu.memref_slice %arg7[%dma_start3A_225, %dma_start3A_226, %dma_start3A_227] : memref<3x2000x16xf32, #tpu.memory_space<vmem>> -> memref<1x1000x16xf32, #tpu.memory_space<vmem>>
    %dma_start3A_229 = tpu.memref_squeeze %dma_start3A_228 : memref<1x1000x16xf32, #tpu.memory_space<vmem>> -> memref<1000x16xf32, #tpu.memory_space<vmem>>
    %dma_start3A_230 = arith.constant 7000 : i32
    %dma_start3A_231 = tpu.memref_slice %arg6[%dma_start3A_230] : memref<10000xi32, #tpu.memory_space<vmem>> -> memref<1000xi32, #tpu.memory_space<vmem>>
    %dma_start3A_232 = arith.constant 0 : i32
    %dma_start3A_233 = arith.constant 0 : i32
    %dma_start3A_234 = tpu.memref_slice %arg14[%dma_start3A_232, %dma_start3A_233] : memref<10000x16xf32, #tpu.memory_space<vmem_shared>> -> memref<10000x16xf32, #tpu.memory_space<vmem_shared>>
    tpu.enqueue_indirect_dma source(%dma_start3A_229 : memref<1000x16xf32, #tpu.memory_space<vmem>>) target(%dma_start3A_234 : memref<10000x16xf32, #tpu.memory_space<vmem_shared>>) offsets(%dma_start3A_231 : memref<1000xi32, #tpu.memory_space<vmem>>) semaphore(%arg11 : memref<!tpu.dma_semaphore, #tpu.memory_space<semaphore_mem>>) {add = true}
    %dma_wait3A_235 = arith.constant 1 : i32
    %dma_wait3A_236 = arith.constant 0 : i32
    %dma_wait3A_237 = arith.constant 0 : i32
    %dma_wait3A_238 = tpu.memref_slice %arg7[%dma_wait3A_235, %dma_wait3A_236, %dma_wait3A_237] : memref<3x2000x16xf32, #tpu.memory_space<vmem>> -> memref<1x2000x16xf32, #tpu.memory_space<vmem>>
    %dma_wait3A_239 = tpu.memref_squeeze %dma_wait3A_238 : memref<1x2000x16xf32, #tpu.memory_space<vmem>> -> memref<2000x16xf32, #tpu.memory_space<vmem>>
    %dma_wait3A_240 = arith.constant 8000 : i32
    %dma_wait3A_241 = tpu.memref_slice %arg5[%dma_wait3A_240] : memref<10000xi32, #tpu.memory_space<vmem>> -> memref<2000xi32, #tpu.memory_space<vmem>>
    %dma_wait3A_242 = arith.constant 0 : i32
    %dma_wait3A_243 = arith.constant 0 : i32
    %dma_wait3A_244 = tpu.memref_slice %arg2[%dma_wait3A_242, %dma_wait3A_243] : memref<10000x16xf32, #tpu.memory_space<hbm>> -> memref<10000x16xf32, #tpu.memory_space<hbm>>
    tpu.wait_indirect_dma semaphore(%arg9 : memref<!tpu.dma_semaphore, #tpu.memory_space<semaphore_mem>>) src(%dma_wait3A_244 : memref<10000x16xf32, #tpu.memory_space<hbm>>) dst(%dma_wait3A_239 : memref<2000x16xf32, #tpu.memory_space<vmem>>)
    %dma_start3A_245 = arith.constant 1 : i32
    %dma_start3A_246 = arith.constant 0 : i32
    %dma_start3A_247 = arith.constant 0 : i32
    %dma_start3A_248 = tpu.memref_slice %arg7[%dma_start3A_245, %dma_start3A_246, %dma_start3A_247] : memref<3x2000x16xf32, #tpu.memory_space<vmem>> -> memref<1x1000x16xf32, #tpu.memory_space<vmem>>
    %dma_start3A_249 = tpu.memref_squeeze %dma_start3A_248 : memref<1x1000x16xf32, #tpu.memory_space<vmem>> -> memref<1000x16xf32, #tpu.memory_space<vmem>>
    %dma_start3A_250 = arith.constant 8000 : i32
    %dma_start3A_251 = tpu.memref_slice %arg6[%dma_start3A_250] : memref<10000xi32, #tpu.memory_space<vmem>> -> memref<1000xi32, #tpu.memory_space<vmem>>
    %dma_start3A_252 = arith.constant 0 : i32
    %dma_start3A_253 = arith.constant 0 : i32
    %dma_start3A_254 = tpu.memref_slice %arg14[%dma_start3A_252, %dma_start3A_253] : memref<10000x16xf32, #tpu.memory_space<vmem_shared>> -> memref<10000x16xf32, #tpu.memory_space<vmem_shared>>
    tpu.enqueue_indirect_dma source(%dma_start3A_249 : memref<1000x16xf32, #tpu.memory_space<vmem>>) target(%dma_start3A_254 : memref<10000x16xf32, #tpu.memory_space<vmem_shared>>) offsets(%dma_start3A_251 : memref<1000xi32, #tpu.memory_space<vmem>>) semaphore(%arg12 : memref<!tpu.dma_semaphore, #tpu.memory_space<semaphore_mem>>) {add = true}
    %dma_start3A_255 = arith.constant 1 : i32
    %dma_start3A_256 = arith.constant 1000 : i32
    %dma_start3A_257 = arith.constant 0 : i32
    %dma_start3A_258 = tpu.memref_slice %arg7[%dma_start3A_255, %dma_start3A_256, %dma_start3A_257] : memref<3x2000x16xf32, #tpu.memory_space<vmem>> -> memref<1x1000x16xf32, #tpu.memory_space<vmem>>
    %dma_start3A_259 = tpu.memref_squeeze %dma_start3A_258 : memref<1x1000x16xf32, #tpu.memory_space<vmem>> -> memref<1000x16xf32, #tpu.memory_space<vmem>>
    %dma_start3A_260 = arith.constant 9000 : i32
    %dma_start3A_261 = tpu.memref_slice %arg6[%dma_start3A_260] : memref<10000xi32, #tpu.memory_space<vmem>> -> memref<1000xi32, #tpu.memory_space<vmem>>
    %dma_start3A_262 = arith.constant 0 : i32
    %dma_start3A_263 = arith.constant 0 : i32
    %dma_start3A_264 = tpu.memref_slice %arg14[%dma_start3A_262, %dma_start3A_263] : memref<10000x16xf32, #tpu.memory_space<vmem_shared>> -> memref<10000x16xf32, #tpu.memory_space<vmem_shared>>
    tpu.enqueue_indirect_dma source(%dma_start3A_259 : memref<1000x16xf32, #tpu.memory_space<vmem>>) target(%dma_start3A_264 : memref<10000x16xf32, #tpu.memory_space<vmem_shared>>) offsets(%dma_start3A_261 : memref<1000xi32, #tpu.memory_space<vmem>>) semaphore(%arg12 : memref<!tpu.dma_semaphore, #tpu.memory_space<semaphore_mem>>) {add = true}
    %dma_wait3A_265 = arith.constant 0 : i32
    %dma_wait3A_266 = arith.constant 0 : i32
    %dma_wait3A_267 = arith.constant 0 : i32
    %dma_wait3A_268 = tpu.memref_slice %arg7[%dma_wait3A_265, %dma_wait3A_266, %dma_wait3A_267] : memref<3x2000x16xf32, #tpu.memory_space<vmem>> -> memref<1x1000x16xf32, #tpu.memory_space<vmem>>
    %dma_wait3A_269 = tpu.memref_squeeze %dma_wait3A_268 : memref<1x1000x16xf32, #tpu.memory_space<vmem>> -> memref<1000x16xf32, #tpu.memory_space<vmem>>
    %dma_wait3A_270 = arith.constant 6000 : i32
    %dma_wait3A_271 = tpu.memref_slice %arg6[%dma_wait3A_270] : memref<10000xi32, #tpu.memory_space<vmem>> -> memref<1000xi32, #tpu.memory_space<vmem>>
    %dma_wait3A_272 = arith.constant 0 : i32
    %dma_wait3A_273 = arith.constant 0 : i32
    %dma_wait3A_274 = tpu.memref_slice %arg14[%dma_wait3A_272, %dma_wait3A_273] : memref<10000x16xf32, #tpu.memory_space<vmem_shared>> -> memref<10000x16xf32, #tpu.memory_space<vmem_shared>>
    tpu.wait_indirect_dma semaphore(%arg11 : memref<!tpu.dma_semaphore, #tpu.memory_space<semaphore_mem>>) src(%dma_wait3A_269 : memref<1000x16xf32, #tpu.memory_space<vmem>>) dst(%dma_wait3A_274 : memref<10000x16xf32, #tpu.memory_space<vmem_shared>>)
    %dma_wait3A_275 = arith.constant 1 : i32
    %dma_wait3A_276 = arith.constant 0 : i32
    %dma_wait3A_277 = arith.constant 0 : i32
    %dma_wait3A_278 = tpu.memref_slice %arg7[%dma_wait3A_275, %dma_wait3A_276, %dma_wait3A_277] : memref<3x2000x16xf32, #tpu.memory_space<vmem>> -> memref<1x1000x16xf32, #tpu.memory_space<vmem>>
    %dma_wait3A_279 = tpu.memref_squeeze %dma_wait3A_278 : memref<1x1000x16xf32, #tpu.memory_space<vmem>> -> memref<1000x16xf32, #tpu.memory_space<vmem>>
    %dma_wait3A_280 = arith.constant 8000 : i32
    %dma_wait3A_281 = tpu.memref_slice %arg6[%dma_wait3A_280] : memref<10000xi32, #tpu.memory_space<vmem>> -> memref<1000xi32, #tpu.memory_space<vmem>>
    %dma_wait3A_282 = arith.constant 0 : i32
    %dma_wait3A_283 = arith.constant 0 : i32
    %dma_wait3A_284 = tpu.memref_slice %arg14[%dma_wait3A_282, %dma_wait3A_283] : memref<10000x16xf32, #tpu.memory_space<vmem_shared>> -> memref<10000x16xf32, #tpu.memory_space<vmem_shared>>
    tpu.wait_indirect_dma semaphore(%arg12 : memref<!tpu.dma_semaphore, #tpu.memory_space<semaphore_mem>>) src(%dma_wait3A_279 : memref<1000x16xf32, #tpu.memory_space<vmem>>) dst(%dma_wait3A_284 : memref<10000x16xf32, #tpu.memory_space<vmem_shared>>)
    %dma_wait3A_285 = arith.constant 0 : i32
    %dma_wait3A_286 = arith.constant 1000 : i32
    %dma_wait3A_287 = arith.constant 0 : i32
    %dma_wait3A_288 = tpu.memref_slice %arg7[%dma_wait3A_285, %dma_wait3A_286, %dma_wait3A_287] : memref<3x2000x16xf32, #tpu.memory_space<vmem>> -> memref<1x1000x16xf32, #tpu.memory_space<vmem>>
    %dma_wait3A_289 = tpu.memref_squeeze %dma_wait3A_288 : memref<1x1000x16xf32, #tpu.memory_space<vmem>> -> memref<1000x16xf32, #tpu.memory_space<vmem>>
    %dma_wait3A_290 = arith.constant 7000 : i32
    %dma_wait3A_291 = tpu.memref_slice %arg6[%dma_wait3A_290] : memref<10000xi32, #tpu.memory_space<vmem>> -> memref<1000xi32, #tpu.memory_space<vmem>>
    %dma_wait3A_292 = arith.constant 0 : i32
    %dma_wait3A_293 = arith.constant 0 : i32
    %dma_wait3A_294 = tpu.memref_slice %arg14[%dma_wait3A_292, %dma_wait3A_293] : memref<10000x16xf32, #tpu.memory_space<vmem_shared>> -> memref<10000x16xf32, #tpu.memory_space<vmem_shared>>
    tpu.wait_indirect_dma semaphore(%arg11 : memref<!tpu.dma_semaphore, #tpu.memory_space<semaphore_mem>>) src(%dma_wait3A_289 : memref<1000x16xf32, #tpu.memory_space<vmem>>) dst(%dma_wait3A_294 : memref<10000x16xf32, #tpu.memory_space<vmem_shared>>)
    %dma_wait3A_295 = arith.constant 1 : i32
    %dma_wait3A_296 = arith.constant 1000 : i32
    %dma_wait3A_297 = arith.constant 0 : i32
    %dma_wait3A_298 = tpu.memref_slice %arg7[%dma_wait3A_295, %dma_wait3A_296, %dma_wait3A_297] : memref<3x2000x16xf32, #tpu.memory_space<vmem>> -> memref<1x1000x16xf32, #tpu.memory_space<vmem>>
    %dma_wait3A_299 = tpu.memref_squeeze %dma_wait3A_298 : memref<1x1000x16xf32, #tpu.memory_space<vmem>> -> memref<1000x16xf32, #tpu.memory_space<vmem>>
    %dma_wait3A_300 = arith.constant 9000 : i32
    %dma_wait3A_301 = tpu.memref_slice %arg6[%dma_wait3A_300] : memref<10000xi32, #tpu.memory_space<vmem>> -> memref<1000xi32, #tpu.memory_space<vmem>>
    %dma_wait3A_302 = arith.constant 0 : i32
    %dma_wait3A_303 = arith.constant 0 : i32
    %dma_wait3A_304 = tpu.memref_slice %arg14[%dma_wait3A_302, %dma_wait3A_303] : memref<10000x16xf32, #tpu.memory_space<vmem_shared>> -> memref<10000x16xf32, #tpu.memory_space<vmem_shared>>
    tpu.wait_indirect_dma semaphore(%arg12 : memref<!tpu.dma_semaphore, #tpu.memory_space<semaphore_mem>>) src(%dma_wait3A_299 : memref<1000x16xf32, #tpu.memory_space<vmem>>) dst(%dma_wait3A_304 : memref<10000x16xf32, #tpu.memory_space<vmem_shared>>)
    %barrier3A_305 = arith.constant 0 : index
    tpu.barrier barrier_id(%barrier3A_305)
    %lt3A_306 = arith.constant 10 : i32
    %lt3A_307 = arith.cmpi slt, %arg1, %lt3A_306 : i32
    %convert_element_type3A_308 = arith.extui %lt3A_307 : i1 to i32
    %cond3A_309 = arith.constant 0 : i32
    %cond3A_310 = arith.cmpi ne, %convert_element_type3A_308, %cond3A_309 : i32
    scf.if %cond3A_310 {
      %mul3A_311 = arith.constant 1000 : i32
      %mul3A_312 = arith.muli %arg1, %mul3A_311 : i32
      %mul3A_313 = arith.constant 1000 : i32
      %mul3A_314 = arith.muli %arg1, %mul3A_313 : i32
      "tpu.region"() ({
        %run_scoped3A = tpu.sem_alloc : memref<!tpu.dma_semaphore, #tpu.memory_space<semaphore_mem>>
        %dma_start3A_315 = arith.constant 0 : i32
        %dma_start3A_316 = tpu.memref_slice %arg4[%arg0, %mul3A_314, %dma_start3A_315] : memref<2x10000x16xf32, #tpu.memory_space<hbm>> -> memref<1x1000x16xf32, #tpu.memory_space<hbm>>
        %dma_start3A_317 = tpu.memref_squeeze %dma_start3A_316 : memref<1x1000x16xf32, #tpu.memory_space<hbm>> -> memref<1000x16xf32, #tpu.memory_space<hbm>>
        %dma_start3A_318 = arith.constant 0 : i32
        %dma_start3A_319 = tpu.memref_slice %arg14[%mul3A_312, %dma_start3A_318] : memref<10000x16xf32, #tpu.memory_space<vmem_shared>> -> memref<1000x16xf32, #tpu.memory_space<vmem_shared>>
        tpu.enqueue_dma source(%dma_start3A_319 : memref<1000x16xf32, #tpu.memory_space<vmem_shared>>) target(%dma_start3A_317 : memref<1000x16xf32, #tpu.memory_space<hbm>>) target_semaphore(%run_scoped3A : memref<!tpu.dma_semaphore, #tpu.memory_space<semaphore_mem>>)
        %dma_wait3A_320 = arith.constant 0 : i32
        %dma_wait3A_321 = tpu.memref_slice %arg4[%arg0, %mul3A_314, %dma_wait3A_320] : memref<2x10000x16xf32, #tpu.memory_space<hbm>> -> memref<1x1000x16xf32, #tpu.memory_space<hbm>>
        %dma_wait3A_322 = tpu.memref_squeeze %dma_wait3A_321 : memref<1x1000x16xf32, #tpu.memory_space<hbm>> -> memref<1000x16xf32, #tpu.memory_space<hbm>>
        %dma_wait3A_323 = arith.constant 0 : i32
        %dma_wait3A_324 = tpu.memref_slice %arg14[%mul3A_312, %dma_wait3A_323] : memref<10000x16xf32, #tpu.memory_space<vmem_shared>> -> memref<1000x16xf32, #tpu.memory_space<vmem_shared>>
        tpu.wait_dma2 semaphore(%run_scoped3A : memref<!tpu.dma_semaphore, #tpu.memory_space<semaphore_mem>>) src(%dma_wait3A_324 : memref<1000x16xf32, #tpu.memory_space<vmem_shared>>) dst(%dma_wait3A_322 : memref<1000x16xf32, #tpu.memory_space<hbm>>)
        tpu.yield
      }) : () -> ()
    } else {
    }
    return
  }
}

#map = affine_map<(d0, d1) -> (0, 0)>
#map1 = affine_map<(d0, d1) -> (0, 0, 0)>
module attributes {stable_mosaic.version = 14 : i64} {
  func.func @_agg_body(%arg0: i32, %arg1: i32, %arg2: memref<10000x16xf32, #tpu.memory_space<hbm>>, %arg3: memref<2x320000xi32, #tpu.memory_space<hbm>>, %arg4: memref<2x10000x16xf32, #tpu.memory_space<hbm>>, %arg5: memref<10000xi32, #tpu.memory_space<vmem>>, %arg6: memref<10000xi32, #tpu.memory_space<vmem>>, %arg7: memref<3x2000x16xf32, #tpu.memory_space<vmem>>, %arg8: memref<!tpu.dma_semaphore, #tpu.memory_space<semaphore_mem>>, %arg9: memref<!tpu.dma_semaphore, #tpu.memory_space<semaphore_mem>>, %arg10: memref<!tpu.dma_semaphore, #tpu.memory_space<semaphore_mem>>, %arg11: memref<!tpu.dma_semaphore, #tpu.memory_space<semaphore_mem>>, %arg12: memref<!tpu.dma_semaphore, #tpu.memory_space<semaphore_mem>>, %arg13: memref<!tpu.dma_semaphore, #tpu.memory_space<semaphore_mem>>, %arg14: memref<10000x16xf32, #tpu.memory_space<vmem_shared>>) attributes {dimension_semantics = [#tpu.dimension_semantics<core_parallel>, #tpu.dimension_semantics<subcore_parallel>], iteration_bounds = array<i64: 2, 16>, scalar_prefetch = 0 : i64, scratch_operands = 10 : i64, tpu.core_type = #tpu.core_type<sc_vector_subcore>, window_params = [{transform_indices = #map}, {transform_indices = #map}, {transform_indices = #map1}]} {
    %mul3A = arith.constant 2 : i32
    %mul3A_0 = arith.muli %arg1, %mul3A : i32
    %add3A = arith.addi %mul3A_0, %arg0 : i32
    %mul3A_1 = arith.constant 10000 : i32
    %mul3A_2 = arith.muli %add3A, %mul3A_1 : i32
    %dma_start3A = arith.constant 0 : i32
    %dma_start3A_3 = tpu.memref_slice %arg3[%dma_start3A, %mul3A_2] : memref<2x320000xi32, #tpu.memory_space<hbm>> -> memref<1x10000xi32, #tpu.memory_space<hbm>>
    %dma_start3A_4 = tpu.memref_squeeze %dma_start3A_3 : memref<1x10000xi32, #tpu.memory_space<hbm>> -> memref<10000xi32, #tpu.memory_space<hbm>>
    %dma_start3A_5 = tpu.memref_slice %arg3[%dma_start3A, %mul3A_2] : memref<2x320000xi32, #tpu.memory_space<hbm>> -> memref<1x10000xi32, #tpu.memory_space<hbm>>
    %dma_start3A_6 = tpu.memref_squeeze %dma_start3A_5 : memref<1x10000xi32, #tpu.memory_space<hbm>> -> memref<10000xi32, #tpu.memory_space<hbm>>
    tpu.enqueue_dma source(%dma_start3A_6 : memref<10000xi32, #tpu.memory_space<hbm>>) target(%arg5 : memref<10000xi32, #tpu.memory_space<vmem>>) target_semaphore(%arg11 : memref<!tpu.dma_semaphore, #tpu.memory_space<semaphore_mem>>)
    %mul3A_7 = arith.constant 10000 : i32
    %mul3A_8 = arith.muli %add3A, %mul3A_7 : i32
    %dma_start3A_9 = arith.constant 1 : i32
    %dma_start3A_10 = tpu.memref_slice %arg3[%dma_start3A_9, %mul3A_8] : memref<2x320000xi32, #tpu.memory_space<hbm>> -> memref<1x10000xi32, #tpu.memory_space<hbm>>
    %dma_start3A_11 = tpu.memref_squeeze %dma_start3A_10 : memref<1x10000xi32, #tpu.memory_space<hbm>> -> memref<10000xi32, #tpu.memory_space<hbm>>
    %dma_start3A_12 = tpu.memref_slice %arg3[%dma_start3A_9, %mul3A_8] : memref<2x320000xi32, #tpu.memory_space<hbm>> -> memref<1x10000xi32, #tpu.memory_space<hbm>>
    %dma_start3A_13 = tpu.memref_squeeze %dma_start3A_12 : memref<1x10000xi32, #tpu.memory_space<hbm>> -> memref<10000xi32, #tpu.memory_space<hbm>>
    tpu.enqueue_dma source(%dma_start3A_13 : memref<10000xi32, #tpu.memory_space<hbm>>) target(%arg6 : memref<10000xi32, #tpu.memory_space<vmem>>) target_semaphore(%arg12 : memref<!tpu.dma_semaphore, #tpu.memory_space<semaphore_mem>>)
    %lt3A = arith.constant 10 : i32
    %lt3A_14 = arith.cmpi slt, %arg1, %lt3A : i32
    %convert_element_type3A = arith.extui %lt3A_14 : i1 to i32
    %cond3A = arith.constant 0 : i32
    %cond3A_15 = arith.cmpi ne, %convert_element_type3A, %cond3A : i32
    scf.if %cond3A_15 {
      %mul3A_311 = arith.constant 1000 : i32
      %mul3A_312 = arith.muli %arg1, %mul3A_311 : i32
      %mul3A_313 = arith.constant 1000 : i32
      %mul3A_314 = arith.muli %arg1, %mul3A_313 : i32
      "tpu.region"() ({
        %run_scoped3A = tpu.sem_alloc : memref<!tpu.dma_semaphore, #tpu.memory_space<semaphore_mem>>
        %dma_start3A_315 = arith.constant 0 : i32
        %dma_start3A_316 = tpu.memref_slice %arg14[%mul3A_314, %dma_start3A_315] : memref<10000x16xf32, #tpu.memory_space<vmem_shared>> -> memref<1000x16xf32, #tpu.memory_space<vmem_shared>>
        %dma_start3A_317 = arith.constant 0 : i32
        %dma_start3A_318 = tpu.memref_slice %arg2[%mul3A_312, %dma_start3A_317] : memref<10000x16xf32, #tpu.memory_space<hbm>> -> memref<1000x16xf32, #tpu.memory_space<hbm>>
        tpu.enqueue_dma source(%dma_start3A_318 : memref<1000x16xf32, #tpu.memory_space<hbm>>) target(%dma_start3A_316 : memref<1000x16xf32, #tpu.memory_space<vmem_shared>>) target_semaphore(%run_scoped3A : memref<!tpu.dma_semaphore, #tpu.memory_space<semaphore_mem>>)
        %dma_wait3A_319 = arith.constant 0 : i32
        %dma_wait3A_320 = tpu.memref_slice %arg14[%mul3A_314, %dma_wait3A_319] : memref<10000x16xf32, #tpu.memory_space<vmem_shared>> -> memref<1000x16xf32, #tpu.memory_space<vmem_shared>>
        %dma_wait3A_321 = arith.constant 0 : i32
        %dma_wait3A_322 = tpu.memref_slice %arg2[%mul3A_312, %dma_wait3A_321] : memref<10000x16xf32, #tpu.memory_space<hbm>> -> memref<1000x16xf32, #tpu.memory_space<hbm>>
        tpu.wait_dma2 semaphore(%run_scoped3A : memref<!tpu.dma_semaphore, #tpu.memory_space<semaphore_mem>>) src(%dma_wait3A_322 : memref<1000x16xf32, #tpu.memory_space<hbm>>) dst(%dma_wait3A_320 : memref<1000x16xf32, #tpu.memory_space<vmem_shared>>)
        tpu.yield
      }) : () -> ()
    } else {
    }
    %dma_wait3A = arith.constant 0 : i32
    %dma_wait3A_16 = tpu.memref_slice %arg3[%dma_wait3A, %mul3A_2] : memref<2x320000xi32, #tpu.memory_space<hbm>> -> memref<1x10000xi32, #tpu.memory_space<hbm>>
    %dma_wait3A_17 = tpu.memref_squeeze %dma_wait3A_16 : memref<1x10000xi32, #tpu.memory_space<hbm>> -> memref<10000xi32, #tpu.memory_space<hbm>>
    %dma_wait3A_18 = tpu.memref_slice %arg3[%dma_wait3A, %mul3A_2] : memref<2x320000xi32, #tpu.memory_space<hbm>> -> memref<1x10000xi32, #tpu.memory_space<hbm>>
    %dma_wait3A_19 = tpu.memref_squeeze %dma_wait3A_18 : memref<1x10000xi32, #tpu.memory_space<hbm>> -> memref<10000xi32, #tpu.memory_space<hbm>>
    tpu.wait_dma2 semaphore(%arg11 : memref<!tpu.dma_semaphore, #tpu.memory_space<semaphore_mem>>) src(%dma_wait3A_19 : memref<10000xi32, #tpu.memory_space<hbm>>) dst(%arg5 : memref<10000xi32, #tpu.memory_space<vmem>>)
    %dma_start3A_20 = arith.constant 0 : i32
    %dma_start3A_21 = arith.constant 0 : i32
    %dma_start3A_22 = arith.constant 0 : i32
    %dma_start3A_23 = tpu.memref_slice %arg7[%dma_start3A_20, %dma_start3A_21, %dma_start3A_22] : memref<3x2000x16xf32, #tpu.memory_space<vmem>> -> memref<1x2000x16xf32, #tpu.memory_space<vmem>>
    %dma_start3A_24 = tpu.memref_squeeze %dma_start3A_23 : memref<1x2000x16xf32, #tpu.memory_space<vmem>> -> memref<2000x16xf32, #tpu.memory_space<vmem>>
    %dma_start3A_25 = arith.constant 0 : i32
    %dma_start3A_26 = tpu.memref_slice %arg5[%dma_start3A_25] : memref<10000xi32, #tpu.memory_space<vmem>> -> memref<2000xi32, #tpu.memory_space<vmem>>
    %dma_start3A_27 = arith.constant 0 : i32
    %dma_start3A_28 = arith.constant 0 : i32
    %dma_start3A_29 = tpu.memref_slice %arg2[%dma_start3A_27, %dma_start3A_28] : memref<10000x16xf32, #tpu.memory_space<hbm>> -> memref<10000x16xf32, #tpu.memory_space<hbm>>
    tpu.enqueue_indirect_dma source(%dma_start3A_29 : memref<10000x16xf32, #tpu.memory_space<hbm>>) target(%dma_start3A_24 : memref<2000x16xf32, #tpu.memory_space<vmem>>) offsets(%dma_start3A_26 : memref<2000xi32, #tpu.memory_space<vmem>>) semaphore(%arg8 : memref<!tpu.dma_semaphore, #tpu.memory_space<semaphore_mem>>)
    %dma_start3A_30 = arith.constant 1 : i32
    %dma_start3A_31 = arith.constant 0 : i32
    %dma_start3A_32 = arith.constant 0 : i32
    %dma_start3A_33 = tpu.memref_slice %arg7[%dma_start3A_30, %dma_start3A_31, %dma_start3A_32] : memref<3x2000x16xf32, #tpu.memory_space<vmem>> -> memref<1x2000x16xf32, #tpu.memory_space<vmem>>
    %dma_start3A_34 = tpu.memref_squeeze %dma_start3A_33 : memref<1x2000x16xf32, #tpu.memory_space<vmem>> -> memref<2000x16xf32, #tpu.memory_space<vmem>>
    %dma_start3A_35 = arith.constant 2000 : i32
    %dma_start3A_36 = tpu.memref_slice %arg5[%dma_start3A_35] : memref<10000xi32, #tpu.memory_space<vmem>> -> memref<2000xi32, #tpu.memory_space<vmem>>
    %dma_start3A_37 = arith.constant 0 : i32
    %dma_start3A_38 = arith.constant 0 : i32
    %dma_start3A_39 = tpu.memref_slice %arg2[%dma_start3A_37, %dma_start3A_38] : memref<10000x16xf32, #tpu.memory_space<hbm>> -> memref<10000x16xf32, #tpu.memory_space<hbm>>
    tpu.enqueue_indirect_dma source(%dma_start3A_39 : memref<10000x16xf32, #tpu.memory_space<hbm>>) target(%dma_start3A_34 : memref<2000x16xf32, #tpu.memory_space<vmem>>) offsets(%dma_start3A_36 : memref<2000xi32, #tpu.memory_space<vmem>>) semaphore(%arg9 : memref<!tpu.dma_semaphore, #tpu.memory_space<semaphore_mem>>)
    %dma_wait3A_40 = arith.constant 1 : i32
    %dma_wait3A_41 = tpu.memref_slice %arg3[%dma_wait3A_40, %mul3A_8] : memref<2x320000xi32, #tpu.memory_space<hbm>> -> memref<1x10000xi32, #tpu.memory_space<hbm>>
    %dma_wait3A_42 = tpu.memref_squeeze %dma_wait3A_41 : memref<1x10000xi32, #tpu.memory_space<hbm>> -> memref<10000xi32, #tpu.memory_space<hbm>>
    %dma_wait3A_43 = tpu.memref_slice %arg3[%dma_wait3A_40, %mul3A_8] : memref<2x320000xi32, #tpu.memory_space<hbm>> -> memref<1x10000xi32, #tpu.memory_space<hbm>>
    %dma_wait3A_44 = tpu.memref_squeeze %dma_wait3A_43 : memref<1x10000xi32, #tpu.memory_space<hbm>> -> memref<10000xi32, #tpu.memory_space<hbm>>
    tpu.wait_dma2 semaphore(%arg12 : memref<!tpu.dma_semaphore, #tpu.memory_space<semaphore_mem>>) src(%dma_wait3A_44 : memref<10000xi32, #tpu.memory_space<hbm>>) dst(%arg6 : memref<10000xi32, #tpu.memory_space<vmem>>)
    %barrier3A = arith.constant 0 : index
    tpu.barrier barrier_id(%barrier3A)
    %dma_wait3A_45 = arith.constant 0 : i32
    %dma_wait3A_46 = arith.constant 0 : i32
    %dma_wait3A_47 = arith.constant 0 : i32
    %dma_wait3A_48 = tpu.memref_slice %arg7[%dma_wait3A_45, %dma_wait3A_46, %dma_wait3A_47] : memref<3x2000x16xf32, #tpu.memory_space<vmem>> -> memref<1x2000x16xf32, #tpu.memory_space<vmem>>
    %dma_wait3A_49 = tpu.memref_squeeze %dma_wait3A_48 : memref<1x2000x16xf32, #tpu.memory_space<vmem>> -> memref<2000x16xf32, #tpu.memory_space<vmem>>
    %dma_wait3A_50 = arith.constant 0 : i32
    %dma_wait3A_51 = tpu.memref_slice %arg5[%dma_wait3A_50] : memref<10000xi32, #tpu.memory_space<vmem>> -> memref<2000xi32, #tpu.memory_space<vmem>>
    %dma_wait3A_52 = arith.constant 0 : i32
    %dma_wait3A_53 = arith.constant 0 : i32
    %dma_wait3A_54 = tpu.memref_slice %arg2[%dma_wait3A_52, %dma_wait3A_53] : memref<10000x16xf32, #tpu.memory_space<hbm>> -> memref<10000x16xf32, #tpu.memory_space<hbm>>
    tpu.wait_indirect_dma semaphore(%arg8 : memref<!tpu.dma_semaphore, #tpu.memory_space<semaphore_mem>>) src(%dma_wait3A_54 : memref<10000x16xf32, #tpu.memory_space<hbm>>) dst(%dma_wait3A_49 : memref<2000x16xf32, #tpu.memory_space<vmem>>)
    %dma_start3A_55 = arith.constant 2 : i32
    %dma_start3A_56 = arith.constant 0 : i32
    %dma_start3A_57 = arith.constant 0 : i32
    %dma_start3A_58 = tpu.memref_slice %arg7[%dma_start3A_55, %dma_start3A_56, %dma_start3A_57] : memref<3x2000x16xf32, #tpu.memory_space<vmem>> -> memref<1x2000x16xf32, #tpu.memory_space<vmem>>
    %dma_start3A_59 = tpu.memref_squeeze %dma_start3A_58 : memref<1x2000x16xf32, #tpu.memory_space<vmem>> -> memref<2000x16xf32, #tpu.memory_space<vmem>>
    %dma_start3A_60 = arith.constant 4000 : i32
    %dma_start3A_61 = tpu.memref_slice %arg5[%dma_start3A_60] : memref<10000xi32, #tpu.memory_space<vmem>> -> memref<2000xi32, #tpu.memory_space<vmem>>
    %dma_start3A_62 = arith.constant 0 : i32
    %dma_start3A_63 = arith.constant 0 : i32
    %dma_start3A_64 = tpu.memref_slice %arg2[%dma_start3A_62, %dma_start3A_63] : memref<10000x16xf32, #tpu.memory_space<hbm>> -> memref<10000x16xf32, #tpu.memory_space<hbm>>
    tpu.enqueue_indirect_dma source(%dma_start3A_64 : memref<10000x16xf32, #tpu.memory_space<hbm>>) target(%dma_start3A_59 : memref<2000x16xf32, #tpu.memory_space<vmem>>) offsets(%dma_start3A_61 : memref<2000xi32, #tpu.memory_space<vmem>>) semaphore(%arg10 : memref<!tpu.dma_semaphore, #tpu.memory_space<semaphore_mem>>)
    %dma_start3A_65 = arith.constant 0 : i32
    %dma_start3A_66 = arith.constant 0 : i32
    %dma_start3A_67 = arith.constant 0 : i32
    %dma_start3A_68 = tpu.memref_slice %arg7[%dma_start3A_65, %dma_start3A_66, %dma_start3A_67] : memref<3x2000x16xf32, #tpu.memory_space<vmem>> -> memref<1x1000x16xf32, #tpu.memory_space<vmem>>
    %dma_start3A_69 = tpu.memref_squeeze %dma_start3A_68 : memref<1x1000x16xf32, #tpu.memory_space<vmem>> -> memref<1000x16xf32, #tpu.memory_space<vmem>>
    %dma_start3A_70 = arith.constant 0 : i32
    %dma_start3A_71 = tpu.memref_slice %arg6[%dma_start3A_70] : memref<10000xi32, #tpu.memory_space<vmem>> -> memref<1000xi32, #tpu.memory_space<vmem>>
    %dma_start3A_72 = arith.constant 0 : i32
    %dma_start3A_73 = arith.constant 0 : i32
    %dma_start3A_74 = tpu.memref_slice %arg14[%dma_start3A_72, %dma_start3A_73] : memref<10000x16xf32, #tpu.memory_space<vmem_shared>> -> memref<10000x16xf32, #tpu.memory_space<vmem_shared>>
    tpu.enqueue_indirect_dma source(%dma_start3A_69 : memref<1000x16xf32, #tpu.memory_space<vmem>>) target(%dma_start3A_74 : memref<10000x16xf32, #tpu.memory_space<vmem_shared>>) offsets(%dma_start3A_71 : memref<1000xi32, #tpu.memory_space<vmem>>) semaphore(%arg11 : memref<!tpu.dma_semaphore, #tpu.memory_space<semaphore_mem>>) {add = true}
    %dma_start3A_75 = arith.constant 0 : i32
    %dma_start3A_76 = arith.constant 1000 : i32
    %dma_start3A_77 = arith.constant 0 : i32
    %dma_start3A_78 = tpu.memref_slice %arg7[%dma_start3A_75, %dma_start3A_76, %dma_start3A_77] : memref<3x2000x16xf32, #tpu.memory_space<vmem>> -> memref<1x1000x16xf32, #tpu.memory_space<vmem>>
    %dma_start3A_79 = tpu.memref_squeeze %dma_start3A_78 : memref<1x1000x16xf32, #tpu.memory_space<vmem>> -> memref<1000x16xf32, #tpu.memory_space<vmem>>
    %dma_start3A_80 = arith.constant 1000 : i32
    %dma_start3A_81 = tpu.memref_slice %arg6[%dma_start3A_80] : memref<10000xi32, #tpu.memory_space<vmem>> -> memref<1000xi32, #tpu.memory_space<vmem>>
    %dma_start3A_82 = arith.constant 0 : i32
    %dma_start3A_83 = arith.constant 0 : i32
    %dma_start3A_84 = tpu.memref_slice %arg14[%dma_start3A_82, %dma_start3A_83] : memref<10000x16xf32, #tpu.memory_space<vmem_shared>> -> memref<10000x16xf32, #tpu.memory_space<vmem_shared>>
    tpu.enqueue_indirect_dma source(%dma_start3A_79 : memref<1000x16xf32, #tpu.memory_space<vmem>>) target(%dma_start3A_84 : memref<10000x16xf32, #tpu.memory_space<vmem_shared>>) offsets(%dma_start3A_81 : memref<1000xi32, #tpu.memory_space<vmem>>) semaphore(%arg11 : memref<!tpu.dma_semaphore, #tpu.memory_space<semaphore_mem>>) {add = true}
    %dma_wait3A_85 = arith.constant 1 : i32
    %dma_wait3A_86 = arith.constant 0 : i32
    %dma_wait3A_87 = arith.constant 0 : i32
    %dma_wait3A_88 = tpu.memref_slice %arg7[%dma_wait3A_85, %dma_wait3A_86, %dma_wait3A_87] : memref<3x2000x16xf32, #tpu.memory_space<vmem>> -> memref<1x2000x16xf32, #tpu.memory_space<vmem>>
    %dma_wait3A_89 = tpu.memref_squeeze %dma_wait3A_88 : memref<1x2000x16xf32, #tpu.memory_space<vmem>> -> memref<2000x16xf32, #tpu.memory_space<vmem>>
    %dma_wait3A_90 = arith.constant 2000 : i32
    %dma_wait3A_91 = tpu.memref_slice %arg5[%dma_wait3A_90] : memref<10000xi32, #tpu.memory_space<vmem>> -> memref<2000xi32, #tpu.memory_space<vmem>>
    %dma_wait3A_92 = arith.constant 0 : i32
    %dma_wait3A_93 = arith.constant 0 : i32
    %dma_wait3A_94 = tpu.memref_slice %arg2[%dma_wait3A_92, %dma_wait3A_93] : memref<10000x16xf32, #tpu.memory_space<hbm>> -> memref<10000x16xf32, #tpu.memory_space<hbm>>
    tpu.wait_indirect_dma semaphore(%arg9 : memref<!tpu.dma_semaphore, #tpu.memory_space<semaphore_mem>>) src(%dma_wait3A_94 : memref<10000x16xf32, #tpu.memory_space<hbm>>) dst(%dma_wait3A_89 : memref<2000x16xf32, #tpu.memory_space<vmem>>)
    %dma_wait3A_95 = arith.constant 0 : i32
    %dma_wait3A_96 = arith.constant 0 : i32
    %dma_wait3A_97 = arith.constant 0 : i32
    %dma_wait3A_98 = tpu.memref_slice %arg7[%dma_wait3A_95, %dma_wait3A_96, %dma_wait3A_97] : memref<3x2000x16xf32, #tpu.memory_space<vmem>> -> memref<1x1000x16xf32, #tpu.memory_space<vmem>>
    %dma_wait3A_99 = tpu.memref_squeeze %dma_wait3A_98 : memref<1x1000x16xf32, #tpu.memory_space<vmem>> -> memref<1000x16xf32, #tpu.memory_space<vmem>>
    %dma_wait3A_100 = arith.constant 0 : i32
    %dma_wait3A_101 = tpu.memref_slice %arg6[%dma_wait3A_100] : memref<10000xi32, #tpu.memory_space<vmem>> -> memref<1000xi32, #tpu.memory_space<vmem>>
    %dma_wait3A_102 = arith.constant 0 : i32
    %dma_wait3A_103 = arith.constant 0 : i32
    %dma_wait3A_104 = tpu.memref_slice %arg14[%dma_wait3A_102, %dma_wait3A_103] : memref<10000x16xf32, #tpu.memory_space<vmem_shared>> -> memref<10000x16xf32, #tpu.memory_space<vmem_shared>>
    tpu.wait_indirect_dma semaphore(%arg11 : memref<!tpu.dma_semaphore, #tpu.memory_space<semaphore_mem>>) src(%dma_wait3A_99 : memref<1000x16xf32, #tpu.memory_space<vmem>>) dst(%dma_wait3A_104 : memref<10000x16xf32, #tpu.memory_space<vmem_shared>>)
    %dma_wait3A_105 = arith.constant 0 : i32
    %dma_wait3A_106 = arith.constant 1000 : i32
    %dma_wait3A_107 = arith.constant 0 : i32
    %dma_wait3A_108 = tpu.memref_slice %arg7[%dma_wait3A_105, %dma_wait3A_106, %dma_wait3A_107] : memref<3x2000x16xf32, #tpu.memory_space<vmem>> -> memref<1x1000x16xf32, #tpu.memory_space<vmem>>
    %dma_wait3A_109 = tpu.memref_squeeze %dma_wait3A_108 : memref<1x1000x16xf32, #tpu.memory_space<vmem>> -> memref<1000x16xf32, #tpu.memory_space<vmem>>
    %dma_wait3A_110 = arith.constant 1000 : i32
    %dma_wait3A_111 = tpu.memref_slice %arg6[%dma_wait3A_110] : memref<10000xi32, #tpu.memory_space<vmem>> -> memref<1000xi32, #tpu.memory_space<vmem>>
    %dma_wait3A_112 = arith.constant 0 : i32
    %dma_wait3A_113 = arith.constant 0 : i32
    %dma_wait3A_114 = tpu.memref_slice %arg14[%dma_wait3A_112, %dma_wait3A_113] : memref<10000x16xf32, #tpu.memory_space<vmem_shared>> -> memref<10000x16xf32, #tpu.memory_space<vmem_shared>>
    tpu.wait_indirect_dma semaphore(%arg11 : memref<!tpu.dma_semaphore, #tpu.memory_space<semaphore_mem>>) src(%dma_wait3A_109 : memref<1000x16xf32, #tpu.memory_space<vmem>>) dst(%dma_wait3A_114 : memref<10000x16xf32, #tpu.memory_space<vmem_shared>>)
    %dma_start3A_115 = arith.constant 0 : i32
    %dma_start3A_116 = arith.constant 0 : i32
    %dma_start3A_117 = arith.constant 0 : i32
    %dma_start3A_118 = tpu.memref_slice %arg7[%dma_start3A_115, %dma_start3A_116, %dma_start3A_117] : memref<3x2000x16xf32, #tpu.memory_space<vmem>> -> memref<1x2000x16xf32, #tpu.memory_space<vmem>>
    %dma_start3A_119 = tpu.memref_squeeze %dma_start3A_118 : memref<1x2000x16xf32, #tpu.memory_space<vmem>> -> memref<2000x16xf32, #tpu.memory_space<vmem>>
    %dma_start3A_120 = arith.constant 6000 : i32
    %dma_start3A_121 = tpu.memref_slice %arg5[%dma_start3A_120] : memref<10000xi32, #tpu.memory_space<vmem>> -> memref<2000xi32, #tpu.memory_space<vmem>>
    %dma_start3A_122 = arith.constant 0 : i32
    %dma_start3A_123 = arith.constant 0 : i32
    %dma_start3A_124 = tpu.memref_slice %arg2[%dma_start3A_122, %dma_start3A_123] : memref<10000x16xf32, #tpu.memory_space<hbm>> -> memref<10000x16xf32, #tpu.memory_space<hbm>>
    tpu.enqueue_indirect_dma source(%dma_start3A_124 : memref<10000x16xf32, #tpu.memory_space<hbm>>) target(%dma_start3A_119 : memref<2000x16xf32, #tpu.memory_space<vmem>>) offsets(%dma_start3A_121 : memref<2000xi32, #tpu.memory_space<vmem>>) semaphore(%arg8 : memref<!tpu.dma_semaphore, #tpu.memory_space<semaphore_mem>>)
    %dma_start3A_125 = arith.constant 1 : i32
    %dma_start3A_126 = arith.constant 0 : i32
    %dma_start3A_127 = arith.constant 0 : i32
    %dma_start3A_128 = tpu.memref_slice %arg7[%dma_start3A_125, %dma_start3A_126, %dma_start3A_127] : memref<3x2000x16xf32, #tpu.memory_space<vmem>> -> memref<1x1000x16xf32, #tpu.memory_space<vmem>>
    %dma_start3A_129 = tpu.memref_squeeze %dma_start3A_128 : memref<1x1000x16xf32, #tpu.memory_space<vmem>> -> memref<1000x16xf32, #tpu.memory_space<vmem>>
    %dma_start3A_130 = arith.constant 2000 : i32
    %dma_start3A_131 = tpu.memref_slice %arg6[%dma_start3A_130] : memref<10000xi32, #tpu.memory_space<vmem>> -> memref<1000xi32, #tpu.memory_space<vmem>>
    %dma_start3A_132 = arith.constant 0 : i32
    %dma_start3A_133 = arith.constant 0 : i32
    %dma_start3A_134 = tpu.memref_slice %arg14[%dma_start3A_132, %dma_start3A_133] : memref<10000x16xf32, #tpu.memory_space<vmem_shared>> -> memref<10000x16xf32, #tpu.memory_space<vmem_shared>>
    tpu.enqueue_indirect_dma source(%dma_start3A_129 : memref<1000x16xf32, #tpu.memory_space<vmem>>) target(%dma_start3A_134 : memref<10000x16xf32, #tpu.memory_space<vmem_shared>>) offsets(%dma_start3A_131 : memref<1000xi32, #tpu.memory_space<vmem>>) semaphore(%arg12 : memref<!tpu.dma_semaphore, #tpu.memory_space<semaphore_mem>>) {add = true}
    %dma_start3A_135 = arith.constant 1 : i32
    %dma_start3A_136 = arith.constant 1000 : i32
    %dma_start3A_137 = arith.constant 0 : i32
    %dma_start3A_138 = tpu.memref_slice %arg7[%dma_start3A_135, %dma_start3A_136, %dma_start3A_137] : memref<3x2000x16xf32, #tpu.memory_space<vmem>> -> memref<1x1000x16xf32, #tpu.memory_space<vmem>>
    %dma_start3A_139 = tpu.memref_squeeze %dma_start3A_138 : memref<1x1000x16xf32, #tpu.memory_space<vmem>> -> memref<1000x16xf32, #tpu.memory_space<vmem>>
    %dma_start3A_140 = arith.constant 3000 : i32
    %dma_start3A_141 = tpu.memref_slice %arg6[%dma_start3A_140] : memref<10000xi32, #tpu.memory_space<vmem>> -> memref<1000xi32, #tpu.memory_space<vmem>>
    %dma_start3A_142 = arith.constant 0 : i32
    %dma_start3A_143 = arith.constant 0 : i32
    %dma_start3A_144 = tpu.memref_slice %arg14[%dma_start3A_142, %dma_start3A_143] : memref<10000x16xf32, #tpu.memory_space<vmem_shared>> -> memref<10000x16xf32, #tpu.memory_space<vmem_shared>>
    tpu.enqueue_indirect_dma source(%dma_start3A_139 : memref<1000x16xf32, #tpu.memory_space<vmem>>) target(%dma_start3A_144 : memref<10000x16xf32, #tpu.memory_space<vmem_shared>>) offsets(%dma_start3A_141 : memref<1000xi32, #tpu.memory_space<vmem>>) semaphore(%arg12 : memref<!tpu.dma_semaphore, #tpu.memory_space<semaphore_mem>>) {add = true}
    %dma_wait3A_145 = arith.constant 2 : i32
    %dma_wait3A_146 = arith.constant 0 : i32
    %dma_wait3A_147 = arith.constant 0 : i32
    %dma_wait3A_148 = tpu.memref_slice %arg7[%dma_wait3A_145, %dma_wait3A_146, %dma_wait3A_147] : memref<3x2000x16xf32, #tpu.memory_space<vmem>> -> memref<1x2000x16xf32, #tpu.memory_space<vmem>>
    %dma_wait3A_149 = tpu.memref_squeeze %dma_wait3A_148 : memref<1x2000x16xf32, #tpu.memory_space<vmem>> -> memref<2000x16xf32, #tpu.memory_space<vmem>>
    %dma_wait3A_150 = arith.constant 4000 : i32
    %dma_wait3A_151 = tpu.memref_slice %arg5[%dma_wait3A_150] : memref<10000xi32, #tpu.memory_space<vmem>> -> memref<2000xi32, #tpu.memory_space<vmem>>
    %dma_wait3A_152 = arith.constant 0 : i32
    %dma_wait3A_153 = arith.constant 0 : i32
    %dma_wait3A_154 = tpu.memref_slice %arg2[%dma_wait3A_152, %dma_wait3A_153] : memref<10000x16xf32, #tpu.memory_space<hbm>> -> memref<10000x16xf32, #tpu.memory_space<hbm>>
    tpu.wait_indirect_dma semaphore(%arg10 : memref<!tpu.dma_semaphore, #tpu.memory_space<semaphore_mem>>) src(%dma_wait3A_154 : memref<10000x16xf32, #tpu.memory_space<hbm>>) dst(%dma_wait3A_149 : memref<2000x16xf32, #tpu.memory_space<vmem>>)
    %dma_wait3A_155 = arith.constant 1 : i32
    %dma_wait3A_156 = arith.constant 0 : i32
    %dma_wait3A_157 = arith.constant 0 : i32
    %dma_wait3A_158 = tpu.memref_slice %arg7[%dma_wait3A_155, %dma_wait3A_156, %dma_wait3A_157] : memref<3x2000x16xf32, #tpu.memory_space<vmem>> -> memref<1x1000x16xf32, #tpu.memory_space<vmem>>
    %dma_wait3A_159 = tpu.memref_squeeze %dma_wait3A_158 : memref<1x1000x16xf32, #tpu.memory_space<vmem>> -> memref<1000x16xf32, #tpu.memory_space<vmem>>
    %dma_wait3A_160 = arith.constant 2000 : i32
    %dma_wait3A_161 = tpu.memref_slice %arg6[%dma_wait3A_160] : memref<10000xi32, #tpu.memory_space<vmem>> -> memref<1000xi32, #tpu.memory_space<vmem>>
    %dma_wait3A_162 = arith.constant 0 : i32
    %dma_wait3A_163 = arith.constant 0 : i32
    %dma_wait3A_164 = tpu.memref_slice %arg14[%dma_wait3A_162, %dma_wait3A_163] : memref<10000x16xf32, #tpu.memory_space<vmem_shared>> -> memref<10000x16xf32, #tpu.memory_space<vmem_shared>>
    tpu.wait_indirect_dma semaphore(%arg12 : memref<!tpu.dma_semaphore, #tpu.memory_space<semaphore_mem>>) src(%dma_wait3A_159 : memref<1000x16xf32, #tpu.memory_space<vmem>>) dst(%dma_wait3A_164 : memref<10000x16xf32, #tpu.memory_space<vmem_shared>>)
    %dma_wait3A_165 = arith.constant 1 : i32
    %dma_wait3A_166 = arith.constant 1000 : i32
    %dma_wait3A_167 = arith.constant 0 : i32
    %dma_wait3A_168 = tpu.memref_slice %arg7[%dma_wait3A_165, %dma_wait3A_166, %dma_wait3A_167] : memref<3x2000x16xf32, #tpu.memory_space<vmem>> -> memref<1x1000x16xf32, #tpu.memory_space<vmem>>
    %dma_wait3A_169 = tpu.memref_squeeze %dma_wait3A_168 : memref<1x1000x16xf32, #tpu.memory_space<vmem>> -> memref<1000x16xf32, #tpu.memory_space<vmem>>
    %dma_wait3A_170 = arith.constant 3000 : i32
    %dma_wait3A_171 = tpu.memref_slice %arg6[%dma_wait3A_170] : memref<10000xi32, #tpu.memory_space<vmem>> -> memref<1000xi32, #tpu.memory_space<vmem>>
    %dma_wait3A_172 = arith.constant 0 : i32
    %dma_wait3A_173 = arith.constant 0 : i32
    %dma_wait3A_174 = tpu.memref_slice %arg14[%dma_wait3A_172, %dma_wait3A_173] : memref<10000x16xf32, #tpu.memory_space<vmem_shared>> -> memref<10000x16xf32, #tpu.memory_space<vmem_shared>>
    tpu.wait_indirect_dma semaphore(%arg12 : memref<!tpu.dma_semaphore, #tpu.memory_space<semaphore_mem>>) src(%dma_wait3A_169 : memref<1000x16xf32, #tpu.memory_space<vmem>>) dst(%dma_wait3A_174 : memref<10000x16xf32, #tpu.memory_space<vmem_shared>>)
    %dma_start3A_175 = arith.constant 1 : i32
    %dma_start3A_176 = arith.constant 0 : i32
    %dma_start3A_177 = arith.constant 0 : i32
    %dma_start3A_178 = tpu.memref_slice %arg7[%dma_start3A_175, %dma_start3A_176, %dma_start3A_177] : memref<3x2000x16xf32, #tpu.memory_space<vmem>> -> memref<1x2000x16xf32, #tpu.memory_space<vmem>>
    %dma_start3A_179 = tpu.memref_squeeze %dma_start3A_178 : memref<1x2000x16xf32, #tpu.memory_space<vmem>> -> memref<2000x16xf32, #tpu.memory_space<vmem>>
    %dma_start3A_180 = arith.constant 8000 : i32
    %dma_start3A_181 = tpu.memref_slice %arg5[%dma_start3A_180] : memref<10000xi32, #tpu.memory_space<vmem>> -> memref<2000xi32, #tpu.memory_space<vmem>>
    %dma_start3A_182 = arith.constant 0 : i32
    %dma_start3A_183 = arith.constant 0 : i32
    %dma_start3A_184 = tpu.memref_slice %arg2[%dma_start3A_182, %dma_start3A_183] : memref<10000x16xf32, #tpu.memory_space<hbm>> -> memref<10000x16xf32, #tpu.memory_space<hbm>>
    tpu.enqueue_indirect_dma source(%dma_start3A_184 : memref<10000x16xf32, #tpu.memory_space<hbm>>) target(%dma_start3A_179 : memref<2000x16xf32, #tpu.memory_space<vmem>>) offsets(%dma_start3A_181 : memref<2000xi32, #tpu.memory_space<vmem>>) semaphore(%arg9 : memref<!tpu.dma_semaphore, #tpu.memory_space<semaphore_mem>>)
    %dma_start3A_185 = arith.constant 2 : i32
    %dma_start3A_186 = arith.constant 0 : i32
    %dma_start3A_187 = arith.constant 0 : i32
    %dma_start3A_188 = tpu.memref_slice %arg7[%dma_start3A_185, %dma_start3A_186, %dma_start3A_187] : memref<3x2000x16xf32, #tpu.memory_space<vmem>> -> memref<1x1000x16xf32, #tpu.memory_space<vmem>>
    %dma_start3A_189 = tpu.memref_squeeze %dma_start3A_188 : memref<1x1000x16xf32, #tpu.memory_space<vmem>> -> memref<1000x16xf32, #tpu.memory_space<vmem>>
    %dma_start3A_190 = arith.constant 4000 : i32
    %dma_start3A_191 = tpu.memref_slice %arg6[%dma_start3A_190] : memref<10000xi32, #tpu.memory_space<vmem>> -> memref<1000xi32, #tpu.memory_space<vmem>>
    %dma_start3A_192 = arith.constant 0 : i32
    %dma_start3A_193 = arith.constant 0 : i32
    %dma_start3A_194 = tpu.memref_slice %arg14[%dma_start3A_192, %dma_start3A_193] : memref<10000x16xf32, #tpu.memory_space<vmem_shared>> -> memref<10000x16xf32, #tpu.memory_space<vmem_shared>>
    tpu.enqueue_indirect_dma source(%dma_start3A_189 : memref<1000x16xf32, #tpu.memory_space<vmem>>) target(%dma_start3A_194 : memref<10000x16xf32, #tpu.memory_space<vmem_shared>>) offsets(%dma_start3A_191 : memref<1000xi32, #tpu.memory_space<vmem>>) semaphore(%arg13 : memref<!tpu.dma_semaphore, #tpu.memory_space<semaphore_mem>>) {add = true}
    %dma_start3A_195 = arith.constant 2 : i32
    %dma_start3A_196 = arith.constant 1000 : i32
    %dma_start3A_197 = arith.constant 0 : i32
    %dma_start3A_198 = tpu.memref_slice %arg7[%dma_start3A_195, %dma_start3A_196, %dma_start3A_197] : memref<3x2000x16xf32, #tpu.memory_space<vmem>> -> memref<1x1000x16xf32, #tpu.memory_space<vmem>>
    %dma_start3A_199 = tpu.memref_squeeze %dma_start3A_198 : memref<1x1000x16xf32, #tpu.memory_space<vmem>> -> memref<1000x16xf32, #tpu.memory_space<vmem>>
    %dma_start3A_200 = arith.constant 5000 : i32
    %dma_start3A_201 = tpu.memref_slice %arg6[%dma_start3A_200] : memref<10000xi32, #tpu.memory_space<vmem>> -> memref<1000xi32, #tpu.memory_space<vmem>>
    %dma_start3A_202 = arith.constant 0 : i32
    %dma_start3A_203 = arith.constant 0 : i32
    %dma_start3A_204 = tpu.memref_slice %arg14[%dma_start3A_202, %dma_start3A_203] : memref<10000x16xf32, #tpu.memory_space<vmem_shared>> -> memref<10000x16xf32, #tpu.memory_space<vmem_shared>>
    tpu.enqueue_indirect_dma source(%dma_start3A_199 : memref<1000x16xf32, #tpu.memory_space<vmem>>) target(%dma_start3A_204 : memref<10000x16xf32, #tpu.memory_space<vmem_shared>>) offsets(%dma_start3A_201 : memref<1000xi32, #tpu.memory_space<vmem>>) semaphore(%arg13 : memref<!tpu.dma_semaphore, #tpu.memory_space<semaphore_mem>>) {add = true}
    %dma_wait3A_205 = arith.constant 0 : i32
    %dma_wait3A_206 = arith.constant 0 : i32
    %dma_wait3A_207 = arith.constant 0 : i32
    %dma_wait3A_208 = tpu.memref_slice %arg7[%dma_wait3A_205, %dma_wait3A_206, %dma_wait3A_207] : memref<3x2000x16xf32, #tpu.memory_space<vmem>> -> memref<1x2000x16xf32, #tpu.memory_space<vmem>>
    %dma_wait3A_209 = tpu.memref_squeeze %dma_wait3A_208 : memref<1x2000x16xf32, #tpu.memory_space<vmem>> -> memref<2000x16xf32, #tpu.memory_space<vmem>>
    %dma_wait3A_210 = arith.constant 6000 : i32
    %dma_wait3A_211 = tpu.memref_slice %arg5[%dma_wait3A_210] : memref<10000xi32, #tpu.memory_space<vmem>> -> memref<2000xi32, #tpu.memory_space<vmem>>
    %dma_wait3A_212 = arith.constant 0 : i32
    %dma_wait3A_213 = arith.constant 0 : i32
    %dma_wait3A_214 = tpu.memref_slice %arg2[%dma_wait3A_212, %dma_wait3A_213] : memref<10000x16xf32, #tpu.memory_space<hbm>> -> memref<10000x16xf32, #tpu.memory_space<hbm>>
    tpu.wait_indirect_dma semaphore(%arg8 : memref<!tpu.dma_semaphore, #tpu.memory_space<semaphore_mem>>) src(%dma_wait3A_214 : memref<10000x16xf32, #tpu.memory_space<hbm>>) dst(%dma_wait3A_209 : memref<2000x16xf32, #tpu.memory_space<vmem>>)
    %dma_start3A_215 = arith.constant 0 : i32
    %dma_start3A_216 = arith.constant 0 : i32
    %dma_start3A_217 = arith.constant 0 : i32
    %dma_start3A_218 = tpu.memref_slice %arg7[%dma_start3A_215, %dma_start3A_216, %dma_start3A_217] : memref<3x2000x16xf32, #tpu.memory_space<vmem>> -> memref<1x1000x16xf32, #tpu.memory_space<vmem>>
    %dma_start3A_219 = tpu.memref_squeeze %dma_start3A_218 : memref<1x1000x16xf32, #tpu.memory_space<vmem>> -> memref<1000x16xf32, #tpu.memory_space<vmem>>
    %dma_start3A_220 = arith.constant 6000 : i32
    %dma_start3A_221 = tpu.memref_slice %arg6[%dma_start3A_220] : memref<10000xi32, #tpu.memory_space<vmem>> -> memref<1000xi32, #tpu.memory_space<vmem>>
    %dma_start3A_222 = arith.constant 0 : i32
    %dma_start3A_223 = arith.constant 0 : i32
    %dma_start3A_224 = tpu.memref_slice %arg14[%dma_start3A_222, %dma_start3A_223] : memref<10000x16xf32, #tpu.memory_space<vmem_shared>> -> memref<10000x16xf32, #tpu.memory_space<vmem_shared>>
    tpu.enqueue_indirect_dma source(%dma_start3A_219 : memref<1000x16xf32, #tpu.memory_space<vmem>>) target(%dma_start3A_224 : memref<10000x16xf32, #tpu.memory_space<vmem_shared>>) offsets(%dma_start3A_221 : memref<1000xi32, #tpu.memory_space<vmem>>) semaphore(%arg11 : memref<!tpu.dma_semaphore, #tpu.memory_space<semaphore_mem>>) {add = true}
    %dma_start3A_225 = arith.constant 0 : i32
    %dma_start3A_226 = arith.constant 1000 : i32
    %dma_start3A_227 = arith.constant 0 : i32
    %dma_start3A_228 = tpu.memref_slice %arg7[%dma_start3A_225, %dma_start3A_226, %dma_start3A_227] : memref<3x2000x16xf32, #tpu.memory_space<vmem>> -> memref<1x1000x16xf32, #tpu.memory_space<vmem>>
    %dma_start3A_229 = tpu.memref_squeeze %dma_start3A_228 : memref<1x1000x16xf32, #tpu.memory_space<vmem>> -> memref<1000x16xf32, #tpu.memory_space<vmem>>
    %dma_start3A_230 = arith.constant 7000 : i32
    %dma_start3A_231 = tpu.memref_slice %arg6[%dma_start3A_230] : memref<10000xi32, #tpu.memory_space<vmem>> -> memref<1000xi32, #tpu.memory_space<vmem>>
    %dma_start3A_232 = arith.constant 0 : i32
    %dma_start3A_233 = arith.constant 0 : i32
    %dma_start3A_234 = tpu.memref_slice %arg14[%dma_start3A_232, %dma_start3A_233] : memref<10000x16xf32, #tpu.memory_space<vmem_shared>> -> memref<10000x16xf32, #tpu.memory_space<vmem_shared>>
    tpu.enqueue_indirect_dma source(%dma_start3A_229 : memref<1000x16xf32, #tpu.memory_space<vmem>>) target(%dma_start3A_234 : memref<10000x16xf32, #tpu.memory_space<vmem_shared>>) offsets(%dma_start3A_231 : memref<1000xi32, #tpu.memory_space<vmem>>) semaphore(%arg11 : memref<!tpu.dma_semaphore, #tpu.memory_space<semaphore_mem>>) {add = true}
    %dma_wait3A_235 = arith.constant 1 : i32
    %dma_wait3A_236 = arith.constant 0 : i32
    %dma_wait3A_237 = arith.constant 0 : i32
    %dma_wait3A_238 = tpu.memref_slice %arg7[%dma_wait3A_235, %dma_wait3A_236, %dma_wait3A_237] : memref<3x2000x16xf32, #tpu.memory_space<vmem>> -> memref<1x2000x16xf32, #tpu.memory_space<vmem>>
    %dma_wait3A_239 = tpu.memref_squeeze %dma_wait3A_238 : memref<1x2000x16xf32, #tpu.memory_space<vmem>> -> memref<2000x16xf32, #tpu.memory_space<vmem>>
    %dma_wait3A_240 = arith.constant 8000 : i32
    %dma_wait3A_241 = tpu.memref_slice %arg5[%dma_wait3A_240] : memref<10000xi32, #tpu.memory_space<vmem>> -> memref<2000xi32, #tpu.memory_space<vmem>>
    %dma_wait3A_242 = arith.constant 0 : i32
    %dma_wait3A_243 = arith.constant 0 : i32
    %dma_wait3A_244 = tpu.memref_slice %arg2[%dma_wait3A_242, %dma_wait3A_243] : memref<10000x16xf32, #tpu.memory_space<hbm>> -> memref<10000x16xf32, #tpu.memory_space<hbm>>
    tpu.wait_indirect_dma semaphore(%arg9 : memref<!tpu.dma_semaphore, #tpu.memory_space<semaphore_mem>>) src(%dma_wait3A_244 : memref<10000x16xf32, #tpu.memory_space<hbm>>) dst(%dma_wait3A_239 : memref<2000x16xf32, #tpu.memory_space<vmem>>)
    %dma_start3A_245 = arith.constant 1 : i32
    %dma_start3A_246 = arith.constant 0 : i32
    %dma_start3A_247 = arith.constant 0 : i32
    %dma_start3A_248 = tpu.memref_slice %arg7[%dma_start3A_245, %dma_start3A_246, %dma_start3A_247] : memref<3x2000x16xf32, #tpu.memory_space<vmem>> -> memref<1x1000x16xf32, #tpu.memory_space<vmem>>
    %dma_start3A_249 = tpu.memref_squeeze %dma_start3A_248 : memref<1x1000x16xf32, #tpu.memory_space<vmem>> -> memref<1000x16xf32, #tpu.memory_space<vmem>>
    %dma_start3A_250 = arith.constant 8000 : i32
    %dma_start3A_251 = tpu.memref_slice %arg6[%dma_start3A_250] : memref<10000xi32, #tpu.memory_space<vmem>> -> memref<1000xi32, #tpu.memory_space<vmem>>
    %dma_start3A_252 = arith.constant 0 : i32
    %dma_start3A_253 = arith.constant 0 : i32
    %dma_start3A_254 = tpu.memref_slice %arg14[%dma_start3A_252, %dma_start3A_253] : memref<10000x16xf32, #tpu.memory_space<vmem_shared>> -> memref<10000x16xf32, #tpu.memory_space<vmem_shared>>
    tpu.enqueue_indirect_dma source(%dma_start3A_249 : memref<1000x16xf32, #tpu.memory_space<vmem>>) target(%dma_start3A_254 : memref<10000x16xf32, #tpu.memory_space<vmem_shared>>) offsets(%dma_start3A_251 : memref<1000xi32, #tpu.memory_space<vmem>>) semaphore(%arg12 : memref<!tpu.dma_semaphore, #tpu.memory_space<semaphore_mem>>) {add = true}
    %dma_start3A_255 = arith.constant 1 : i32
    %dma_start3A_256 = arith.constant 1000 : i32
    %dma_start3A_257 = arith.constant 0 : i32
    %dma_start3A_258 = tpu.memref_slice %arg7[%dma_start3A_255, %dma_start3A_256, %dma_start3A_257] : memref<3x2000x16xf32, #tpu.memory_space<vmem>> -> memref<1x1000x16xf32, #tpu.memory_space<vmem>>
    %dma_start3A_259 = tpu.memref_squeeze %dma_start3A_258 : memref<1x1000x16xf32, #tpu.memory_space<vmem>> -> memref<1000x16xf32, #tpu.memory_space<vmem>>
    %dma_start3A_260 = arith.constant 9000 : i32
    %dma_start3A_261 = tpu.memref_slice %arg6[%dma_start3A_260] : memref<10000xi32, #tpu.memory_space<vmem>> -> memref<1000xi32, #tpu.memory_space<vmem>>
    %dma_start3A_262 = arith.constant 0 : i32
    %dma_start3A_263 = arith.constant 0 : i32
    %dma_start3A_264 = tpu.memref_slice %arg14[%dma_start3A_262, %dma_start3A_263] : memref<10000x16xf32, #tpu.memory_space<vmem_shared>> -> memref<10000x16xf32, #tpu.memory_space<vmem_shared>>
    tpu.enqueue_indirect_dma source(%dma_start3A_259 : memref<1000x16xf32, #tpu.memory_space<vmem>>) target(%dma_start3A_264 : memref<10000x16xf32, #tpu.memory_space<vmem_shared>>) offsets(%dma_start3A_261 : memref<1000xi32, #tpu.memory_space<vmem>>) semaphore(%arg12 : memref<!tpu.dma_semaphore, #tpu.memory_space<semaphore_mem>>) {add = true}
    %dma_wait3A_265 = arith.constant 0 : i32
    %dma_wait3A_266 = arith.constant 0 : i32
    %dma_wait3A_267 = arith.constant 0 : i32
    %dma_wait3A_268 = tpu.memref_slice %arg7[%dma_wait3A_265, %dma_wait3A_266, %dma_wait3A_267] : memref<3x2000x16xf32, #tpu.memory_space<vmem>> -> memref<1x1000x16xf32, #tpu.memory_space<vmem>>
    %dma_wait3A_269 = tpu.memref_squeeze %dma_wait3A_268 : memref<1x1000x16xf32, #tpu.memory_space<vmem>> -> memref<1000x16xf32, #tpu.memory_space<vmem>>
    %dma_wait3A_270 = arith.constant 6000 : i32
    %dma_wait3A_271 = tpu.memref_slice %arg6[%dma_wait3A_270] : memref<10000xi32, #tpu.memory_space<vmem>> -> memref<1000xi32, #tpu.memory_space<vmem>>
    %dma_wait3A_272 = arith.constant 0 : i32
    %dma_wait3A_273 = arith.constant 0 : i32
    %dma_wait3A_274 = tpu.memref_slice %arg14[%dma_wait3A_272, %dma_wait3A_273] : memref<10000x16xf32, #tpu.memory_space<vmem_shared>> -> memref<10000x16xf32, #tpu.memory_space<vmem_shared>>
    tpu.wait_indirect_dma semaphore(%arg11 : memref<!tpu.dma_semaphore, #tpu.memory_space<semaphore_mem>>) src(%dma_wait3A_269 : memref<1000x16xf32, #tpu.memory_space<vmem>>) dst(%dma_wait3A_274 : memref<10000x16xf32, #tpu.memory_space<vmem_shared>>)
    %dma_wait3A_275 = arith.constant 1 : i32
    %dma_wait3A_276 = arith.constant 0 : i32
    %dma_wait3A_277 = arith.constant 0 : i32
    %dma_wait3A_278 = tpu.memref_slice %arg7[%dma_wait3A_275, %dma_wait3A_276, %dma_wait3A_277] : memref<3x2000x16xf32, #tpu.memory_space<vmem>> -> memref<1x1000x16xf32, #tpu.memory_space<vmem>>
    %dma_wait3A_279 = tpu.memref_squeeze %dma_wait3A_278 : memref<1x1000x16xf32, #tpu.memory_space<vmem>> -> memref<1000x16xf32, #tpu.memory_space<vmem>>
    %dma_wait3A_280 = arith.constant 8000 : i32
    %dma_wait3A_281 = tpu.memref_slice %arg6[%dma_wait3A_280] : memref<10000xi32, #tpu.memory_space<vmem>> -> memref<1000xi32, #tpu.memory_space<vmem>>
    %dma_wait3A_282 = arith.constant 0 : i32
    %dma_wait3A_283 = arith.constant 0 : i32
    %dma_wait3A_284 = tpu.memref_slice %arg14[%dma_wait3A_282, %dma_wait3A_283] : memref<10000x16xf32, #tpu.memory_space<vmem_shared>> -> memref<10000x16xf32, #tpu.memory_space<vmem_shared>>
    tpu.wait_indirect_dma semaphore(%arg12 : memref<!tpu.dma_semaphore, #tpu.memory_space<semaphore_mem>>) src(%dma_wait3A_279 : memref<1000x16xf32, #tpu.memory_space<vmem>>) dst(%dma_wait3A_284 : memref<10000x16xf32, #tpu.memory_space<vmem_shared>>)
    %dma_wait3A_285 = arith.constant 0 : i32
    %dma_wait3A_286 = arith.constant 1000 : i32
    %dma_wait3A_287 = arith.constant 0 : i32
    %dma_wait3A_288 = tpu.memref_slice %arg7[%dma_wait3A_285, %dma_wait3A_286, %dma_wait3A_287] : memref<3x2000x16xf32, #tpu.memory_space<vmem>> -> memref<1x1000x16xf32, #tpu.memory_space<vmem>>
    %dma_wait3A_289 = tpu.memref_squeeze %dma_wait3A_288 : memref<1x1000x16xf32, #tpu.memory_space<vmem>> -> memref<1000x16xf32, #tpu.memory_space<vmem>>
    %dma_wait3A_290 = arith.constant 7000 : i32
    %dma_wait3A_291 = tpu.memref_slice %arg6[%dma_wait3A_290] : memref<10000xi32, #tpu.memory_space<vmem>> -> memref<1000xi32, #tpu.memory_space<vmem>>
    %dma_wait3A_292 = arith.constant 0 : i32
    %dma_wait3A_293 = arith.constant 0 : i32
    %dma_wait3A_294 = tpu.memref_slice %arg14[%dma_wait3A_292, %dma_wait3A_293] : memref<10000x16xf32, #tpu.memory_space<vmem_shared>> -> memref<10000x16xf32, #tpu.memory_space<vmem_shared>>
    tpu.wait_indirect_dma semaphore(%arg11 : memref<!tpu.dma_semaphore, #tpu.memory_space<semaphore_mem>>) src(%dma_wait3A_289 : memref<1000x16xf32, #tpu.memory_space<vmem>>) dst(%dma_wait3A_294 : memref<10000x16xf32, #tpu.memory_space<vmem_shared>>)
    %dma_wait3A_295 = arith.constant 1 : i32
    %dma_wait3A_296 = arith.constant 1000 : i32
    %dma_wait3A_297 = arith.constant 0 : i32
    %dma_wait3A_298 = tpu.memref_slice %arg7[%dma_wait3A_295, %dma_wait3A_296, %dma_wait3A_297] : memref<3x2000x16xf32, #tpu.memory_space<vmem>> -> memref<1x1000x16xf32, #tpu.memory_space<vmem>>
    %dma_wait3A_299 = tpu.memref_squeeze %dma_wait3A_298 : memref<1x1000x16xf32, #tpu.memory_space<vmem>> -> memref<1000x16xf32, #tpu.memory_space<vmem>>
    %dma_wait3A_300 = arith.constant 9000 : i32
    %dma_wait3A_301 = tpu.memref_slice %arg6[%dma_wait3A_300] : memref<10000xi32, #tpu.memory_space<vmem>> -> memref<1000xi32, #tpu.memory_space<vmem>>
    %dma_wait3A_302 = arith.constant 0 : i32
    %dma_wait3A_303 = arith.constant 0 : i32
    %dma_wait3A_304 = tpu.memref_slice %arg14[%dma_wait3A_302, %dma_wait3A_303] : memref<10000x16xf32, #tpu.memory_space<vmem_shared>> -> memref<10000x16xf32, #tpu.memory_space<vmem_shared>>
    tpu.wait_indirect_dma semaphore(%arg12 : memref<!tpu.dma_semaphore, #tpu.memory_space<semaphore_mem>>) src(%dma_wait3A_299 : memref<1000x16xf32, #tpu.memory_space<vmem>>) dst(%dma_wait3A_304 : memref<10000x16xf32, #tpu.memory_space<vmem_shared>>)
    %barrier3A_305 = arith.constant 0 : index
    tpu.barrier barrier_id(%barrier3A_305)
    %lt3A_306 = arith.constant 10 : i32
    %lt3A_307 = arith.cmpi slt, %arg1, %lt3A_306 : i32
    %convert_element_type3A_308 = arith.extui %lt3A_307 : i1 to i32
    %cond3A_309 = arith.constant 0 : i32
    %cond3A_310 = arith.cmpi ne, %convert_element_type3A_308, %cond3A_309 : i32
    scf.if %cond3A_310 {
      %mul3A_311 = arith.constant 1000 : i32
      %mul3A_312 = arith.muli %arg1, %mul3A_311 : i32
      %mul3A_313 = arith.constant 1000 : i32
      %mul3A_314 = arith.muli %arg1, %mul3A_313 : i32
      "tpu.region"() ({
        %run_scoped3A = tpu.sem_alloc : memref<!tpu.dma_semaphore, #tpu.memory_space<semaphore_mem>>
        %dma_start3A_315 = arith.constant 0 : i32
        %dma_start3A_316 = tpu.memref_slice %arg4[%arg0, %mul3A_314, %dma_start3A_315] : memref<2x10000x16xf32, #tpu.memory_space<hbm>> -> memref<1x1000x16xf32, #tpu.memory_space<hbm>>
        %dma_start3A_317 = tpu.memref_squeeze %dma_start3A_316 : memref<1x1000x16xf32, #tpu.memory_space<hbm>> -> memref<1000x16xf32, #tpu.memory_space<hbm>>
        %dma_start3A_318 = arith.constant 0 : i32
        %dma_start3A_319 = tpu.memref_slice %arg14[%mul3A_312, %dma_start3A_318] : memref<10000x16xf32, #tpu.memory_space<vmem_shared>> -> memref<1000x16xf32, #tpu.memory_space<vmem_shared>>
        tpu.enqueue_dma source(%dma_start3A_319 : memref<1000x16xf32, #tpu.memory_space<vmem_shared>>) target(%dma_start3A_317 : memref<1000x16xf32, #tpu.memory_space<hbm>>) target_semaphore(%run_scoped3A : memref<!tpu.dma_semaphore, #tpu.memory_space<semaphore_mem>>)
        %dma_wait3A_320 = arith.constant 0 : i32
        %dma_wait3A_321 = tpu.memref_slice %arg4[%arg0, %mul3A_314, %dma_wait3A_320] : memref<2x10000x16xf32, #tpu.memory_space<hbm>> -> memref<1x1000x16xf32, #tpu.memory_space<hbm>>
        %dma_wait3A_322 = tpu.memref_squeeze %dma_wait3A_321 : memref<1x1000x16xf32, #tpu.memory_space<hbm>> -> memref<1000x16xf32, #tpu.memory_space<hbm>>
        %dma_wait3A_323 = arith.constant 0 : i32
        %dma_wait3A_324 = tpu.memref_slice %arg14[%mul3A_312, %dma_wait3A_323] : memref<10000x16xf32, #tpu.memory_space<vmem_shared>> -> memref<1000x16xf32, #tpu.memory_space<vmem_shared>>
        tpu.wait_dma2 semaphore(%run_scoped3A : memref<!tpu.dma_semaphore, #tpu.memory_space<semaphore_mem>>) src(%dma_wait3A_324 : memref<1000x16xf32, #tpu.memory_space<vmem_shared>>) dst(%dma_wait3A_322 : memref<1000x16xf32, #tpu.memory_space<hbm>>)
        tpu.yield
      }) : () -> ()
    } else {
    }
    return
  }
}

module attributes {stable_mosaic.version = 14 : i64} {
  func.func @_mm0_kernel(%arg0: memref<1250x1024xf32, #tpu.memory_space<vmem>>, %arg1: memref<1024x128xf32, #tpu.memory_space<vmem>>, %arg2: memref<1250x128xf32, #tpu.memory_space<vmem>>) attributes {dimension_semantics = [], scalar_prefetch = 0 : i64, scratch_operands = 0 : i64, tpu.core_type = #tpu.core_type<tc>} {
    %get3A = arith.constant 0 : index
    %get3A_0 = arith.constant 0 : index
    %get3A_1 = vector.load %arg0[%get3A, %get3A_0] : memref<1250x1024xf32, #tpu.memory_space<vmem>>, vector<1250x1024xf32>
    %get3A_2 = arith.constant 0 : index
    %get3A_3 = arith.constant 0 : index
    %get3A_4 = vector.load %arg1[%get3A_2, %get3A_3] : memref<1024x128xf32, #tpu.memory_space<vmem>>, vector<1024x128xf32>
    %dot_general3A = arith.constant dense<0.000000e+00> : vector<1250x128xf32>
    %dot_general3A_5 = tpu.matmul %get3A_1, %get3A_4, %dot_general3A {dimension_numbers = #tpu.dot_dimension_numbers<[1], [0], [0], [1], [0, 0, 1, 1], [], []>, transpose_lhs_hint = false} : vector<1250x1024xf32>, vector<1024x128xf32>, vector<1250x128xf32> -> vector<1250x128xf32>
    %swap3A = arith.constant 0 : index
    %swap3A_6 = arith.constant 0 : index
    %swap3A_7 = vector.load %arg2[%swap3A, %swap3A_6] : memref<1250x128xf32, #tpu.memory_space<vmem>>, vector<1250x128xf32>
    tpu.vector_store %arg2[%swap3A, %swap3A_6], %dot_general3A_5 {strides = array<i32>} : memref<1250x128xf32, #tpu.memory_space<vmem>>, vector<1250x128xf32>,
    return
  }
}

module attributes {stable_mosaic.version = 14 : i64} {
  func.func @_prep_kernel(%arg0: memref<2x1250x128xf32, #tpu.memory_space<vmem>>, %arg1: memref<1250x128xf32, #tpu.memory_space<vmem>>, %arg2: memref<1250x128xf32, #tpu.memory_space<vmem>>, %arg3: memref<1250x128xf32, #tpu.memory_space<vmem>>) attributes {dimension_semantics = [], scalar_prefetch = 0 : i64, scratch_operands = 0 : i64, tpu.core_type = #tpu.core_type<tc>} {
    %get3A = arith.constant 0 : index
    %get3A_0 = arith.constant 0 : index
    %get3A_1 = arith.constant 0 : index
    %get3A_2 = vector.load %arg0[%get3A, %get3A_0, %get3A_1] : memref<2x1250x128xf32, #tpu.memory_space<vmem>>, vector<1x1250x128xf32>
    %get3A_3 = vector.shape_cast %get3A_2 : vector<1x1250x128xf32> to vector<1250x128xf32>
    %get3A_4 = arith.constant 1 : index
    %get3A_5 = arith.constant 0 : index
    %get3A_6 = arith.constant 0 : index
    %get3A_7 = vector.load %arg0[%get3A_4, %get3A_5, %get3A_6] : memref<2x1250x128xf32, #tpu.memory_space<vmem>>, vector<1x1250x128xf32>
    %get3A_8 = vector.shape_cast %get3A_7 : vector<1x1250x128xf32> to vector<1250x128xf32>
    %add3A = arith.addf %get3A_3, %get3A_8 : vector<1250x128xf32>
    %add3A_9 = arith.constant 1.000000e+00 : f32
    %add3A_10 = vector.broadcast %add3A_9 : f32 to vector<1250x128xf32>
    %add3A_11 = arith.addf %add3A, %add3A_10 : vector<1250x128xf32>
    %rsqrt3A = math.rsqrt %add3A_11 : vector<1250x128xf32>
    %swap3A = arith.constant 0 : index
    %swap3A_12 = arith.constant 0 : index
    %swap3A_13 = vector.load %arg2[%swap3A, %swap3A_12] : memref<1250x128xf32, #tpu.memory_space<vmem>>, vector<1250x128xf32>
    tpu.vector_store %arg2[%swap3A, %swap3A_12], %rsqrt3A {strides = array<i32>} : memref<1250x128xf32, #tpu.memory_space<vmem>>, vector<1250x128xf32>,
    %get3A_14 = arith.constant 0 : index
    %get3A_15 = arith.constant 0 : index
    %get3A_16 = vector.load %arg1[%get3A_14, %get3A_15] : memref<1250x128xf32, #tpu.memory_space<vmem>>, vector<1250x128xf32>
    %mul3A = arith.mulf %get3A_16, %rsqrt3A : vector<1250x128xf32>
    %swap3A_17 = arith.constant 0 : index
    %swap3A_18 = arith.constant 0 : index
    %swap3A_19 = vector.load %arg3[%swap3A_17, %swap3A_18] : memref<1250x128xf32, #tpu.memory_space<vmem>>, vector<1250x128xf32>
    tpu.vector_store %arg3[%swap3A_17, %swap3A_18], %mul3A {strides = array<i32>} : memref<1250x128xf32, #tpu.memory_space<vmem>>, vector<1250x128xf32>,
    return
  }
}

module attributes {stable_mosaic.version = 14 : i64} {
  func.func @_final_kernel(%arg0: memref<2x1250x128xf32, #tpu.memory_space<vmem>>, %arg1: memref<1250x128xf32, #tpu.memory_space<vmem>>, %arg2: memref<1250x128xf32, #tpu.memory_space<vmem>>, %arg3: memref<1x128xf32, #tpu.memory_space<vmem>>, %arg4: memref<128x128xf32, #tpu.memory_space<vmem>>, %arg5: memref<1250x128xf32, #tpu.memory_space<vmem>>) attributes {dimension_semantics = [], scalar_prefetch = 0 : i64, scratch_operands = 0 : i64, tpu.core_type = #tpu.core_type<tc>} {
    %get3A = arith.constant 0 : index
    %get3A_0 = arith.constant 0 : index
    %get3A_1 = arith.constant 0 : index
    %get3A_2 = vector.load %arg0[%get3A, %get3A_0, %get3A_1] : memref<2x1250x128xf32, #tpu.memory_space<vmem>>, vector<1x1250x128xf32>
    %get3A_3 = vector.shape_cast %get3A_2 : vector<1x1250x128xf32> to vector<1250x128xf32>
    %get3A_4 = arith.constant 1 : index
    %get3A_5 = arith.constant 0 : index
    %get3A_6 = arith.constant 0 : index
    %get3A_7 = vector.load %arg0[%get3A_4, %get3A_5, %get3A_6] : memref<2x1250x128xf32, #tpu.memory_space<vmem>>, vector<1x1250x128xf32>
    %get3A_8 = vector.shape_cast %get3A_7 : vector<1x1250x128xf32> to vector<1250x128xf32>
    %add3A = arith.addf %get3A_3, %get3A_8 : vector<1250x128xf32>
    %get3A_9 = arith.constant 0 : index
    %get3A_10 = arith.constant 0 : index
    %get3A_11 = vector.load %arg1[%get3A_9, %get3A_10] : memref<1250x128xf32, #tpu.memory_space<vmem>>, vector<1250x128xf32>
    %sub3A = arith.subf %add3A, %get3A_11 : vector<1250x128xf32>
    %get3A_12 = arith.constant 0 : index
    %get3A_13 = arith.constant 0 : index
    %get3A_14 = vector.load %arg2[%get3A_12, %get3A_13] : memref<1250x128xf32, #tpu.memory_space<vmem>>, vector<1250x128xf32>
    %mul3A = arith.mulf %sub3A, %get3A_14 : vector<1250x128xf32>
    %get3A_15 = arith.constant 0 : index
    %get3A_16 = arith.constant 0 : index
    %get3A_17 = vector.load %arg3[%get3A_15, %get3A_16] : memref<1x128xf32, #tpu.memory_space<vmem>>, vector<1x128xf32>
    %add3A_18 = vector.broadcast %get3A_17 : vector<1x128xf32> to vector<1250x128xf32>
    %add3A_19 = arith.addf %mul3A, %add3A_18 : vector<1250x128xf32>
    %reduce_max3A = arith.constant dense<0xFF800000> : vector<1250xf32>
    %reduce_max3A_20 = vector.multi_reduction <maximumf>, %add3A_19, %reduce_max3A [1] : vector<1250x128xf32> to vector<1250xf32>
    %broadcast_in_dim3A = vector.shape_cast %reduce_max3A_20 : vector<1250xf32> to vector<1250x1xf32>
    %sub3A_21 = vector.broadcast %broadcast_in_dim3A : vector<1250x1xf32> to vector<1250x128xf32>
    %sub3A_22 = arith.subf %add3A_19, %sub3A_21 : vector<1250x128xf32>
    %exp3A = math.exp %sub3A_22 : vector<1250x128xf32>
    %get3A_23 = arith.constant 0 : index
    %get3A_24 = arith.constant 0 : index
    %get3A_25 = vector.load %arg4[%get3A_23, %get3A_24] : memref<128x128xf32, #tpu.memory_space<vmem>>, vector<128x128xf32>
    %dot_general3A = arith.constant dense<0.000000e+00> : vector<1250x128xf32>
    %dot_general3A_26 = tpu.matmul %exp3A, %get3A_25, %dot_general3A {dimension_numbers = #tpu.dot_dimension_numbers<[1], [0], [0], [1], [0, 0, 1, 1], [], []>, transpose_lhs_hint = false} : vector<1250x128xf32>, vector<128x128xf32>, vector<1250x128xf32> -> vector<1250x128xf32>
    %div3A = arith.divf %exp3A, %dot_general3A_26 : vector<1250x128xf32>
    %swap3A = arith.constant 0 : index
    %swap3A_27 = arith.constant 0 : index
    %swap3A_28 = vector.load %arg5[%swap3A, %swap3A_27] : memref<1250x128xf32, #tpu.memory_space<vmem>>, vector<1250x128xf32>
    tpu.vector_store %arg5[%swap3A, %swap3A_27], %div3A {strides = array<i32>} : memref<1250x128xf32, #tpu.memory_space<vmem>>, vector<1250x128xf32>,
    return
  }
}

module attributes {stable_mosaic.version = 14 : i64} {
  func.func @_combine_kernel(%arg0: memref<2x1250x128xf32, #tpu.memory_space<vmem>>, %arg1: memref<1250x128xf32, #tpu.memory_space<vmem>>, %arg2: memref<1250x128xf32, #tpu.memory_space<vmem>>, %arg3: memref<1x128xf32, #tpu.memory_space<vmem>>, %arg4: memref<128x128xf32, #tpu.memory_space<vmem>>, %arg5: memref<1250x128xf32, #tpu.memory_space<vmem>>) attributes {dimension_semantics = [], scalar_prefetch = 0 : i64, scratch_operands = 0 : i64, tpu.core_type = #tpu.core_type<tc>} {
    %get3A = arith.constant 0 : index
    %get3A_0 = arith.constant 0 : index
    %get3A_1 = arith.constant 0 : index
    %get3A_2 = vector.load %arg0[%get3A, %get3A_0, %get3A_1] : memref<2x1250x128xf32, #tpu.memory_space<vmem>>, vector<1x1250x128xf32>
    %get3A_3 = vector.shape_cast %get3A_2 : vector<1x1250x128xf32> to vector<1250x128xf32>
    %get3A_4 = arith.constant 1 : index
    %get3A_5 = arith.constant 0 : index
    %get3A_6 = arith.constant 0 : index
    %get3A_7 = vector.load %arg0[%get3A_4, %get3A_5, %get3A_6] : memref<2x1250x128xf32, #tpu.memory_space<vmem>>, vector<1x1250x128xf32>
    %get3A_8 = vector.shape_cast %get3A_7 : vector<1x1250x128xf32> to vector<1250x128xf32>
    %add3A = arith.addf %get3A_3, %get3A_8 : vector<1250x128xf32>
    %get3A_9 = arith.constant 0 : index
    %get3A_10 = arith.constant 0 : index
    %get3A_11 = vector.load %arg1[%get3A_9, %get3A_10] : memref<1250x128xf32, #tpu.memory_space<vmem>>, vector<1250x128xf32>
    %sub3A = arith.subf %add3A, %get3A_11 : vector<1250x128xf32>
    %get3A_12 = arith.constant 0 : index
    %get3A_13 = arith.constant 0 : index
    %get3A_14 = vector.load %arg2[%get3A_12, %get3A_13] : memref<1250x128xf32, #tpu.memory_space<vmem>>, vector<1250x128xf32>
    %mul3A = arith.mulf %sub3A, %get3A_14 : vector<1250x128xf32>
    %get3A_15 = arith.constant 0 : index
    %get3A_16 = arith.constant 0 : index
    %get3A_17 = vector.load %arg3[%get3A_15, %get3A_16] : memref<1x128xf32, #tpu.memory_space<vmem>>, vector<1x128xf32>
    %add3A_18 = vector.broadcast %get3A_17 : vector<1x128xf32> to vector<1250x128xf32>
    %add3A_19 = arith.addf %mul3A, %add3A_18 : vector<1250x128xf32>
    %ge3A = arith.constant 0.000000e+00 : f32
    %ge3A_20 = vector.broadcast %ge3A : f32 to vector<1250x128xf32>
    %ge3A_21 = arith.cmpf oge, %add3A_19, %ge3A_20 : vector<1250x128xf32>
    %mul3A_22 = arith.constant 0.00999999977 : f32
    %mul3A_23 = vector.broadcast %mul3A_22 : f32 to vector<1250x128xf32>
    %mul3A_24 = arith.mulf %mul3A_23, %add3A_19 : vector<1250x128xf32>
    %select_n3A = arith.select %ge3A_21, %add3A_19, %mul3A_24 : vector<1250x128xi1>, vector<1250x128xf32>
    %get3A_25 = arith.constant 0 : index
    %get3A_26 = arith.constant 0 : index
    %get3A_27 = vector.load %arg4[%get3A_25, %get3A_26] : memref<128x128xf32, #tpu.memory_space<vmem>>, vector<128x128xf32>
    %dot_general3A = arith.constant dense<0.000000e+00> : vector<1250x128xf32>
    %dot_general3A_28 = tpu.matmul %select_n3A, %get3A_27, %dot_general3A {dimension_numbers = #tpu.dot_dimension_numbers<[1], [0], [0], [1], [0, 0, 1, 1], [], []>, transpose_lhs_hint = false} : vector<1250x128xf32>, vector<128x128xf32>, vector<1250x128xf32> -> vector<1250x128xf32>
    %get3A_29 = arith.constant 0 : index
    %get3A_30 = arith.constant 0 : index
    %get3A_31 = vector.load %arg2[%get3A_29, %get3A_30] : memref<1250x128xf32, #tpu.memory_space<vmem>>, vector<1250x128xf32>
    %mul3A_32 = arith.mulf %dot_general3A_28, %get3A_31 : vector<1250x128xf32>
    %swap3A = arith.constant 0 : index
    %swap3A_33 = arith.constant 0 : index
    %swap3A_34 = vector.load %arg5[%swap3A, %swap3A_33] : memref<1250x128xf32, #tpu.memory_space<vmem>>, vector<1250x128xf32>
    tpu.vector_store %arg5[%swap3A, %swap3A_33], %mul3A_32 {strides = array<i32>} : memref<1250x128xf32, #tpu.memory_space<vmem>>, vector<1250x128xf32>,
    return
  }
}

</mosaic_0001>

<sc_bundles>
// kernel: kernel.13.cloned.1.call-start
scs
__scs_entry_jumppad:
0x0: {  	(pc) =	sbr.rel $0x88, $3  }
0x1: {  	(tag) =	ssettag $0x0;
	lr =	simm.s32 $0x1  }
0x2: {  	[smem:$0x3F97] =	sst lr;
	_ =	strace $0xD0000000  }
0x3: {  	_ = 	snop  }
0x4: {  	_ = 	snop  }
0x5: {  	_ = 	snop  }
0x6: {  	_ = 	snop  }
0x7: {  	_ = 	snop  }
__scs_overlays_trampoline_lowered:
0x8: {  	[smem:$0x3FA6] =	sst s0  }
0x9: {  	[smem:$0x3FA7] =	sst s1  }
0xa: {  	[smem:$0x3FA8] =	sst s2  }
0xb: {  	[smem:$0x3FA9] =	sst s3  }
0xc: {  	[smem:$0x3FAA] =	sst s4  }
0xd: {  	[smem:$0x3FAB] =	sst s5  }
0xe: {  	[smem:$0x3FAC] =	sst s6  }
0xf: {  	[smem:$0x3FAD] =	sst s7  }
0x10: {  	[smem:$0x3FAE] =	sst s8  }
0x11: {  	[smem:$0x3FAF] =	sst s9;
	s0 =	simm.s32 @!p0 $0x0  }
0x12: {  	s1 =	sld [smem:$0x3F95];
	s0 =	simm.s32 @p0 $0x1  }
0x13: {  	[smem:$0x3FB0] =	sst s0;
	s0 =	simm.s32 @!p1 $0x0  }
0x14: {  	s2 =	sld [smem:$0x3F94];
	s0 =	simm.s32 @p1 $0x1  }
0x15: {  	[smem:$0x3FB1] =	sst s0;
	s0 =	simm.s32 @!p2 $0x0  }
0x16: {  	s3 =	sld [smem:$0x3FDB];
	s0 =	simm.s32 @p2 $0x1  }
0x17: {  	s4 =	simm.s32 $0x1BF5;
	[smem:$0x3FB3] =	sst s0  }
0x18: {  	s0 =	sld [smem:$0x3F96];
	_ =	swait.ge [sflag:s4], $0x0  }
0x19: {  	s7 =	sld [smem:$0x3F97]  }
0x1a: {  	s8 =	sadd.s32 $0xFFFFE003, lr  }
0x1b: {  	s9 =	sadd.s32 $0xFFFFFEF7, lr;
	s5 =	simm.s32 $0xFFFFFFFF;
	p2 =	slt.u32 s8, $0xFFFFF086  }
0x1c: {  	p1 =	slt.u32 s9, $0xF7A;
	s5 =	simm.s32 @!p2 $0x0  }
0x1d: {  	s5 =	simm.s32 @p1 $0x1;
	p0 =	seq.s32 s7, s2  }
0x1e: {  	s7 =	smul.u32 @!p0 $0xF7A, s2;
	p2 =	seq.s32 @!p0 s5, $0x0  }
0x1f: {  	s9 =	smul.u32 $0xF7A, s1;
	s8 =	simm.s32 @!p0 $0x1BF5;
	p2 =	por !p2, p0  }
0x20: {  	[sflag:s8] =	ssyncset.s32 @!p0 $0xFFFFF086;
	s6 =	sadd.s32 @!p0 s3, s7;
	s7 =	simm.s32 @!p0 $0x108  }
0x21: {  	s3 =	sadd.s32 s3, s9;
	s6 =	sadd.s32 @!p0 $0x88, s6;
	s7 =	simm.s32 @p2 $0x1082  }
0x22: {  	[simem:s7], [sflag:s8] =	dma.local @!p0 [hbm:s6], $0xF7A  }
0x23: {  	s9 =	sor.u32 $0xD0000000, s2;
	s6 =	simm.s32 $0x108;
	_ =	swait.ge @!p0 [sflag:s8], $0x0  }
0x24: {  	s3 =	sadd.s32 $0x88, s3;
	s6 =	simm.s32 @!p1 $0x1082;
	[sflag:s4] =	ssyncset.s32 $0xFFFFF086  }
0x25: {  	[simem:s6], [sflag:s4] =	dma.local [hbm:s3], $0xF7A  }
0x26: {  	[smem:$0x3F97] =	sst s1;
	(tag) =	ssettag s2;
	_ =	strace s9  }
0x27: {  	s1 =	sld [smem:$0x3FA7]  }
0x28: {  	s2 =	sld [smem:$0x3FA8]  }
0x29: {  	s4 =	sld [smem:$0x3FAA]  }
0x2a: {  	p0 =	seq.s32 s5, $0x0;
	s5 =	sld [smem:$0x3FAB]  }
0x2b: {  	s6 =	sld [smem:$0x3FAC]  }
0x2c: {  	s7 =	sld [smem:$0x3FAD]  }
0x2d: {  	s3 =	simm.s32 $0x108;
	s8 =	sld [smem:$0x3FAE]  }
0x2e: {  	s3 =	simm.s32 @!p0 $0x1082;
	s9 =	sld [smem:$0x3FAF]  }
0x2f: {  	lr =	sadd.s32 s0, s3;
	s0 =	sld [smem:$0x3FA6]  }
0x30: {  	s3 =	sld [smem:$0x3FA9]  }
0x31: {  	[smem:$0x3FB2] =	sst s10  }
0x32: {  	s10 =	sld [smem:$0x3FB0];
	_ =	sdelay $0x3  }
0x33: {  	p0 =	seq.s32 s10, $0x1;
	s10 =	sld [smem:$0x3FB2];
	_ =	sdelay $0x3  }
0x34: {  	[smem:$0x3FB2] =	sst s10  }
0x35: {  	s10 =	sld [smem:$0x3FB1];
	_ =	sdelay $0x3  }
0x36: {  	p1 =	seq.s32 s10, $0x1;
	s10 =	sld [smem:$0x3FB2];
	_ =	sdelay $0x3  }
0x37: {  	[smem:$0x3FB2] =	sst s10  }
0x38: {  	s10 =	sld [smem:$0x3FB3]  }
0x39: {  	_ = 	snop;
	(pc) =	sbr.ind lr, $3  }
0x3a: {  	_ = 	snop  }
0x3b: {  	_ = 	snop  }
0x3c: {  	p2 =	seq.s32 s10, $0x1;
	s10 =	sld [smem:$0x3FB2]  }
0x3d: {  	_ =	shalt  }
0x3e: {  	_ =	shalt  }
0x3f: {  	_ =	shalt  }
0x40: {  	_ =	shalt  }
0x41: {  	_ =	shalt  }
0x42: {  	_ =	shalt  }
0x43: {  	_ =	shalt  }
0x44: {  	_ =	shalt  }
0x45: {  	_ =	shalt  }
0x46: {  	_ =	shalt  }
0x47: {  	_ =	shalt  }
0x48: {  	_ =	shalt  }
0x49: {  	_ =	shalt  }
0x4a: {  	_ =	shalt  }
0x4b: {  	_ =	shalt  }
0x4c: {  	_ =	shalt  }
0x4d: {  	_ =	shalt  }
0x4e: {  	_ =	shalt  }
0x4f: {  	_ =	shalt  }
0x50: {  	_ =	shalt  }
0x51: {  	_ =	shalt  }
0x52: {  	_ =	shalt  }
0x53: {  	_ =	shalt  }
0x54: {  	_ =	shalt  }
0x55: {  	_ =	shalt  }
0x56: {  	_ =	shalt  }
0x57: {  	_ =	shalt  }
0x58: {  	_ =	shalt  }
0x59: {  	_ =	shalt  }
0x5a: {  	_ =	shalt  }
0x5b: {  	_ =	shalt  }
0x5c: {  	_ =	shalt  }
0x5d: {  	_ =	shalt  }
0x5e: {  	_ =	shalt  }
0x5f: {  	_ =	shalt  }
0x60: {  	_ =	shalt  }
0x61: {  	_ =	shalt  }
0x62: {  	_ =	shalt  }
0x63: {  	_ =	shalt  }
0x64: {  	_ =	shalt  }
0x65: {  	_ =	shalt  }
0x66: {  	_ =	shalt  }
0x67: {  	_ =	shalt  }
0x68: {  	_ =	shalt  }
0x69: {  	_ =	shalt  }
0x6a: {  	_ =	shalt  }
0x6b: {  	_ =	shalt  }
0x6c: {  	_ =	shalt  }
0x6d: {  	_ =	shalt  }
0x6e: {  	_ =	shalt  }
0x6f: {  	_ =	shalt  }
0x70: {  	_ =	shalt  }
0x71: {  	_ =	shalt  }
0x72: {  	_ =	shalt  }
0x73: {  	_ =	shalt  }
0x74: {  	_ =	shalt  }
0x75: {  	_ =	shalt  }
0x76: {  	_ =	shalt  }
0x77: {  	_ =	shalt  }
0x78: {  	_ =	shalt  }
0x79: {  	_ =	shalt  }
0x7a: {  	_ =	shalt  }
0x7b: {  	_ =	shalt  }
0x7c: {  	_ =	shalt  }
0x7d: {  	_ =	shalt  }
0x7e: {  	_ =	shalt  }
0x7f: {  	_ =	shalt  }
0x80: {  	_ =	shalt  }
0x81: {  	_ =	shalt  }
0x82: {  	_ =	shalt  }
0x83: {  	_ =	shalt  }
0x84: {  	_ =	shalt  }
0x85: {  	_ =	shalt  }
0x86: {  	_ =	shalt  }
0x87: {  	_ =	shalt  }
.Lfunc_end0:
.L_simem_size_0:
called_computation_lowered:
.L_overlay_start_0:
0x88: {  	s2 =	sld [smem:$0x3FD9]  }
0x89: {  	s3 =	sld [smem:$0x3FFE];
	_ =	sdelay $0x1  }
0x8a: {  	s1 =	srdreg.scid  }
0x8b: {  	s0 =	sand.u32 $0x1, s1  }
0x8c: {  	s16 =	sshll.u32 s0, $0xA;
	s2 =	sadd.s32 s3, s2  }
0x8d: {  	s2 =	sadd.s32 s2, s16  }
0x8e: {  	[smem:$0x3FBE] =	sst s2  }
0x8f: {  	_ = 	snop  }
0x90: {  	(tm) =	ssettm $0x1  }
0x91: {  	s17 =	sld [smem:$0x3FFB];
	_ =	sdelay $0x3  }
0x92: {  	_ =	strace s17  }
0x93: {  	s2 =	sld [smem:$0x3FFC];
	_ =	sdelay $0x3  }
0x94: {  	_ =	strace s2  }
0x95: {  	s2 =	sld [smem:$0x3FFD];
	_ =	sdelay $0x3  }
0x96: {  	_ =	strace s2  }
0x97: {  	_ =	strace $0x8FFFFFFF  }
0x98: {  	s18 =	sld [smem:$0x3FDB];
	_ =	sdelay $0x1  }
0x99: {  	s19 =	simm.s32 $_scs_section_size  }
0x9a: {  	s4 =	simm.s32 $_size__tile_overlayer_lowered;
	s5 =	simm.s32 $_tile_overlayer_lowered  }
0x9b: {  	s22 =	simm.s32 $0x1BFF;
	s21 =	sshll.u32 s5, $0x1;
	s2 =	sadd.s32 s19, s18  }
0x9c: {  	s6 =	simm.s32 $0x0;
	s20 =	sshll.u32 s4, $0x1;
	s4 =	sadd.s32 s21, s2  }
0x9d: {  	[timem:s6], [sflag:s22] =	dma.local [hbm:s4], s20  }
0x9e: {  	_ =	swait.ge [sflag:s22], s20  }
0x9f: {  	s3 =	ssub.s32 $0x0, s20;
	[sflag:s22] =	ssyncset.done $0x0  }
0xa0: {  	[sflag:s22] =	ssyncadd.s32 s3;
	_ =	sdelay $0x1  }
0xa1: {  	s23 =	simm.s32 $0x1B8B  }
0xa2: {  	_ =	swait.ge [sflag:s23], $0x1  }
0xa3: {  	[sflag:s23] =	ssyncset.done $0x0  }
0xa4: {  	s25 =	simm.s32 $0x1B8E;
	s24 =	sld [smem:$0x3FFE];
	[sflag:s23] =	ssyncadd.s32 $0xFFFFFFFF  }
0xa5: {  	s26 =	simm.s32 $execute0_lowered;
	[smem:$0x3FD2] =	sst s25  }
0xa6: {  	s4 =	sshll.u32 s26, $0x1;
	_ =	strace $0x80000046;
	[dreg:$0x1] =	wrdreg $0xFFFFFFFF  }
0xa7: {  	s28 =	simm.s32 $_size_execute0_lowered;
	s2 =	sadd.s32 s2, s4;
	[dreg:$0x0] =	wrdreg $0x0  }
0xa8: {  	s4 =	sshll.u32 s28, $0x1;
	[dreg:$0x2] =	wrdreg s2  }
0xa9: {  	[dreg:$0x3] =	wrdreg s4  }
0xaa: {  	[dreg:$0x4] =	wrdreg $0xC0  }
0xab: {  	_ =	task [dreg:s6], $0x5FFFF  }
0xac: {  	[dreg:$0x1] =	wrdreg $0xFFFFFFFF  }
0xad: {  	[dreg:$0x0] =	wrdreg $0x60  }
0xae: {  	[dreg:$0x2] =	wrdreg s24  }
0xaf: {  	[dreg:$0x3] =	wrdreg $0xA4100  }
0xb0: {  	[dreg:$0x4] =	wrdreg $0x9  }
0xb1: {  	_ =	task.clear_ibuf [dreg:s6], $0x5FFFF;
	_ =	strace $0x90000046  }
0xb2: {  	s29 =	simm.s32 $0x9;
	_ =	strace $0x80000048  }
0xb3: {  	_ =	swait.ge [sflag:s29], $0x1  }
0xb4: {  	[sflag:s29] =	ssyncadd.s32 $0xFFFFFFFF  }
0xb5: {  	_ =	strace $0x90000048  }
0xb6: {  	_ =	sfence  }
0xb7: {  	s30 =	sld [smem:$0x0];
	_ =	sdelay $0x2  }
0xb8: {  	s31 =	sshll.u32 s1, $0xD;
	s1 =	sshrl.u32 s1, $0x2  }
0xb9: {  	s3 =	sand.u32 $0x4000, s31;
	s1 =	sadd.s32 s1, s30  }
0xba: {  	s0 =	sor.u32 s3, s0;
	s1 =	sshll.u32 s1, $0x11  }
0xbb: {  	s0 =	sor.u32 s1, s0  }
0xbc: {  	s0 =	sadd.s32 $0x8F2B, s0  }
0xbd: {  	[sflag:s0] =	ssyncadd.remote.s32 $0x1  }
0xbe: {  	_ =	sfence.sel $0xFFFF  }
0xbf: {  	[dreg:$0x0] =	wrdreg $0xFFFFFFFF;
	(pc) =	sbr.abs _section_cstart, $3  }
0xc0: {  	[dreg:$0x1] =	wrdreg $0xFFFFFFFF  }
0xc1: {  	_ =	task.clear_ibuf [dreg:s6], $0x2FFFF;
	_ =	strace $0x9FFFFFFF  }
0xc2: {  	(tm) =	ssettm $0x7FFFFFFF  }
0xc3: {  	_ =	shalt  }
tec
execute0_lowered:
.L_overlay_start_1:
0x0: {  	(tag) =	ssettag $0x1  }
0x1: {  	s4 =	rddreg [dreg:$0x0]  }
0x2: {  	s2 =	rddreg [dreg:$0x1];
	s1 =	srdreg.scid  }
0x3: {  	s0 =	rddreg [dreg:$0x2];
	s3 =	simm.s32 $0x0;
	s11 =	simm.s32 $0x7D0  }
0x4: {  	s12 =	simm.s32 $0xBB8;
	s13 =	simm.s32 $0xFA0;
	s14 =	simm.s32 $0x1388  }
0x5: {  	s15 =	simm.s32 $0x1770;
	s16 =	simm.s32 $0x1B58;
	s17 =	simm.s32 $0x1F40  }
0x6: {  	s18 =	simm.s32 $0x2328;
	s5 =	sand.u32 $0x1, s1;
	s1 =	stileid.u32  }
0x7: {  	s21 =	simm.s32 $0x0;
	[smem:$0x7FF] =	sst s3;
	s6 =	smul.u32 $0x27100, s5  }
0x8: {  	s7 =	smul.u32 $0x3E80, s1;
	s8 =	sshll.u32 s1, $0x1;
	_ =	strace $0x80000047  }
0x9: {  	s9 =	smul.u32 $0xFA00, s1;
	p0 =	sgt.u32 s1, $0x9;
	s8 =	sor.u32 s5, s8  }
0xa: {  	s5 =	ssub.s32 $0x2, s5;
	s19 =	sshll.u32 @!p0 s1, $0x6;
	s6 =	sadd.s32 s7, s6  }
0xb: {  	s8 =	smul.u32 $0x2710, s8;
	s10 =	sshrl.u32 s5, $0x1;
	s31 =	sshrl.u32 s9, $0x2  }
0xc: {  	s20 =	sadd.s32 s7, s2;
	s9 =	simm.s32 $0x3E8;
	s19 =	sor.u32 @!p0 $0x1C02, s19  }
0xd: {  	s6 =	sshrl.u32 s6, $0x3;
	s10 =	ssub.s32 s5, s10;
	s5 =	sadd.s32 s31, s2  }
0xe: {  	s20 =	sshrl.u32 @!p0 s20, $0x3;
	s6 =	sadd.s32 s6, s4;
	s8 =	sshrl.u32 s8, $0x3  }
0xf: {  	s7 =	smax.u32 s10, $0x1;
	s10 =	simm.s32 $0x2710;
	s4 =	sadd.s32 s4, s8  }
0x10: {  	v0 =	vimm.f32 $1.000000000e+00;
	v1 =	vimm.f32 $0.0e+00;
	s6 =	sadd.s32 $0x17A00, s6;
	s8 =	simm.s32 $0x1;
	s4 =	sadd.s32 $0xDC40, s4  }
.LBB2_1:
0x11: {  	[tilespmem:s3], [sflag:$0x1] =	stream.linear.gather [hbm4b:s4+s3], $0x2710, $0x38;
	[tilespmem:$0xCB20] =	vst v63  }
0x12: {  	s22 =	simm.s32 $0x0  }
.LBB2_2:
0x13: {  	p1 =	sne.s32 s22, $0xF9C0  }
.Ltmp0:
0x14: {  	_ = 	snop;
	(pc) =	sbr.rel @p1 .LBB2_2-.Ltmp0, $3  }
0x15: {  	_ =	sdelay $0x1  }
0x16: {  	s23 =	sshra.s32 s22, $0x2  }
0x17: {  	s22 =	sadd.s32 $0x40, s22;
	[tilespmem:s23+$0x2710] =	vst v0  }
0x18: {  	s22 =	simm.s32 $0x40;
	s23 =	simm.s32 $0x0  }
.LBB2_4:
0x19: {  	p1 =	sne.s32 s22, $0xF9C0;
	[tilespmem:s23+$0x6590] =	vst v1;
	s23 =	smov.u32 s22;
	s22 =	sadd.s32 $0x40, s22  }
.Ltmp1:
0x1a: {  	(pc) =	sbr.rel @p1 .LBB2_4-.Ltmp1, $2  }
0x1b: {  	_ =	sdelay $0x2  }
0x1c: {  	s23 =	sshra.s32 s23, $0x2  }
0x1d: {  	[tilespmem:s23+$0x6590] =	vst v1;
	s22 =	simm.s32 @!p0 $0x6590  }
0x1e: {  	[spmem:s5] =	stream.linear.scatter @!p0 [tilespmem:s22], [sflag:$0x2], $0x3E80, $0x38;
	[tilespmem:$0xCB20] =	vst v63  }
0x1f: {  	s22 =	simm.s32 @!p0 $0x2  }
0x20: {  	_ =	swait.ge @!p0 [sflag:s22], $0x3E80  }
0x21: {  	[sflag:s22] =	ssyncset.done @!p0 $0x0  }
0x22: {  	[sflag:s22] =	ssyncadd.s32 @!p0 $0xFFFFC180  }
0x23: {  	[bflag:$0x0] =	sbarrier.arrive $0xFFFF  }
0x24: {  	_ =	swait.ge [sflag:s8], $0x2710  }
0x25: {  	[sflag:s8] =	ssyncset.done $0x0  }
0x26: {  	[sflag:s8] =	ssyncadd.s32 $0xFFFFD8F0  }
0x27: {  	[spmem:s2] =	stream.indirect.scatter.add.f32 [tilespmem:s10], [sflag:$0x1], $0x10, s3, s9, $0xb8;
	[tilespmem:$0xCB20] =	vst v63  }
0x28: {  	_ = 	snop  }
0x29: {  	[spmem:s2] =	stream.indirect.scatter.add.f32 [tilespmem:s10], [sflag:$0x1], $0x10, s9, s9, $0xb8;
	[tilespmem:$0xCB20] =	vst v63  }
0x2a: {  	_ = 	snop  }
0x2b: {  	[spmem:s2] =	stream.indirect.scatter.add.f32 [tilespmem:s10], [sflag:$0x1], $0x10, s11, s9, $0xb8;
	[tilespmem:$0xCB20] =	vst v63  }
0x2c: {  	_ = 	snop  }
0x2d: {  	[spmem:s2] =	stream.indirect.scatter.add.f32 [tilespmem:s10], [sflag:$0x1], $0x10, s12, s9, $0xb8;
	[tilespmem:$0xCB20] =	vst v63  }
0x2e: {  	_ = 	snop  }
0x2f: {  	[spmem:s2] =	stream.indirect.scatter.add.f32 [tilespmem:s10], [sflag:$0x1], $0x10, s13, s9, $0xb8;
	[tilespmem:$0xCB20] =	vst v63  }
0x30: {  	_ =	swait.ge [sflag:s8], $0x3E80  }
0x31: {  	[sflag:s8] =	ssyncset.done $0x0  }
0x32: {  	[sflag:s8] =	ssyncadd.s32 $0xFFFFC180  }
0x33: {  	[spmem:s2] =	stream.indirect.scatter.add.f32 [tilespmem:s10], [sflag:$0x1], $0x10, s14, s9, $0xb8;
	[tilespmem:$0xCB20] =	vst v63  }
0x34: {  	_ =	swait.ge [sflag:s8], $0x3E80  }
0x35: {  	[sflag:s8] =	ssyncset.done $0x0  }
0x36: {  	[sflag:s8] =	ssyncadd.s32 $0xFFFFC180  }
0x37: {  	[spmem:s2] =	stream.indirect.scatter.add.f32 [tilespmem:s10], [sflag:$0x1], $0x10, s15, s9, $0xb8;
	[tilespmem:$0xCB20] =	vst v63  }
0x38: {  	_ =	swait.ge [sflag:s8], $0x3E80  }
0x39: {  	[sflag:s8] =	ssyncset.done $0x0  }
0x3a: {  	[sflag:s8] =	ssyncadd.s32 $0xFFFFC180  }
0x3b: {  	[spmem:s2] =	stream.indirect.scatter.add.f32 [tilespmem:s10], [sflag:$0x1], $0x10, s16, s9, $0xb8;
	[tilespmem:$0xCB20] =	vst v63  }
0x3c: {  	_ =	swait.ge [sflag:s8], $0x3E80  }
0x3d: {  	[sflag:s8] =	ssyncset.done $0x0  }
0x3e: {  	[sflag:s8] =	ssyncadd.s32 $0xFFFFC180  }
0x3f: {  	[spmem:s2] =	stream.indirect.scatter.add.f32 [tilespmem:s10], [sflag:$0x1], $0x10, s17, s9, $0xb8;
	[tilespmem:$0xCB20] =	vst v63  }
0x40: {  	_ =	swait.ge [sflag:s8], $0x3E80  }
0x41: {  	[sflag:s8] =	ssyncset.done $0x0  }
0x42: {  	[sflag:s8] =	ssyncadd.s32 $0xFFFFC180  }
0x43: {  	[spmem:s2] =	stream.indirect.scatter.add.f32 [tilespmem:s10], [sflag:$0x1], $0x10, s18, s9, $0xb8;
	[tilespmem:$0xCB20] =	vst v63  }
0x44: {  	_ =	swait.ge [sflag:s8], $0x3E80  }
0x45: {  	[sflag:s8] =	ssyncset.done $0x0  }
0x46: {  	[sflag:s8] =	ssyncadd.s32 $0xFFFFC180  }
0x47: {  	_ =	swait.ge [sflag:s8], $0x3E80  }
0x48: {  	[sflag:s8] =	ssyncset.done $0x0  }
0x49: {  	[sflag:s8] =	ssyncadd.s32 $0xFFFFC180  }
0x4a: {  	_ =	swait.ge [sflag:s8], $0x3E80  }
0x4b: {  	[sflag:s8] =	ssyncset.done $0x0  }
0x4c: {  	[sflag:s8] =	ssyncadd.s32 $0xFFFFC180  }
0x4d: {  	_ =	swait.ge [sflag:s8], $0x3E80  }
0x4e: {  	[sflag:s8] =	ssyncset.done $0x0  }
0x4f: {  	[sflag:s8] =	ssyncadd.s32 $0xFFFFC180  }
0x50: {  	_ =	swait.ge [sflag:s8], $0x3E80  }
0x51: {  	s21 =	sadd.s32 $0x1, s21;
	[sflag:s8] =	ssyncset.done $0x0  }
0x52: {  	p1 =	sne.s32 s21, s7;
	[sflag:s8] =	ssyncadd.s32 $0xFFFFC180  }
.Ltmp2:
0x53: {  	[bflag:$0x0] =	sbarrier.arrive $0xFFFF;
	(pc) =	sbr.rel @p1 .LBB2_1-.Ltmp2, $4  }
0x54: {  	[hbm:s6], [sflag:s19] =	dma.local @!p0 [spmem:s20], $0x7D0  }
0x55: {  	_ =	swait.ge @!p0 [sflag:s22], $0x7D0  }
0x56: {  	[sflag:s22] =	ssyncset.done @!p0 $0x0  }
0x57: {  	[sflag:s22] =	ssyncadd.s32 @!p0 $0xFFFFF830  }
0x58: {  	_ =	sfence.sel $0x180000  }
0x59: {  	[bflag:$0x0] =	sbarrier.arrive $0xFFFF  }
0x5a: {  	p0 =	sne.s32 s1, $0x0;
	_ =	strace $0x90000047  }
0x5b: {  	s0 =	sadd.s32 @!p0 $0x100000, s0;
	[bflag:$0x2] =	sbarrier.arrive $0xFFFF  }
0x5c: {  	[sflag:s0] =	ssyncadd.tile.s32 @!p0 $0x1;
	_ =	shalt  }
.Lfunc_end2:
_tile_overlayer_lowered:
.L_overlay_start_2:
0x5d: {  	(tag) =	ssettag $0x2  }
0x5e: {  	s0 =	rddreg [dreg:$0x0];
	s2 =	stileid.u32  }
0x5f: {  	s1 =	rddreg [dreg:$0x1];
	p0 =	sne.s32 s2, $0x0  }
0x60: {  	s3 =	rddreg [dreg:$0x2];
	[bflag:$0x3] =	sbarrier.arrive $0xFFFF;
	s2 =	simm.s32 @!p0 $0x1C02  }
0x61: {  	[timem:s3], [sflag:s2] =	dma.local @!p0 [hbm:s0], s1  }
0x62: {  	s0 =	simm.s32 @!p0 $0x2  }
0x63: {  	_ =	swait.ge @!p0 [sflag:s0], s1  }
0x64: {  	s1 =	ssub.s32 @!p0 $0x0, s1;
	[sflag:s0] =	ssyncset.done @!p0 $0x0  }
0x65: {  	[sflag:s0] =	ssyncadd.s32 @!p0 s1  }
0x66: {  	[bflag:$0x3] =	sbarrier.arrive $0xFFFF  }
0x67: {  	_ =	shalt  }

// kernel: kernel.16.cloned.1.call-start
scs
__scs_entry_jumppad:
0x0: {  	(pc) =	sbr.rel $0x88, $3  }
0x1: {  	(tag) =	ssettag $0x0;
	lr =	simm.s32 $0x1  }
0x2: {  	[smem:$0x3F97] =	sst lr;
	_ =	strace $0xD0000000  }
0x3: {  	_ = 	snop  }
0x4: {  	_ = 	snop  }
0x5: {  	_ = 	snop  }
0x6: {  	_ = 	snop  }
0x7: {  	_ = 	snop  }
__scs_overlays_trampoline_lowered:
0x8: {  	[smem:$0x3FA6] =	sst s0  }
0x9: {  	[smem:$0x3FA7] =	sst s1  }
0xa: {  	[smem:$0x3FA8] =	sst s2  }
0xb: {  	[smem:$0x3FA9] =	sst s3  }
0xc: {  	[smem:$0x3FAA] =	sst s4  }
0xd: {  	[smem:$0x3FAB] =	sst s5  }
0xe: {  	[smem:$0x3FAC] =	sst s6  }
0xf: {  	[smem:$0x3FAD] =	sst s7  }
0x10: {  	[smem:$0x3FAE] =	sst s8  }
0x11: {  	[smem:$0x3FAF] =	sst s9;
	s0 =	simm.s32 @!p0 $0x0  }
0x12: {  	s1 =	sld [smem:$0x3F95];
	s0 =	simm.s32 @p0 $0x1  }
0x13: {  	[smem:$0x3FB0] =	sst s0;
	s0 =	simm.s32 @!p1 $0x0  }
0x14: {  	s2 =	sld [smem:$0x3F94];
	s0 =	simm.s32 @p1 $0x1  }
0x15: {  	[smem:$0x3FB1] =	sst s0;
	s0 =	simm.s32 @!p2 $0x0  }
0x16: {  	s3 =	sld [smem:$0x3FDB];
	s0 =	simm.s32 @p2 $0x1  }
0x17: {  	s4 =	simm.s32 $0x1BF5;
	[smem:$0x3FB3] =	sst s0  }
0x18: {  	s0 =	sld [smem:$0x3F96];
	_ =	swait.ge [sflag:s4], $0x0  }
0x19: {  	s7 =	sld [smem:$0x3F97]  }
0x1a: {  	s8 =	sadd.s32 $0xFFFFE003, lr  }
0x1b: {  	s9 =	sadd.s32 $0xFFFFFEF7, lr;
	s5 =	simm.s32 $0xFFFFFFFF;
	p2 =	slt.u32 s8, $0xFFFFF086  }
0x1c: {  	p1 =	slt.u32 s9, $0xF7A;
	s5 =	simm.s32 @!p2 $0x0  }
0x1d: {  	s5 =	simm.s32 @p1 $0x1;
	p0 =	seq.s32 s7, s2  }
0x1e: {  	s7 =	smul.u32 @!p0 $0xF7A, s2;
	p2 =	seq.s32 @!p0 s5, $0x0  }
0x1f: {  	s9 =	smul.u32 $0xF7A, s1;
	s8 =	simm.s32 @!p0 $0x1BF5;
	p2 =	por !p2, p0  }
0x20: {  	[sflag:s8] =	ssyncset.s32 @!p0 $0xFFFFF086;
	s6 =	sadd.s32 @!p0 s3, s7;
	s7 =	simm.s32 @!p0 $0x108  }
0x21: {  	s3 =	sadd.s32 s3, s9;
	s6 =	sadd.s32 @!p0 $0x88, s6;
	s7 =	simm.s32 @p2 $0x1082  }
0x22: {  	[simem:s7], [sflag:s8] =	dma.local @!p0 [hbm:s6], $0xF7A  }
0x23: {  	s9 =	sor.u32 $0xD0000000, s2;
	s6 =	simm.s32 $0x108;
	_ =	swait.ge @!p0 [sflag:s8], $0x0  }
0x24: {  	s3 =	sadd.s32 $0x88, s3;
	s6 =	simm.s32 @!p1 $0x1082;
	[sflag:s4] =	ssyncset.s32 $0xFFFFF086  }
0x25: {  	[simem:s6], [sflag:s4] =	dma.local [hbm:s3], $0xF7A  }
0x26: {  	[smem:$0x3F97] =	sst s1;
	(tag) =	ssettag s2;
	_ =	strace s9  }
0x27: {  	s1 =	sld [smem:$0x3FA7]  }
0x28: {  	s2 =	sld [smem:$0x3FA8]  }
0x29: {  	s4 =	sld [smem:$0x3FAA]  }
0x2a: {  	p0 =	seq.s32 s5, $0x0;
	s5 =	sld [smem:$0x3FAB]  }
0x2b: {  	s6 =	sld [smem:$0x3FAC]  }
0x2c: {  	s7 =	sld [smem:$0x3FAD]  }
0x2d: {  	s3 =	simm.s32 $0x108;
	s8 =	sld [smem:$0x3FAE]  }
0x2e: {  	s3 =	simm.s32 @!p0 $0x1082;
	s9 =	sld [smem:$0x3FAF]  }
0x2f: {  	lr =	sadd.s32 s0, s3;
	s0 =	sld [smem:$0x3FA6]  }
0x30: {  	s3 =	sld [smem:$0x3FA9]  }
0x31: {  	[smem:$0x3FB2] =	sst s10  }
0x32: {  	s10 =	sld [smem:$0x3FB0];
	_ =	sdelay $0x3  }
0x33: {  	p0 =	seq.s32 s10, $0x1;
	s10 =	sld [smem:$0x3FB2];
	_ =	sdelay $0x3  }
0x34: {  	[smem:$0x3FB2] =	sst s10  }
0x35: {  	s10 =	sld [smem:$0x3FB1];
	_ =	sdelay $0x3  }
0x36: {  	p1 =	seq.s32 s10, $0x1;
	s10 =	sld [smem:$0x3FB2];
	_ =	sdelay $0x3  }
0x37: {  	[smem:$0x3FB2] =	sst s10  }
0x38: {  	s10 =	sld [smem:$0x3FB3]  }
0x39: {  	_ = 	snop;
	(pc) =	sbr.ind lr, $3  }
0x3a: {  	_ = 	snop  }
0x3b: {  	_ = 	snop  }
0x3c: {  	p2 =	seq.s32 s10, $0x1;
	s10 =	sld [smem:$0x3FB2]  }
0x3d: {  	_ =	shalt  }
0x3e: {  	_ =	shalt  }
0x3f: {  	_ =	shalt  }
0x40: {  	_ =	shalt  }
0x41: {  	_ =	shalt  }
0x42: {  	_ =	shalt  }
0x43: {  	_ =	shalt  }
0x44: {  	_ =	shalt  }
0x45: {  	_ =	shalt  }
0x46: {  	_ =	shalt  }
0x47: {  	_ =	shalt  }
0x48: {  	_ =	shalt  }
0x49: {  	_ =	shalt  }
0x4a: {  	_ =	shalt  }
0x4b: {  	_ =	shalt  }
0x4c: {  	_ =	shalt  }
0x4d: {  	_ =	shalt  }
0x4e: {  	_ =	shalt  }
0x4f: {  	_ =	shalt  }
0x50: {  	_ =	shalt  }
0x51: {  	_ =	shalt  }
0x52: {  	_ =	shalt  }
0x53: {  	_ =	shalt  }
0x54: {  	_ =	shalt  }
0x55: {  	_ =	shalt  }
0x56: {  	_ =	shalt  }
0x57: {  	_ =	shalt  }
0x58: {  	_ =	shalt  }
0x59: {  	_ =	shalt  }
0x5a: {  	_ =	shalt  }
0x5b: {  	_ =	shalt  }
0x5c: {  	_ =	shalt  }
0x5d: {  	_ =	shalt  }
0x5e: {  	_ =	shalt  }
0x5f: {  	_ =	shalt  }
0x60: {  	_ =	shalt  }
0x61: {  	_ =	shalt  }
0x62: {  	_ =	shalt  }
0x63: {  	_ =	shalt  }
0x64: {  	_ =	shalt  }
0x65: {  	_ =	shalt  }
0x66: {  	_ =	shalt  }
0x67: {  	_ =	shalt  }
0x68: {  	_ =	shalt  }
0x69: {  	_ =	shalt  }
0x6a: {  	_ =	shalt  }
0x6b: {  	_ =	shalt  }
0x6c: {  	_ =	shalt  }
0x6d: {  	_ =	shalt  }
0x6e: {  	_ =	shalt  }
0x6f: {  	_ =	shalt  }
0x70: {  	_ =	shalt  }
0x71: {  	_ =	shalt  }
0x72: {  	_ =	shalt  }
0x73: {  	_ =	shalt  }
0x74: {  	_ =	shalt  }
0x75: {  	_ =	shalt  }
0x76: {  	_ =	shalt  }
0x77: {  	_ =	shalt  }
0x78: {  	_ =	shalt  }
0x79: {  	_ =	shalt  }
0x7a: {  	_ =	shalt  }
0x7b: {  	_ =	shalt  }
0x7c: {  	_ =	shalt  }
0x7d: {  	_ =	shalt  }
0x7e: {  	_ =	shalt  }
0x7f: {  	_ =	shalt  }
0x80: {  	_ =	shalt  }
0x81: {  	_ =	shalt  }
0x82: {  	_ =	shalt  }
0x83: {  	_ =	shalt  }
0x84: {  	_ =	shalt  }
0x85: {  	_ =	shalt  }
0x86: {  	_ =	shalt  }
0x87: {  	_ =	shalt  }
.Lfunc_end0:
.L_simem_size_0:
called_computation.1_lowered:
.L_overlay_start_0:
0x88: {  	s2 =	sld [smem:$0x3FD9]  }
0x89: {  	s3 =	sld [smem:$0x3FFE];
	_ =	sdelay $0x1  }
0x8a: {  	s1 =	srdreg.scid  }
0x8b: {  	s0 =	sand.u32 $0x1, s1  }
0x8c: {  	s17 =	sshll.u32 s0, $0xA;
	s2 =	sadd.s32 s3, s2  }
0x8d: {  	s2 =	sadd.s32 s2, s17  }
0x8e: {  	[smem:$0x3FBE] =	sst s2  }
0x8f: {  	_ = 	snop  }
0x90: {  	s2 =	sld [smem:$0x3FD0];
	(tm) =	ssettm $0x1  }
0x91: {  	s18 =	sld [smem:$0x3FFB];
	_ =	sdelay $0x3  }
0x92: {  	_ =	strace s18  }
0x93: {  	s3 =	sld [smem:$0x3FFC];
	_ =	sdelay $0x3  }
0x94: {  	_ =	strace s3  }
0x95: {  	s3 =	sld [smem:$0x3FFD];
	_ =	sdelay $0x3  }
0x96: {  	_ =	strace s3  }
0x97: {  	_ =	strace $0x8FFFFFFF  }
0x98: {  	s19 =	sld [smem:$0x3FDB];
	_ =	sdelay $0x1  }
0x99: {  	s4 =	simm.s32 $_scs_section_size  }
0x9a: {  	s5 =	simm.s32 $_size__tile_overlayer_lowered;
	s6 =	simm.s32 $_tile_overlayer_lowered  }
0x9b: {  	s22 =	simm.s32 $0x1BFF;
	s21 =	sshll.u32 s6, $0x1;
	s3 =	sadd.s32 s4, s19  }
0x9c: {  	s7 =	simm.s32 $0x0;
	s20 =	sshll.u32 s5, $0x1;
	s5 =	sadd.s32 s21, s3  }
0x9d: {  	[timem:s7], [sflag:s22] =	dma.local [hbm:s5], s20  }
0x9e: {  	_ =	swait.ge [sflag:s22], s20  }
0x9f: {  	s4 =	ssub.s32 $0x0, s20;
	[sflag:s22] =	ssyncset.done $0x0  }
0xa0: {  	[sflag:s22] =	ssyncadd.s32 s4;
	_ =	sdelay $0x1  }
0xa1: {  	s23 =	simm.s32 $0x1B8B  }
0xa2: {  	_ =	swait.ge [sflag:s23], $0x1  }
0xa3: {  	[sflag:s23] =	ssyncset.done $0x0  }
0xa4: {  	s25 =	simm.s32 $0x1B8E;
	s24 =	sld [smem:$0x3FFE];
	[sflag:s23] =	ssyncadd.s32 $0xFFFFFFFF  }
0xa5: {  	s26 =	simm.s32 $execute0_lowered;
	[smem:$0x3FD2] =	sst s25  }
0xa6: {  	s5 =	sshll.u32 s26, $0x1;
	_ =	strace $0x80000049;
	[dreg:$0x1] =	wrdreg $0xFFFFFFFF  }
0xa7: {  	s28 =	simm.s32 $_size_execute0_lowered;
	s3 =	sadd.s32 s3, s5;
	[dreg:$0x0] =	wrdreg $0x0  }
0xa8: {  	s5 =	sshll.u32 s28, $0x1;
	[dreg:$0x2] =	wrdreg s3  }
0xa9: {  	[dreg:$0x3] =	wrdreg s5  }
0xaa: {  	[dreg:$0x4] =	wrdreg $0xC0  }
0xab: {  	_ =	task [dreg:s7], $0x5FFFF  }
0xac: {  	[dreg:$0x1] =	wrdreg $0xFFFFFFFF  }
0xad: {  	[dreg:$0x0] =	wrdreg $0x60  }
0xae: {  	[dreg:$0x2] =	wrdreg s2  }
0xaf: {  	[dreg:$0x3] =	wrdreg s24  }
0xb0: {  	[dreg:$0x4] =	wrdreg $0x1C5200  }
0xb1: {  	[dreg:$0x5] =	wrdreg $0x9  }
0xb2: {  	_ =	task.clear_ibuf [dreg:s7], $0x6FFFF;
	_ =	strace $0x90000049  }
0xb3: {  	s29 =	simm.s32 $0x9;
	_ =	strace $0x8000004B  }
0xb4: {  	_ =	swait.ge [sflag:s29], $0x1  }
0xb5: {  	[sflag:s29] =	ssyncadd.s32 $0xFFFFFFFF  }
0xb6: {  	_ =	strace $0x9000004B  }
0xb7: {  	_ =	sfence  }
0xb8: {  	s30 =	sld [smem:$0x0];
	_ =	sdelay $0x2  }
0xb9: {  	s31 =	sshll.u32 s1, $0xD;
	s1 =	sshrl.u32 s1, $0x2  }
0xba: {  	s3 =	sand.u32 $0x4000, s31;
	s1 =	sadd.s32 s1, s30  }
0xbb: {  	s0 =	sor.u32 s3, s0;
	s1 =	sshll.u32 s1, $0x11  }
0xbc: {  	s0 =	sor.u32 s1, s0  }
0xbd: {  	s0 =	sadd.s32 $0x8F2B, s0  }
0xbe: {  	[sflag:s0] =	ssyncadd.remote.s32 $0x1  }
0xbf: {  	_ =	sfence.sel $0xFFFF  }
0xc0: {  	[dreg:$0x0] =	wrdreg $0xFFFFFFFF;
	(pc) =	sbr.abs _section_cstart, $3  }
0xc1: {  	[dreg:$0x1] =	wrdreg $0xFFFFFFFF  }
0xc2: {  	_ =	task.clear_ibuf [dreg:s7], $0x2FFFF;
	_ =	strace $0x9FFFFFFF  }
0xc3: {  	(tm) =	ssettm $0x7FFFFFFF  }
tec
execute0_lowered:
.L_overlay_start_1:
0x0: {  	(tag) =	ssettag $0x1  }
0x1: {  	s3 =	rddreg [dreg:$0x0]  }
0x2: {  	s4 =	rddreg [dreg:$0x1]  }
0x3: {  	s0 =	srdreg.scid;
	s2 =	rddreg [dreg:$0x2]  }
0x4: {  	s18 =	stileid.u32;
	s19 =	rddreg [dreg:$0x3];
	s17 =	simm.s32 $0x0  }
0x5: {  	s11 =	simm.s32 $0x7D0;
	s9 =	simm.s32 $0x4E20;
	s8 =	simm.s32 $0xCB20  }
0x6: {  	s25 =	simm.s32 $0xFA0;
	s12 =	simm.s32 $0x1;
	s16 =	simm.s32 $0x14820  }
0x7: {  	s10 =	simm.s32 $0x3E8;
	s26 =	simm.s32 $0x2AF8;
	s14 =	simm.s32 $0x8CA0  }
0x8: {  	s31 =	simm.s32 $0x1770;
	s13 =	simm.s32 $0x2;
	s15 =	simm.s32 $0x109A0  }
0x9: {  	s28 =	simm.s32 $0x3;
	p1 =	por $0x0, $0x0;
	s30 =	simm.s32 $0x186A0  }
0xa: {  	s29 =	simm.s32 $0x4268;
	s0 =	sand.u32 $0x1, s0;
	s1 =	sshll.u32 s18, $0x1  }
0xb: {  	s5 =	smul.u32 $0x3E80, s18;
	[smem:$0x7FF] =	sst s17;
	s1 =	sor.u32 s0, s1  }
0xc: {  	s6 =	smul.u32 $0x27100, s0;
	_ =	strace $0x8000004A;
	[dreg:$0x8] =	wrdreg s25  }
0xd: {  	s20 =	simm.s32 $0x4650;
	[dreg:$0x9] =	wrdreg s26;
	s1 =	smul.u32 $0x2710, s1  }
0xe: {  	p0 =	sgt.u32 s18, $0x9;
	s0 =	ssub.s32 $0x2, s0;
	[dreg:$0xa] =	wrdreg s31  }
0xf: {  	s21 =	sshrl.u32 s0, $0x1;
	s6 =	sadd.s32 s5, s6;
	s1 =	sshrl.u32 s1, $0x3  }
0x10: {  	s0 =	ssub.s32 s0, s21;
	s6 =	sshrl.u32 s6, $0x3;
	s1 =	sadd.s32 s1, s4  }
0x11: {  	s0 =	smax.u32 s0, $0x1;
	s7 =	sadd.s32 $0x4000, s1;
	s1 =	sadd.s32 $0xDC40, s1  }
0x12: {  	s4 =	sadd.s32 s6, s4;
	[dreg:$0x5] =	wrdreg s1;
	s1 =	sshll.u32 @!p0 s18, $0x6  }
0x13: {  	s24 =	sadd.s32 $0x17A00, s4;
	s4 =	sor.u32 @!p0 $0x1C07, s1;
	s1 =	sadd.s32 $0xFFFFFFFF, s0  }
0x14: {  	s25 =	simm.s32 $0x3A98;
	s22 =	sshrl.u32 s5, $0x3;
	p2 =	sne.s32 s1, $0x0  }
.Ltmp0:
0x15: {  	s26 =	simm.s32 $0x3E80;
	s23 =	sadd.s32 s3, s22;
	(pc) =	sbr.rel @!p2 .LBB2_1-.Ltmp0, $4  }
0x16: {  	s5 =	sadd.s32 s5, s2;
	s22 =	simm.s32 $0x2710;
	[dreg:$0x6] =	wrdreg s23  }
0x17: {  	s21 =	simm.s32 $0x4A38;
	s5 =	sshrl.u32 @!p0 s5, $0x3;
	[dreg:$0x4] =	wrdreg s7  }
0x18: {  	s23 =	simm.s32 $0x32C8;
	s6 =	simm.s32 $0x4;
	[dreg:$0x7] =	wrdreg s24  }
0x19: {  	s7 =	simm.s32 $0x5;
	s24 =	simm.s32 $0x36B0;
	s0 =	rddreg [dreg:$0x4]  }
0x1a: {  	[tilespmem:s17], [sflag:$0x4] =	stream.linear.gather [hbm4b:s0+s17], $0x2710, $0x38;
	[tilespmem:$0x1EC30] =	vst v63  }
0x1b: {  	s31 =	rddreg [dreg:$0x5]  }
0x1c: {  	[tilespmem:s22], [sflag:$0x5] =	stream.linear.gather [hbm4b:s31+s17], $0x2710, $0x38;
	[tilespmem:$0x1EC30] =	vst v63  }
0x1d: {  	s0 =	rddreg [dreg:$0x6];
	s31 =	simm.s32 @!p0 $0x7  }
0x1e: {  	[spmem:s5], [sflag:s4] =	dma.local @!p0 [hbm:s0], $0x7D0  }
0x1f: {  	_ =	swait.ge @!p0 [sflag:s31], $0x7D0  }
0x20: {  	[sflag:s31] =	ssyncset.done @!p0 $0x0  }
0x21: {  	[sflag:s31] =	ssyncadd.s32 @!p0 $0xFFFFF830  }
0x22: {  	_ =	swait.ge [sflag:s6], $0x2710  }
0x23: {  	[sflag:s6] =	ssyncset.done $0x0  }
0x24: {  	[sflag:s6] =	ssyncadd.s32 $0xFFFFD8F0  }
0x25: {  	[tilespmem:s9], [sflag:$0x1] =	stream.indirect.gather [hbm4b:s3+s11], $0x10, s17, s11, $0xb8;
	[tilespmem:$0x1EC30] =	vst v63  }
0x26: {  	_ = 	snop  }
0x27: {  	[tilespmem:s8], [sflag:$0x2] =	stream.indirect.gather [hbm4b:s3+s11], $0x10, s11, s11, $0xb8;
	[tilespmem:$0x1EC30] =	vst v63  }
0x28: {  	_ =	swait.ge [sflag:s7], $0x2710  }
0x29: {  	[sflag:s7] =	ssyncset.done $0x0  }
0x2a: {  	[sflag:s7] =	ssyncadd.s32 $0xFFFFD8F0  }
0x2b: {  	[bflag:$0x0] =	sbarrier.arrive $0xFFFF  }
0x2c: {  	_ =	swait.ge [sflag:s12], $0x7D00  }
0x2d: {  	[sflag:s12] =	ssyncset.done $0x0  }
0x2e: {  	s19 =	rddreg [dreg:$0x8];
	[sflag:s12] =	ssyncadd.s32 $0xFFFF8300  }
0x2f: {  	[tilespmem:s16], [sflag:$0x3] =	stream.indirect.gather [hbm4b:s3+s11], $0x10, s19, s11, $0xb8;
	[tilespmem:$0x1EC30] =	vst v63  }
0x30: {  	_ = 	snop  }
0x31: {  	[spmem:s2] =	stream.indirect.scatter.add.f32 [tilespmem:s9], [sflag:$0x4], $0x10, s22, s10, $0xb8;
	[tilespmem:$0x1EC30] =	vst v63  }
0x32: {  	s18 =	rddreg [dreg:$0x9]  }
0x33: {  	[spmem:s2] =	stream.indirect.scatter.add.f32 [tilespmem:s14], [sflag:$0x4], $0x10, s18, s10, $0xb8;
	[tilespmem:$0x1EC30] =	vst v63  }
0x34: {  	_ =	swait.ge [sflag:s13], $0x7D00  }
0x35: {  	[sflag:s13] =	ssyncset.done $0x0  }
0x36: {  	[sflag:s13] =	ssyncadd.s32 $0xFFFF8300  }
0x37: {  	_ =	swait.ge [sflag:s6], $0x3E80  }
0x38: {  	[sflag:s6] =	ssyncset.done $0x0  }
0x39: {  	[sflag:s6] =	ssyncadd.s32 $0xFFFFC180  }
0x3a: {  	_ =	swait.ge [sflag:s6], $0x3E80  }
0x3b: {  	[sflag:s6] =	ssyncset.done $0x0  }
0x3c: {  	s19 =	rddreg [dreg:$0xa];
	[sflag:s6] =	ssyncadd.s32 $0xFFFFC180  }
0x3d: {  	[tilespmem:s9], [sflag:$0x1] =	stream.indirect.gather [hbm4b:s3+s11], $0x10, s19, s11, $0xb8;
	[tilespmem:$0x1EC30] =	vst v63  }
0x3e: {  	s18 =	simm.s32 $0x2EE0  }
0x3f: {  	[spmem:s2] =	stream.indirect.scatter.add.f32 [tilespmem:s8], [sflag:$0x5], $0x10, s18, s10, $0xb8;
	[tilespmem:$0x1EC30] =	vst v63  }
0x40: {  	_ = 	snop  }
0x41: {  	[spmem:s2] =	stream.indirect.scatter.add.f32 [tilespmem:s15], [sflag:$0x5], $0x10, s23, s10, $0xb8;
	[tilespmem:$0x1EC30] =	vst v63  }
0x42: {  	_ =	swait.ge [sflag:s28], $0x7D00  }
0x43: {  	[sflag:s28] =	ssyncset.done $0x0  }
0x44: {  	[sflag:s28] =	ssyncadd.s32 $0xFFFF8300  }
0x45: {  	_ =	swait.ge [sflag:s7], $0x3E80  }
0x46: {  	[sflag:s7] =	ssyncset.done $0x0  }
0x47: {  	[sflag:s7] =	ssyncadd.s32 $0xFFFFC180  }
0x48: {  	_ =	swait.ge [sflag:s7], $0x3E80  }
0x49: {  	[sflag:s7] =	ssyncset.done $0x0  }
0x4a: {  	s19 =	simm.s32 $0x1F40;
	[sflag:s7] =	ssyncadd.s32 $0xFFFFC180  }
0x4b: {  	[tilespmem:s8], [sflag:$0x2] =	stream.indirect.gather [hbm4b:s3+s11], $0x10, s19, s11, $0xb8;
	[tilespmem:$0x1EC30] =	vst v63  }
0x4c: {  	_ = 	snop  }
0x4d: {  	[spmem:s2] =	stream.indirect.scatter.add.f32 [tilespmem:s16], [sflag:$0x6], $0x10, s24, s10, $0xb8;
	[tilespmem:$0x1EC30] =	vst v63  }
0x4e: {  	_ = 	snop  }
0x4f: {  	[spmem:s2] =	stream.indirect.scatter.add.f32 [tilespmem:s30], [sflag:$0x6], $0x10, s25, s10, $0xb8;
	[tilespmem:$0x1EC30] =	vst v63  }
0x50: {  	_ =	swait.ge [sflag:s12], $0x7D00  }
0x51: {  	[sflag:s12] =	ssyncset.done $0x0  }
0x52: {  	[sflag:s12] =	ssyncadd.s32 $0xFFFF8300  }
0x53: {  	[spmem:s2] =	stream.indirect.scatter.add.f32 [tilespmem:s9], [sflag:$0x4], $0x10, s26, s10, $0xb8;
	[tilespmem:$0x1EC30] =	vst v63  }
0x54: {  	_ = 	snop  }
0x55: {  	[spmem:s2] =	stream.indirect.scatter.add.f32 [tilespmem:s14], [sflag:$0x4], $0x10, s29, s10, $0xb8;
	[tilespmem:$0x1EC30] =	vst v63  }
0x56: {  	_ =	swait.ge [sflag:s13], $0x7D00  }
0x57: {  	[sflag:s13] =	ssyncset.done $0x0  }
0x58: {  	[sflag:s13] =	ssyncadd.s32 $0xFFFF8300  }
0x59: {  	[spmem:s2] =	stream.indirect.scatter.add.f32 [tilespmem:s8], [sflag:$0x5], $0x10, s20, s10, $0xb8;
	[tilespmem:$0x1EC30] =	vst v63  }
0x5a: {  	_ = 	snop  }
0x5b: {  	[spmem:s2] =	stream.indirect.scatter.add.f32 [tilespmem:s15], [sflag:$0x5], $0x10, s21, s10, $0xb8;
	[tilespmem:$0x1EC30] =	vst v63  }
0x5c: {  	_ =	swait.ge [sflag:s6], $0x3E80  }
0x5d: {  	[sflag:s6] =	ssyncset.done $0x0  }
0x5e: {  	[sflag:s6] =	ssyncadd.s32 $0xFFFFC180  }
0x5f: {  	_ =	swait.ge [sflag:s7], $0x3E80  }
0x60: {  	[sflag:s7] =	ssyncset.done $0x0  }
0x61: {  	[sflag:s7] =	ssyncadd.s32 $0xFFFFC180  }
0x62: {  	_ =	swait.ge [sflag:s6], $0x3E80  }
0x63: {  	[sflag:s6] =	ssyncset.done $0x0  }
0x64: {  	[sflag:s6] =	ssyncadd.s32 $0xFFFFC180  }
0x65: {  	_ =	swait.ge [sflag:s7], $0x3E80  }
0x66: {  	s1 =	sadd.s32 $0xFFFFFFFF, s1;
	[sflag:s7] =	ssyncset.done $0x0  }
0x67: {  	p2 =	sne.s32 s1, $0x0;
	[sflag:s7] =	ssyncadd.s32 $0xFFFFC180  }
.Ltmp1:
0x68: {  	[bflag:$0x0] =	sbarrier.arrive $0xFFFF;
	(pc) =	sbr.rel @!p2 .LBB2_3-.Ltmp1, $4  }
0x69: {  	s0 =	rddreg [dreg:$0x7]  }
0x6a: {  	[hbm:s0], [sflag:s4] =	dma.local @!p0 [spmem:s5], $0x7D0  }
0x6b: {  	_ =	swait.ge @!p0 [sflag:s31], $0x7D0  }
0x6c: {  	p1 =	por $0x1, $0x1;
	s0 =	rddreg [dreg:$0x4];
	[sflag:s31] =	ssyncset.done @!p0 $0x0  }
.LBB2_4:
0x6d: {  	s18 =	rddreg [dreg:$0x6];
	[sflag:s31] =	ssyncadd.s32 @!p0 $0xFFFFF830  }
0x6e: {  	[tilespmem:s17], [sflag:$0x4] =	stream.linear.gather [hbm4b:s0+s17], $0x2710, $0x38;
	[tilespmem:$0x1EC30] =	vst v63  }
0x6f: {  	s19 =	rddreg [dreg:$0x5]  }
0x70: {  	[tilespmem:s22], [sflag:$0x5] =	stream.linear.gather [hbm4b:s19+s17], $0x2710, $0x38;
	[tilespmem:$0x1EC30] =	vst v63  }
0x71: {  	[spmem:s5], [sflag:s4] =	dma.local @!p0 [hbm:s18], $0x7D0  }
0x72: {  	_ =	swait.ge @!p0 [sflag:s31], $0x7D0  }
0x73: {  	[sflag:s31] =	ssyncset.done @!p0 $0x0  }
0x74: {  	[sflag:s31] =	ssyncadd.s32 @!p0 $0xFFFFF830  }
0x75: {  	_ =	swait.ge [sflag:s6], $0x2710  }
0x76: {  	[sflag:s6] =	ssyncset.done $0x0  }
0x77: {  	[sflag:s6] =	ssyncadd.s32 $0xFFFFD8F0  }
0x78: {  	[tilespmem:s9], [sflag:$0x1] =	stream.indirect.gather [hbm4b:s3+s11], $0x10, s17, s11, $0xb8;
	[tilespmem:$0x1EC30] =	vst v63  }
0x79: {  	_ = 	snop  }
0x7a: {  	[tilespmem:s8], [sflag:$0x2] =	stream.indirect.gather [hbm4b:s3+s11], $0x10, s11, s11, $0xb8;
	[tilespmem:$0x1EC30] =	vst v63  }
0x7b: {  	_ =	swait.ge [sflag:s7], $0x2710  }
0x7c: {  	[sflag:s7] =	ssyncset.done $0x0  }
0x7d: {  	[sflag:s7] =	ssyncadd.s32 $0xFFFFD8F0  }
0x7e: {  	[bflag:$0x0] =	sbarrier.arrive $0xFFFF  }
0x7f: {  	_ =	swait.ge [sflag:s12], $0x7D00  }
0x80: {  	[sflag:s12] =	ssyncset.done $0x0  }
0x81: {  	s19 =	rddreg [dreg:$0x8];
	[sflag:s12] =	ssyncadd.s32 $0xFFFF8300  }
0x82: {  	[tilespmem:s16], [sflag:$0x3] =	stream.indirect.gather [hbm4b:s3+s11], $0x10, s19, s11, $0xb8;
	[tilespmem:$0x1EC30] =	vst v63  }
0x83: {  	_ = 	snop  }
0x84: {  	[spmem:s2] =	stream.indirect.scatter.add.f32 [tilespmem:s9], [sflag:$0x4], $0x10, s22, s10, $0xb8;
	[tilespmem:$0x1EC30] =	vst v63  }
0x85: {  	s18 =	rddreg [dreg:$0x9]  }
0x86: {  	[spmem:s2] =	stream.indirect.scatter.add.f32 [tilespmem:s14], [sflag:$0x4], $0x10, s18, s10, $0xb8;
	[tilespmem:$0x1EC30] =	vst v63  }
0x87: {  	_ =	swait.ge [sflag:s13], $0x7D00  }
0x88: {  	[sflag:s13] =	ssyncset.done $0x0  }
0x89: {  	[sflag:s13] =	ssyncadd.s32 $0xFFFF8300  }
0x8a: {  	_ =	swait.ge [sflag:s6], $0x3E80  }
0x8b: {  	[sflag:s6] =	ssyncset.done $0x0  }
0x8c: {  	[sflag:s6] =	ssyncadd.s32 $0xFFFFC180  }
0x8d: {  	_ =	swait.ge [sflag:s6], $0x3E80  }
0x8e: {  	[sflag:s6] =	ssyncset.done $0x0  }
0x8f: {  	s19 =	rddreg [dreg:$0xa];
	[sflag:s6] =	ssyncadd.s32 $0xFFFFC180  }
0x90: {  	[tilespmem:s9], [sflag:$0x1] =	stream.indirect.gather [hbm4b:s3+s11], $0x10, s19, s11, $0xb8;
	[tilespmem:$0x1EC30] =	vst v63  }
0x91: {  	s18 =	simm.s32 $0x2EE0  }
0x92: {  	[spmem:s2] =	stream.indirect.scatter.add.f32 [tilespmem:s8], [sflag:$0x5], $0x10, s18, s10, $0xb8;
	[tilespmem:$0x1EC30] =	vst v63  }
0x93: {  	_ = 	snop  }
0x94: {  	[spmem:s2] =	stream.indirect.scatter.add.f32 [tilespmem:s15], [sflag:$0x5], $0x10, s23, s10, $0xb8;
	[tilespmem:$0x1EC30] =	vst v63  }
0x95: {  	_ =	swait.ge [sflag:s28], $0x7D00  }
0x96: {  	[sflag:s28] =	ssyncset.done $0x0  }
0x97: {  	[sflag:s28] =	ssyncadd.s32 $0xFFFF8300  }
0x98: {  	_ =	swait.ge [sflag:s7], $0x3E80  }
0x99: {  	[sflag:s7] =	ssyncset.done $0x0  }
0x9a: {  	[sflag:s7] =	ssyncadd.s32 $0xFFFFC180  }
0x9b: {  	_ =	swait.ge [sflag:s7], $0x3E80  }
0x9c: {  	[sflag:s7] =	ssyncset.done $0x0  }
0x9d: {  	s19 =	simm.s32 $0x1F40;
	[sflag:s7] =	ssyncadd.s32 $0xFFFFC180  }
0x9e: {  	[tilespmem:s8], [sflag:$0x2] =	stream.indirect.gather [hbm4b:s3+s11], $0x10, s19, s11, $0xb8;
	[tilespmem:$0x1EC30] =	vst v63  }
0x9f: {  	_ = 	snop  }
0xa0: {  	[spmem:s2] =	stream.indirect.scatter.add.f32 [tilespmem:s16], [sflag:$0x6], $0x10, s24, s10, $0xb8;
	[tilespmem:$0x1EC30] =	vst v63  }
0xa1: {  	_ = 	snop  }
0xa2: {  	[spmem:s2] =	stream.indirect.scatter.add.f32 [tilespmem:s30], [sflag:$0x6], $0x10, s25, s10, $0xb8;
	[tilespmem:$0x1EC30] =	vst v63  }
0xa3: {  	_ =	swait.ge [sflag:s12], $0x7D00  }
0xa4: {  	[sflag:s12] =	ssyncset.done $0x0  }
0xa5: {  	[sflag:s12] =	ssyncadd.s32 $0xFFFF8300  }
0xa6: {  	[spmem:s2] =	stream.indirect.scatter.add.f32 [tilespmem:s9], [sflag:$0x4], $0x10, s26, s10, $0xb8;
	[tilespmem:$0x1EC30] =	vst v63  }
0xa7: {  	_ = 	snop  }
0xa8: {  	[spmem:s2] =	stream.indirect.scatter.add.f32 [tilespmem:s14], [sflag:$0x4], $0x10, s29, s10, $0xb8;
	[tilespmem:$0x1EC30] =	vst v63  }
0xa9: {  	_ =	swait.ge [sflag:s13], $0x7D00  }
0xaa: {  	[sflag:s13] =	ssyncset.done $0x0  }
0xab: {  	[sflag:s13] =	ssyncadd.s32 $0xFFFF8300  }
0xac: {  	[spmem:s2] =	stream.indirect.scatter.add.f32 [tilespmem:s8], [sflag:$0x5], $0x10, s20, s10, $0xb8;
	[tilespmem:$0x1EC30] =	vst v63  }
0xad: {  	_ = 	snop  }
0xae: {  	[spmem:s2] =	stream.indirect.scatter.add.f32 [tilespmem:s15], [sflag:$0x5], $0x10, s21, s10, $0xb8;
	[tilespmem:$0x1EC30] =	vst v63  }
0xaf: {  	_ =	swait.ge [sflag:s6], $0x3E80  }
0xb0: {  	[sflag:s6] =	ssyncset.done $0x0  }
0xb1: {  	[sflag:s6] =	ssyncadd.s32 $0xFFFFC180  }
0xb2: {  	_ =	swait.ge [sflag:s7], $0x3E80  }
0xb3: {  	[sflag:s7] =	ssyncset.done $0x0  }
0xb4: {  	[sflag:s7] =	ssyncadd.s32 $0xFFFFC180  }
0xb5: {  	_ =	swait.ge [sflag:s6], $0x3E80  }
0xb6: {  	[sflag:s6] =	ssyncset.done $0x0  }
0xb7: {  	[sflag:s6] =	ssyncadd.s32 $0xFFFFC180  }
0xb8: {  	_ =	swait.ge [sflag:s7], $0x3E80  }
0xb9: {  	s1 =	sadd.s32 $0xFFFFFFFF, s1;
	[sflag:s7] =	ssyncset.done $0x0  }
0xba: {  	p2 =	sne.s32 s1, $0x0;
	[sflag:s7] =	ssyncadd.s32 $0xFFFFC180  }
.Ltmp2:
0xbb: {  	[bflag:$0x0] =	sbarrier.arrive $0xFFFF;
	(pc) =	sbr.rel @p2 .LBB2_4-.Ltmp2, $4  }
0xbc: {  	s0 =	rddreg [dreg:$0x7]  }
0xbd: {  	[hbm:s0], [sflag:s4] =	dma.local @!p0 [spmem:s5], $0x7D0  }
0xbe: {  	_ =	swait.ge @!p0 [sflag:s31], $0x7D0  }
0xbf: {  	s0 =	rddreg [dreg:$0x4];
	[sflag:s31] =	ssyncset.done @!p0 $0x0  }
0xc0: {  	s29 =	simm.s32 $0x32C8  }
0xc1: {  	s21 =	simm.s32 $0x2EE0;
	s30 =	simm.s32 $0x186A0;
	s26 =	simm.s32 $0x3E80  }
0xc2: {  	s25 =	simm.s32 $0x3A98;
	s24 =	simm.s32 $0x36B0;
	s23 =	simm.s32 $0x1F40  }
0xc3: {  	s20 =	simm.s32 $0x4650;
	s18 =	stileid.u32;
	s19 =	rddreg [dreg:$0x3]  }
.LBB2_6:
0xc4: {  	p1 =	por p0, !p1  }
0xc5: {  	s1 =	rddreg [dreg:$0x6];
	[sflag:s31] =	ssyncadd.s32 @!p1 $0xFFFFF830  }
0xc6: {  	[tilespmem:s17], [sflag:$0x4] =	stream.linear.gather [hbm4b:s0+s17], $0x2710, $0x38;
	[tilespmem:$0x1EC30] =	vst v63  }
0xc7: {  	s31 =	rddreg [dreg:$0x5]  }
0xc8: {  	[tilespmem:s22], [sflag:$0x5] =	stream.linear.gather [hbm4b:s31+s17], $0x2710, $0x38;
	[tilespmem:$0x1EC30] =	vst v63  }
0xc9: {  	[spmem:s5], [sflag:s4] =	dma.local @!p0 [hbm:s1], $0x7D0  }
0xca: {  	s1 =	simm.s32 @!p0 $0x7  }
0xcb: {  	_ =	swait.ge @!p0 [sflag:s1], $0x7D0  }
0xcc: {  	[sflag:s1] =	ssyncset.done @!p0 $0x0  }
0xcd: {  	[sflag:s1] =	ssyncadd.s32 @!p0 $0xFFFFF830  }
0xce: {  	_ =	swait.ge [sflag:s6], $0x2710  }
0xcf: {  	[sflag:s6] =	ssyncset.done $0x0  }
0xd0: {  	[sflag:s6] =	ssyncadd.s32 $0xFFFFD8F0  }
0xd1: {  	[tilespmem:s9], [sflag:$0x1] =	stream.indirect.gather [hbm4b:s3+s11], $0x10, s17, s11, $0xb8;
	[tilespmem:$0x1EC30] =	vst v63  }
0xd2: {  	_ = 	snop  }
0xd3: {  	[tilespmem:s8], [sflag:$0x2] =	stream.indirect.gather [hbm4b:s3+s11], $0x10, s11, s11, $0xb8;
	[tilespmem:$0x1EC30] =	vst v63  }
0xd4: {  	_ =	swait.ge [sflag:s7], $0x2710  }
0xd5: {  	[sflag:s7] =	ssyncset.done $0x0  }
0xd6: {  	[sflag:s7] =	ssyncadd.s32 $0xFFFFD8F0  }
0xd7: {  	[bflag:$0x0] =	sbarrier.arrive $0xFFFF  }
0xd8: {  	_ =	swait.ge [sflag:s12], $0x7D00  }
0xd9: {  	[sflag:s12] =	ssyncset.done $0x0  }
0xda: {  	s31 =	rddreg [dreg:$0x8];
	[sflag:s12] =	ssyncadd.s32 $0xFFFF8300  }
0xdb: {  	[tilespmem:s16], [sflag:$0x3] =	stream.indirect.gather [hbm4b:s3+s11], $0x10, s31, s11, $0xb8;
	[tilespmem:$0x1EC30] =	vst v63  }
0xdc: {  	_ = 	snop  }
0xdd: {  	[spmem:s2] =	stream.indirect.scatter.add.f32 [tilespmem:s9], [sflag:$0x4], $0x10, s22, s10, $0xb8;
	[tilespmem:$0x1EC30] =	vst v63  }
0xde: {  	s17 =	rddreg [dreg:$0x9]  }
0xdf: {  	[spmem:s2] =	stream.indirect.scatter.add.f32 [tilespmem:s14], [sflag:$0x4], $0x10, s17, s10, $0xb8;
	[tilespmem:$0x1EC30] =	vst v63  }
0xe0: {  	_ =	swait.ge [sflag:s13], $0x7D00  }
0xe1: {  	[sflag:s13] =	ssyncset.done $0x0  }
0xe2: {  	[sflag:s13] =	ssyncadd.s32 $0xFFFF8300  }
0xe3: {  	_ =	swait.ge [sflag:s6], $0x3E80  }
0xe4: {  	[sflag:s6] =	ssyncset.done $0x0  }
0xe5: {  	[sflag:s6] =	ssyncadd.s32 $0xFFFFC180  }
0xe6: {  	_ =	swait.ge [sflag:s6], $0x3E80  }
0xe7: {  	[sflag:s6] =	ssyncset.done $0x0  }
0xe8: {  	s22 =	rddreg [dreg:$0xa];
	[sflag:s6] =	ssyncadd.s32 $0xFFFFC180  }
0xe9: {  	[tilespmem:s9], [sflag:$0x1] =	stream.indirect.gather [hbm4b:s3+s11], $0x10, s22, s11, $0xb8;
	[tilespmem:$0x1EC30] =	vst v63  }
0xea: {  	_ = 	snop  }
0xeb: {  	[spmem:s2] =	stream.indirect.scatter.add.f32 [tilespmem:s8], [sflag:$0x5], $0x10, s21, s10, $0xb8;
	[tilespmem:$0x1EC30] =	vst v63  }
0xec: {  	_ = 	snop  }
0xed: {  	[spmem:s2] =	stream.indirect.scatter.add.f32 [tilespmem:s15], [sflag:$0x5], $0x10, s29, s10, $0xb8;
	[tilespmem:$0x1EC30] =	vst v63  }
0xee: {  	_ =	swait.ge [sflag:s28], $0x7D00  }
0xef: {  	[sflag:s28] =	ssyncset.done $0x0  }
0xf0: {  	[sflag:s28] =	ssyncadd.s32 $0xFFFF8300  }
0xf1: {  	_ =	swait.ge [sflag:s7], $0x3E80  }
0xf2: {  	[sflag:s7] =	ssyncset.done $0x0  }
0xf3: {  	[sflag:s7] =	ssyncadd.s32 $0xFFFFC180  }
0xf4: {  	_ =	swait.ge [sflag:s7], $0x3E80  }
0xf5: {  	[sflag:s7] =	ssyncset.done $0x0  }
0xf6: {  	[sflag:s7] =	ssyncadd.s32 $0xFFFFC180  }
0xf7: {  	[tilespmem:s8], [sflag:$0x2] =	stream.indirect.gather [hbm4b:s3+s11], $0x10, s23, s11, $0xb8;
	[tilespmem:$0x1EC30] =	vst v63  }
0xf8: {  	_ = 	snop  }
0xf9: {  	[spmem:s2] =	stream.indirect.scatter.add.f32 [tilespmem:s16], [sflag:$0x6], $0x10, s24, s10, $0xb8;
	[tilespmem:$0x1EC30] =	vst v63  }
0xfa: {  	_ = 	snop  }
0xfb: {  	[spmem:s2] =	stream.indirect.scatter.add.f32 [tilespmem:s30], [sflag:$0x6], $0x10, s25, s10, $0xb8;
	[tilespmem:$0x1EC30] =	vst v63  }
0xfc: {  	_ =	swait.ge [sflag:s12], $0x7D00  }
0xfd: {  	[sflag:s12] =	ssyncset.done $0x0  }
0xfe: {  	[sflag:s12] =	ssyncadd.s32 $0xFFFF8300  }
0xff: {  	[spmem:s2] =	stream.indirect.scatter.add.f32 [tilespmem:s9], [sflag:$0x4], $0x10, s26, s10, $0xb8;
	[tilespmem:$0x1EC30] =	vst v63  }
0x100: {  	s30 =	simm.s32 $0x4268  }
0x101: {  	[spmem:s2] =	stream.indirect.scatter.add.f32 [tilespmem:s14], [sflag:$0x4], $0x10, s30, s10, $0xb8;
	[tilespmem:$0x1EC30] =	vst v63  }
0x102: {  	_ =	swait.ge [sflag:s13], $0x7D00  }
0x103: {  	[sflag:s13] =	ssyncset.done $0x0  }
0x104: {  	[sflag:s13] =	ssyncadd.s32 $0xFFFF8300  }
0x105: {  	[spmem:s2] =	stream.indirect.scatter.add.f32 [tilespmem:s8], [sflag:$0x5], $0x10, s20, s10, $0xb8;
	[tilespmem:$0x1EC30] =	vst v63  }
0x106: {  	s31 =	simm.s32 $0x4A38  }
0x107: {  	[spmem:s2] =	stream.indirect.scatter.add.f32 [tilespmem:s15], [sflag:$0x5], $0x10, s31, s10, $0xb8;
	[tilespmem:$0x1EC30] =	vst v63  }
0x108: {  	_ =	swait.ge [sflag:s6], $0x3E80  }
0x109: {  	[sflag:s6] =	ssyncset.done $0x0  }
0x10a: {  	[sflag:s6] =	ssyncadd.s32 $0xFFFFC180  }
0x10b: {  	_ =	swait.ge [sflag:s7], $0x3E80  }
0x10c: {  	[sflag:s7] =	ssyncset.done $0x0  }
0x10d: {  	[sflag:s7] =	ssyncadd.s32 $0xFFFFC180  }
0x10e: {  	_ =	swait.ge [sflag:s6], $0x3E80  }
0x10f: {  	[sflag:s6] =	ssyncset.done $0x0  }
0x110: {  	[sflag:s6] =	ssyncadd.s32 $0xFFFFC180  }
0x111: {  	_ =	swait.ge [sflag:s7], $0x3E80  }
0x112: {  	[sflag:s7] =	ssyncset.done $0x0  }
0x113: {  	[sflag:s7] =	ssyncadd.s32 $0xFFFFC180  }
0x114: {  	[bflag:$0x0] =	sbarrier.arrive $0xFFFF  }
0x115: {  	s0 =	rddreg [dreg:$0x7]  }
0x116: {  	[hbm:s0], [sflag:s4] =	dma.local @!p0 [spmem:s5], $0x7D0  }
0x117: {  	_ =	swait.ge @!p0 [sflag:s1], $0x7D0  }
0x118: {  	[sflag:s1] =	ssyncset.done @!p0 $0x0  }
0x119: {  	[sflag:s1] =	ssyncadd.s32 @!p0 $0xFFFFF830  }
0x11a: {  	_ =	sfence.sel $0x180000  }
0x11b: {  	[bflag:$0x0] =	sbarrier.arrive $0xFFFF  }
0x11c: {  	p0 =	sne.s32 s18, $0x0;
	_ =	strace $0x9000004A  }
0x11d: {  	s0 =	sadd.s32 @!p0 $0x100000, s19;
	[bflag:$0x2] =	sbarrier.arrive $0xFFFF  }
0x11e: {  	[sflag:s0] =	ssyncadd.tile.s32 @!p0 $0x1;
	_ =	shalt  }
.LBB2_1:
.Ltmp3:
0x11f: {  	(pc) =	sbr.rel .LBB2_6-.Ltmp3, $4  }
0x120: {  	_ = 	snop  }
0x121: {  	s29 =	simm.s32 $0x32C8;
	s21 =	simm.s32 $0x2EE0  }
0x122: {  	s30 =	simm.s32 $0x186A0;
	s26 =	simm.s32 $0x3E80;
	s25 =	simm.s32 $0x3A98  }
0x123: {  	s24 =	simm.s32 $0x36B0;
	s23 =	simm.s32 $0x1F40;
	s20 =	simm.s32 $0x4650  }
.LBB2_3:
.Ltmp4:
0x124: {  	(pc) =	sbr.rel .LBB2_6-.Ltmp4, $4  }
0x125: {  	s29 =	simm.s32 $0x32C8  }
0x126: {  	s21 =	simm.s32 $0x2EE0;
	s30 =	simm.s32 $0x186A0;
	s26 =	simm.s32 $0x3E80  }
0x127: {  	s25 =	simm.s32 $0x3A98;
	s24 =	simm.s32 $0x36B0;
	s23 =	simm.s32 $0x1F40  }
0x128: {  	s20 =	simm.s32 $0x4650;
	s18 =	stileid.u32;
	s19 =	rddreg [dreg:$0x3]  }
.Lfunc_end2:
_tile_overlayer_lowered:
.L_overlay_start_2:
0x129: {  	(tag) =	ssettag $0x2  }
0x12a: {  	s0 =	rddreg [dreg:$0x0];
	s2 =	stileid.u32  }
0x12b: {  	s1 =	rddreg [dreg:$0x1];
	p0 =	sne.s32 s2, $0x0  }
0x12c: {  	s3 =	rddreg [dreg:$0x2];
	[bflag:$0x3] =	sbarrier.arrive $0xFFFF;
	s2 =	simm.s32 @!p0 $0x1C07  }
0x12d: {  	[timem:s3], [sflag:s2] =	dma.local @!p0 [hbm:s0], s1  }
0x12e: {  	s0 =	simm.s32 @!p0 $0x7  }
0x12f: {  	_ =	swait.ge @!p0 [sflag:s0], s1  }
0x130: {  	s1 =	ssub.s32 @!p0 $0x0, s1;
	[sflag:s0] =	ssyncset.done @!p0 $0x0  }
0x131: {  	[sflag:s0] =	ssyncadd.s32 @!p0 s1  }
0x132: {  	[bflag:$0x3] =	sbarrier.arrive $0xFFFF  }
0x133: {  	_ =	shalt  }

// kernel: kernel.19.cloned.1.call-start
scs
__scs_entry_jumppad:
0x0: {  	(pc) =	sbr.rel $0x88, $3  }
0x1: {  	(tag) =	ssettag $0x0;
	lr =	simm.s32 $0x1  }
0x2: {  	[smem:$0x3F97] =	sst lr;
	_ =	strace $0xD0000000  }
0x3: {  	_ = 	snop  }
0x4: {  	_ = 	snop  }
0x5: {  	_ = 	snop  }
0x6: {  	_ = 	snop  }
0x7: {  	_ = 	snop  }
__scs_overlays_trampoline_lowered:
0x8: {  	[smem:$0x3FA6] =	sst s0  }
0x9: {  	[smem:$0x3FA7] =	sst s1  }
0xa: {  	[smem:$0x3FA8] =	sst s2  }
0xb: {  	[smem:$0x3FA9] =	sst s3  }
0xc: {  	[smem:$0x3FAA] =	sst s4  }
0xd: {  	[smem:$0x3FAB] =	sst s5  }
0xe: {  	[smem:$0x3FAC] =	sst s6  }
0xf: {  	[smem:$0x3FAD] =	sst s7  }
0x10: {  	[smem:$0x3FAE] =	sst s8  }
0x11: {  	[smem:$0x3FAF] =	sst s9;
	s0 =	simm.s32 @!p0 $0x0  }
0x12: {  	s1 =	sld [smem:$0x3F95];
	s0 =	simm.s32 @p0 $0x1  }
0x13: {  	[smem:$0x3FB0] =	sst s0;
	s0 =	simm.s32 @!p1 $0x0  }
0x14: {  	s2 =	sld [smem:$0x3F94];
	s0 =	simm.s32 @p1 $0x1  }
0x15: {  	[smem:$0x3FB1] =	sst s0;
	s0 =	simm.s32 @!p2 $0x0  }
0x16: {  	s3 =	sld [smem:$0x3FDB];
	s0 =	simm.s32 @p2 $0x1  }
0x17: {  	s4 =	simm.s32 $0x1BF5;
	[smem:$0x3FB3] =	sst s0  }
0x18: {  	s0 =	sld [smem:$0x3F96];
	_ =	swait.ge [sflag:s4], $0x0  }
0x19: {  	s7 =	sld [smem:$0x3F97]  }
0x1a: {  	s8 =	sadd.s32 $0xFFFFE003, lr  }
0x1b: {  	s9 =	sadd.s32 $0xFFFFFEF7, lr;
	s5 =	simm.s32 $0xFFFFFFFF;
	p2 =	slt.u32 s8, $0xFFFFF086  }
0x1c: {  	p1 =	slt.u32 s9, $0xF7A;
	s5 =	simm.s32 @!p2 $0x0  }
0x1d: {  	s5 =	simm.s32 @p1 $0x1;
	p0 =	seq.s32 s7, s2  }
0x1e: {  	s7 =	smul.u32 @!p0 $0xF7A, s2;
	p2 =	seq.s32 @!p0 s5, $0x0  }
0x1f: {  	s9 =	smul.u32 $0xF7A, s1;
	s8 =	simm.s32 @!p0 $0x1BF5;
	p2 =	por !p2, p0  }
0x20: {  	[sflag:s8] =	ssyncset.s32 @!p0 $0xFFFFF086;
	s6 =	sadd.s32 @!p0 s3, s7;
	s7 =	simm.s32 @!p0 $0x108  }
0x21: {  	s3 =	sadd.s32 s3, s9;
	s6 =	sadd.s32 @!p0 $0x88, s6;
	s7 =	simm.s32 @p2 $0x1082  }
0x22: {  	[simem:s7], [sflag:s8] =	dma.local @!p0 [hbm:s6], $0xF7A  }
0x23: {  	s9 =	sor.u32 $0xD0000000, s2;
	s6 =	simm.s32 $0x108;
	_ =	swait.ge @!p0 [sflag:s8], $0x0  }
0x24: {  	s3 =	sadd.s32 $0x88, s3;
	s6 =	simm.s32 @!p1 $0x1082;
	[sflag:s4] =	ssyncset.s32 $0xFFFFF086  }
0x25: {  	[simem:s6], [sflag:s4] =	dma.local [hbm:s3], $0xF7A  }
0x26: {  	[smem:$0x3F97] =	sst s1;
	(tag) =	ssettag s2;
	_ =	strace s9  }
0x27: {  	s1 =	sld [smem:$0x3FA7]  }
0x28: {  	s2 =	sld [smem:$0x3FA8]  }
0x29: {  	s4 =	sld [smem:$0x3FAA]  }
0x2a: {  	p0 =	seq.s32 s5, $0x0;
	s5 =	sld [smem:$0x3FAB]  }
0x2b: {  	s6 =	sld [smem:$0x3FAC]  }
0x2c: {  	s7 =	sld [smem:$0x3FAD]  }
0x2d: {  	s3 =	simm.s32 $0x108;
	s8 =	sld [smem:$0x3FAE]  }
0x2e: {  	s3 =	simm.s32 @!p0 $0x1082;
	s9 =	sld [smem:$0x3FAF]  }
0x2f: {  	lr =	sadd.s32 s0, s3;
	s0 =	sld [smem:$0x3FA6]  }
0x30: {  	s3 =	sld [smem:$0x3FA9]  }
0x31: {  	[smem:$0x3FB2] =	sst s10  }
0x32: {  	s10 =	sld [smem:$0x3FB0];
	_ =	sdelay $0x3  }
0x33: {  	p0 =	seq.s32 s10, $0x1;
	s10 =	sld [smem:$0x3FB2];
	_ =	sdelay $0x3  }
0x34: {  	[smem:$0x3FB2] =	sst s10  }
0x35: {  	s10 =	sld [smem:$0x3FB1];
	_ =	sdelay $0x3  }
0x36: {  	p1 =	seq.s32 s10, $0x1;
	s10 =	sld [smem:$0x3FB2];
	_ =	sdelay $0x3  }
0x37: {  	[smem:$0x3FB2] =	sst s10  }
0x38: {  	s10 =	sld [smem:$0x3FB3]  }
0x39: {  	_ = 	snop;
	(pc) =	sbr.ind lr, $3  }
0x3a: {  	_ = 	snop  }
0x3b: {  	_ = 	snop  }
0x3c: {  	p2 =	seq.s32 s10, $0x1;
	s10 =	sld [smem:$0x3FB2]  }
0x3d: {  	_ =	shalt  }
0x3e: {  	_ =	shalt  }
0x3f: {  	_ =	shalt  }
0x40: {  	_ =	shalt  }
0x41: {  	_ =	shalt  }
0x42: {  	_ =	shalt  }
0x43: {  	_ =	shalt  }
0x44: {  	_ =	shalt  }
0x45: {  	_ =	shalt  }
0x46: {  	_ =	shalt  }
0x47: {  	_ =	shalt  }
0x48: {  	_ =	shalt  }
0x49: {  	_ =	shalt  }
0x4a: {  	_ =	shalt  }
0x4b: {  	_ =	shalt  }
0x4c: {  	_ =	shalt  }
0x4d: {  	_ =	shalt  }
0x4e: {  	_ =	shalt  }
0x4f: {  	_ =	shalt  }
0x50: {  	_ =	shalt  }
0x51: {  	_ =	shalt  }
0x52: {  	_ =	shalt  }
0x53: {  	_ =	shalt  }
0x54: {  	_ =	shalt  }
0x55: {  	_ =	shalt  }
0x56: {  	_ =	shalt  }
0x57: {  	_ =	shalt  }
0x58: {  	_ =	shalt  }
0x59: {  	_ =	shalt  }
0x5a: {  	_ =	shalt  }
0x5b: {  	_ =	shalt  }
0x5c: {  	_ =	shalt  }
0x5d: {  	_ =	shalt  }
0x5e: {  	_ =	shalt  }
0x5f: {  	_ =	shalt  }
0x60: {  	_ =	shalt  }
0x61: {  	_ =	shalt  }
0x62: {  	_ =	shalt  }
0x63: {  	_ =	shalt  }
0x64: {  	_ =	shalt  }
0x65: {  	_ =	shalt  }
0x66: {  	_ =	shalt  }
0x67: {  	_ =	shalt  }
0x68: {  	_ =	shalt  }
0x69: {  	_ =	shalt  }
0x6a: {  	_ =	shalt  }
0x6b: {  	_ =	shalt  }
0x6c: {  	_ =	shalt  }
0x6d: {  	_ =	shalt  }
0x6e: {  	_ =	shalt  }
0x6f: {  	_ =	shalt  }
0x70: {  	_ =	shalt  }
0x71: {  	_ =	shalt  }
0x72: {  	_ =	shalt  }
0x73: {  	_ =	shalt  }
0x74: {  	_ =	shalt  }
0x75: {  	_ =	shalt  }
0x76: {  	_ =	shalt  }
0x77: {  	_ =	shalt  }
0x78: {  	_ =	shalt  }
0x79: {  	_ =	shalt  }
0x7a: {  	_ =	shalt  }
0x7b: {  	_ =	shalt  }
0x7c: {  	_ =	shalt  }
0x7d: {  	_ =	shalt  }
0x7e: {  	_ =	shalt  }
0x7f: {  	_ =	shalt  }
0x80: {  	_ =	shalt  }
0x81: {  	_ =	shalt  }
0x82: {  	_ =	shalt  }
0x83: {  	_ =	shalt  }
0x84: {  	_ =	shalt  }
0x85: {  	_ =	shalt  }
0x86: {  	_ =	shalt  }
0x87: {  	_ =	shalt  }
.Lfunc_end0:
.L_simem_size_0:
called_computation.2_lowered:
.L_overlay_start_0:
0x88: {  	s2 =	sld [smem:$0x3FD9]  }
0x89: {  	s3 =	sld [smem:$0x3FFE];
	_ =	sdelay $0x1  }
0x8a: {  	s1 =	srdreg.scid  }
0x8b: {  	s0 =	sand.u32 $0x1, s1  }
0x8c: {  	s17 =	sshll.u32 s0, $0xA;
	s2 =	sadd.s32 s3, s2  }
0x8d: {  	s2 =	sadd.s32 s2, s17  }
0x8e: {  	[smem:$0x3FBE] =	sst s2  }
0x8f: {  	_ = 	snop  }
0x90: {  	s2 =	sld [smem:$0x3FD0];
	(tm) =	ssettm $0x1  }
0x91: {  	s18 =	sld [smem:$0x3FFB];
	_ =	sdelay $0x3  }
0x92: {  	_ =	strace s18  }
0x93: {  	s3 =	sld [smem:$0x3FFC];
	_ =	sdelay $0x3  }
0x94: {  	_ =	strace s3  }
0x95: {  	s3 =	sld [smem:$0x3FFD];
	_ =	sdelay $0x3  }
0x96: {  	_ =	strace s3  }
0x97: {  	_ =	strace $0x8FFFFFFF  }
0x98: {  	s19 =	sld [smem:$0x3FDB];
	_ =	sdelay $0x1  }
0x99: {  	s4 =	simm.s32 $_scs_section_size  }
0x9a: {  	s5 =	simm.s32 $_size__tile_overlayer_lowered;
	s6 =	simm.s32 $_tile_overlayer_lowered  }
0x9b: {  	s22 =	simm.s32 $0x1BFF;
	s21 =	sshll.u32 s6, $0x1;
	s3 =	sadd.s32 s4, s19  }
0x9c: {  	s7 =	simm.s32 $0x0;
	s20 =	sshll.u32 s5, $0x1;
	s5 =	sadd.s32 s21, s3  }
0x9d: {  	[timem:s7], [sflag:s22] =	dma.local [hbm:s5], s20  }
0x9e: {  	_ =	swait.ge [sflag:s22], s20  }
0x9f: {  	s4 =	ssub.s32 $0x0, s20;
	[sflag:s22] =	ssyncset.done $0x0  }
0xa0: {  	[sflag:s22] =	ssyncadd.s32 s4;
	_ =	sdelay $0x1  }
0xa1: {  	s23 =	simm.s32 $0x1B8B  }
0xa2: {  	_ =	swait.ge [sflag:s23], $0x1  }
0xa3: {  	[sflag:s23] =	ssyncset.done $0x0  }
0xa4: {  	s25 =	simm.s32 $0x1B8E;
	s24 =	sld [smem:$0x3FFE];
	[sflag:s23] =	ssyncadd.s32 $0xFFFFFFFF  }
0xa5: {  	s26 =	simm.s32 $execute0_lowered;
	[smem:$0x3FD2] =	sst s25  }
0xa6: {  	s5 =	sshll.u32 s26, $0x1;
	_ =	strace $0x8000004C;
	[dreg:$0x1] =	wrdreg $0xFFFFFFFF  }
0xa7: {  	s28 =	simm.s32 $_size_execute0_lowered;
	s3 =	sadd.s32 s3, s5;
	[dreg:$0x0] =	wrdreg $0x0  }
0xa8: {  	s5 =	sshll.u32 s28, $0x1;
	[dreg:$0x2] =	wrdreg s3  }
0xa9: {  	[dreg:$0x3] =	wrdreg s5  }
0xaa: {  	[dreg:$0x4] =	wrdreg $0xC0  }
0xab: {  	_ =	task [dreg:s7], $0x5FFFF  }
0xac: {  	[dreg:$0x1] =	wrdreg $0xFFFFFFFF  }
0xad: {  	[dreg:$0x0] =	wrdreg $0x60  }
0xae: {  	[dreg:$0x2] =	wrdreg s2  }
0xaf: {  	[dreg:$0x3] =	wrdreg s24  }
0xb0: {  	[dreg:$0x4] =	wrdreg $0x1C5200  }
0xb1: {  	[dreg:$0x5] =	wrdreg $0x9  }
0xb2: {  	_ =	task.clear_ibuf [dreg:s7], $0x6FFFF;
	_ =	strace $0x9000004C  }
0xb3: {  	s29 =	simm.s32 $0x9;
	_ =	strace $0x8000004E  }
0xb4: {  	_ =	swait.ge [sflag:s29], $0x1  }
0xb5: {  	[sflag:s29] =	ssyncadd.s32 $0xFFFFFFFF  }
0xb6: {  	_ =	strace $0x9000004E  }
0xb7: {  	_ =	sfence  }
0xb8: {  	s30 =	sld [smem:$0x0];
	_ =	sdelay $0x2  }
0xb9: {  	s31 =	sshll.u32 s1, $0xD;
	s1 =	sshrl.u32 s1, $0x2  }
0xba: {  	s3 =	sand.u32 $0x4000, s31;
	s1 =	sadd.s32 s1, s30  }
0xbb: {  	s0 =	sor.u32 s3, s0;
	s1 =	sshll.u32 s1, $0x11  }
0xbc: {  	s0 =	sor.u32 s1, s0  }
0xbd: {  	s0 =	sadd.s32 $0x8F2B, s0  }
0xbe: {  	[sflag:s0] =	ssyncadd.remote.s32 $0x1  }
0xbf: {  	_ =	sfence.sel $0xFFFF  }
0xc0: {  	[dreg:$0x0] =	wrdreg $0xFFFFFFFF;
	(pc) =	sbr.abs _section_cstart, $3  }
0xc1: {  	[dreg:$0x1] =	wrdreg $0xFFFFFFFF  }
0xc2: {  	_ =	task.clear_ibuf [dreg:s7], $0x2FFFF;
	_ =	strace $0x9FFFFFFF  }
0xc3: {  	(tm) =	ssettm $0x7FFFFFFF  }
tec
execute0_lowered:
.L_overlay_start_1:
0x0: {  	(tag) =	ssettag $0x1  }
0x1: {  	s3 =	rddreg [dreg:$0x0]  }
0x2: {  	s4 =	rddreg [dreg:$0x1]  }
0x3: {  	s0 =	srdreg.scid;
	s2 =	rddreg [dreg:$0x2]  }
0x4: {  	s18 =	stileid.u32;
	s19 =	rddreg [dreg:$0x3];
	s17 =	simm.s32 $0x0  }
0x5: {  	s11 =	simm.s32 $0x7D0;
	s9 =	simm.s32 $0x4E20;
	s8 =	simm.s32 $0xCB20  }
0x6: {  	s25 =	simm.s32 $0xFA0;
	s12 =	simm.s32 $0x1;
	s16 =	simm.s32 $0x14820  }
0x7: {  	s10 =	simm.s32 $0x3E8;
	s26 =	simm.s32 $0x2AF8;
	s14 =	simm.s32 $0x8CA0  }
0x8: {  	s31 =	simm.s32 $0x1770;
	s13 =	simm.s32 $0x2;
	s15 =	simm.s32 $0x109A0  }
0x9: {  	s28 =	simm.s32 $0x3;
	p1 =	por $0x0, $0x0;
	s30 =	simm.s32 $0x186A0  }
0xa: {  	s29 =	simm.s32 $0x4268;
	s0 =	sand.u32 $0x1, s0;
	s1 =	sshll.u32 s18, $0x1  }
0xb: {  	s5 =	smul.u32 $0x3E80, s18;
	[smem:$0x7FF] =	sst s17;
	s1 =	sor.u32 s0, s1  }
0xc: {  	s6 =	smul.u32 $0x27100, s0;
	_ =	strace $0x8000004D;
	[dreg:$0x8] =	wrdreg s25  }
0xd: {  	s20 =	simm.s32 $0x4650;
	[dreg:$0x9] =	wrdreg s26;
	s1 =	smul.u32 $0x2710, s1  }
0xe: {  	p0 =	sgt.u32 s18, $0x9;
	s0 =	ssub.s32 $0x2, s0;
	[dreg:$0xa] =	wrdreg s31  }
0xf: {  	s21 =	sshrl.u32 s0, $0x1;
	s6 =	sadd.s32 s5, s6;
	s1 =	sshrl.u32 s1, $0x3  }
0x10: {  	s0 =	ssub.s32 s0, s21;
	s6 =	sshrl.u32 s6, $0x3;
	s1 =	sadd.s32 s1, s4  }
0x11: {  	s0 =	smax.u32 s0, $0x1;
	s7 =	sadd.s32 $0x4000, s1;
	s1 =	sadd.s32 $0xDC40, s1  }
0x12: {  	s4 =	sadd.s32 s6, s4;
	[dreg:$0x5] =	wrdreg s1;
	s1 =	sshll.u32 @!p0 s18, $0x6  }
0x13: {  	s24 =	sadd.s32 $0x17A00, s4;
	s4 =	sor.u32 @!p0 $0x1C07, s1;
	s1 =	sadd.s32 $0xFFFFFFFF, s0  }
0x14: {  	s25 =	simm.s32 $0x3A98;
	s22 =	sshrl.u32 s5, $0x3;
	p2 =	sne.s32 s1, $0x0  }
.Ltmp0:
0x15: {  	s26 =	simm.s32 $0x3E80;
	s23 =	sadd.s32 s3, s22;
	(pc) =	sbr.rel @!p2 .LBB2_1-.Ltmp0, $4  }
0x16: {  	s5 =	sadd.s32 s5, s2;
	s22 =	simm.s32 $0x2710;
	[dreg:$0x6] =	wrdreg s23  }
0x17: {  	s21 =	simm.s32 $0x4A38;
	s5 =	sshrl.u32 @!p0 s5, $0x3;
	[dreg:$0x4] =	wrdreg s7  }
0x18: {  	s23 =	simm.s32 $0x32C8;
	s6 =	simm.s32 $0x4;
	[dreg:$0x7] =	wrdreg s24  }
0x19: {  	s7 =	simm.s32 $0x5;
	s24 =	simm.s32 $0x36B0;
	s0 =	rddreg [dreg:$0x4]  }
0x1a: {  	[tilespmem:s17], [sflag:$0x4] =	stream.linear.gather [hbm4b:s0+s17], $0x2710, $0x38;
	[tilespmem:$0x1EC30] =	vst v63  }
0x1b: {  	s31 =	rddreg [dreg:$0x5]  }
0x1c: {  	[tilespmem:s22], [sflag:$0x5] =	stream.linear.gather [hbm4b:s31+s17], $0x2710, $0x38;
	[tilespmem:$0x1EC30] =	vst v63  }
0x1d: {  	s0 =	rddreg [dreg:$0x6];
	s31 =	simm.s32 @!p0 $0x7  }
0x1e: {  	[spmem:s5], [sflag:s4] =	dma.local @!p0 [hbm:s0], $0x7D0  }
0x1f: {  	_ =	swait.ge @!p0 [sflag:s31], $0x7D0  }
0x20: {  	[sflag:s31] =	ssyncset.done @!p0 $0x0  }
0x21: {  	[sflag:s31] =	ssyncadd.s32 @!p0 $0xFFFFF830  }
0x22: {  	_ =	swait.ge [sflag:s6], $0x2710  }
0x23: {  	[sflag:s6] =	ssyncset.done $0x0  }
0x24: {  	[sflag:s6] =	ssyncadd.s32 $0xFFFFD8F0  }
0x25: {  	[tilespmem:s9], [sflag:$0x1] =	stream.indirect.gather [hbm4b:s3+s11], $0x10, s17, s11, $0xb8;
	[tilespmem:$0x1EC30] =	vst v63  }
0x26: {  	_ = 	snop  }
0x27: {  	[tilespmem:s8], [sflag:$0x2] =	stream.indirect.gather [hbm4b:s3+s11], $0x10, s11, s11, $0xb8;
	[tilespmem:$0x1EC30] =	vst v63  }
0x28: {  	_ =	swait.ge [sflag:s7], $0x2710  }
0x29: {  	[sflag:s7] =	ssyncset.done $0x0  }
0x2a: {  	[sflag:s7] =	ssyncadd.s32 $0xFFFFD8F0  }
0x2b: {  	[bflag:$0x0] =	sbarrier.arrive $0xFFFF  }
0x2c: {  	_ =	swait.ge [sflag:s12], $0x7D00  }
0x2d: {  	[sflag:s12] =	ssyncset.done $0x0  }
0x2e: {  	s19 =	rddreg [dreg:$0x8];
	[sflag:s12] =	ssyncadd.s32 $0xFFFF8300  }
0x2f: {  	[tilespmem:s16], [sflag:$0x3] =	stream.indirect.gather [hbm4b:s3+s11], $0x10, s19, s11, $0xb8;
	[tilespmem:$0x1EC30] =	vst v63  }
0x30: {  	_ = 	snop  }
0x31: {  	[spmem:s2] =	stream.indirect.scatter.add.f32 [tilespmem:s9], [sflag:$0x4], $0x10, s22, s10, $0xb8;
	[tilespmem:$0x1EC30] =	vst v63  }
0x32: {  	s18 =	rddreg [dreg:$0x9]  }
0x33: {  	[spmem:s2] =	stream.indirect.scatter.add.f32 [tilespmem:s14], [sflag:$0x4], $0x10, s18, s10, $0xb8;
	[tilespmem:$0x1EC30] =	vst v63  }
0x34: {  	_ =	swait.ge [sflag:s13], $0x7D00  }
0x35: {  	[sflag:s13] =	ssyncset.done $0x0  }
0x36: {  	[sflag:s13] =	ssyncadd.s32 $0xFFFF8300  }
0x37: {  	_ =	swait.ge [sflag:s6], $0x3E80  }
0x38: {  	[sflag:s6] =	ssyncset.done $0x0  }
0x39: {  	[sflag:s6] =	ssyncadd.s32 $0xFFFFC180  }
0x3a: {  	_ =	swait.ge [sflag:s6], $0x3E80  }
0x3b: {  	[sflag:s6] =	ssyncset.done $0x0  }
0x3c: {  	s19 =	rddreg [dreg:$0xa];
	[sflag:s6] =	ssyncadd.s32 $0xFFFFC180  }
0x3d: {  	[tilespmem:s9], [sflag:$0x1] =	stream.indirect.gather [hbm4b:s3+s11], $0x10, s19, s11, $0xb8;
	[tilespmem:$0x1EC30] =	vst v63  }
0x3e: {  	s18 =	simm.s32 $0x2EE0  }
0x3f: {  	[spmem:s2] =	stream.indirect.scatter.add.f32 [tilespmem:s8], [sflag:$0x5], $0x10, s18, s10, $0xb8;
	[tilespmem:$0x1EC30] =	vst v63  }
0x40: {  	_ = 	snop  }
0x41: {  	[spmem:s2] =	stream.indirect.scatter.add.f32 [tilespmem:s15], [sflag:$0x5], $0x10, s23, s10, $0xb8;
	[tilespmem:$0x1EC30] =	vst v63  }
0x42: {  	_ =	swait.ge [sflag:s28], $0x7D00  }
0x43: {  	[sflag:s28] =	ssyncset.done $0x0  }
0x44: {  	[sflag:s28] =	ssyncadd.s32 $0xFFFF8300  }
0x45: {  	_ =	swait.ge [sflag:s7], $0x3E80  }
0x46: {  	[sflag:s7] =	ssyncset.done $0x0  }
0x47: {  	[sflag:s7] =	ssyncadd.s32 $0xFFFFC180  }
0x48: {  	_ =	swait.ge [sflag:s7], $0x3E80  }
0x49: {  	[sflag:s7] =	ssyncset.done $0x0  }
0x4a: {  	s19 =	simm.s32 $0x1F40;
	[sflag:s7] =	ssyncadd.s32 $0xFFFFC180  }
0x4b: {  	[tilespmem:s8], [sflag:$0x2] =	stream.indirect.gather [hbm4b:s3+s11], $0x10, s19, s11, $0xb8;
	[tilespmem:$0x1EC30] =	vst v63  }
0x4c: {  	_ = 	snop  }
0x4d: {  	[spmem:s2] =	stream.indirect.scatter.add.f32 [tilespmem:s16], [sflag:$0x6], $0x10, s24, s10, $0xb8;
	[tilespmem:$0x1EC30] =	vst v63  }
0x4e: {  	_ = 	snop  }
0x4f: {  	[spmem:s2] =	stream.indirect.scatter.add.f32 [tilespmem:s30], [sflag:$0x6], $0x10, s25, s10, $0xb8;
	[tilespmem:$0x1EC30] =	vst v63  }
0x50: {  	_ =	swait.ge [sflag:s12], $0x7D00  }
0x51: {  	[sflag:s12] =	ssyncset.done $0x0  }
0x52: {  	[sflag:s12] =	ssyncadd.s32 $0xFFFF8300  }
0x53: {  	[spmem:s2] =	stream.indirect.scatter.add.f32 [tilespmem:s9], [sflag:$0x4], $0x10, s26, s10, $0xb8;
	[tilespmem:$0x1EC30] =	vst v63  }
0x54: {  	_ = 	snop  }
0x55: {  	[spmem:s2] =	stream.indirect.scatter.add.f32 [tilespmem:s14], [sflag:$0x4], $0x10, s29, s10, $0xb8;
	[tilespmem:$0x1EC30] =	vst v63  }
0x56: {  	_ =	swait.ge [sflag:s13], $0x7D00  }
0x57: {  	[sflag:s13] =	ssyncset.done $0x0  }
0x58: {  	[sflag:s13] =	ssyncadd.s32 $0xFFFF8300  }
0x59: {  	[spmem:s2] =	stream.indirect.scatter.add.f32 [tilespmem:s8], [sflag:$0x5], $0x10, s20, s10, $0xb8;
	[tilespmem:$0x1EC30] =	vst v63  }
0x5a: {  	_ = 	snop  }
0x5b: {  	[spmem:s2] =	stream.indirect.scatter.add.f32 [tilespmem:s15], [sflag:$0x5], $0x10, s21, s10, $0xb8;
	[tilespmem:$0x1EC30] =	vst v63  }
0x5c: {  	_ =	swait.ge [sflag:s6], $0x3E80  }
0x5d: {  	[sflag:s6] =	ssyncset.done $0x0  }
0x5e: {  	[sflag:s6] =	ssyncadd.s32 $0xFFFFC180  }
0x5f: {  	_ =	swait.ge [sflag:s7], $0x3E80  }
0x60: {  	[sflag:s7] =	ssyncset.done $0x0  }
0x61: {  	[sflag:s7] =	ssyncadd.s32 $0xFFFFC180  }
0x62: {  	_ =	swait.ge [sflag:s6], $0x3E80  }
0x63: {  	[sflag:s6] =	ssyncset.done $0x0  }
0x64: {  	[sflag:s6] =	ssyncadd.s32 $0xFFFFC180  }
0x65: {  	_ =	swait.ge [sflag:s7], $0x3E80  }
0x66: {  	s1 =	sadd.s32 $0xFFFFFFFF, s1;
	[sflag:s7] =	ssyncset.done $0x0  }
0x67: {  	p2 =	sne.s32 s1, $0x0;
	[sflag:s7] =	ssyncadd.s32 $0xFFFFC180  }
.Ltmp1:
0x68: {  	[bflag:$0x0] =	sbarrier.arrive $0xFFFF;
	(pc) =	sbr.rel @!p2 .LBB2_3-.Ltmp1, $4  }
0x69: {  	s0 =	rddreg [dreg:$0x7]  }
0x6a: {  	[hbm:s0], [sflag:s4] =	dma.local @!p0 [spmem:s5], $0x7D0  }
0x6b: {  	_ =	swait.ge @!p0 [sflag:s31], $0x7D0  }
0x6c: {  	p1 =	por $0x1, $0x1;
	s0 =	rddreg [dreg:$0x4];
	[sflag:s31] =	ssyncset.done @!p0 $0x0  }
.LBB2_4:
0x6d: {  	s18 =	rddreg [dreg:$0x6];
	[sflag:s31] =	ssyncadd.s32 @!p0 $0xFFFFF830  }
0x6e: {  	[tilespmem:s17], [sflag:$0x4] =	stream.linear.gather [hbm4b:s0+s17], $0x2710, $0x38;
	[tilespmem:$0x1EC30] =	vst v63  }
0x6f: {  	s19 =	rddreg [dreg:$0x5]  }
0x70: {  	[tilespmem:s22], [sflag:$0x5] =	stream.linear.gather [hbm4b:s19+s17], $0x2710, $0x38;
	[tilespmem:$0x1EC30] =	vst v63  }
0x71: {  	[spmem:s5], [sflag:s4] =	dma.local @!p0 [hbm:s18], $0x7D0  }
0x72: {  	_ =	swait.ge @!p0 [sflag:s31], $0x7D0  }
0x73: {  	[sflag:s31] =	ssyncset.done @!p0 $0x0  }
0x74: {  	[sflag:s31] =	ssyncadd.s32 @!p0 $0xFFFFF830  }
0x75: {  	_ =	swait.ge [sflag:s6], $0x2710  }
0x76: {  	[sflag:s6] =	ssyncset.done $0x0  }
0x77: {  	[sflag:s6] =	ssyncadd.s32 $0xFFFFD8F0  }
0x78: {  	[tilespmem:s9], [sflag:$0x1] =	stream.indirect.gather [hbm4b:s3+s11], $0x10, s17, s11, $0xb8;
	[tilespmem:$0x1EC30] =	vst v63  }
0x79: {  	_ = 	snop  }
0x7a: {  	[tilespmem:s8], [sflag:$0x2] =	stream.indirect.gather [hbm4b:s3+s11], $0x10, s11, s11, $0xb8;
	[tilespmem:$0x1EC30] =	vst v63  }
0x7b: {  	_ =	swait.ge [sflag:s7], $0x2710  }
0x7c: {  	[sflag:s7] =	ssyncset.done $0x0  }
0x7d: {  	[sflag:s7] =	ssyncadd.s32 $0xFFFFD8F0  }
0x7e: {  	[bflag:$0x0] =	sbarrier.arrive $0xFFFF  }
0x7f: {  	_ =	swait.ge [sflag:s12], $0x7D00  }
0x80: {  	[sflag:s12] =	ssyncset.done $0x0  }
0x81: {  	s19 =	rddreg [dreg:$0x8];
	[sflag:s12] =	ssyncadd.s32 $0xFFFF8300  }
0x82: {  	[tilespmem:s16], [sflag:$0x3] =	stream.indirect.gather [hbm4b:s3+s11], $0x10, s19, s11, $0xb8;
	[tilespmem:$0x1EC30] =	vst v63  }
0x83: {  	_ = 	snop  }
0x84: {  	[spmem:s2] =	stream.indirect.scatter.add.f32 [tilespmem:s9], [sflag:$0x4], $0x10, s22, s10, $0xb8;
	[tilespmem:$0x1EC30] =	vst v63  }
0x85: {  	s18 =	rddreg [dreg:$0x9]  }
0x86: {  	[spmem:s2] =	stream.indirect.scatter.add.f32 [tilespmem:s14], [sflag:$0x4], $0x10, s18, s10, $0xb8;
	[tilespmem:$0x1EC30] =	vst v63  }
0x87: {  	_ =	swait.ge [sflag:s13], $0x7D00  }
0x88: {  	[sflag:s13] =	ssyncset.done $0x0  }
0x89: {  	[sflag:s13] =	ssyncadd.s32 $0xFFFF8300  }
0x8a: {  	_ =	swait.ge [sflag:s6], $0x3E80  }
0x8b: {  	[sflag:s6] =	ssyncset.done $0x0  }
0x8c: {  	[sflag:s6] =	ssyncadd.s32 $0xFFFFC180  }
0x8d: {  	_ =	swait.ge [sflag:s6], $0x3E80  }
0x8e: {  	[sflag:s6] =	ssyncset.done $0x0  }
0x8f: {  	s19 =	rddreg [dreg:$0xa];
	[sflag:s6] =	ssyncadd.s32 $0xFFFFC180  }
0x90: {  	[tilespmem:s9], [sflag:$0x1] =	stream.indirect.gather [hbm4b:s3+s11], $0x10, s19, s11, $0xb8;
	[tilespmem:$0x1EC30] =	vst v63  }
0x91: {  	s18 =	simm.s32 $0x2EE0  }
0x92: {  	[spmem:s2] =	stream.indirect.scatter.add.f32 [tilespmem:s8], [sflag:$0x5], $0x10, s18, s10, $0xb8;
	[tilespmem:$0x1EC30] =	vst v63  }
0x93: {  	_ = 	snop  }
0x94: {  	[spmem:s2] =	stream.indirect.scatter.add.f32 [tilespmem:s15], [sflag:$0x5], $0x10, s23, s10, $0xb8;
	[tilespmem:$0x1EC30] =	vst v63  }
0x95: {  	_ =	swait.ge [sflag:s28], $0x7D00  }
0x96: {  	[sflag:s28] =	ssyncset.done $0x0  }
0x97: {  	[sflag:s28] =	ssyncadd.s32 $0xFFFF8300  }
0x98: {  	_ =	swait.ge [sflag:s7], $0x3E80  }
0x99: {  	[sflag:s7] =	ssyncset.done $0x0  }
0x9a: {  	[sflag:s7] =	ssyncadd.s32 $0xFFFFC180  }
0x9b: {  	_ =	swait.ge [sflag:s7], $0x3E80  }
0x9c: {  	[sflag:s7] =	ssyncset.done $0x0  }
0x9d: {  	s19 =	simm.s32 $0x1F40;
	[sflag:s7] =	ssyncadd.s32 $0xFFFFC180  }
0x9e: {  	[tilespmem:s8], [sflag:$0x2] =	stream.indirect.gather [hbm4b:s3+s11], $0x10, s19, s11, $0xb8;
	[tilespmem:$0x1EC30] =	vst v63  }
0x9f: {  	_ = 	snop  }
0xa0: {  	[spmem:s2] =	stream.indirect.scatter.add.f32 [tilespmem:s16], [sflag:$0x6], $0x10, s24, s10, $0xb8;
	[tilespmem:$0x1EC30] =	vst v63  }
0xa1: {  	_ = 	snop  }
0xa2: {  	[spmem:s2] =	stream.indirect.scatter.add.f32 [tilespmem:s30], [sflag:$0x6], $0x10, s25, s10, $0xb8;
	[tilespmem:$0x1EC30] =	vst v63  }
0xa3: {  	_ =	swait.ge [sflag:s12], $0x7D00  }
0xa4: {  	[sflag:s12] =	ssyncset.done $0x0  }
0xa5: {  	[sflag:s12] =	ssyncadd.s32 $0xFFFF8300  }
0xa6: {  	[spmem:s2] =	stream.indirect.scatter.add.f32 [tilespmem:s9], [sflag:$0x4], $0x10, s26, s10, $0xb8;
	[tilespmem:$0x1EC30] =	vst v63  }
0xa7: {  	_ = 	snop  }
0xa8: {  	[spmem:s2] =	stream.indirect.scatter.add.f32 [tilespmem:s14], [sflag:$0x4], $0x10, s29, s10, $0xb8;
	[tilespmem:$0x1EC30] =	vst v63  }
0xa9: {  	_ =	swait.ge [sflag:s13], $0x7D00  }
0xaa: {  	[sflag:s13] =	ssyncset.done $0x0  }
0xab: {  	[sflag:s13] =	ssyncadd.s32 $0xFFFF8300  }
0xac: {  	[spmem:s2] =	stream.indirect.scatter.add.f32 [tilespmem:s8], [sflag:$0x5], $0x10, s20, s10, $0xb8;
	[tilespmem:$0x1EC30] =	vst v63  }
0xad: {  	_ = 	snop  }
0xae: {  	[spmem:s2] =	stream.indirect.scatter.add.f32 [tilespmem:s15], [sflag:$0x5], $0x10, s21, s10, $0xb8;
	[tilespmem:$0x1EC30] =	vst v63  }
0xaf: {  	_ =	swait.ge [sflag:s6], $0x3E80  }
0xb0: {  	[sflag:s6] =	ssyncset.done $0x0  }
0xb1: {  	[sflag:s6] =	ssyncadd.s32 $0xFFFFC180  }
0xb2: {  	_ =	swait.ge [sflag:s7], $0x3E80  }
0xb3: {  	[sflag:s7] =	ssyncset.done $0x0  }
0xb4: {  	[sflag:s7] =	ssyncadd.s32 $0xFFFFC180  }
0xb5: {  	_ =	swait.ge [sflag:s6], $0x3E80  }
0xb6: {  	[sflag:s6] =	ssyncset.done $0x0  }
0xb7: {  	[sflag:s6] =	ssyncadd.s32 $0xFFFFC180  }
0xb8: {  	_ =	swait.ge [sflag:s7], $0x3E80  }
0xb9: {  	s1 =	sadd.s32 $0xFFFFFFFF, s1;
	[sflag:s7] =	ssyncset.done $0x0  }
0xba: {  	p2 =	sne.s32 s1, $0x0;
	[sflag:s7] =	ssyncadd.s32 $0xFFFFC180  }
.Ltmp2:
0xbb: {  	[bflag:$0x0] =	sbarrier.arrive $0xFFFF;
	(pc) =	sbr.rel @p2 .LBB2_4-.Ltmp2, $4  }
0xbc: {  	s0 =	rddreg [dreg:$0x7]  }
0xbd: {  	[hbm:s0], [sflag:s4] =	dma.local @!p0 [spmem:s5], $0x7D0  }
0xbe: {  	_ =	swait.ge @!p0 [sflag:s31], $0x7D0  }
0xbf: {  	s0 =	rddreg [dreg:$0x4];
	[sflag:s31] =	ssyncset.done @!p0 $0x0  }
0xc0: {  	s29 =	simm.s32 $0x32C8  }
0xc1: {  	s21 =	simm.s32 $0x2EE0;
	s30 =	simm.s32 $0x186A0;
	s26 =	simm.s32 $0x3E80  }
0xc2: {  	s25 =	simm.s32 $0x3A98;
	s24 =	simm.s32 $0x36B0;
	s23 =	simm.s32 $0x1F40  }
0xc3: {  	s20 =	simm.s32 $0x4650;
	s18 =	stileid.u32;
	s19 =	rddreg [dreg:$0x3]  }
.LBB2_6:
0xc4: {  	p1 =	por p0, !p1  }
0xc5: {  	s1 =	rddreg [dreg:$0x6];
	[sflag:s31] =	ssyncadd.s32 @!p1 $0xFFFFF830  }
0xc6: {  	[tilespmem:s17], [sflag:$0x4] =	stream.linear.gather [hbm4b:s0+s17], $0x2710, $0x38;
	[tilespmem:$0x1EC30] =	vst v63  }
0xc7: {  	s31 =	rddreg [dreg:$0x5]  }
0xc8: {  	[tilespmem:s22], [sflag:$0x5] =	stream.linear.gather [hbm4b:s31+s17], $0x2710, $0x38;
	[tilespmem:$0x1EC30] =	vst v63  }
0xc9: {  	[spmem:s5], [sflag:s4] =	dma.local @!p0 [hbm:s1], $0x7D0  }
0xca: {  	s1 =	simm.s32 @!p0 $0x7  }
0xcb: {  	_ =	swait.ge @!p0 [sflag:s1], $0x7D0  }
0xcc: {  	[sflag:s1] =	ssyncset.done @!p0 $0x0  }
0xcd: {  	[sflag:s1] =	ssyncadd.s32 @!p0 $0xFFFFF830  }
0xce: {  	_ =	swait.ge [sflag:s6], $0x2710  }
0xcf: {  	[sflag:s6] =	ssyncset.done $0x0  }
0xd0: {  	[sflag:s6] =	ssyncadd.s32 $0xFFFFD8F0  }
0xd1: {  	[tilespmem:s9], [sflag:$0x1] =	stream.indirect.gather [hbm4b:s3+s11], $0x10, s17, s11, $0xb8;
	[tilespmem:$0x1EC30] =	vst v63  }
0xd2: {  	_ = 	snop  }
0xd3: {  	[tilespmem:s8], [sflag:$0x2] =	stream.indirect.gather [hbm4b:s3+s11], $0x10, s11, s11, $0xb8;
	[tilespmem:$0x1EC30] =	vst v63  }
0xd4: {  	_ =	swait.ge [sflag:s7], $0x2710  }
0xd5: {  	[sflag:s7] =	ssyncset.done $0x0  }
0xd6: {  	[sflag:s7] =	ssyncadd.s32 $0xFFFFD8F0  }
0xd7: {  	[bflag:$0x0] =	sbarrier.arrive $0xFFFF  }
0xd8: {  	_ =	swait.ge [sflag:s12], $0x7D00  }
0xd9: {  	[sflag:s12] =	ssyncset.done $0x0  }
0xda: {  	s31 =	rddreg [dreg:$0x8];
	[sflag:s12] =	ssyncadd.s32 $0xFFFF8300  }
0xdb: {  	[tilespmem:s16], [sflag:$0x3] =	stream.indirect.gather [hbm4b:s3+s11], $0x10, s31, s11, $0xb8;
	[tilespmem:$0x1EC30] =	vst v63  }
0xdc: {  	_ = 	snop  }
0xdd: {  	[spmem:s2] =	stream.indirect.scatter.add.f32 [tilespmem:s9], [sflag:$0x4], $0x10, s22, s10, $0xb8;
	[tilespmem:$0x1EC30] =	vst v63  }
0xde: {  	s17 =	rddreg [dreg:$0x9]  }
0xdf: {  	[spmem:s2] =	stream.indirect.scatter.add.f32 [tilespmem:s14], [sflag:$0x4], $0x10, s17, s10, $0xb8;
	[tilespmem:$0x1EC30] =	vst v63  }
0xe0: {  	_ =	swait.ge [sflag:s13], $0x7D00  }
0xe1: {  	[sflag:s13] =	ssyncset.done $0x0  }
0xe2: {  	[sflag:s13] =	ssyncadd.s32 $0xFFFF8300  }
0xe3: {  	_ =	swait.ge [sflag:s6], $0x3E80  }
0xe4: {  	[sflag:s6] =	ssyncset.done $0x0  }
0xe5: {  	[sflag:s6] =	ssyncadd.s32 $0xFFFFC180  }
0xe6: {  	_ =	swait.ge [sflag:s6], $0x3E80  }
0xe7: {  	[sflag:s6] =	ssyncset.done $0x0  }
0xe8: {  	s22 =	rddreg [dreg:$0xa];
	[sflag:s6] =	ssyncadd.s32 $0xFFFFC180  }
0xe9: {  	[tilespmem:s9], [sflag:$0x1] =	stream.indirect.gather [hbm4b:s3+s11], $0x10, s22, s11, $0xb8;
	[tilespmem:$0x1EC30] =	vst v63  }
0xea: {  	_ = 	snop  }
0xeb: {  	[spmem:s2] =	stream.indirect.scatter.add.f32 [tilespmem:s8], [sflag:$0x5], $0x10, s21, s10, $0xb8;
	[tilespmem:$0x1EC30] =	vst v63  }
0xec: {  	_ = 	snop  }
0xed: {  	[spmem:s2] =	stream.indirect.scatter.add.f32 [tilespmem:s15], [sflag:$0x5], $0x10, s29, s10, $0xb8;
	[tilespmem:$0x1EC30] =	vst v63  }
0xee: {  	_ =	swait.ge [sflag:s28], $0x7D00  }
0xef: {  	[sflag:s28] =	ssyncset.done $0x0  }
0xf0: {  	[sflag:s28] =	ssyncadd.s32 $0xFFFF8300  }
0xf1: {  	_ =	swait.ge [sflag:s7], $0x3E80  }
0xf2: {  	[sflag:s7] =	ssyncset.done $0x0  }
0xf3: {  	[sflag:s7] =	ssyncadd.s32 $0xFFFFC180  }
0xf4: {  	_ =	swait.ge [sflag:s7], $0x3E80  }
0xf5: {  	[sflag:s7] =	ssyncset.done $0x0  }
0xf6: {  	[sflag:s7] =	ssyncadd.s32 $0xFFFFC180  }
0xf7: {  	[tilespmem:s8], [sflag:$0x2] =	stream.indirect.gather [hbm4b:s3+s11], $0x10, s23, s11, $0xb8;
	[tilespmem:$0x1EC30] =	vst v63  }
0xf8: {  	_ = 	snop  }
0xf9: {  	[spmem:s2] =	stream.indirect.scatter.add.f32 [tilespmem:s16], [sflag:$0x6], $0x10, s24, s10, $0xb8;
	[tilespmem:$0x1EC30] =	vst v63  }
0xfa: {  	_ = 	snop  }
0xfb: {  	[spmem:s2] =	stream.indirect.scatter.add.f32 [tilespmem:s30], [sflag:$0x6], $0x10, s25, s10, $0xb8;
	[tilespmem:$0x1EC30] =	vst v63  }
0xfc: {  	_ =	swait.ge [sflag:s12], $0x7D00  }
0xfd: {  	[sflag:s12] =	ssyncset.done $0x0  }
0xfe: {  	[sflag:s12] =	ssyncadd.s32 $0xFFFF8300  }
0xff: {  	[spmem:s2] =	stream.indirect.scatter.add.f32 [tilespmem:s9], [sflag:$0x4], $0x10, s26, s10, $0xb8;
	[tilespmem:$0x1EC30] =	vst v63  }
0x100: {  	s30 =	simm.s32 $0x4268  }
0x101: {  	[spmem:s2] =	stream.indirect.scatter.add.f32 [tilespmem:s14], [sflag:$0x4], $0x10, s30, s10, $0xb8;
	[tilespmem:$0x1EC30] =	vst v63  }
0x102: {  	_ =	swait.ge [sflag:s13], $0x7D00  }
0x103: {  	[sflag:s13] =	ssyncset.done $0x0  }
0x104: {  	[sflag:s13] =	ssyncadd.s32 $0xFFFF8300  }
0x105: {  	[spmem:s2] =	stream.indirect.scatter.add.f32 [tilespmem:s8], [sflag:$0x5], $0x10, s20, s10, $0xb8;
	[tilespmem:$0x1EC30] =	vst v63  }
0x106: {  	s31 =	simm.s32 $0x4A38  }
0x107: {  	[spmem:s2] =	stream.indirect.scatter.add.f32 [tilespmem:s15], [sflag:$0x5], $0x10, s31, s10, $0xb8;
	[tilespmem:$0x1EC30] =	vst v63  }
0x108: {  	_ =	swait.ge [sflag:s6], $0x3E80  }
0x109: {  	[sflag:s6] =	ssyncset.done $0x0  }
0x10a: {  	[sflag:s6] =	ssyncadd.s32 $0xFFFFC180  }
0x10b: {  	_ =	swait.ge [sflag:s7], $0x3E80  }
0x10c: {  	[sflag:s7] =	ssyncset.done $0x0  }
0x10d: {  	[sflag:s7] =	ssyncadd.s32 $0xFFFFC180  }
0x10e: {  	_ =	swait.ge [sflag:s6], $0x3E80  }
0x10f: {  	[sflag:s6] =	ssyncset.done $0x0  }
0x110: {  	[sflag:s6] =	ssyncadd.s32 $0xFFFFC180  }
0x111: {  	_ =	swait.ge [sflag:s7], $0x3E80  }
0x112: {  	[sflag:s7] =	ssyncset.done $0x0  }
0x113: {  	[sflag:s7] =	ssyncadd.s32 $0xFFFFC180  }
0x114: {  	[bflag:$0x0] =	sbarrier.arrive $0xFFFF  }
0x115: {  	s0 =	rddreg [dreg:$0x7]  }
0x116: {  	[hbm:s0], [sflag:s4] =	dma.local @!p0 [spmem:s5], $0x7D0  }
0x117: {  	_ =	swait.ge @!p0 [sflag:s1], $0x7D0  }
0x118: {  	[sflag:s1] =	ssyncset.done @!p0 $0x0  }
0x119: {  	[sflag:s1] =	ssyncadd.s32 @!p0 $0xFFFFF830  }
0x11a: {  	_ =	sfence.sel $0x180000  }
0x11b: {  	[bflag:$0x0] =	sbarrier.arrive $0xFFFF  }
0x11c: {  	p0 =	sne.s32 s18, $0x0;
	_ =	strace $0x9000004D  }
0x11d: {  	s0 =	sadd.s32 @!p0 $0x100000, s19;
	[bflag:$0x2] =	sbarrier.arrive $0xFFFF  }
0x11e: {  	[sflag:s0] =	ssyncadd.tile.s32 @!p0 $0x1;
	_ =	shalt  }
.LBB2_1:
.Ltmp3:
0x11f: {  	(pc) =	sbr.rel .LBB2_6-.Ltmp3, $4  }
0x120: {  	_ = 	snop  }
0x121: {  	s29 =	simm.s32 $0x32C8;
	s21 =	simm.s32 $0x2EE0  }
0x122: {  	s30 =	simm.s32 $0x186A0;
	s26 =	simm.s32 $0x3E80;
	s25 =	simm.s32 $0x3A98  }
0x123: {  	s24 =	simm.s32 $0x36B0;
	s23 =	simm.s32 $0x1F40;
	s20 =	simm.s32 $0x4650  }
.LBB2_3:
.Ltmp4:
0x124: {  	(pc) =	sbr.rel .LBB2_6-.Ltmp4, $4  }
0x125: {  	s29 =	simm.s32 $0x32C8  }
0x126: {  	s21 =	simm.s32 $0x2EE0;
	s30 =	simm.s32 $0x186A0;
	s26 =	simm.s32 $0x3E80  }
0x127: {  	s25 =	simm.s32 $0x3A98;
	s24 =	simm.s32 $0x36B0;
	s23 =	simm.s32 $0x1F40  }
0x128: {  	s20 =	simm.s32 $0x4650;
	s18 =	stileid.u32;
	s19 =	rddreg [dreg:$0x3]  }
.Lfunc_end2:
_tile_overlayer_lowered:
.L_overlay_start_2:
0x129: {  	(tag) =	ssettag $0x2  }
0x12a: {  	s0 =	rddreg [dreg:$0x0];
	s2 =	stileid.u32  }
0x12b: {  	s1 =	rddreg [dreg:$0x1];
	p0 =	sne.s32 s2, $0x0  }
0x12c: {  	s3 =	rddreg [dreg:$0x2];
	[bflag:$0x3] =	sbarrier.arrive $0xFFFF;
	s2 =	simm.s32 @!p0 $0x1C07  }
0x12d: {  	[timem:s3], [sflag:s2] =	dma.local @!p0 [hbm:s0], s1  }
0x12e: {  	s0 =	simm.s32 @!p0 $0x7  }
0x12f: {  	_ =	swait.ge @!p0 [sflag:s0], s1  }
0x130: {  	s1 =	ssub.s32 @!p0 $0x0, s1;
	[sflag:s0] =	ssyncset.done @!p0 $0x0  }
0x131: {  	[sflag:s0] =	ssyncadd.s32 @!p0 s1  }
0x132: {  	[bflag:$0x3] =	sbarrier.arrive $0xFFFF  }
0x133: {  	_ =	shalt  }

// kernel: kernel.22.cloned.1.call-start
scs
__scs_entry_jumppad:
0x0: {  	(pc) =	sbr.rel $0x88, $3  }
0x1: {  	(tag) =	ssettag $0x0;
	lr =	simm.s32 $0x1  }
0x2: {  	[smem:$0x3F97] =	sst lr;
	_ =	strace $0xD0000000  }
0x3: {  	_ = 	snop  }
0x4: {  	_ = 	snop  }
0x5: {  	_ = 	snop  }
0x6: {  	_ = 	snop  }
0x7: {  	_ = 	snop  }
__scs_overlays_trampoline_lowered:
0x8: {  	[smem:$0x3FA6] =	sst s0  }
0x9: {  	[smem:$0x3FA7] =	sst s1  }
0xa: {  	[smem:$0x3FA8] =	sst s2  }
0xb: {  	[smem:$0x3FA9] =	sst s3  }
0xc: {  	[smem:$0x3FAA] =	sst s4  }
0xd: {  	[smem:$0x3FAB] =	sst s5  }
0xe: {  	[smem:$0x3FAC] =	sst s6  }
0xf: {  	[smem:$0x3FAD] =	sst s7  }
0x10: {  	[smem:$0x3FAE] =	sst s8  }
0x11: {  	[smem:$0x3FAF] =	sst s9;
	s0 =	simm.s32 @!p0 $0x0  }
0x12: {  	s1 =	sld [smem:$0x3F95];
	s0 =	simm.s32 @p0 $0x1  }
0x13: {  	[smem:$0x3FB0] =	sst s0;
	s0 =	simm.s32 @!p1 $0x0  }
0x14: {  	s2 =	sld [smem:$0x3F94];
	s0 =	simm.s32 @p1 $0x1  }
0x15: {  	[smem:$0x3FB1] =	sst s0;
	s0 =	simm.s32 @!p2 $0x0  }
0x16: {  	s3 =	sld [smem:$0x3FDB];
	s0 =	simm.s32 @p2 $0x1  }
0x17: {  	s4 =	simm.s32 $0x1BF5;
	[smem:$0x3FB3] =	sst s0  }
0x18: {  	s0 =	sld [smem:$0x3F96];
	_ =	swait.ge [sflag:s4], $0x0  }
0x19: {  	s7 =	sld [smem:$0x3F97]  }
0x1a: {  	s8 =	sadd.s32 $0xFFFFE003, lr  }
0x1b: {  	s9 =	sadd.s32 $0xFFFFFEF7, lr;
	s5 =	simm.s32 $0xFFFFFFFF;
	p2 =	slt.u32 s8, $0xFFFFF086  }
0x1c: {  	p1 =	slt.u32 s9, $0xF7A;
	s5 =	simm.s32 @!p2 $0x0  }
0x1d: {  	s5 =	simm.s32 @p1 $0x1;
	p0 =	seq.s32 s7, s2  }
0x1e: {  	s7 =	smul.u32 @!p0 $0xF7A, s2;
	p2 =	seq.s32 @!p0 s5, $0x0  }
0x1f: {  	s9 =	smul.u32 $0xF7A, s1;
	s8 =	simm.s32 @!p0 $0x1BF5;
	p2 =	por !p2, p0  }
0x20: {  	[sflag:s8] =	ssyncset.s32 @!p0 $0xFFFFF086;
	s6 =	sadd.s32 @!p0 s3, s7;
	s7 =	simm.s32 @!p0 $0x108  }
0x21: {  	s3 =	sadd.s32 s3, s9;
	s6 =	sadd.s32 @!p0 $0x88, s6;
	s7 =	simm.s32 @p2 $0x1082  }
0x22: {  	[simem:s7], [sflag:s8] =	dma.local @!p0 [hbm:s6], $0xF7A  }
0x23: {  	s9 =	sor.u32 $0xD0000000, s2;
	s6 =	simm.s32 $0x108;
	_ =	swait.ge @!p0 [sflag:s8], $0x0  }
0x24: {  	s3 =	sadd.s32 $0x88, s3;
	s6 =	simm.s32 @!p1 $0x1082;
	[sflag:s4] =	ssyncset.s32 $0xFFFFF086  }
0x25: {  	[simem:s6], [sflag:s4] =	dma.local [hbm:s3], $0xF7A  }
0x26: {  	[smem:$0x3F97] =	sst s1;
	(tag) =	ssettag s2;
	_ =	strace s9  }
0x27: {  	s1 =	sld [smem:$0x3FA7]  }
0x28: {  	s2 =	sld [smem:$0x3FA8]  }
0x29: {  	s4 =	sld [smem:$0x3FAA]  }
0x2a: {  	p0 =	seq.s32 s5, $0x0;
	s5 =	sld [smem:$0x3FAB]  }
0x2b: {  	s6 =	sld [smem:$0x3FAC]  }
0x2c: {  	s7 =	sld [smem:$0x3FAD]  }
0x2d: {  	s3 =	simm.s32 $0x108;
	s8 =	sld [smem:$0x3FAE]  }
0x2e: {  	s3 =	simm.s32 @!p0 $0x1082;
	s9 =	sld [smem:$0x3FAF]  }
0x2f: {  	lr =	sadd.s32 s0, s3;
	s0 =	sld [smem:$0x3FA6]  }
0x30: {  	s3 =	sld [smem:$0x3FA9]  }
0x31: {  	[smem:$0x3FB2] =	sst s10  }
0x32: {  	s10 =	sld [smem:$0x3FB0];
	_ =	sdelay $0x3  }
0x33: {  	p0 =	seq.s32 s10, $0x1;
	s10 =	sld [smem:$0x3FB2];
	_ =	sdelay $0x3  }
0x34: {  	[smem:$0x3FB2] =	sst s10  }
0x35: {  	s10 =	sld [smem:$0x3FB1];
	_ =	sdelay $0x3  }
0x36: {  	p1 =	seq.s32 s10, $0x1;
	s10 =	sld [smem:$0x3FB2];
	_ =	sdelay $0x3  }
0x37: {  	[smem:$0x3FB2] =	sst s10  }
0x38: {  	s10 =	sld [smem:$0x3FB3]  }
0x39: {  	_ = 	snop;
	(pc) =	sbr.ind lr, $3  }
0x3a: {  	_ = 	snop  }
0x3b: {  	_ = 	snop  }
0x3c: {  	p2 =	seq.s32 s10, $0x1;
	s10 =	sld [smem:$0x3FB2]  }
0x3d: {  	_ =	shalt  }
0x3e: {  	_ =	shalt  }
0x3f: {  	_ =	shalt  }
0x40: {  	_ =	shalt  }
0x41: {  	_ =	shalt  }
0x42: {  	_ =	shalt  }
0x43: {  	_ =	shalt  }
0x44: {  	_ =	shalt  }
0x45: {  	_ =	shalt  }
0x46: {  	_ =	shalt  }
0x47: {  	_ =	shalt  }
0x48: {  	_ =	shalt  }
0x49: {  	_ =	shalt  }
0x4a: {  	_ =	shalt  }
0x4b: {  	_ =	shalt  }
0x4c: {  	_ =	shalt  }
0x4d: {  	_ =	shalt  }
0x4e: {  	_ =	shalt  }
0x4f: {  	_ =	shalt  }
0x50: {  	_ =	shalt  }
0x51: {  	_ =	shalt  }
0x52: {  	_ =	shalt  }
0x53: {  	_ =	shalt  }
0x54: {  	_ =	shalt  }
0x55: {  	_ =	shalt  }
0x56: {  	_ =	shalt  }
0x57: {  	_ =	shalt  }
0x58: {  	_ =	shalt  }
0x59: {  	_ =	shalt  }
0x5a: {  	_ =	shalt  }
0x5b: {  	_ =	shalt  }
0x5c: {  	_ =	shalt  }
0x5d: {  	_ =	shalt  }
0x5e: {  	_ =	shalt  }
0x5f: {  	_ =	shalt  }
0x60: {  	_ =	shalt  }
0x61: {  	_ =	shalt  }
0x62: {  	_ =	shalt  }
0x63: {  	_ =	shalt  }
0x64: {  	_ =	shalt  }
0x65: {  	_ =	shalt  }
0x66: {  	_ =	shalt  }
0x67: {  	_ =	shalt  }
0x68: {  	_ =	shalt  }
0x69: {  	_ =	shalt  }
0x6a: {  	_ =	shalt  }
0x6b: {  	_ =	shalt  }
0x6c: {  	_ =	shalt  }
0x6d: {  	_ =	shalt  }
0x6e: {  	_ =	shalt  }
0x6f: {  	_ =	shalt  }
0x70: {  	_ =	shalt  }
0x71: {  	_ =	shalt  }
0x72: {  	_ =	shalt  }
0x73: {  	_ =	shalt  }
0x74: {  	_ =	shalt  }
0x75: {  	_ =	shalt  }
0x76: {  	_ =	shalt  }
0x77: {  	_ =	shalt  }
0x78: {  	_ =	shalt  }
0x79: {  	_ =	shalt  }
0x7a: {  	_ =	shalt  }
0x7b: {  	_ =	shalt  }
0x7c: {  	_ =	shalt  }
0x7d: {  	_ =	shalt  }
0x7e: {  	_ =	shalt  }
0x7f: {  	_ =	shalt  }
0x80: {  	_ =	shalt  }
0x81: {  	_ =	shalt  }
0x82: {  	_ =	shalt  }
0x83: {  	_ =	shalt  }
0x84: {  	_ =	shalt  }
0x85: {  	_ =	shalt  }
0x86: {  	_ =	shalt  }
0x87: {  	_ =	shalt  }
.Lfunc_end0:
.L_simem_size_0:
called_computation.3_lowered:
.L_overlay_start_0:
0x88: {  	s2 =	sld [smem:$0x3FD9]  }
0x89: {  	s3 =	sld [smem:$0x3FFE];
	_ =	sdelay $0x1  }
0x8a: {  	s1 =	srdreg.scid  }
0x8b: {  	s0 =	sand.u32 $0x1, s1  }
0x8c: {  	s17 =	sshll.u32 s0, $0xA;
	s2 =	sadd.s32 s3, s2  }
0x8d: {  	s2 =	sadd.s32 s2, s17  }
0x8e: {  	[smem:$0x3FBE] =	sst s2  }
0x8f: {  	_ = 	snop  }
0x90: {  	s2 =	sld [smem:$0x3FD0];
	(tm) =	ssettm $0x1  }
0x91: {  	s18 =	sld [smem:$0x3FFB];
	_ =	sdelay $0x3  }
0x92: {  	_ =	strace s18  }
0x93: {  	s3 =	sld [smem:$0x3FFC];
	_ =	sdelay $0x3  }
0x94: {  	_ =	strace s3  }
0x95: {  	s3 =	sld [smem:$0x3FFD];
	_ =	sdelay $0x3  }
0x96: {  	_ =	strace s3  }
0x97: {  	_ =	strace $0x8FFFFFFF  }
0x98: {  	s19 =	sld [smem:$0x3FDB];
	_ =	sdelay $0x1  }
0x99: {  	s4 =	simm.s32 $_scs_section_size  }
0x9a: {  	s5 =	simm.s32 $_size__tile_overlayer_lowered;
	s6 =	simm.s32 $_tile_overlayer_lowered  }
0x9b: {  	s22 =	simm.s32 $0x1BFF;
	s21 =	sshll.u32 s6, $0x1;
	s3 =	sadd.s32 s4, s19  }
0x9c: {  	s7 =	simm.s32 $0x0;
	s20 =	sshll.u32 s5, $0x1;
	s5 =	sadd.s32 s21, s3  }
0x9d: {  	[timem:s7], [sflag:s22] =	dma.local [hbm:s5], s20  }
0x9e: {  	_ =	swait.ge [sflag:s22], s20  }
0x9f: {  	s4 =	ssub.s32 $0x0, s20;
	[sflag:s22] =	ssyncset.done $0x0  }
0xa0: {  	[sflag:s22] =	ssyncadd.s32 s4;
	_ =	sdelay $0x1  }
0xa1: {  	s23 =	simm.s32 $0x1B8B  }
0xa2: {  	_ =	swait.ge [sflag:s23], $0x1  }
0xa3: {  	[sflag:s23] =	ssyncset.done $0x0  }
0xa4: {  	s25 =	simm.s32 $0x1B8E;
	s24 =	sld [smem:$0x3FFE];
	[sflag:s23] =	ssyncadd.s32 $0xFFFFFFFF  }
0xa5: {  	s26 =	simm.s32 $execute0_lowered;
	[smem:$0x3FD2] =	sst s25  }
0xa6: {  	s5 =	sshll.u32 s26, $0x1;
	_ =	strace $0x8000004F;
	[dreg:$0x1] =	wrdreg $0xFFFFFFFF  }
0xa7: {  	s28 =	simm.s32 $_size_execute0_lowered;
	s3 =	sadd.s32 s3, s5;
	[dreg:$0x0] =	wrdreg $0x0  }
0xa8: {  	s5 =	sshll.u32 s28, $0x1;
	[dreg:$0x2] =	wrdreg s3  }
0xa9: {  	[dreg:$0x3] =	wrdreg s5  }
0xaa: {  	[dreg:$0x4] =	wrdreg $0xC0  }
0xab: {  	_ =	task [dreg:s7], $0x5FFFF  }
0xac: {  	[dreg:$0x1] =	wrdreg $0xFFFFFFFF  }
0xad: {  	[dreg:$0x0] =	wrdreg $0x60  }
0xae: {  	[dreg:$0x2] =	wrdreg s2  }
0xaf: {  	[dreg:$0x3] =	wrdreg s24  }
0xb0: {  	[dreg:$0x4] =	wrdreg $0x1C5200  }
0xb1: {  	[dreg:$0x5] =	wrdreg $0x9  }
0xb2: {  	_ =	task.clear_ibuf [dreg:s7], $0x6FFFF;
	_ =	strace $0x9000004F  }
0xb3: {  	s29 =	simm.s32 $0x9;
	_ =	strace $0x80000051  }
0xb4: {  	_ =	swait.ge [sflag:s29], $0x1  }
0xb5: {  	[sflag:s29] =	ssyncadd.s32 $0xFFFFFFFF  }
0xb6: {  	_ =	strace $0x90000051  }
0xb7: {  	_ =	sfence  }
0xb8: {  	s30 =	sld [smem:$0x0];
	_ =	sdelay $0x2  }
0xb9: {  	s31 =	sshll.u32 s1, $0xD;
	s1 =	sshrl.u32 s1, $0x2  }
0xba: {  	s3 =	sand.u32 $0x4000, s31;
	s1 =	sadd.s32 s1, s30  }
0xbb: {  	s0 =	sor.u32 s3, s0;
	s1 =	sshll.u32 s1, $0x11  }
0xbc: {  	s0 =	sor.u32 s1, s0  }
0xbd: {  	s0 =	sadd.s32 $0x8F2B, s0  }
0xbe: {  	[sflag:s0] =	ssyncadd.remote.s32 $0x1  }
0xbf: {  	_ =	sfence.sel $0xFFFF  }
0xc0: {  	[dreg:$0x0] =	wrdreg $0xFFFFFFFF;
	(pc) =	sbr.abs _section_cstart, $3  }
0xc1: {  	[dreg:$0x1] =	wrdreg $0xFFFFFFFF  }
0xc2: {  	_ =	task.clear_ibuf [dreg:s7], $0x2FFFF;
	_ =	strace $0x9FFFFFFF  }
0xc3: {  	(tm) =	ssettm $0x7FFFFFFF  }
tec
execute0_lowered:
.L_overlay_start_1:
0x0: {  	(tag) =	ssettag $0x1  }
0x1: {  	s3 =	rddreg [dreg:$0x0]  }
0x2: {  	s4 =	rddreg [dreg:$0x1]  }
0x3: {  	s0 =	srdreg.scid;
	s2 =	rddreg [dreg:$0x2]  }
0x4: {  	s18 =	stileid.u32;
	s19 =	rddreg [dreg:$0x3];
	s17 =	simm.s32 $0x0  }
0x5: {  	s11 =	simm.s32 $0x7D0;
	s9 =	simm.s32 $0x4E20;
	s8 =	simm.s32 $0xCB20  }
0x6: {  	s25 =	simm.s32 $0xFA0;
	s12 =	simm.s32 $0x1;
	s16 =	simm.s32 $0x14820  }
0x7: {  	s10 =	simm.s32 $0x3E8;
	s26 =	simm.s32 $0x2AF8;
	s14 =	simm.s32 $0x8CA0  }
0x8: {  	s31 =	simm.s32 $0x1770;
	s13 =	simm.s32 $0x2;
	s15 =	simm.s32 $0x109A0  }
0x9: {  	s28 =	simm.s32 $0x3;
	p1 =	por $0x0, $0x0;
	s30 =	simm.s32 $0x186A0  }
0xa: {  	s29 =	simm.s32 $0x4268;
	s0 =	sand.u32 $0x1, s0;
	s1 =	sshll.u32 s18, $0x1  }
0xb: {  	s5 =	smul.u32 $0x3E80, s18;
	[smem:$0x7FF] =	sst s17;
	s1 =	sor.u32 s0, s1  }
0xc: {  	s6 =	smul.u32 $0x27100, s0;
	_ =	strace $0x80000050;
	[dreg:$0x8] =	wrdreg s25  }
0xd: {  	s20 =	simm.s32 $0x4650;
	[dreg:$0x9] =	wrdreg s26;
	s1 =	smul.u32 $0x2710, s1  }
0xe: {  	p0 =	sgt.u32 s18, $0x9;
	s0 =	ssub.s32 $0x2, s0;
	[dreg:$0xa] =	wrdreg s31  }
0xf: {  	s21 =	sshrl.u32 s0, $0x1;
	s6 =	sadd.s32 s5, s6;
	s1 =	sshrl.u32 s1, $0x3  }
0x10: {  	s0 =	ssub.s32 s0, s21;
	s6 =	sshrl.u32 s6, $0x3;
	s1 =	sadd.s32 s1, s4  }
0x11: {  	s0 =	smax.u32 s0, $0x1;
	s7 =	sadd.s32 $0x4000, s1;
	s1 =	sadd.s32 $0xDC40, s1  }
0x12: {  	s4 =	sadd.s32 s6, s4;
	[dreg:$0x5] =	wrdreg s1;
	s1 =	sshll.u32 @!p0 s18, $0x6  }
0x13: {  	s24 =	sadd.s32 $0x17A00, s4;
	s4 =	sor.u32 @!p0 $0x1C07, s1;
	s1 =	sadd.s32 $0xFFFFFFFF, s0  }
0x14: {  	s25 =	simm.s32 $0x3A98;
	s22 =	sshrl.u32 s5, $0x3;
	p2 =	sne.s32 s1, $0x0  }
.Ltmp0:
0x15: {  	s26 =	simm.s32 $0x3E80;
	s23 =	sadd.s32 s3, s22;
	(pc) =	sbr.rel @!p2 .LBB2_1-.Ltmp0, $4  }
0x16: {  	s5 =	sadd.s32 s5, s2;
	s22 =	simm.s32 $0x2710;
	[dreg:$0x6] =	wrdreg s23  }
0x17: {  	s21 =	simm.s32 $0x4A38;
	s5 =	sshrl.u32 @!p0 s5, $0x3;
	[dreg:$0x4] =	wrdreg s7  }
0x18: {  	s23 =	simm.s32 $0x32C8;
	s6 =	simm.s32 $0x4;
	[dreg:$0x7] =	wrdreg s24  }
0x19: {  	s7 =	simm.s32 $0x5;
	s24 =	simm.s32 $0x36B0;
	s0 =	rddreg [dreg:$0x4]  }
0x1a: {  	[tilespmem:s17], [sflag:$0x4] =	stream.linear.gather [hbm4b:s0+s17], $0x2710, $0x38;
	[tilespmem:$0x1EC30] =	vst v63  }
0x1b: {  	s31 =	rddreg [dreg:$0x5]  }
0x1c: {  	[tilespmem:s22], [sflag:$0x5] =	stream.linear.gather [hbm4b:s31+s17], $0x2710, $0x38;
	[tilespmem:$0x1EC30] =	vst v63  }
0x1d: {  	s0 =	rddreg [dreg:$0x6];
	s31 =	simm.s32 @!p0 $0x7  }
0x1e: {  	[spmem:s5], [sflag:s4] =	dma.local @!p0 [hbm:s0], $0x7D0  }
0x1f: {  	_ =	swait.ge @!p0 [sflag:s31], $0x7D0  }
0x20: {  	[sflag:s31] =	ssyncset.done @!p0 $0x0  }
0x21: {  	[sflag:s31] =	ssyncadd.s32 @!p0 $0xFFFFF830  }
0x22: {  	_ =	swait.ge [sflag:s6], $0x2710  }
0x23: {  	[sflag:s6] =	ssyncset.done $0x0  }
0x24: {  	[sflag:s6] =	ssyncadd.s32 $0xFFFFD8F0  }
0x25: {  	[tilespmem:s9], [sflag:$0x1] =	stream.indirect.gather [hbm4b:s3+s11], $0x10, s17, s11, $0xb8;
	[tilespmem:$0x1EC30] =	vst v63  }
0x26: {  	_ = 	snop  }
0x27: {  	[tilespmem:s8], [sflag:$0x2] =	stream.indirect.gather [hbm4b:s3+s11], $0x10, s11, s11, $0xb8;
	[tilespmem:$0x1EC30] =	vst v63  }
0x28: {  	_ =	swait.ge [sflag:s7], $0x2710  }
0x29: {  	[sflag:s7] =	ssyncset.done $0x0  }
0x2a: {  	[sflag:s7] =	ssyncadd.s32 $0xFFFFD8F0  }
0x2b: {  	[bflag:$0x0] =	sbarrier.arrive $0xFFFF  }
0x2c: {  	_ =	swait.ge [sflag:s12], $0x7D00  }
0x2d: {  	[sflag:s12] =	ssyncset.done $0x0  }
0x2e: {  	s19 =	rddreg [dreg:$0x8];
	[sflag:s12] =	ssyncadd.s32 $0xFFFF8300  }
0x2f: {  	[tilespmem:s16], [sflag:$0x3] =	stream.indirect.gather [hbm4b:s3+s11], $0x10, s19, s11, $0xb8;
	[tilespmem:$0x1EC30] =	vst v63  }
0x30: {  	_ = 	snop  }
0x31: {  	[spmem:s2] =	stream.indirect.scatter.add.f32 [tilespmem:s9], [sflag:$0x4], $0x10, s22, s10, $0xb8;
	[tilespmem:$0x1EC30] =	vst v63  }
0x32: {  	s18 =	rddreg [dreg:$0x9]  }
0x33: {  	[spmem:s2] =	stream.indirect.scatter.add.f32 [tilespmem:s14], [sflag:$0x4], $0x10, s18, s10, $0xb8;
	[tilespmem:$0x1EC30] =	vst v63  }
0x34: {  	_ =	swait.ge [sflag:s13], $0x7D00  }
0x35: {  	[sflag:s13] =	ssyncset.done $0x0  }
0x36: {  	[sflag:s13] =	ssyncadd.s32 $0xFFFF8300  }
0x37: {  	_ =	swait.ge [sflag:s6], $0x3E80  }
0x38: {  	[sflag:s6] =	ssyncset.done $0x0  }
0x39: {  	[sflag:s6] =	ssyncadd.s32 $0xFFFFC180  }
0x3a: {  	_ =	swait.ge [sflag:s6], $0x3E80  }
0x3b: {  	[sflag:s6] =	ssyncset.done $0x0  }
0x3c: {  	s19 =	rddreg [dreg:$0xa];
	[sflag:s6] =	ssyncadd.s32 $0xFFFFC180  }
0x3d: {  	[tilespmem:s9], [sflag:$0x1] =	stream.indirect.gather [hbm4b:s3+s11], $0x10, s19, s11, $0xb8;
	[tilespmem:$0x1EC30] =	vst v63  }
0x3e: {  	s18 =	simm.s32 $0x2EE0  }
0x3f: {  	[spmem:s2] =	stream.indirect.scatter.add.f32 [tilespmem:s8], [sflag:$0x5], $0x10, s18, s10, $0xb8;
	[tilespmem:$0x1EC30] =	vst v63  }
0x40: {  	_ = 	snop  }
0x41: {  	[spmem:s2] =	stream.indirect.scatter.add.f32 [tilespmem:s15], [sflag:$0x5], $0x10, s23, s10, $0xb8;
	[tilespmem:$0x1EC30] =	vst v63  }
0x42: {  	_ =	swait.ge [sflag:s28], $0x7D00  }
0x43: {  	[sflag:s28] =	ssyncset.done $0x0  }
0x44: {  	[sflag:s28] =	ssyncadd.s32 $0xFFFF8300  }
0x45: {  	_ =	swait.ge [sflag:s7], $0x3E80  }
0x46: {  	[sflag:s7] =	ssyncset.done $0x0  }
0x47: {  	[sflag:s7] =	ssyncadd.s32 $0xFFFFC180  }
0x48: {  	_ =	swait.ge [sflag:s7], $0x3E80  }
0x49: {  	[sflag:s7] =	ssyncset.done $0x0  }
0x4a: {  	s19 =	simm.s32 $0x1F40;
	[sflag:s7] =	ssyncadd.s32 $0xFFFFC180  }
0x4b: {  	[tilespmem:s8], [sflag:$0x2] =	stream.indirect.gather [hbm4b:s3+s11], $0x10, s19, s11, $0xb8;
	[tilespmem:$0x1EC30] =	vst v63  }
0x4c: {  	_ = 	snop  }
0x4d: {  	[spmem:s2] =	stream.indirect.scatter.add.f32 [tilespmem:s16], [sflag:$0x6], $0x10, s24, s10, $0xb8;
	[tilespmem:$0x1EC30] =	vst v63  }
0x4e: {  	_ = 	snop  }
0x4f: {  	[spmem:s2] =	stream.indirect.scatter.add.f32 [tilespmem:s30], [sflag:$0x6], $0x10, s25, s10, $0xb8;
	[tilespmem:$0x1EC30] =	vst v63  }
0x50: {  	_ =	swait.ge [sflag:s12], $0x7D00  }
0x51: {  	[sflag:s12] =	ssyncset.done $0x0  }
0x52: {  	[sflag:s12] =	ssyncadd.s32 $0xFFFF8300  }
0x53: {  	[spmem:s2] =	stream.indirect.scatter.add.f32 [tilespmem:s9], [sflag:$0x4], $0x10, s26, s10, $0xb8;
	[tilespmem:$0x1EC30] =	vst v63  }
0x54: {  	_ = 	snop  }
0x55: {  	[spmem:s2] =	stream.indirect.scatter.add.f32 [tilespmem:s14], [sflag:$0x4], $0x10, s29, s10, $0xb8;
	[tilespmem:$0x1EC30] =	vst v63  }
0x56: {  	_ =	swait.ge [sflag:s13], $0x7D00  }
0x57: {  	[sflag:s13] =	ssyncset.done $0x0  }
0x58: {  	[sflag:s13] =	ssyncadd.s32 $0xFFFF8300  }
0x59: {  	[spmem:s2] =	stream.indirect.scatter.add.f32 [tilespmem:s8], [sflag:$0x5], $0x10, s20, s10, $0xb8;
	[tilespmem:$0x1EC30] =	vst v63  }
0x5a: {  	_ = 	snop  }
0x5b: {  	[spmem:s2] =	stream.indirect.scatter.add.f32 [tilespmem:s15], [sflag:$0x5], $0x10, s21, s10, $0xb8;
	[tilespmem:$0x1EC30] =	vst v63  }
0x5c: {  	_ =	swait.ge [sflag:s6], $0x3E80  }
0x5d: {  	[sflag:s6] =	ssyncset.done $0x0  }
0x5e: {  	[sflag:s6] =	ssyncadd.s32 $0xFFFFC180  }
0x5f: {  	_ =	swait.ge [sflag:s7], $0x3E80  }
0x60: {  	[sflag:s7] =	ssyncset.done $0x0  }
0x61: {  	[sflag:s7] =	ssyncadd.s32 $0xFFFFC180  }
0x62: {  	_ =	swait.ge [sflag:s6], $0x3E80  }
0x63: {  	[sflag:s6] =	ssyncset.done $0x0  }
0x64: {  	[sflag:s6] =	ssyncadd.s32 $0xFFFFC180  }
0x65: {  	_ =	swait.ge [sflag:s7], $0x3E80  }
0x66: {  	s1 =	sadd.s32 $0xFFFFFFFF, s1;
	[sflag:s7] =	ssyncset.done $0x0  }
0x67: {  	p2 =	sne.s32 s1, $0x0;
	[sflag:s7] =	ssyncadd.s32 $0xFFFFC180  }
.Ltmp1:
0x68: {  	[bflag:$0x0] =	sbarrier.arrive $0xFFFF;
	(pc) =	sbr.rel @!p2 .LBB2_3-.Ltmp1, $4  }
0x69: {  	s0 =	rddreg [dreg:$0x7]  }
0x6a: {  	[hbm:s0], [sflag:s4] =	dma.local @!p0 [spmem:s5], $0x7D0  }
0x6b: {  	_ =	swait.ge @!p0 [sflag:s31], $0x7D0  }
0x6c: {  	p1 =	por $0x1, $0x1;
	s0 =	rddreg [dreg:$0x4];
	[sflag:s31] =	ssyncset.done @!p0 $0x0  }
.LBB2_4:
0x6d: {  	s18 =	rddreg [dreg:$0x6];
	[sflag:s31] =	ssyncadd.s32 @!p0 $0xFFFFF830  }
0x6e: {  	[tilespmem:s17], [sflag:$0x4] =	stream.linear.gather [hbm4b:s0+s17], $0x2710, $0x38;
	[tilespmem:$0x1EC30] =	vst v63  }
0x6f: {  	s19 =	rddreg [dreg:$0x5]  }
0x70: {  	[tilespmem:s22], [sflag:$0x5] =	stream.linear.gather [hbm4b:s19+s17], $0x2710, $0x38;
	[tilespmem:$0x1EC30] =	vst v63  }
0x71: {  	[spmem:s5], [sflag:s4] =	dma.local @!p0 [hbm:s18], $0x7D0  }
0x72: {  	_ =	swait.ge @!p0 [sflag:s31], $0x7D0  }
0x73: {  	[sflag:s31] =	ssyncset.done @!p0 $0x0  }
0x74: {  	[sflag:s31] =	ssyncadd.s32 @!p0 $0xFFFFF830  }
0x75: {  	_ =	swait.ge [sflag:s6], $0x2710  }
0x76: {  	[sflag:s6] =	ssyncset.done $0x0  }
0x77: {  	[sflag:s6] =	ssyncadd.s32 $0xFFFFD8F0  }
0x78: {  	[tilespmem:s9], [sflag:$0x1] =	stream.indirect.gather [hbm4b:s3+s11], $0x10, s17, s11, $0xb8;
	[tilespmem:$0x1EC30] =	vst v63  }
0x79: {  	_ = 	snop  }
0x7a: {  	[tilespmem:s8], [sflag:$0x2] =	stream.indirect.gather [hbm4b:s3+s11], $0x10, s11, s11, $0xb8;
	[tilespmem:$0x1EC30] =	vst v63  }
0x7b: {  	_ =	swait.ge [sflag:s7], $0x2710  }
0x7c: {  	[sflag:s7] =	ssyncset.done $0x0  }
0x7d: {  	[sflag:s7] =	ssyncadd.s32 $0xFFFFD8F0  }
0x7e: {  	[bflag:$0x0] =	sbarrier.arrive $0xFFFF  }
0x7f: {  	_ =	swait.ge [sflag:s12], $0x7D00  }
0x80: {  	[sflag:s12] =	ssyncset.done $0x0  }
0x81: {  	s19 =	rddreg [dreg:$0x8];
	[sflag:s12] =	ssyncadd.s32 $0xFFFF8300  }
0x82: {  	[tilespmem:s16], [sflag:$0x3] =	stream.indirect.gather [hbm4b:s3+s11], $0x10, s19, s11, $0xb8;
	[tilespmem:$0x1EC30] =	vst v63  }
0x83: {  	_ = 	snop  }
0x84: {  	[spmem:s2] =	stream.indirect.scatter.add.f32 [tilespmem:s9], [sflag:$0x4], $0x10, s22, s10, $0xb8;
	[tilespmem:$0x1EC30] =	vst v63  }
0x85: {  	s18 =	rddreg [dreg:$0x9]  }
0x86: {  	[spmem:s2] =	stream.indirect.scatter.add.f32 [tilespmem:s14], [sflag:$0x4], $0x10, s18, s10, $0xb8;
	[tilespmem:$0x1EC30] =	vst v63  }
0x87: {  	_ =	swait.ge [sflag:s13], $0x7D00  }
0x88: {  	[sflag:s13] =	ssyncset.done $0x0  }
0x89: {  	[sflag:s13] =	ssyncadd.s32 $0xFFFF8300  }
0x8a: {  	_ =	swait.ge [sflag:s6], $0x3E80  }
0x8b: {  	[sflag:s6] =	ssyncset.done $0x0  }
0x8c: {  	[sflag:s6] =	ssyncadd.s32 $0xFFFFC180  }
0x8d: {  	_ =	swait.ge [sflag:s6], $0x3E80  }
0x8e: {  	[sflag:s6] =	ssyncset.done $0x0  }
0x8f: {  	s19 =	rddreg [dreg:$0xa];
	[sflag:s6] =	ssyncadd.s32 $0xFFFFC180  }
0x90: {  	[tilespmem:s9], [sflag:$0x1] =	stream.indirect.gather [hbm4b:s3+s11], $0x10, s19, s11, $0xb8;
	[tilespmem:$0x1EC30] =	vst v63  }
0x91: {  	s18 =	simm.s32 $0x2EE0  }
0x92: {  	[spmem:s2] =	stream.indirect.scatter.add.f32 [tilespmem:s8], [sflag:$0x5], $0x10, s18, s10, $0xb8;
	[tilespmem:$0x1EC30] =	vst v63  }
0x93: {  	_ = 	snop  }
0x94: {  	[spmem:s2] =	stream.indirect.scatter.add.f32 [tilespmem:s15], [sflag:$0x5], $0x10, s23, s10, $0xb8;
	[tilespmem:$0x1EC30] =	vst v63  }
0x95: {  	_ =	swait.ge [sflag:s28], $0x7D00  }
0x96: {  	[sflag:s28] =	ssyncset.done $0x0  }
0x97: {  	[sflag:s28] =	ssyncadd.s32 $0xFFFF8300  }
0x98: {  	_ =	swait.ge [sflag:s7], $0x3E80  }
0x99: {  	[sflag:s7] =	ssyncset.done $0x0  }
0x9a: {  	[sflag:s7] =	ssyncadd.s32 $0xFFFFC180  }
0x9b: {  	_ =	swait.ge [sflag:s7], $0x3E80  }
0x9c: {  	[sflag:s7] =	ssyncset.done $0x0  }
0x9d: {  	s19 =	simm.s32 $0x1F40;
	[sflag:s7] =	ssyncadd.s32 $0xFFFFC180  }
0x9e: {  	[tilespmem:s8], [sflag:$0x2] =	stream.indirect.gather [hbm4b:s3+s11], $0x10, s19, s11, $0xb8;
	[tilespmem:$0x1EC30] =	vst v63  }
0x9f: {  	_ = 	snop  }
0xa0: {  	[spmem:s2] =	stream.indirect.scatter.add.f32 [tilespmem:s16], [sflag:$0x6], $0x10, s24, s10, $0xb8;
	[tilespmem:$0x1EC30] =	vst v63  }
0xa1: {  	_ = 	snop  }
0xa2: {  	[spmem:s2] =	stream.indirect.scatter.add.f32 [tilespmem:s30], [sflag:$0x6], $0x10, s25, s10, $0xb8;
	[tilespmem:$0x1EC30] =	vst v63  }
0xa3: {  	_ =	swait.ge [sflag:s12], $0x7D00  }
0xa4: {  	[sflag:s12] =	ssyncset.done $0x0  }
0xa5: {  	[sflag:s12] =	ssyncadd.s32 $0xFFFF8300  }
0xa6: {  	[spmem:s2] =	stream.indirect.scatter.add.f32 [tilespmem:s9], [sflag:$0x4], $0x10, s26, s10, $0xb8;
	[tilespmem:$0x1EC30] =	vst v63  }
0xa7: {  	_ = 	snop  }
0xa8: {  	[spmem:s2] =	stream.indirect.scatter.add.f32 [tilespmem:s14], [sflag:$0x4], $0x10, s29, s10, $0xb8;
	[tilespmem:$0x1EC30] =	vst v63  }
0xa9: {  	_ =	swait.ge [sflag:s13], $0x7D00  }
0xaa: {  	[sflag:s13] =	ssyncset.done $0x0  }
0xab: {  	[sflag:s13] =	ssyncadd.s32 $0xFFFF8300  }
0xac: {  	[spmem:s2] =	stream.indirect.scatter.add.f32 [tilespmem:s8], [sflag:$0x5], $0x10, s20, s10, $0xb8;
	[tilespmem:$0x1EC30] =	vst v63  }
0xad: {  	_ = 	snop  }
0xae: {  	[spmem:s2] =	stream.indirect.scatter.add.f32 [tilespmem:s15], [sflag:$0x5], $0x10, s21, s10, $0xb8;
	[tilespmem:$0x1EC30] =	vst v63  }
0xaf: {  	_ =	swait.ge [sflag:s6], $0x3E80  }
0xb0: {  	[sflag:s6] =	ssyncset.done $0x0  }
0xb1: {  	[sflag:s6] =	ssyncadd.s32 $0xFFFFC180  }
0xb2: {  	_ =	swait.ge [sflag:s7], $0x3E80  }
0xb3: {  	[sflag:s7] =	ssyncset.done $0x0  }
0xb4: {  	[sflag:s7] =	ssyncadd.s32 $0xFFFFC180  }
0xb5: {  	_ =	swait.ge [sflag:s6], $0x3E80  }
0xb6: {  	[sflag:s6] =	ssyncset.done $0x0  }
0xb7: {  	[sflag:s6] =	ssyncadd.s32 $0xFFFFC180  }
0xb8: {  	_ =	swait.ge [sflag:s7], $0x3E80  }
0xb9: {  	s1 =	sadd.s32 $0xFFFFFFFF, s1;
	[sflag:s7] =	ssyncset.done $0x0  }
0xba: {  	p2 =	sne.s32 s1, $0x0;
	[sflag:s7] =	ssyncadd.s32 $0xFFFFC180  }
.Ltmp2:
0xbb: {  	[bflag:$0x0] =	sbarrier.arrive $0xFFFF;
	(pc) =	sbr.rel @p2 .LBB2_4-.Ltmp2, $4  }
0xbc: {  	s0 =	rddreg [dreg:$0x7]  }
0xbd: {  	[hbm:s0], [sflag:s4] =	dma.local @!p0 [spmem:s5], $0x7D0  }
0xbe: {  	_ =	swait.ge @!p0 [sflag:s31], $0x7D0  }
0xbf: {  	s0 =	rddreg [dreg:$0x4];
	[sflag:s31] =	ssyncset.done @!p0 $0x0  }
0xc0: {  	s29 =	simm.s32 $0x32C8  }
0xc1: {  	s21 =	simm.s32 $0x2EE0;
	s30 =	simm.s32 $0x186A0;
	s26 =	simm.s32 $0x3E80  }
0xc2: {  	s25 =	simm.s32 $0x3A98;
	s24 =	simm.s32 $0x36B0;
	s23 =	simm.s32 $0x1F40  }
0xc3: {  	s20 =	simm.s32 $0x4650;
	s18 =	stileid.u32;
	s19 =	rddreg [dreg:$0x3]  }
.LBB2_6:
0xc4: {  	p1 =	por p0, !p1  }
0xc5: {  	s1 =	rddreg [dreg:$0x6];
	[sflag:s31] =	ssyncadd.s32 @!p1 $0xFFFFF830  }
0xc6: {  	[tilespmem:s17], [sflag:$0x4] =	stream.linear.gather [hbm4b:s0+s17], $0x2710, $0x38;
	[tilespmem:$0x1EC30] =	vst v63  }
0xc7: {  	s31 =	rddreg [dreg:$0x5]  }
0xc8: {  	[tilespmem:s22], [sflag:$0x5] =	stream.linear.gather [hbm4b:s31+s17], $0x2710, $0x38;
	[tilespmem:$0x1EC30] =	vst v63  }
0xc9: {  	[spmem:s5], [sflag:s4] =	dma.local @!p0 [hbm:s1], $0x7D0  }
0xca: {  	s1 =	simm.s32 @!p0 $0x7  }
0xcb: {  	_ =	swait.ge @!p0 [sflag:s1], $0x7D0  }
0xcc: {  	[sflag:s1] =	ssyncset.done @!p0 $0x0  }
0xcd: {  	[sflag:s1] =	ssyncadd.s32 @!p0 $0xFFFFF830  }
0xce: {  	_ =	swait.ge [sflag:s6], $0x2710  }
0xcf: {  	[sflag:s6] =	ssyncset.done $0x0  }
0xd0: {  	[sflag:s6] =	ssyncadd.s32 $0xFFFFD8F0  }
0xd1: {  	[tilespmem:s9], [sflag:$0x1] =	stream.indirect.gather [hbm4b:s3+s11], $0x10, s17, s11, $0xb8;
	[tilespmem:$0x1EC30] =	vst v63  }
0xd2: {  	_ = 	snop  }
0xd3: {  	[tilespmem:s8], [sflag:$0x2] =	stream.indirect.gather [hbm4b:s3+s11], $0x10, s11, s11, $0xb8;
	[tilespmem:$0x1EC30] =	vst v63  }
0xd4: {  	_ =	swait.ge [sflag:s7], $0x2710  }
0xd5: {  	[sflag:s7] =	ssyncset.done $0x0  }
0xd6: {  	[sflag:s7] =	ssyncadd.s32 $0xFFFFD8F0  }
0xd7: {  	[bflag:$0x0] =	sbarrier.arrive $0xFFFF  }
0xd8: {  	_ =	swait.ge [sflag:s12], $0x7D00  }
0xd9: {  	[sflag:s12] =	ssyncset.done $0x0  }
0xda: {  	s31 =	rddreg [dreg:$0x8];
	[sflag:s12] =	ssyncadd.s32 $0xFFFF8300  }
0xdb: {  	[tilespmem:s16], [sflag:$0x3] =	stream.indirect.gather [hbm4b:s3+s11], $0x10, s31, s11, $0xb8;
	[tilespmem:$0x1EC30] =	vst v63  }
0xdc: {  	_ = 	snop  }
0xdd: {  	[spmem:s2] =	stream.indirect.scatter.add.f32 [tilespmem:s9], [sflag:$0x4], $0x10, s22, s10, $0xb8;
	[tilespmem:$0x1EC30] =	vst v63  }
0xde: {  	s17 =	rddreg [dreg:$0x9]  }
0xdf: {  	[spmem:s2] =	stream.indirect.scatter.add.f32 [tilespmem:s14], [sflag:$0x4], $0x10, s17, s10, $0xb8;
	[tilespmem:$0x1EC30] =	vst v63  }
0xe0: {  	_ =	swait.ge [sflag:s13], $0x7D00  }
0xe1: {  	[sflag:s13] =	ssyncset.done $0x0  }
0xe2: {  	[sflag:s13] =	ssyncadd.s32 $0xFFFF8300  }
0xe3: {  	_ =	swait.ge [sflag:s6], $0x3E80  }
0xe4: {  	[sflag:s6] =	ssyncset.done $0x0  }
0xe5: {  	[sflag:s6] =	ssyncadd.s32 $0xFFFFC180  }
0xe6: {  	_ =	swait.ge [sflag:s6], $0x3E80  }
0xe7: {  	[sflag:s6] =	ssyncset.done $0x0  }
0xe8: {  	s22 =	rddreg [dreg:$0xa];
	[sflag:s6] =	ssyncadd.s32 $0xFFFFC180  }
0xe9: {  	[tilespmem:s9], [sflag:$0x1] =	stream.indirect.gather [hbm4b:s3+s11], $0x10, s22, s11, $0xb8;
	[tilespmem:$0x1EC30] =	vst v63  }
0xea: {  	_ = 	snop  }
0xeb: {  	[spmem:s2] =	stream.indirect.scatter.add.f32 [tilespmem:s8], [sflag:$0x5], $0x10, s21, s10, $0xb8;
	[tilespmem:$0x1EC30] =	vst v63  }
0xec: {  	_ = 	snop  }
0xed: {  	[spmem:s2] =	stream.indirect.scatter.add.f32 [tilespmem:s15], [sflag:$0x5], $0x10, s29, s10, $0xb8;
	[tilespmem:$0x1EC30] =	vst v63  }
0xee: {  	_ =	swait.ge [sflag:s28], $0x7D00  }
0xef: {  	[sflag:s28] =	ssyncset.done $0x0  }
0xf0: {  	[sflag:s28] =	ssyncadd.s32 $0xFFFF8300  }
0xf1: {  	_ =	swait.ge [sflag:s7], $0x3E80  }
0xf2: {  	[sflag:s7] =	ssyncset.done $0x0  }
0xf3: {  	[sflag:s7] =	ssyncadd.s32 $0xFFFFC180  }
0xf4: {  	_ =	swait.ge [sflag:s7], $0x3E80  }
0xf5: {  	[sflag:s7] =	ssyncset.done $0x0  }
0xf6: {  	[sflag:s7] =	ssyncadd.s32 $0xFFFFC180  }
0xf7: {  	[tilespmem:s8], [sflag:$0x2] =	stream.indirect.gather [hbm4b:s3+s11], $0x10, s23, s11, $0xb8;
	[tilespmem:$0x1EC30] =	vst v63  }
0xf8: {  	_ = 	snop  }
0xf9: {  	[spmem:s2] =	stream.indirect.scatter.add.f32 [tilespmem:s16], [sflag:$0x6], $0x10, s24, s10, $0xb8;
	[tilespmem:$0x1EC30] =	vst v63  }
0xfa: {  	_ = 	snop  }
0xfb: {  	[spmem:s2] =	stream.indirect.scatter.add.f32 [tilespmem:s30], [sflag:$0x6], $0x10, s25, s10, $0xb8;
	[tilespmem:$0x1EC30] =	vst v63  }
0xfc: {  	_ =	swait.ge [sflag:s12], $0x7D00  }
0xfd: {  	[sflag:s12] =	ssyncset.done $0x0  }
0xfe: {  	[sflag:s12] =	ssyncadd.s32 $0xFFFF8300  }
0xff: {  	[spmem:s2] =	stream.indirect.scatter.add.f32 [tilespmem:s9], [sflag:$0x4], $0x10, s26, s10, $0xb8;
	[tilespmem:$0x1EC30] =	vst v63  }
0x100: {  	s30 =	simm.s32 $0x4268  }
0x101: {  	[spmem:s2] =	stream.indirect.scatter.add.f32 [tilespmem:s14], [sflag:$0x4], $0x10, s30, s10, $0xb8;
	[tilespmem:$0x1EC30] =	vst v63  }
0x102: {  	_ =	swait.ge [sflag:s13], $0x7D00  }
0x103: {  	[sflag:s13] =	ssyncset.done $0x0  }
0x104: {  	[sflag:s13] =	ssyncadd.s32 $0xFFFF8300  }
0x105: {  	[spmem:s2] =	stream.indirect.scatter.add.f32 [tilespmem:s8], [sflag:$0x5], $0x10, s20, s10, $0xb8;
	[tilespmem:$0x1EC30] =	vst v63  }
0x106: {  	s31 =	simm.s32 $0x4A38  }
0x107: {  	[spmem:s2] =	stream.indirect.scatter.add.f32 [tilespmem:s15], [sflag:$0x5], $0x10, s31, s10, $0xb8;
	[tilespmem:$0x1EC30] =	vst v63  }
0x108: {  	_ =	swait.ge [sflag:s6], $0x3E80  }
0x109: {  	[sflag:s6] =	ssyncset.done $0x0  }
0x10a: {  	[sflag:s6] =	ssyncadd.s32 $0xFFFFC180  }
0x10b: {  	_ =	swait.ge [sflag:s7], $0x3E80  }
0x10c: {  	[sflag:s7] =	ssyncset.done $0x0  }
0x10d: {  	[sflag:s7] =	ssyncadd.s32 $0xFFFFC180  }
0x10e: {  	_ =	swait.ge [sflag:s6], $0x3E80  }
0x10f: {  	[sflag:s6] =	ssyncset.done $0x0  }
0x110: {  	[sflag:s6] =	ssyncadd.s32 $0xFFFFC180  }
0x111: {  	_ =	swait.ge [sflag:s7], $0x3E80  }
0x112: {  	[sflag:s7] =	ssyncset.done $0x0  }
0x113: {  	[sflag:s7] =	ssyncadd.s32 $0xFFFFC180  }
0x114: {  	[bflag:$0x0] =	sbarrier.arrive $0xFFFF  }
0x115: {  	s0 =	rddreg [dreg:$0x7]  }
0x116: {  	[hbm:s0], [sflag:s4] =	dma.local @!p0 [spmem:s5], $0x7D0  }
0x117: {  	_ =	swait.ge @!p0 [sflag:s1], $0x7D0  }
0x118: {  	[sflag:s1] =	ssyncset.done @!p0 $0x0  }
0x119: {  	[sflag:s1] =	ssyncadd.s32 @!p0 $0xFFFFF830  }
0x11a: {  	_ =	sfence.sel $0x180000  }
0x11b: {  	[bflag:$0x0] =	sbarrier.arrive $0xFFFF  }
0x11c: {  	p0 =	sne.s32 s18, $0x0;
	_ =	strace $0x90000050  }
0x11d: {  	s0 =	sadd.s32 @!p0 $0x100000, s19;
	[bflag:$0x2] =	sbarrier.arrive $0xFFFF  }
0x11e: {  	[sflag:s0] =	ssyncadd.tile.s32 @!p0 $0x1;
	_ =	shalt  }
.LBB2_1:
.Ltmp3:
0x11f: {  	(pc) =	sbr.rel .LBB2_6-.Ltmp3, $4  }
0x120: {  	_ = 	snop  }
0x121: {  	s29 =	simm.s32 $0x32C8;
	s21 =	simm.s32 $0x2EE0  }
0x122: {  	s30 =	simm.s32 $0x186A0;
	s26 =	simm.s32 $0x3E80;
	s25 =	simm.s32 $0x3A98  }
0x123: {  	s24 =	simm.s32 $0x36B0;
	s23 =	simm.s32 $0x1F40;
	s20 =	simm.s32 $0x4650  }
.LBB2_3:
.Ltmp4:
0x124: {  	(pc) =	sbr.rel .LBB2_6-.Ltmp4, $4  }
0x125: {  	s29 =	simm.s32 $0x32C8  }
0x126: {  	s21 =	simm.s32 $0x2EE0;
	s30 =	simm.s32 $0x186A0;
	s26 =	simm.s32 $0x3E80  }
0x127: {  	s25 =	simm.s32 $0x3A98;
	s24 =	simm.s32 $0x36B0;
	s23 =	simm.s32 $0x1F40  }
0x128: {  	s20 =	simm.s32 $0x4650;
	s18 =	stileid.u32;
	s19 =	rddreg [dreg:$0x3]  }
.Lfunc_end2:
_tile_overlayer_lowered:
.L_overlay_start_2:
0x129: {  	(tag) =	ssettag $0x2  }
0x12a: {  	s0 =	rddreg [dreg:$0x0];
	s2 =	stileid.u32  }
0x12b: {  	s1 =	rddreg [dreg:$0x1];
	p0 =	sne.s32 s2, $0x0  }
0x12c: {  	s3 =	rddreg [dreg:$0x2];
	[bflag:$0x3] =	sbarrier.arrive $0xFFFF;
	s2 =	simm.s32 @!p0 $0x1C07  }
0x12d: {  	[timem:s3], [sflag:s2] =	dma.local @!p0 [hbm:s0], s1  }
0x12e: {  	s0 =	simm.s32 @!p0 $0x7  }
0x12f: {  	_ =	swait.ge @!p0 [sflag:s0], s1  }
0x130: {  	s1 =	ssub.s32 @!p0 $0x0, s1;
	[sflag:s0] =	ssyncset.done @!p0 $0x0  }
0x131: {  	[sflag:s0] =	ssyncadd.s32 @!p0 s1  }
0x132: {  	[bflag:$0x3] =	sbarrier.arrive $0xFFFF  }
0x133: {  	_ =	shalt  }

// kernel: kernel.25.cloned.1.call-start
scs
__scs_entry_jumppad:
0x0: {  	(pc) =	sbr.rel $0x88, $3  }
0x1: {  	(tag) =	ssettag $0x0;
	lr =	simm.s32 $0x1  }
0x2: {  	[smem:$0x3F97] =	sst lr;
	_ =	strace $0xD0000000  }
0x3: {  	_ = 	snop  }
0x4: {  	_ = 	snop  }
0x5: {  	_ = 	snop  }
0x6: {  	_ = 	snop  }
0x7: {  	_ = 	snop  }
__scs_overlays_trampoline_lowered:
0x8: {  	[smem:$0x3FA6] =	sst s0  }
0x9: {  	[smem:$0x3FA7] =	sst s1  }
0xa: {  	[smem:$0x3FA8] =	sst s2  }
0xb: {  	[smem:$0x3FA9] =	sst s3  }
0xc: {  	[smem:$0x3FAA] =	sst s4  }
0xd: {  	[smem:$0x3FAB] =	sst s5  }
0xe: {  	[smem:$0x3FAC] =	sst s6  }
0xf: {  	[smem:$0x3FAD] =	sst s7  }
0x10: {  	[smem:$0x3FAE] =	sst s8  }
0x11: {  	[smem:$0x3FAF] =	sst s9;
	s0 =	simm.s32 @!p0 $0x0  }
0x12: {  	s1 =	sld [smem:$0x3F95];
	s0 =	simm.s32 @p0 $0x1  }
0x13: {  	[smem:$0x3FB0] =	sst s0;
	s0 =	simm.s32 @!p1 $0x0  }
0x14: {  	s2 =	sld [smem:$0x3F94];
	s0 =	simm.s32 @p1 $0x1  }
0x15: {  	[smem:$0x3FB1] =	sst s0;
	s0 =	simm.s32 @!p2 $0x0  }
0x16: {  	s3 =	sld [smem:$0x3FDB];
	s0 =	simm.s32 @p2 $0x1  }
0x17: {  	s4 =	simm.s32 $0x1BF5;
	[smem:$0x3FB3] =	sst s0  }
0x18: {  	s0 =	sld [smem:$0x3F96];
	_ =	swait.ge [sflag:s4], $0x0  }
0x19: {  	s7 =	sld [smem:$0x3F97]  }
0x1a: {  	s8 =	sadd.s32 $0xFFFFE003, lr  }
0x1b: {  	s9 =	sadd.s32 $0xFFFFFEF7, lr;
	s5 =	simm.s32 $0xFFFFFFFF;
	p2 =	slt.u32 s8, $0xFFFFF086  }
0x1c: {  	p1 =	slt.u32 s9, $0xF7A;
	s5 =	simm.s32 @!p2 $0x0  }
0x1d: {  	s5 =	simm.s32 @p1 $0x1;
	p0 =	seq.s32 s7, s2  }
0x1e: {  	s7 =	smul.u32 @!p0 $0xF7A, s2;
	p2 =	seq.s32 @!p0 s5, $0x0  }
0x1f: {  	s9 =	smul.u32 $0xF7A, s1;
	s8 =	simm.s32 @!p0 $0x1BF5;
	p2 =	por !p2, p0  }
0x20: {  	[sflag:s8] =	ssyncset.s32 @!p0 $0xFFFFF086;
	s6 =	sadd.s32 @!p0 s3, s7;
	s7 =	simm.s32 @!p0 $0x108  }
0x21: {  	s3 =	sadd.s32 s3, s9;
	s6 =	sadd.s32 @!p0 $0x88, s6;
	s7 =	simm.s32 @p2 $0x1082  }
0x22: {  	[simem:s7], [sflag:s8] =	dma.local @!p0 [hbm:s6], $0xF7A  }
0x23: {  	s9 =	sor.u32 $0xD0000000, s2;
	s6 =	simm.s32 $0x108;
	_ =	swait.ge @!p0 [sflag:s8], $0x0  }
0x24: {  	s3 =	sadd.s32 $0x88, s3;
	s6 =	simm.s32 @!p1 $0x1082;
	[sflag:s4] =	ssyncset.s32 $0xFFFFF086  }
0x25: {  	[simem:s6], [sflag:s4] =	dma.local [hbm:s3], $0xF7A  }
0x26: {  	[smem:$0x3F97] =	sst s1;
	(tag) =	ssettag s2;
	_ =	strace s9  }
0x27: {  	s1 =	sld [smem:$0x3FA7]  }
0x28: {  	s2 =	sld [smem:$0x3FA8]  }
0x29: {  	s4 =	sld [smem:$0x3FAA]  }
0x2a: {  	p0 =	seq.s32 s5, $0x0;
	s5 =	sld [smem:$0x3FAB]  }
0x2b: {  	s6 =	sld [smem:$0x3FAC]  }
0x2c: {  	s7 =	sld [smem:$0x3FAD]  }
0x2d: {  	s3 =	simm.s32 $0x108;
	s8 =	sld [smem:$0x3FAE]  }
0x2e: {  	s3 =	simm.s32 @!p0 $0x1082;
	s9 =	sld [smem:$0x3FAF]  }
0x2f: {  	lr =	sadd.s32 s0, s3;
	s0 =	sld [smem:$0x3FA6]  }
0x30: {  	s3 =	sld [smem:$0x3FA9]  }
0x31: {  	[smem:$0x3FB2] =	sst s10  }
0x32: {  	s10 =	sld [smem:$0x3FB0];
	_ =	sdelay $0x3  }
0x33: {  	p0 =	seq.s32 s10, $0x1;
	s10 =	sld [smem:$0x3FB2];
	_ =	sdelay $0x3  }
0x34: {  	[smem:$0x3FB2] =	sst s10  }
0x35: {  	s10 =	sld [smem:$0x3FB1];
	_ =	sdelay $0x3  }
0x36: {  	p1 =	seq.s32 s10, $0x1;
	s10 =	sld [smem:$0x3FB2];
	_ =	sdelay $0x3  }
0x37: {  	[smem:$0x3FB2] =	sst s10  }
0x38: {  	s10 =	sld [smem:$0x3FB3]  }
0x39: {  	_ = 	snop;
	(pc) =	sbr.ind lr, $3  }
0x3a: {  	_ = 	snop  }
0x3b: {  	_ = 	snop  }
0x3c: {  	p2 =	seq.s32 s10, $0x1;
	s10 =	sld [smem:$0x3FB2]  }
0x3d: {  	_ =	shalt  }
0x3e: {  	_ =	shalt  }
0x3f: {  	_ =	shalt  }
0x40: {  	_ =	shalt  }
0x41: {  	_ =	shalt  }
0x42: {  	_ =	shalt  }
0x43: {  	_ =	shalt  }
0x44: {  	_ =	shalt  }
0x45: {  	_ =	shalt  }
0x46: {  	_ =	shalt  }
0x47: {  	_ =	shalt  }
0x48: {  	_ =	shalt  }
0x49: {  	_ =	shalt  }
0x4a: {  	_ =	shalt  }
0x4b: {  	_ =	shalt  }
0x4c: {  	_ =	shalt  }
0x4d: {  	_ =	shalt  }
0x4e: {  	_ =	shalt  }
0x4f: {  	_ =	shalt  }
0x50: {  	_ =	shalt  }
0x51: {  	_ =	shalt  }
0x52: {  	_ =	shalt  }
0x53: {  	_ =	shalt  }
0x54: {  	_ =	shalt  }
0x55: {  	_ =	shalt  }
0x56: {  	_ =	shalt  }
0x57: {  	_ =	shalt  }
0x58: {  	_ =	shalt  }
0x59: {  	_ =	shalt  }
0x5a: {  	_ =	shalt  }
0x5b: {  	_ =	shalt  }
0x5c: {  	_ =	shalt  }
0x5d: {  	_ =	shalt  }
0x5e: {  	_ =	shalt  }
0x5f: {  	_ =	shalt  }
0x60: {  	_ =	shalt  }
0x61: {  	_ =	shalt  }
0x62: {  	_ =	shalt  }
0x63: {  	_ =	shalt  }
0x64: {  	_ =	shalt  }
0x65: {  	_ =	shalt  }
0x66: {  	_ =	shalt  }
0x67: {  	_ =	shalt  }
0x68: {  	_ =	shalt  }
0x69: {  	_ =	shalt  }
0x6a: {  	_ =	shalt  }
0x6b: {  	_ =	shalt  }
0x6c: {  	_ =	shalt  }
0x6d: {  	_ =	shalt  }
0x6e: {  	_ =	shalt  }
0x6f: {  	_ =	shalt  }
0x70: {  	_ =	shalt  }
0x71: {  	_ =	shalt  }
0x72: {  	_ =	shalt  }
0x73: {  	_ =	shalt  }
0x74: {  	_ =	shalt  }
0x75: {  	_ =	shalt  }
0x76: {  	_ =	shalt  }
0x77: {  	_ =	shalt  }
0x78: {  	_ =	shalt  }
0x79: {  	_ =	shalt  }
0x7a: {  	_ =	shalt  }
0x7b: {  	_ =	shalt  }
0x7c: {  	_ =	shalt  }
0x7d: {  	_ =	shalt  }
0x7e: {  	_ =	shalt  }
0x7f: {  	_ =	shalt  }
0x80: {  	_ =	shalt  }
0x81: {  	_ =	shalt  }
0x82: {  	_ =	shalt  }
0x83: {  	_ =	shalt  }
0x84: {  	_ =	shalt  }
0x85: {  	_ =	shalt  }
0x86: {  	_ =	shalt  }
0x87: {  	_ =	shalt  }
.Lfunc_end0:
.L_simem_size_0:
called_computation.4_lowered:
.L_overlay_start_0:
0x88: {  	s2 =	sld [smem:$0x3FD9]  }
0x89: {  	s3 =	sld [smem:$0x3FFE];
	_ =	sdelay $0x1  }
0x8a: {  	s1 =	srdreg.scid  }
0x8b: {  	s0 =	sand.u32 $0x1, s1  }
0x8c: {  	s17 =	sshll.u32 s0, $0xA;
	s2 =	sadd.s32 s3, s2  }
0x8d: {  	s2 =	sadd.s32 s2, s17  }
0x8e: {  	[smem:$0x3FBE] =	sst s2  }
0x8f: {  	_ = 	snop  }
0x90: {  	s2 =	sld [smem:$0x3FD0];
	(tm) =	ssettm $0x1  }
0x91: {  	s18 =	sld [smem:$0x3FFB];
	_ =	sdelay $0x3  }
0x92: {  	_ =	strace s18  }
0x93: {  	s3 =	sld [smem:$0x3FFC];
	_ =	sdelay $0x3  }
0x94: {  	_ =	strace s3  }
0x95: {  	s3 =	sld [smem:$0x3FFD];
	_ =	sdelay $0x3  }
0x96: {  	_ =	strace s3  }
0x97: {  	_ =	strace $0x8FFFFFFF  }
0x98: {  	s19 =	sld [smem:$0x3FDB];
	_ =	sdelay $0x1  }
0x99: {  	s4 =	simm.s32 $_scs_section_size  }
0x9a: {  	s5 =	simm.s32 $_size__tile_overlayer_lowered;
	s6 =	simm.s32 $_tile_overlayer_lowered  }
0x9b: {  	s22 =	simm.s32 $0x1BFF;
	s21 =	sshll.u32 s6, $0x1;
	s3 =	sadd.s32 s4, s19  }
0x9c: {  	s7 =	simm.s32 $0x0;
	s20 =	sshll.u32 s5, $0x1;
	s5 =	sadd.s32 s21, s3  }
0x9d: {  	[timem:s7], [sflag:s22] =	dma.local [hbm:s5], s20  }
0x9e: {  	_ =	swait.ge [sflag:s22], s20  }
0x9f: {  	s4 =	ssub.s32 $0x0, s20;
	[sflag:s22] =	ssyncset.done $0x0  }
0xa0: {  	[sflag:s22] =	ssyncadd.s32 s4;
	_ =	sdelay $0x1  }
0xa1: {  	s23 =	simm.s32 $0x1B8B  }
0xa2: {  	_ =	swait.ge [sflag:s23], $0x1  }
0xa3: {  	[sflag:s23] =	ssyncset.done $0x0  }
0xa4: {  	s25 =	simm.s32 $0x1B8E;
	s24 =	sld [smem:$0x3FFE];
	[sflag:s23] =	ssyncadd.s32 $0xFFFFFFFF  }
0xa5: {  	s26 =	simm.s32 $execute0_lowered;
	[smem:$0x3FD2] =	sst s25  }
0xa6: {  	s5 =	sshll.u32 s26, $0x1;
	_ =	strace $0x80000052;
	[dreg:$0x1] =	wrdreg $0xFFFFFFFF  }
0xa7: {  	s28 =	simm.s32 $_size_execute0_lowered;
	s3 =	sadd.s32 s3, s5;
	[dreg:$0x0] =	wrdreg $0x0  }
0xa8: {  	s5 =	sshll.u32 s28, $0x1;
	[dreg:$0x2] =	wrdreg s3  }
0xa9: {  	[dreg:$0x3] =	wrdreg s5  }
0xaa: {  	[dreg:$0x4] =	wrdreg $0xC0  }
0xab: {  	_ =	task [dreg:s7], $0x5FFFF  }
0xac: {  	[dreg:$0x1] =	wrdreg $0xFFFFFFFF  }
0xad: {  	[dreg:$0x0] =	wrdreg $0x60  }
0xae: {  	[dreg:$0x2] =	wrdreg s2  }
0xaf: {  	[dreg:$0x3] =	wrdreg s24  }
0xb0: {  	[dreg:$0x4] =	wrdreg $0x1C5200  }
0xb1: {  	[dreg:$0x5] =	wrdreg $0x9  }
0xb2: {  	_ =	task.clear_ibuf [dreg:s7], $0x6FFFF;
	_ =	strace $0x90000052  }
0xb3: {  	s29 =	simm.s32 $0x9;
	_ =	strace $0x80000054  }
0xb4: {  	_ =	swait.ge [sflag:s29], $0x1  }
0xb5: {  	[sflag:s29] =	ssyncadd.s32 $0xFFFFFFFF  }
0xb6: {  	_ =	strace $0x90000054  }
0xb7: {  	_ =	sfence  }
0xb8: {  	s30 =	sld [smem:$0x0];
	_ =	sdelay $0x2  }
0xb9: {  	s31 =	sshll.u32 s1, $0xD;
	s1 =	sshrl.u32 s1, $0x2  }
0xba: {  	s3 =	sand.u32 $0x4000, s31;
	s1 =	sadd.s32 s1, s30  }
0xbb: {  	s0 =	sor.u32 s3, s0;
	s1 =	sshll.u32 s1, $0x11  }
0xbc: {  	s0 =	sor.u32 s1, s0  }
0xbd: {  	s0 =	sadd.s32 $0x8F2B, s0  }
0xbe: {  	[sflag:s0] =	ssyncadd.remote.s32 $0x1  }
0xbf: {  	_ =	sfence.sel $0xFFFF  }
0xc0: {  	[dreg:$0x0] =	wrdreg $0xFFFFFFFF;
	(pc) =	sbr.abs _section_cstart, $3  }
0xc1: {  	[dreg:$0x1] =	wrdreg $0xFFFFFFFF  }
0xc2: {  	_ =	task.clear_ibuf [dreg:s7], $0x2FFFF;
	_ =	strace $0x9FFFFFFF  }
0xc3: {  	(tm) =	ssettm $0x7FFFFFFF  }
tec
execute0_lowered:
.L_overlay_start_1:
0x0: {  	(tag) =	ssettag $0x1  }
0x1: {  	s3 =	rddreg [dreg:$0x0]  }
0x2: {  	s4 =	rddreg [dreg:$0x1]  }
0x3: {  	s0 =	srdreg.scid;
	s2 =	rddreg [dreg:$0x2]  }
0x4: {  	s18 =	stileid.u32;
	s19 =	rddreg [dreg:$0x3];
	s17 =	simm.s32 $0x0  }
0x5: {  	s11 =	simm.s32 $0x7D0;
	s9 =	simm.s32 $0x4E20;
	s8 =	simm.s32 $0xCB20  }
0x6: {  	s25 =	simm.s32 $0xFA0;
	s12 =	simm.s32 $0x1;
	s16 =	simm.s32 $0x14820  }
0x7: {  	s10 =	simm.s32 $0x3E8;
	s26 =	simm.s32 $0x2AF8;
	s14 =	simm.s32 $0x8CA0  }
0x8: {  	s31 =	simm.s32 $0x1770;
	s13 =	simm.s32 $0x2;
	s15 =	simm.s32 $0x109A0  }
0x9: {  	s28 =	simm.s32 $0x3;
	p1 =	por $0x0, $0x0;
	s30 =	simm.s32 $0x186A0  }
0xa: {  	s29 =	simm.s32 $0x4268;
	s0 =	sand.u32 $0x1, s0;
	s1 =	sshll.u32 s18, $0x1  }
0xb: {  	s5 =	smul.u32 $0x3E80, s18;
	[smem:$0x7FF] =	sst s17;
	s1 =	sor.u32 s0, s1  }
0xc: {  	s6 =	smul.u32 $0x27100, s0;
	_ =	strace $0x80000053;
	[dreg:$0x8] =	wrdreg s25  }
0xd: {  	s20 =	simm.s32 $0x4650;
	[dreg:$0x9] =	wrdreg s26;
	s1 =	smul.u32 $0x2710, s1  }
0xe: {  	p0 =	sgt.u32 s18, $0x9;
	s0 =	ssub.s32 $0x2, s0;
	[dreg:$0xa] =	wrdreg s31  }
0xf: {  	s21 =	sshrl.u32 s0, $0x1;
	s6 =	sadd.s32 s5, s6;
	s1 =	sshrl.u32 s1, $0x3  }
0x10: {  	s0 =	ssub.s32 s0, s21;
	s6 =	sshrl.u32 s6, $0x3;
	s1 =	sadd.s32 s1, s4  }
0x11: {  	s0 =	smax.u32 s0, $0x1;
	s7 =	sadd.s32 $0x4000, s1;
	s1 =	sadd.s32 $0xDC40, s1  }
0x12: {  	s4 =	sadd.s32 s6, s4;
	[dreg:$0x5] =	wrdreg s1;
	s1 =	sshll.u32 @!p0 s18, $0x6  }
0x13: {  	s24 =	sadd.s32 $0x17A00, s4;
	s4 =	sor.u32 @!p0 $0x1C07, s1;
	s1 =	sadd.s32 $0xFFFFFFFF, s0  }
0x14: {  	s25 =	simm.s32 $0x3A98;
	s22 =	sshrl.u32 s5, $0x3;
	p2 =	sne.s32 s1, $0x0  }
.Ltmp0:
0x15: {  	s26 =	simm.s32 $0x3E80;
	s23 =	sadd.s32 s3, s22;
	(pc) =	sbr.rel @!p2 .LBB2_1-.Ltmp0, $4  }
0x16: {  	s5 =	sadd.s32 s5, s2;
	s22 =	simm.s32 $0x2710;
	[dreg:$0x6] =	wrdreg s23  }
0x17: {  	s21 =	simm.s32 $0x4A38;
	s5 =	sshrl.u32 @!p0 s5, $0x3;
	[dreg:$0x4] =	wrdreg s7  }
0x18: {  	s23 =	simm.s32 $0x32C8;
	s6 =	simm.s32 $0x4;
	[dreg:$0x7] =	wrdreg s24  }
0x19: {  	s7 =	simm.s32 $0x5;
	s24 =	simm.s32 $0x36B0;
	s0 =	rddreg [dreg:$0x4]  }
0x1a: {  	[tilespmem:s17], [sflag:$0x4] =	stream.linear.gather [hbm4b:s0+s17], $0x2710, $0x38;
	[tilespmem:$0x1EC30] =	vst v63  }
0x1b: {  	s31 =	rddreg [dreg:$0x5]  }
0x1c: {  	[tilespmem:s22], [sflag:$0x5] =	stream.linear.gather [hbm4b:s31+s17], $0x2710, $0x38;
	[tilespmem:$0x1EC30] =	vst v63  }
0x1d: {  	s0 =	rddreg [dreg:$0x6];
	s31 =	simm.s32 @!p0 $0x7  }
0x1e: {  	[spmem:s5], [sflag:s4] =	dma.local @!p0 [hbm:s0], $0x7D0  }
0x1f: {  	_ =	swait.ge @!p0 [sflag:s31], $0x7D0  }
0x20: {  	[sflag:s31] =	ssyncset.done @!p0 $0x0  }
0x21: {  	[sflag:s31] =	ssyncadd.s32 @!p0 $0xFFFFF830  }
0x22: {  	_ =	swait.ge [sflag:s6], $0x2710  }
0x23: {  	[sflag:s6] =	ssyncset.done $0x0  }
0x24: {  	[sflag:s6] =	ssyncadd.s32 $0xFFFFD8F0  }
0x25: {  	[tilespmem:s9], [sflag:$0x1] =	stream.indirect.gather [hbm4b:s3+s11], $0x10, s17, s11, $0xb8;
	[tilespmem:$0x1EC30] =	vst v63  }
0x26: {  	_ = 	snop  }
0x27: {  	[tilespmem:s8], [sflag:$0x2] =	stream.indirect.gather [hbm4b:s3+s11], $0x10, s11, s11, $0xb8;
	[tilespmem:$0x1EC30] =	vst v63  }
0x28: {  	_ =	swait.ge [sflag:s7], $0x2710  }
0x29: {  	[sflag:s7] =	ssyncset.done $0x0  }
0x2a: {  	[sflag:s7] =	ssyncadd.s32 $0xFFFFD8F0  }
0x2b: {  	[bflag:$0x0] =	sbarrier.arrive $0xFFFF  }
0x2c: {  	_ =	swait.ge [sflag:s12], $0x7D00  }
0x2d: {  	[sflag:s12] =	ssyncset.done $0x0  }
0x2e: {  	s19 =	rddreg [dreg:$0x8];
	[sflag:s12] =	ssyncadd.s32 $0xFFFF8300  }
0x2f: {  	[tilespmem:s16], [sflag:$0x3] =	stream.indirect.gather [hbm4b:s3+s11], $0x10, s19, s11, $0xb8;
	[tilespmem:$0x1EC30] =	vst v63  }
0x30: {  	_ = 	snop  }
0x31: {  	[spmem:s2] =	stream.indirect.scatter.add.f32 [tilespmem:s9], [sflag:$0x4], $0x10, s22, s10, $0xb8;
	[tilespmem:$0x1EC30] =	vst v63  }
0x32: {  	s18 =	rddreg [dreg:$0x9]  }
0x33: {  	[spmem:s2] =	stream.indirect.scatter.add.f32 [tilespmem:s14], [sflag:$0x4], $0x10, s18, s10, $0xb8;
	[tilespmem:$0x1EC30] =	vst v63  }
0x34: {  	_ =	swait.ge [sflag:s13], $0x7D00  }
0x35: {  	[sflag:s13] =	ssyncset.done $0x0  }
0x36: {  	[sflag:s13] =	ssyncadd.s32 $0xFFFF8300  }
0x37: {  	_ =	swait.ge [sflag:s6], $0x3E80  }
0x38: {  	[sflag:s6] =	ssyncset.done $0x0  }
0x39: {  	[sflag:s6] =	ssyncadd.s32 $0xFFFFC180  }
0x3a: {  	_ =	swait.ge [sflag:s6], $0x3E80  }
0x3b: {  	[sflag:s6] =	ssyncset.done $0x0  }
0x3c: {  	s19 =	rddreg [dreg:$0xa];
	[sflag:s6] =	ssyncadd.s32 $0xFFFFC180  }
0x3d: {  	[tilespmem:s9], [sflag:$0x1] =	stream.indirect.gather [hbm4b:s3+s11], $0x10, s19, s11, $0xb8;
	[tilespmem:$0x1EC30] =	vst v63  }
0x3e: {  	s18 =	simm.s32 $0x2EE0  }
0x3f: {  	[spmem:s2] =	stream.indirect.scatter.add.f32 [tilespmem:s8], [sflag:$0x5], $0x10, s18, s10, $0xb8;
	[tilespmem:$0x1EC30] =	vst v63  }
0x40: {  	_ = 	snop  }
0x41: {  	[spmem:s2] =	stream.indirect.scatter.add.f32 [tilespmem:s15], [sflag:$0x5], $0x10, s23, s10, $0xb8;
	[tilespmem:$0x1EC30] =	vst v63  }
0x42: {  	_ =	swait.ge [sflag:s28], $0x7D00  }
0x43: {  	[sflag:s28] =	ssyncset.done $0x0  }
0x44: {  	[sflag:s28] =	ssyncadd.s32 $0xFFFF8300  }
0x45: {  	_ =	swait.ge [sflag:s7], $0x3E80  }
0x46: {  	[sflag:s7] =	ssyncset.done $0x0  }
0x47: {  	[sflag:s7] =	ssyncadd.s32 $0xFFFFC180  }
0x48: {  	_ =	swait.ge [sflag:s7], $0x3E80  }
0x49: {  	[sflag:s7] =	ssyncset.done $0x0  }
0x4a: {  	s19 =	simm.s32 $0x1F40;
	[sflag:s7] =	ssyncadd.s32 $0xFFFFC180  }
0x4b: {  	[tilespmem:s8], [sflag:$0x2] =	stream.indirect.gather [hbm4b:s3+s11], $0x10, s19, s11, $0xb8;
	[tilespmem:$0x1EC30] =	vst v63  }
0x4c: {  	_ = 	snop  }
0x4d: {  	[spmem:s2] =	stream.indirect.scatter.add.f32 [tilespmem:s16], [sflag:$0x6], $0x10, s24, s10, $0xb8;
	[tilespmem:$0x1EC30] =	vst v63  }
0x4e: {  	_ = 	snop  }
0x4f: {  	[spmem:s2] =	stream.indirect.scatter.add.f32 [tilespmem:s30], [sflag:$0x6], $0x10, s25, s10, $0xb8;
	[tilespmem:$0x1EC30] =	vst v63  }
0x50: {  	_ =	swait.ge [sflag:s12], $0x7D00  }
0x51: {  	[sflag:s12] =	ssyncset.done $0x0  }
0x52: {  	[sflag:s12] =	ssyncadd.s32 $0xFFFF8300  }
0x53: {  	[spmem:s2] =	stream.indirect.scatter.add.f32 [tilespmem:s9], [sflag:$0x4], $0x10, s26, s10, $0xb8;
	[tilespmem:$0x1EC30] =	vst v63  }
0x54: {  	_ = 	snop  }
0x55: {  	[spmem:s2] =	stream.indirect.scatter.add.f32 [tilespmem:s14], [sflag:$0x4], $0x10, s29, s10, $0xb8;
	[tilespmem:$0x1EC30] =	vst v63  }
0x56: {  	_ =	swait.ge [sflag:s13], $0x7D00  }
0x57: {  	[sflag:s13] =	ssyncset.done $0x0  }
0x58: {  	[sflag:s13] =	ssyncadd.s32 $0xFFFF8300  }
0x59: {  	[spmem:s2] =	stream.indirect.scatter.add.f32 [tilespmem:s8], [sflag:$0x5], $0x10, s20, s10, $0xb8;
	[tilespmem:$0x1EC30] =	vst v63  }
0x5a: {  	_ = 	snop  }
0x5b: {  	[spmem:s2] =	stream.indirect.scatter.add.f32 [tilespmem:s15], [sflag:$0x5], $0x10, s21, s10, $0xb8;
	[tilespmem:$0x1EC30] =	vst v63  }
0x5c: {  	_ =	swait.ge [sflag:s6], $0x3E80  }
0x5d: {  	[sflag:s6] =	ssyncset.done $0x0  }
0x5e: {  	[sflag:s6] =	ssyncadd.s32 $0xFFFFC180  }
0x5f: {  	_ =	swait.ge [sflag:s7], $0x3E80  }
0x60: {  	[sflag:s7] =	ssyncset.done $0x0  }
0x61: {  	[sflag:s7] =	ssyncadd.s32 $0xFFFFC180  }
0x62: {  	_ =	swait.ge [sflag:s6], $0x3E80  }
0x63: {  	[sflag:s6] =	ssyncset.done $0x0  }
0x64: {  	[sflag:s6] =	ssyncadd.s32 $0xFFFFC180  }
0x65: {  	_ =	swait.ge [sflag:s7], $0x3E80  }
0x66: {  	s1 =	sadd.s32 $0xFFFFFFFF, s1;
	[sflag:s7] =	ssyncset.done $0x0  }
0x67: {  	p2 =	sne.s32 s1, $0x0;
	[sflag:s7] =	ssyncadd.s32 $0xFFFFC180  }
.Ltmp1:
0x68: {  	[bflag:$0x0] =	sbarrier.arrive $0xFFFF;
	(pc) =	sbr.rel @!p2 .LBB2_3-.Ltmp1, $4  }
0x69: {  	s0 =	rddreg [dreg:$0x7]  }
0x6a: {  	[hbm:s0], [sflag:s4] =	dma.local @!p0 [spmem:s5], $0x7D0  }
0x6b: {  	_ =	swait.ge @!p0 [sflag:s31], $0x7D0  }
0x6c: {  	p1 =	por $0x1, $0x1;
	s0 =	rddreg [dreg:$0x4];
	[sflag:s31] =	ssyncset.done @!p0 $0x0  }
.LBB2_4:
0x6d: {  	s18 =	rddreg [dreg:$0x6];
	[sflag:s31] =	ssyncadd.s32 @!p0 $0xFFFFF830  }
0x6e: {  	[tilespmem:s17], [sflag:$0x4] =	stream.linear.gather [hbm4b:s0+s17], $0x2710, $0x38;
	[tilespmem:$0x1EC30] =	vst v63  }
0x6f: {  	s19 =	rddreg [dreg:$0x5]  }
0x70: {  	[tilespmem:s22], [sflag:$0x5] =	stream.linear.gather [hbm4b:s19+s17], $0x2710, $0x38;
	[tilespmem:$0x1EC30] =	vst v63  }
0x71: {  	[spmem:s5], [sflag:s4] =	dma.local @!p0 [hbm:s18], $0x7D0  }
0x72: {  	_ =	swait.ge @!p0 [sflag:s31], $0x7D0  }
0x73: {  	[sflag:s31] =	ssyncset.done @!p0 $0x0  }
0x74: {  	[sflag:s31] =	ssyncadd.s32 @!p0 $0xFFFFF830  }
0x75: {  	_ =	swait.ge [sflag:s6], $0x2710  }
0x76: {  	[sflag:s6] =	ssyncset.done $0x0  }
0x77: {  	[sflag:s6] =	ssyncadd.s32 $0xFFFFD8F0  }
0x78: {  	[tilespmem:s9], [sflag:$0x1] =	stream.indirect.gather [hbm4b:s3+s11], $0x10, s17, s11, $0xb8;
	[tilespmem:$0x1EC30] =	vst v63  }
0x79: {  	_ = 	snop  }
0x7a: {  	[tilespmem:s8], [sflag:$0x2] =	stream.indirect.gather [hbm4b:s3+s11], $0x10, s11, s11, $0xb8;
	[tilespmem:$0x1EC30] =	vst v63  }
0x7b: {  	_ =	swait.ge [sflag:s7], $0x2710  }
0x7c: {  	[sflag:s7] =	ssyncset.done $0x0  }
0x7d: {  	[sflag:s7] =	ssyncadd.s32 $0xFFFFD8F0  }
0x7e: {  	[bflag:$0x0] =	sbarrier.arrive $0xFFFF  }
0x7f: {  	_ =	swait.ge [sflag:s12], $0x7D00  }
0x80: {  	[sflag:s12] =	ssyncset.done $0x0  }
0x81: {  	s19 =	rddreg [dreg:$0x8];
	[sflag:s12] =	ssyncadd.s32 $0xFFFF8300  }
0x82: {  	[tilespmem:s16], [sflag:$0x3] =	stream.indirect.gather [hbm4b:s3+s11], $0x10, s19, s11, $0xb8;
	[tilespmem:$0x1EC30] =	vst v63  }
0x83: {  	_ = 	snop  }
0x84: {  	[spmem:s2] =	stream.indirect.scatter.add.f32 [tilespmem:s9], [sflag:$0x4], $0x10, s22, s10, $0xb8;
	[tilespmem:$0x1EC30] =	vst v63  }
0x85: {  	s18 =	rddreg [dreg:$0x9]  }
0x86: {  	[spmem:s2] =	stream.indirect.scatter.add.f32 [tilespmem:s14], [sflag:$0x4], $0x10, s18, s10, $0xb8;
	[tilespmem:$0x1EC30] =	vst v63  }
0x87: {  	_ =	swait.ge [sflag:s13], $0x7D00  }
0x88: {  	[sflag:s13] =	ssyncset.done $0x0  }
0x89: {  	[sflag:s13] =	ssyncadd.s32 $0xFFFF8300  }
0x8a: {  	_ =	swait.ge [sflag:s6], $0x3E80  }
0x8b: {  	[sflag:s6] =	ssyncset.done $0x0  }
0x8c: {  	[sflag:s6] =	ssyncadd.s32 $0xFFFFC180  }
0x8d: {  	_ =	swait.ge [sflag:s6], $0x3E80  }
0x8e: {  	[sflag:s6] =	ssyncset.done $0x0  }
0x8f: {  	s19 =	rddreg [dreg:$0xa];
	[sflag:s6] =	ssyncadd.s32 $0xFFFFC180  }
0x90: {  	[tilespmem:s9], [sflag:$0x1] =	stream.indirect.gather [hbm4b:s3+s11], $0x10, s19, s11, $0xb8;
	[tilespmem:$0x1EC30] =	vst v63  }
0x91: {  	s18 =	simm.s32 $0x2EE0  }
0x92: {  	[spmem:s2] =	stream.indirect.scatter.add.f32 [tilespmem:s8], [sflag:$0x5], $0x10, s18, s10, $0xb8;
	[tilespmem:$0x1EC30] =	vst v63  }
0x93: {  	_ = 	snop  }
0x94: {  	[spmem:s2] =	stream.indirect.scatter.add.f32 [tilespmem:s15], [sflag:$0x5], $0x10, s23, s10, $0xb8;
	[tilespmem:$0x1EC30] =	vst v63  }
0x95: {  	_ =	swait.ge [sflag:s28], $0x7D00  }
0x96: {  	[sflag:s28] =	ssyncset.done $0x0  }
0x97: {  	[sflag:s28] =	ssyncadd.s32 $0xFFFF8300  }
0x98: {  	_ =	swait.ge [sflag:s7], $0x3E80  }
0x99: {  	[sflag:s7] =	ssyncset.done $0x0  }
0x9a: {  	[sflag:s7] =	ssyncadd.s32 $0xFFFFC180  }
0x9b: {  	_ =	swait.ge [sflag:s7], $0x3E80  }
0x9c: {  	[sflag:s7] =	ssyncset.done $0x0  }
0x9d: {  	s19 =	simm.s32 $0x1F40;
	[sflag:s7] =	ssyncadd.s32 $0xFFFFC180  }
0x9e: {  	[tilespmem:s8], [sflag:$0x2] =	stream.indirect.gather [hbm4b:s3+s11], $0x10, s19, s11, $0xb8;
	[tilespmem:$0x1EC30] =	vst v63  }
0x9f: {  	_ = 	snop  }
0xa0: {  	[spmem:s2] =	stream.indirect.scatter.add.f32 [tilespmem:s16], [sflag:$0x6], $0x10, s24, s10, $0xb8;
	[tilespmem:$0x1EC30] =	vst v63  }
0xa1: {  	_ = 	snop  }
0xa2: {  	[spmem:s2] =	stream.indirect.scatter.add.f32 [tilespmem:s30], [sflag:$0x6], $0x10, s25, s10, $0xb8;
	[tilespmem:$0x1EC30] =	vst v63  }
0xa3: {  	_ =	swait.ge [sflag:s12], $0x7D00  }
0xa4: {  	[sflag:s12] =	ssyncset.done $0x0  }
0xa5: {  	[sflag:s12] =	ssyncadd.s32 $0xFFFF8300  }
0xa6: {  	[spmem:s2] =	stream.indirect.scatter.add.f32 [tilespmem:s9], [sflag:$0x4], $0x10, s26, s10, $0xb8;
	[tilespmem:$0x1EC30] =	vst v63  }
0xa7: {  	_ = 	snop  }
0xa8: {  	[spmem:s2] =	stream.indirect.scatter.add.f32 [tilespmem:s14], [sflag:$0x4], $0x10, s29, s10, $0xb8;
	[tilespmem:$0x1EC30] =	vst v63  }
0xa9: {  	_ =	swait.ge [sflag:s13], $0x7D00  }
0xaa: {  	[sflag:s13] =	ssyncset.done $0x0  }
0xab: {  	[sflag:s13] =	ssyncadd.s32 $0xFFFF8300  }
0xac: {  	[spmem:s2] =	stream.indirect.scatter.add.f32 [tilespmem:s8], [sflag:$0x5], $0x10, s20, s10, $0xb8;
	[tilespmem:$0x1EC30] =	vst v63  }
0xad: {  	_ = 	snop  }
0xae: {  	[spmem:s2] =	stream.indirect.scatter.add.f32 [tilespmem:s15], [sflag:$0x5], $0x10, s21, s10, $0xb8;
	[tilespmem:$0x1EC30] =	vst v63  }
0xaf: {  	_ =	swait.ge [sflag:s6], $0x3E80  }
0xb0: {  	[sflag:s6] =	ssyncset.done $0x0  }
0xb1: {  	[sflag:s6] =	ssyncadd.s32 $0xFFFFC180  }
0xb2: {  	_ =	swait.ge [sflag:s7], $0x3E80  }
0xb3: {  	[sflag:s7] =	ssyncset.done $0x0  }
0xb4: {  	[sflag:s7] =	ssyncadd.s32 $0xFFFFC180  }
0xb5: {  	_ =	swait.ge [sflag:s6], $0x3E80  }
0xb6: {  	[sflag:s6] =	ssyncset.done $0x0  }
0xb7: {  	[sflag:s6] =	ssyncadd.s32 $0xFFFFC180  }
0xb8: {  	_ =	swait.ge [sflag:s7], $0x3E80  }
0xb9: {  	s1 =	sadd.s32 $0xFFFFFFFF, s1;
	[sflag:s7] =	ssyncset.done $0x0  }
0xba: {  	p2 =	sne.s32 s1, $0x0;
	[sflag:s7] =	ssyncadd.s32 $0xFFFFC180  }
.Ltmp2:
0xbb: {  	[bflag:$0x0] =	sbarrier.arrive $0xFFFF;
	(pc) =	sbr.rel @p2 .LBB2_4-.Ltmp2, $4  }
0xbc: {  	s0 =	rddreg [dreg:$0x7]  }
0xbd: {  	[hbm:s0], [sflag:s4] =	dma.local @!p0 [spmem:s5], $0x7D0  }
0xbe: {  	_ =	swait.ge @!p0 [sflag:s31], $0x7D0  }
0xbf: {  	s0 =	rddreg [dreg:$0x4];
	[sflag:s31] =	ssyncset.done @!p0 $0x0  }
0xc0: {  	s29 =	simm.s32 $0x32C8  }
0xc1: {  	s21 =	simm.s32 $0x2EE0;
	s30 =	simm.s32 $0x186A0;
	s26 =	simm.s32 $0x3E80  }
0xc2: {  	s25 =	simm.s32 $0x3A98;
	s24 =	simm.s32 $0x36B0;
	s23 =	simm.s32 $0x1F40  }
0xc3: {  	s20 =	simm.s32 $0x4650;
	s18 =	stileid.u32;
	s19 =	rddreg [dreg:$0x3]  }
.LBB2_6:
0xc4: {  	p1 =	por p0, !p1  }
0xc5: {  	s1 =	rddreg [dreg:$0x6];
	[sflag:s31] =	ssyncadd.s32 @!p1 $0xFFFFF830  }
0xc6: {  	[tilespmem:s17], [sflag:$0x4] =	stream.linear.gather [hbm4b:s0+s17], $0x2710, $0x38;
	[tilespmem:$0x1EC30] =	vst v63  }
0xc7: {  	s31 =	rddreg [dreg:$0x5]  }
0xc8: {  	[tilespmem:s22], [sflag:$0x5] =	stream.linear.gather [hbm4b:s31+s17], $0x2710, $0x38;
	[tilespmem:$0x1EC30] =	vst v63  }
0xc9: {  	[spmem:s5], [sflag:s4] =	dma.local @!p0 [hbm:s1], $0x7D0  }
0xca: {  	s1 =	simm.s32 @!p0 $0x7  }
0xcb: {  	_ =	swait.ge @!p0 [sflag:s1], $0x7D0  }
0xcc: {  	[sflag:s1] =	ssyncset.done @!p0 $0x0  }
0xcd: {  	[sflag:s1] =	ssyncadd.s32 @!p0 $0xFFFFF830  }
0xce: {  	_ =	swait.ge [sflag:s6], $0x2710  }
0xcf: {  	[sflag:s6] =	ssyncset.done $0x0  }
0xd0: {  	[sflag:s6] =	ssyncadd.s32 $0xFFFFD8F0  }
0xd1: {  	[tilespmem:s9], [sflag:$0x1] =	stream.indirect.gather [hbm4b:s3+s11], $0x10, s17, s11, $0xb8;
	[tilespmem:$0x1EC30] =	vst v63  }
0xd2: {  	_ = 	snop  }
0xd3: {  	[tilespmem:s8], [sflag:$0x2] =	stream.indirect.gather [hbm4b:s3+s11], $0x10, s11, s11, $0xb8;
	[tilespmem:$0x1EC30] =	vst v63  }
0xd4: {  	_ =	swait.ge [sflag:s7], $0x2710  }
0xd5: {  	[sflag:s7] =	ssyncset.done $0x0  }
0xd6: {  	[sflag:s7] =	ssyncadd.s32 $0xFFFFD8F0  }
0xd7: {  	[bflag:$0x0] =	sbarrier.arrive $0xFFFF  }
0xd8: {  	_ =	swait.ge [sflag:s12], $0x7D00  }
0xd9: {  	[sflag:s12] =	ssyncset.done $0x0  }
0xda: {  	s31 =	rddreg [dreg:$0x8];
	[sflag:s12] =	ssyncadd.s32 $0xFFFF8300  }
0xdb: {  	[tilespmem:s16], [sflag:$0x3] =	stream.indirect.gather [hbm4b:s3+s11], $0x10, s31, s11, $0xb8;
	[tilespmem:$0x1EC30] =	vst v63  }
0xdc: {  	_ = 	snop  }
0xdd: {  	[spmem:s2] =	stream.indirect.scatter.add.f32 [tilespmem:s9], [sflag:$0x4], $0x10, s22, s10, $0xb8;
	[tilespmem:$0x1EC30] =	vst v63  }
0xde: {  	s17 =	rddreg [dreg:$0x9]  }
0xdf: {  	[spmem:s2] =	stream.indirect.scatter.add.f32 [tilespmem:s14], [sflag:$0x4], $0x10, s17, s10, $0xb8;
	[tilespmem:$0x1EC30] =	vst v63  }
0xe0: {  	_ =	swait.ge [sflag:s13], $0x7D00  }
0xe1: {  	[sflag:s13] =	ssyncset.done $0x0  }
0xe2: {  	[sflag:s13] =	ssyncadd.s32 $0xFFFF8300  }
0xe3: {  	_ =	swait.ge [sflag:s6], $0x3E80  }
0xe4: {  	[sflag:s6] =	ssyncset.done $0x0  }
0xe5: {  	[sflag:s6] =	ssyncadd.s32 $0xFFFFC180  }
0xe6: {  	_ =	swait.ge [sflag:s6], $0x3E80  }
0xe7: {  	[sflag:s6] =	ssyncset.done $0x0  }
0xe8: {  	s22 =	rddreg [dreg:$0xa];
	[sflag:s6] =	ssyncadd.s32 $0xFFFFC180  }
0xe9: {  	[tilespmem:s9], [sflag:$0x1] =	stream.indirect.gather [hbm4b:s3+s11], $0x10, s22, s11, $0xb8;
	[tilespmem:$0x1EC30] =	vst v63  }
0xea: {  	_ = 	snop  }
0xeb: {  	[spmem:s2] =	stream.indirect.scatter.add.f32 [tilespmem:s8], [sflag:$0x5], $0x10, s21, s10, $0xb8;
	[tilespmem:$0x1EC30] =	vst v63  }
0xec: {  	_ = 	snop  }
0xed: {  	[spmem:s2] =	stream.indirect.scatter.add.f32 [tilespmem:s15], [sflag:$0x5], $0x10, s29, s10, $0xb8;
	[tilespmem:$0x1EC30] =	vst v63  }
0xee: {  	_ =	swait.ge [sflag:s28], $0x7D00  }
0xef: {  	[sflag:s28] =	ssyncset.done $0x0  }
0xf0: {  	[sflag:s28] =	ssyncadd.s32 $0xFFFF8300  }
0xf1: {  	_ =	swait.ge [sflag:s7], $0x3E80  }
0xf2: {  	[sflag:s7] =	ssyncset.done $0x0  }
0xf3: {  	[sflag:s7] =	ssyncadd.s32 $0xFFFFC180  }
0xf4: {  	_ =	swait.ge [sflag:s7], $0x3E80  }
0xf5: {  	[sflag:s7] =	ssyncset.done $0x0  }
0xf6: {  	[sflag:s7] =	ssyncadd.s32 $0xFFFFC180  }
0xf7: {  	[tilespmem:s8], [sflag:$0x2] =	stream.indirect.gather [hbm4b:s3+s11], $0x10, s23, s11, $0xb8;
	[tilespmem:$0x1EC30] =	vst v63  }
0xf8: {  	_ = 	snop  }
0xf9: {  	[spmem:s2] =	stream.indirect.scatter.add.f32 [tilespmem:s16], [sflag:$0x6], $0x10, s24, s10, $0xb8;
	[tilespmem:$0x1EC30] =	vst v63  }
0xfa: {  	_ = 	snop  }
0xfb: {  	[spmem:s2] =	stream.indirect.scatter.add.f32 [tilespmem:s30], [sflag:$0x6], $0x10, s25, s10, $0xb8;
	[tilespmem:$0x1EC30] =	vst v63  }
0xfc: {  	_ =	swait.ge [sflag:s12], $0x7D00  }
0xfd: {  	[sflag:s12] =	ssyncset.done $0x0  }
0xfe: {  	[sflag:s12] =	ssyncadd.s32 $0xFFFF8300  }
0xff: {  	[spmem:s2] =	stream.indirect.scatter.add.f32 [tilespmem:s9], [sflag:$0x4], $0x10, s26, s10, $0xb8;
	[tilespmem:$0x1EC30] =	vst v63  }
0x100: {  	s30 =	simm.s32 $0x4268  }
0x101: {  	[spmem:s2] =	stream.indirect.scatter.add.f32 [tilespmem:s14], [sflag:$0x4], $0x10, s30, s10, $0xb8;
	[tilespmem:$0x1EC30] =	vst v63  }
0x102: {  	_ =	swait.ge [sflag:s13], $0x7D00  }
0x103: {  	[sflag:s13] =	ssyncset.done $0x0  }
0x104: {  	[sflag:s13] =	ssyncadd.s32 $0xFFFF8300  }
0x105: {  	[spmem:s2] =	stream.indirect.scatter.add.f32 [tilespmem:s8], [sflag:$0x5], $0x10, s20, s10, $0xb8;
	[tilespmem:$0x1EC30] =	vst v63  }
0x106: {  	s31 =	simm.s32 $0x4A38  }
0x107: {  	[spmem:s2] =	stream.indirect.scatter.add.f32 [tilespmem:s15], [sflag:$0x5], $0x10, s31, s10, $0xb8;
	[tilespmem:$0x1EC30] =	vst v63  }
0x108: {  	_ =	swait.ge [sflag:s6], $0x3E80  }
0x109: {  	[sflag:s6] =	ssyncset.done $0x0  }
0x10a: {  	[sflag:s6] =	ssyncadd.s32 $0xFFFFC180  }
0x10b: {  	_ =	swait.ge [sflag:s7], $0x3E80  }
0x10c: {  	[sflag:s7] =	ssyncset.done $0x0  }
0x10d: {  	[sflag:s7] =	ssyncadd.s32 $0xFFFFC180  }
0x10e: {  	_ =	swait.ge [sflag:s6], $0x3E80  }
0x10f: {  	[sflag:s6] =	ssyncset.done $0x0  }
0x110: {  	[sflag:s6] =	ssyncadd.s32 $0xFFFFC180  }
0x111: {  	_ =	swait.ge [sflag:s7], $0x3E80  }
0x112: {  	[sflag:s7] =	ssyncset.done $0x0  }
0x113: {  	[sflag:s7] =	ssyncadd.s32 $0xFFFFC180  }
0x114: {  	[bflag:$0x0] =	sbarrier.arrive $0xFFFF  }
0x115: {  	s0 =	rddreg [dreg:$0x7]  }
0x116: {  	[hbm:s0], [sflag:s4] =	dma.local @!p0 [spmem:s5], $0x7D0  }
0x117: {  	_ =	swait.ge @!p0 [sflag:s1], $0x7D0  }
0x118: {  	[sflag:s1] =	ssyncset.done @!p0 $0x0  }
0x119: {  	[sflag:s1] =	ssyncadd.s32 @!p0 $0xFFFFF830  }
0x11a: {  	_ =	sfence.sel $0x180000  }
0x11b: {  	[bflag:$0x0] =	sbarrier.arrive $0xFFFF  }
0x11c: {  	p0 =	sne.s32 s18, $0x0;
	_ =	strace $0x90000053  }
0x11d: {  	s0 =	sadd.s32 @!p0 $0x100000, s19;
	[bflag:$0x2] =	sbarrier.arrive $0xFFFF  }
0x11e: {  	[sflag:s0] =	ssyncadd.tile.s32 @!p0 $0x1;
	_ =	shalt  }
.LBB2_1:
.Ltmp3:
0x11f: {  	(pc) =	sbr.rel .LBB2_6-.Ltmp3, $4  }
0x120: {  	_ = 	snop  }
0x121: {  	s29 =	simm.s32 $0x32C8;
	s21 =	simm.s32 $0x2EE0  }
0x122: {  	s30 =	simm.s32 $0x186A0;
	s26 =	simm.s32 $0x3E80;
	s25 =	simm.s32 $0x3A98  }
0x123: {  	s24 =	simm.s32 $0x36B0;
	s23 =	simm.s32 $0x1F40;
	s20 =	simm.s32 $0x4650  }
.LBB2_3:
.Ltmp4:
0x124: {  	(pc) =	sbr.rel .LBB2_6-.Ltmp4, $4  }
0x125: {  	s29 =	simm.s32 $0x32C8  }
0x126: {  	s21 =	simm.s32 $0x2EE0;
	s30 =	simm.s32 $0x186A0;
	s26 =	simm.s32 $0x3E80  }
0x127: {  	s25 =	simm.s32 $0x3A98;
	s24 =	simm.s32 $0x36B0;
	s23 =	simm.s32 $0x1F40  }
0x128: {  	s20 =	simm.s32 $0x4650;
	s18 =	stileid.u32;
	s19 =	rddreg [dreg:$0x3]  }
.Lfunc_end2:
_tile_overlayer_lowered:
.L_overlay_start_2:
0x129: {  	(tag) =	ssettag $0x2  }
0x12a: {  	s0 =	rddreg [dreg:$0x0];
	s2 =	stileid.u32  }
0x12b: {  	s1 =	rddreg [dreg:$0x1];
	p0 =	sne.s32 s2, $0x0  }
0x12c: {  	s3 =	rddreg [dreg:$0x2];
	[bflag:$0x3] =	sbarrier.arrive $0xFFFF;
	s2 =	simm.s32 @!p0 $0x1C07  }
0x12d: {  	[timem:s3], [sflag:s2] =	dma.local @!p0 [hbm:s0], s1  }
0x12e: {  	s0 =	simm.s32 @!p0 $0x7  }
0x12f: {  	_ =	swait.ge @!p0 [sflag:s0], s1  }
0x130: {  	s1 =	ssub.s32 @!p0 $0x0, s1;
	[sflag:s0] =	ssyncset.done @!p0 $0x0  }
0x131: {  	[sflag:s0] =	ssyncadd.s32 @!p0 s1  }
0x132: {  	[bflag:$0x3] =	sbarrier.arrive $0xFFFF  }
0x133: {  	_ =	shalt  }

</sc_bundles>
